<compile_context>
chip_gen: v7x
topology: tpu7x:2x2x1
jax: 0.10.2.dev20260603
libtpu: 0.0.44.dev20260713+nightly
codegen_flags: <defaults>
</compile_context>

<pallas_src>
import functools

import jax
import jax.numpy as jnp
from jax import lax
from jax.experimental import pallas as pl
from jax.experimental.pallas import tpu as pltpu
from jax.experimental.pallas import tpu_sc as plsc

_RADIUS = 0.25
_GRID = 96
_K = 128
_N = 8192
_M = 2048
_ROWS, _LANES = 64, 128
_QB = 64


def _sort_body(lx_ref, ly_ref, lz_ref, idx_ref, idxoff_ref):
    b = pl.program_id(0)
    shp = (_ROWS, _LANES)

    def celldim(v):
        lo = jnp.floor(jnp.min(v))
        c = jnp.floor((v - lo) * (1.0 / _RADIUS))
        return jnp.clip(c, 0.0, float(_GRID - 1)).astype(jnp.int32)

    key = (celldim(lx_ref[0]) * (_GRID * _GRID)
           + celldim(ly_ref[0]) * _GRID
           + celldim(lz_ref[0]))
    row = lax.broadcasted_iota(jnp.int32, shp, 0)
    col = lax.broadcasted_iota(jnp.int32, shp, 1)
    flat = row * _LANES + col
    idx = flat

    kk = 2
    while kk <= _N:
        j = kk // 2
        while j >= 1:
            if j < _LANES:
                axis, sh = 1, j
            else:
                axis, sh = 0, j // _LANES
            bit = (flat & j) != 0
            key_p = jnp.where(bit, jnp.roll(key, sh, axis=axis),
                              jnp.roll(key, -sh, axis=axis))
            idx_p = jnp.where(bit, jnp.roll(idx, sh, axis=axis),
                              jnp.roll(idx, -sh, axis=axis))
            up = (flat & kk) == 0
            take_min = (~bit) == up
            p_less = (key_p < key) | ((key_p == key) & (idx_p < idx))
            take_p = take_min == p_less
            key = jnp.where(take_p, key_p, key)
            idx = jnp.where(take_p, idx_p, idx)
            j //= 2
        kk *= 2

    idx_ref[0] = idx
    idxoff_ref[0] = idx + b * _N


def _sort_call(lx, ly, lz, interpret=False):
    return pl.pallas_call(
        _sort_body,
        grid=(2,),
        in_specs=[pl.BlockSpec((1, _ROWS, _LANES), lambda b: (b, 0, 0))] * 3,
        out_specs=[pl.BlockSpec((1, _ROWS, _LANES), lambda b: (b, 0, 0))] * 2,
        out_shape=[jax.ShapeDtypeStruct((2, _ROWS, _LANES), jnp.int32)] * 2,
        interpret=interpret,
    )(lx, ly, lz)


def _gather_call(table, idx_flat):
    total, width = table.shape
    nw = 32
    bpw = total // nw
    mesh = plsc.VectorSubcoreMesh(core_axis_name="c", subcore_axis_name="s")
    row_t = jax.ShapeDtypeStruct((total, width), jnp.float32)

    @functools.partial(
        pl.kernel,
        mesh=mesh,
        out_type=row_t,
        scratch_types=[
            pltpu.VMEM((bpw,), jnp.int32),
            pltpu.VMEM((bpw, width), jnp.float32),
            pltpu.SemaphoreType.DMA,
        ],
    )
    def k(t_hbm, idx_hbm, o_hbm, idx_v, rows, sem):
        wid = lax.axis_index("s") * 2 + lax.axis_index("c")
        base = wid * bpw
        pltpu.sync_copy(idx_hbm.at[pl.ds(base, bpw)], idx_v)
        pltpu.async_copy(t_hbm.at[idx_v], rows, sem).wait()
        pltpu.sync_copy(rows, o_hbm.at[pl.ds(base, bpw)])

    return k(table, idx_flat)


def _select_body(q_ref, l_ref, o_ref):
    q = q_ref[0]
    l = l_ref[0]
    qn = jnp.sum(q * q, axis=1)
    ln = jnp.sum(l * l, axis=1)
    dot = lax.dot_general(q, l, (((1,), (1,)), ((), ())),
                          preferred_element_type=jnp.float32)
    d2 = (qn[:, None] + ln[None, :]) - 2.0 * dot
    m3 = (d2.reshape(_QB, _ROWS, _LANES) <= _RADIUS * _RADIUS).astype(jnp.int32)

    col = lax.broadcasted_iota(jnp.int32, (_QB, _ROWS, _LANES), 2)
    tot = jnp.sum(m3, axis=2)
    srow = lax.broadcasted_iota(jnp.int32, (_QB, _ROWS), 1)
    T = tot
    t = 1
    while t < _ROWS:
        T = T + jnp.where(srow >= t, jnp.roll(T, t, axis=1), 0)
        t *= 2
    off = T - tot
    total = jnp.max(T, axis=1)

    jcol = lax.broadcasted_iota(jnp.int32, (_QB, _K), 1)
    jj3 = lax.broadcasted_iota(jnp.int32, (_QB, _ROWS, _K), 2)
    cmp3 = (T[:, :, None] <= jj3).astype(jnp.int32)
    sstar = jnp.sum(cmp3, axis=1)
    sstar_c = jnp.minimum(sstar, _ROWS - 1)
    og = jnp.max(cmp3 * T[:, :, None], axis=1)
    thr = jcol - og

    srow3 = lax.broadcasted_iota(jnp.int32, (_QB, _ROWS, _K), 1)
    ind3 = (srow3 == sstar_c[:, None, :]).astype(jnp.int32)
    pw = m3 * lax.shift_left(1, col & 31)
    grp = col >> 5
    sg = []
    mg = []
    for w in range(4):
        ww = jnp.zeros((_QB, _ROWS, _LANES), jnp.int32)
        for k in range(4):
            ww = ww + ((col >> 3) <= (4 * w + k)).astype(jnp.int32) * (1 << (8 * k))
        bp = jnp.sum(m3 * ww, axis=2)
        mp = jnp.sum(jnp.where(grp == w, pw, 0), axis=2)
        sg.append(jnp.sum(bp[:, :, None] * ind3, axis=1))
        mg.append(jnp.sum(mp[:, :, None] * ind3, axis=1))

    ustar = jnp.zeros((_QB, _K), jnp.int32)
    og2 = jnp.zeros((_QB, _K), jnp.int32)
    for u in range(16):
        s_u = lax.shift_right_logical(sg[u // 4], 8 * (u % 4)) & 0xFF
        le = (s_u <= thr).astype(jnp.int32)
        ustar = ustar + le
        og2 = jnp.maximum(og2, s_u * le)
    ustar_c = jnp.minimum(ustar, 15)
    t2 = thr - og2

    mb = jnp.zeros((_QB, _K), jnp.int32)
    for u in range(16):
        byte_u = lax.shift_right_logical(mg[u // 4], 8 * (u % 4)) & 0xFF
        mb = jnp.where(ustar_c == u, byte_u, mb)

    pfx = jnp.zeros((_QB, _K), jnp.int32)
    rank = jnp.zeros((_QB, _K), jnp.int32)
    for i in range(8):
        pfx = pfx + (lax.shift_right_logical(mb, i) & 1)
        rank = rank + (pfx <= t2).astype(jnp.int32)

    counts = sstar_c * _LANES + ustar_c * 8 + rank
    nb = jnp.where(jcol < total[:, None], counts, -1).astype(jnp.float32)
    o_ref[0] = nb


def _select_call(qlocs, locs_r, interpret=False):
    nq = _M // _QB
    return pl.pallas_call(
        _select_body,
        grid=(2, nq),
        in_specs=[
            pl.BlockSpec((1, _QB, 3), lambda b, m: (b, m, 0)),
            pl.BlockSpec((1, _N, 3), lambda b, m: (b, 0, 0)),
        ],
        out_specs=pl.BlockSpec((1, _QB, _K), lambda b, m: (b, m, 0)),
        out_shape=jax.ShapeDtypeStruct((2, _M, _K), jnp.float32),
        compiler_params=pltpu.CompilerParams(
            vmem_limit_bytes=56 * 1024 * 1024),
        interpret=interpret,
    )(qlocs, locs_r)


def kernel(locs, data, qlocs):
    B, N, _ = locs.shape
    lx = locs[..., 0].reshape(B, _ROWS, _LANES)
    ly = locs[..., 1].reshape(B, _ROWS, _LANES)
    lz = locs[..., 2].reshape(B, _ROWS, _LANES)
    idx3, idxoff3 = _sort_call(lx, ly, lz)
    idxs = idx3.reshape(B, N)

    D = data.shape[-1]
    table = jnp.concatenate(
        [locs, data, jnp.zeros((B, N, 128 - 3 - D), jnp.float32)], axis=-1)
    rows = _gather_call(table.reshape(B * N, 128), idxoff3.reshape(B * N))
    rows = rows.reshape(B, N, 128)
    locs_r = rows[..., :3]
    data_r = rows[..., 3:3 + D]

    neighbors = _select_call(qlocs, locs_r)
    return (locs_r, data_r, idxs, neighbors)

# --- scband reference (transcript-rebuilt; emitter-appended) ---
"""Pipeline reference for scband-particle-collision-4501125726537 (READ-ONLY COPY).

The authoritative reference and input builder live on the scoring server;
editing this copy changes nothing except your own understanding.
"""

import jax, jax.numpy as jnp
import numpy as np

NDIM = 3
RADIUS = 0.25
MAX_GRID_DIM = 96
MAX_COLLISIONS = 128


def setup_inputs(seed: int = 0) -> dict:
    key = jax.random.key(seed)
    k1, k2, k3 = jax.random.split(key, 3)
    locs = jax.random.normal(k1, (2, 8192, 3), dtype=jnp.float32)
    data = jax.random.normal(k2, (2, 8192, 16), dtype=jnp.float32)
    qlocs = jax.random.normal(k3, (2, 2048, 3), dtype=jnp.float32)
    return {"locs": locs, "data": data, "qlocs": qlocs}


def _cell_ids(locs, lower, radius):
    # hash-grid cell coordinate per particle, flattened to a single cell ID
    cell = jnp.floor((locs - lower[:, None, :]) / radius)
    cell = jnp.clip(cell, 0, MAX_GRID_DIM - 1).astype(jnp.int32)
    mult = jnp.array([MAX_GRID_DIM ** 2, MAX_GRID_DIM, 1], dtype=jnp.int32)
    return jnp.sum(cell * mult, axis=-1)


def reference(locs, data, qlocs):
    # 1) hashgrid_order: sort particles by hash-grid cell ID (spatial reorder)
    lower = jnp.floor(jnp.min(locs, axis=1))
    cids = _cell_ids(locs, lower, RADIUS)
    idxs = jnp.argsort(cids, axis=1)  # idxs[b, i] = original index of particle at new position i
    # 2) reorder locs and data (gather)
    locs_r = jnp.take_along_axis(locs, idxs[..., None], axis=1)
    data_r = jnp.take_along_axis(data, idxs[..., None], axis=1)
    # 3) compute_collisions: all particles within RADIUS of each query location,
    #    up to MAX_COLLISIONS neighbors, filled with -1; indices into reordered locs,
    #    listed in ascending index order (matching grid traversal fill order semantics).
    qn = jnp.sum(qlocs * qlocs, axis=-1)  # [B, M]
    ln = jnp.sum(locs_r * locs_r, axis=-1)  # [B, N]
    d2 = qn[:, :, None] + ln[:, None, :] - 2.0 * jnp.einsum('bmd,bnd->bmn', qlocs, locs_r)
    mask = d2 <= (RADIUS * RADIUS)
    N = locs.shape[1]
    order_score = jnp.where(mask, 1e9 - jnp.arange(N, dtype=jnp.float32)[None, None, :], -1.0)
    topv, topi = jax.lax.top_k(order_score, MAX_COLLISIONS)
    neighbors = jnp.where(topv > 0.0, topi, -1)
    # torch version stores neighbors in a float tensor allocated via locs.new(...)
    neighbors = neighbors.astype(jnp.float32)
    return (locs_r, data_r, idxs, neighbors)

if __name__ == "__main__":
    import jax
    _d = setup_inputs()
    print(jax.jit(kernel)(*tuple(_d.values())))

</pallas_src>

<mosaic_0001>
#map = affine_map<(d0, d1) -> (0, 0)>
#map1 = affine_map<(d0, d1) -> (0)>
module attributes {stable_mosaic.version = 14 : i64} {
  func.func @k(%arg0: i32, %arg1: i32, %arg2: memref<16384x128xf32, #tpu.memory_space<hbm>>, %arg3: memref<16384xi32, #tpu.memory_space<hbm>>, %arg4: memref<16384x128xf32, #tpu.memory_space<hbm>>, %arg5: memref<512xi32, #tpu.memory_space<vmem>>, %arg6: memref<512x128xf32, #tpu.memory_space<vmem>>, %arg7: memref<!tpu.dma_semaphore, #tpu.memory_space<semaphore_mem>>) attributes {dimension_semantics = [#tpu.dimension_semantics<core_parallel>, #tpu.dimension_semantics<subcore_parallel>], iteration_bounds = array<i64: 2, 16>, scalar_prefetch = 0 : i64, scratch_operands = 3 : i64, tpu.core_type = #tpu.core_type<sc_vector_subcore>, window_params = [{transform_indices = #map}, {transform_indices = #map1}, {transform_indices = #map}]} {
    %mul3A = arith.constant 2 : i32
    %mul3A_0 = arith.muli %arg1, %mul3A : i32
    %add3A = arith.addi %mul3A_0, %arg0 : i32
    %mul3A_1 = arith.constant 512 : i32
    %mul3A_2 = arith.muli %add3A, %mul3A_1 : i32
    "tpu.region"() ({
      %run_scoped3A = tpu.sem_alloc : memref<!tpu.dma_semaphore, #tpu.memory_space<semaphore_mem>>
      %dma_start3A_7 = tpu.memref_slice %arg3[%mul3A_2] : memref<16384xi32, #tpu.memory_space<hbm>> -> memref<512xi32, #tpu.memory_space<hbm>>
      %dma_start3A_8 = tpu.memref_slice %arg3[%mul3A_2] : memref<16384xi32, #tpu.memory_space<hbm>> -> memref<512xi32, #tpu.memory_space<hbm>>
      tpu.enqueue_dma source(%dma_start3A_8 : memref<512xi32, #tpu.memory_space<hbm>>) target(%arg5 : memref<512xi32, #tpu.memory_space<vmem>>) target_semaphore(%run_scoped3A : memref<!tpu.dma_semaphore, #tpu.memory_space<semaphore_mem>>)
      %dma_wait3A_9 = tpu.memref_slice %arg3[%mul3A_2] : memref<16384xi32, #tpu.memory_space<hbm>> -> memref<512xi32, #tpu.memory_space<hbm>>
      %dma_wait3A_10 = tpu.memref_slice %arg3[%mul3A_2] : memref<16384xi32, #tpu.memory_space<hbm>> -> memref<512xi32, #tpu.memory_space<hbm>>
      tpu.wait_dma2 semaphore(%run_scoped3A : memref<!tpu.dma_semaphore, #tpu.memory_space<semaphore_mem>>) src(%dma_wait3A_10 : memref<512xi32, #tpu.memory_space<hbm>>) dst(%arg5 : memref<512xi32, #tpu.memory_space<vmem>>)
      tpu.yield
    }) : () -> ()
    %dma_start3A = arith.constant 0 : i32
    %dma_start3A_3 = arith.constant 0 : i32
    %dma_start3A_4 = tpu.memref_slice %arg2[%dma_start3A, %dma_start3A_3] : memref<16384x128xf32, #tpu.memory_space<hbm>> -> memref<16384x128xf32, #tpu.memory_space<hbm>>
    tpu.enqueue_indirect_dma source(%dma_start3A_4 : memref<16384x128xf32, #tpu.memory_space<hbm>>) target(%arg6 : memref<512x128xf32, #tpu.memory_space<vmem>>) offsets(%arg5 : memref<512xi32, #tpu.memory_space<vmem>>) semaphore(%arg7 : memref<!tpu.dma_semaphore, #tpu.memory_space<semaphore_mem>>)
    %dma_wait3A = arith.constant 0 : i32
    %dma_wait3A_5 = arith.constant 0 : i32
    %dma_wait3A_6 = tpu.memref_slice %arg2[%dma_wait3A, %dma_wait3A_5] : memref<16384x128xf32, #tpu.memory_space<hbm>> -> memref<16384x128xf32, #tpu.memory_space<hbm>>
    tpu.wait_indirect_dma semaphore(%arg7 : memref<!tpu.dma_semaphore, #tpu.memory_space<semaphore_mem>>) src(%dma_wait3A_6 : memref<16384x128xf32, #tpu.memory_space<hbm>>) dst(%arg6 : memref<512x128xf32, #tpu.memory_space<vmem>>)
    "tpu.region"() ({
      %run_scoped3A = tpu.sem_alloc : memref<!tpu.dma_semaphore, #tpu.memory_space<semaphore_mem>>
      %dma_start3A_7 = arith.constant 0 : i32
      %dma_start3A_8 = tpu.memref_slice %arg4[%mul3A_2, %dma_start3A_7] : memref<16384x128xf32, #tpu.memory_space<hbm>> -> memref<512x128xf32, #tpu.memory_space<hbm>>
      %dma_start3A_9 = arith.constant 0 : i32
      %dma_start3A_10 = tpu.memref_slice %arg4[%mul3A_2, %dma_start3A_9] : memref<16384x128xf32, #tpu.memory_space<hbm>> -> memref<512x128xf32, #tpu.memory_space<hbm>>
      tpu.enqueue_dma source(%arg6 : memref<512x128xf32, #tpu.memory_space<vmem>>) target(%dma_start3A_10 : memref<512x128xf32, #tpu.memory_space<hbm>>) target_semaphore(%run_scoped3A : memref<!tpu.dma_semaphore, #tpu.memory_space<semaphore_mem>>)
      %dma_wait3A_11 = arith.constant 0 : i32
      %dma_wait3A_12 = tpu.memref_slice %arg4[%mul3A_2, %dma_wait3A_11] : memref<16384x128xf32, #tpu.memory_space<hbm>> -> memref<512x128xf32, #tpu.memory_space<hbm>>
      %dma_wait3A_13 = arith.constant 0 : i32
      %dma_wait3A_14 = tpu.memref_slice %arg4[%mul3A_2, %dma_wait3A_13] : memref<16384x128xf32, #tpu.memory_space<hbm>> -> memref<512x128xf32, #tpu.memory_space<hbm>>
      tpu.wait_dma2 semaphore(%run_scoped3A : memref<!tpu.dma_semaphore, #tpu.memory_space<semaphore_mem>>) src(%arg6 : memref<512x128xf32, #tpu.memory_space<vmem>>) dst(%dma_wait3A_14 : memref<512x128xf32, #tpu.memory_space<hbm>>)
      tpu.yield
    }) : () -> ()
    return
  }
}

module attributes {stable_mosaic.version = 14 : i64} {
  func.func @_sort_body(%arg0: i32, %arg1: memref<1x64x128xf32, #tpu.memory_space<vmem>>, %arg2: memref<1x64x128xf32, #tpu.memory_space<vmem>>, %arg3: memref<1x64x128xf32, #tpu.memory_space<vmem>>, %arg4: memref<1x64x128xi32, #tpu.memory_space<vmem>>, %arg5: memref<1x64x128xi32, #tpu.memory_space<vmem>>) attributes {dimension_semantics = [#tpu.dimension_semantics<arbitrary>], iteration_bounds = array<i64: 2>, scalar_prefetch = 0 : i64, scratch_operands = 0 : i64, tpu.core_type = #tpu.core_type<tc>, window_params = [{transform_indices = @transform_0, window_bounds = array<i64: 1, 64, 128>}, {transform_indices = @transform_1, window_bounds = array<i64: 1, 64, 128>}, {transform_indices = @transform_2, window_bounds = array<i64: 1, 64, 128>}, {transform_indices = @transform_3, window_bounds = array<i64: 1, 64, 128>}, {transform_indices = @transform_4, window_bounds = array<i64: 1, 64, 128>}]} {
    %get3A = arith.constant 0 : index
    %get3A_0 = arith.constant 0 : index
    %get3A_1 = arith.constant 0 : index
    %get3A_2 = vector.load %arg1[%get3A, %get3A_0, %get3A_1] : memref<1x64x128xf32, #tpu.memory_space<vmem>>, vector<1x64x128xf32>
    %get3A_3 = vector.shape_cast %get3A_2 : vector<1x64x128xf32> to vector<64x128xf32>
    %reduce_min3A = vector.shape_cast %get3A_3 : vector<64x128xf32> to vector<1x64x128xf32>
    %reduce_min3A_4 = arith.constant dense<0x7F800000> : vector<1xf32>
    %reduce_min3A_5 = vector.multi_reduction <minimumf>, %reduce_min3A, %reduce_min3A_4 [1, 2] : vector<1x64x128xf32> to vector<1xf32>
    %reduce_min3A_6 = vector.shape_cast %reduce_min3A_5 : vector<1xf32> to vector<1x1x1xf32>
    %reduce_min3A_7 = vector.extract %reduce_min3A_6[0, 0, 0] : f32 from vector<1x1x1xf32>
    %floor3A = math.floor %reduce_min3A_7 : f32
    %sub3A = vector.broadcast %floor3A : f32 to vector<64x128xf32>
    %sub3A_8 = arith.subf %get3A_3, %sub3A : vector<64x128xf32>
    %mul3A = arith.constant 4.000000e+00 : f32
    %mul3A_9 = vector.broadcast %mul3A : f32 to vector<64x128xf32>
    %mul3A_10 = arith.mulf %sub3A_8, %mul3A_9 : vector<64x128xf32>
    %floor3A_11 = math.floor %mul3A_10 : vector<64x128xf32>
    %jit3A = arith.constant 0.000000e+00 : f32
    %jit3A_12 = arith.constant 9.500000e+01 : f32
    %max3A = vector.broadcast %jit3A : f32 to vector<64x128xf32>
    %max3A_13 = arith.maximumf %max3A, %floor3A_11 : vector<64x128xf32>
    %min3A = vector.broadcast %jit3A_12 : f32 to vector<64x128xf32>
    %min3A_14 = arith.minimumf %min3A, %max3A_13 : vector<64x128xf32>
    %convert_element_type3A = arith.fptosi %min3A_14 : vector<64x128xf32> to vector<64x128xi32>
    %mul3A_15 = arith.constant 9216 : i32
    %mul3A_16 = vector.broadcast %mul3A_15 : i32 to vector<64x128xi32>
    %mul3A_17 = arith.muli %convert_element_type3A, %mul3A_16 : vector<64x128xi32>
    %get3A_18 = arith.constant 0 : index
    %get3A_19 = arith.constant 0 : index
    %get3A_20 = arith.constant 0 : index
    %get3A_21 = vector.load %arg2[%get3A_18, %get3A_19, %get3A_20] : memref<1x64x128xf32, #tpu.memory_space<vmem>>, vector<1x64x128xf32>
    %get3A_22 = vector.shape_cast %get3A_21 : vector<1x64x128xf32> to vector<64x128xf32>
    %reduce_min3A_23 = vector.shape_cast %get3A_22 : vector<64x128xf32> to vector<1x64x128xf32>
    %reduce_min3A_24 = arith.constant dense<0x7F800000> : vector<1xf32>
    %reduce_min3A_25 = vector.multi_reduction <minimumf>, %reduce_min3A_23, %reduce_min3A_24 [1, 2] : vector<1x64x128xf32> to vector<1xf32>
    %reduce_min3A_26 = vector.shape_cast %reduce_min3A_25 : vector<1xf32> to vector<1x1x1xf32>
    %reduce_min3A_27 = vector.extract %reduce_min3A_26[0, 0, 0] : f32 from vector<1x1x1xf32>
    %floor3A_28 = math.floor %reduce_min3A_27 : f32
    %sub3A_29 = vector.broadcast %floor3A_28 : f32 to vector<64x128xf32>
    %sub3A_30 = arith.subf %get3A_22, %sub3A_29 : vector<64x128xf32>
    %mul3A_31 = arith.constant 4.000000e+00 : f32
    %mul3A_32 = vector.broadcast %mul3A_31 : f32 to vector<64x128xf32>
    %mul3A_33 = arith.mulf %sub3A_30, %mul3A_32 : vector<64x128xf32>
    %floor3A_34 = math.floor %mul3A_33 : vector<64x128xf32>
    %jit3A_35 = arith.constant 0.000000e+00 : f32
    %jit3A_36 = arith.constant 9.500000e+01 : f32
    %max3A_37 = vector.broadcast %jit3A_35 : f32 to vector<64x128xf32>
    %max3A_38 = arith.maximumf %max3A_37, %floor3A_34 : vector<64x128xf32>
    %min3A_39 = vector.broadcast %jit3A_36 : f32 to vector<64x128xf32>
    %min3A_40 = arith.minimumf %min3A_39, %max3A_38 : vector<64x128xf32>
    %convert_element_type3A_41 = arith.fptosi %min3A_40 : vector<64x128xf32> to vector<64x128xi32>
    %mul3A_42 = arith.constant 96 : i32
    %mul3A_43 = vector.broadcast %mul3A_42 : i32 to vector<64x128xi32>
    %mul3A_44 = arith.muli %convert_element_type3A_41, %mul3A_43 : vector<64x128xi32>
    %add3A = arith.addi %mul3A_17, %mul3A_44 : vector<64x128xi32>
    %get3A_45 = arith.constant 0 : index
    %get3A_46 = arith.constant 0 : index
    %get3A_47 = arith.constant 0 : index
    %get3A_48 = vector.load %arg3[%get3A_45, %get3A_46, %get3A_47] : memref<1x64x128xf32, #tpu.memory_space<vmem>>, vector<1x64x128xf32>
    %get3A_49 = vector.shape_cast %get3A_48 : vector<1x64x128xf32> to vector<64x128xf32>
    %reduce_min3A_50 = vector.shape_cast %get3A_49 : vector<64x128xf32> to vector<1x64x128xf32>
    %reduce_min3A_51 = arith.constant dense<0x7F800000> : vector<1xf32>
    %reduce_min3A_52 = vector.multi_reduction <minimumf>, %reduce_min3A_50, %reduce_min3A_51 [1, 2] : vector<1x64x128xf32> to vector<1xf32>
    %reduce_min3A_53 = vector.shape_cast %reduce_min3A_52 : vector<1xf32> to vector<1x1x1xf32>
    %reduce_min3A_54 = vector.extract %reduce_min3A_53[0, 0, 0] : f32 from vector<1x1x1xf32>
    %floor3A_55 = math.floor %reduce_min3A_54 : f32
    %sub3A_56 = vector.broadcast %floor3A_55 : f32 to vector<64x128xf32>
    %sub3A_57 = arith.subf %get3A_49, %sub3A_56 : vector<64x128xf32>
    %mul3A_58 = arith.constant 4.000000e+00 : f32
    %mul3A_59 = vector.broadcast %mul3A_58 : f32 to vector<64x128xf32>
    %mul3A_60 = arith.mulf %sub3A_57, %mul3A_59 : vector<64x128xf32>
    %floor3A_61 = math.floor %mul3A_60 : vector<64x128xf32>
    %jit3A_62 = arith.constant 0.000000e+00 : f32
    %jit3A_63 = arith.constant 9.500000e+01 : f32
    %max3A_64 = vector.broadcast %jit3A_62 : f32 to vector<64x128xf32>
    %max3A_65 = arith.maximumf %max3A_64, %floor3A_61 : vector<64x128xf32>
    %min3A_66 = vector.broadcast %jit3A_63 : f32 to vector<64x128xf32>
    %min3A_67 = arith.minimumf %min3A_66, %max3A_65 : vector<64x128xf32>
    %convert_element_type3A_68 = arith.fptosi %min3A_67 : vector<64x128xf32> to vector<64x128xi32>
    %add3A_69 = arith.addi %add3A, %convert_element_type3A_68 : vector<64x128xi32>
    %iota3A = tpu.iota {dimensions = array<i32: 0>} : vector<64x128xi32>
    %iota3A_70 = tpu.iota {dimensions = array<i32: 1>} : vector<64x128xi32>
    %mul3A_71 = arith.constant 128 : i32
    %mul3A_72 = vector.broadcast %mul3A_71 : i32 to vector<64x128xi32>
    %mul3A_73 = arith.muli %iota3A, %mul3A_72 : vector<64x128xi32>
    %add3A_74 = arith.addi %mul3A_73, %iota3A_70 : vector<64x128xi32>
    %and3A = arith.constant 1 : i32
    %and3A_75 = vector.broadcast %and3A : i32 to vector<64x128xi32>
    %and3A_76 = arith.andi %add3A_74, %and3A_75 : vector<64x128xi32>
    %ne3A = arith.constant 0 : i32
    %ne3A_77 = vector.broadcast %ne3A : i32 to vector<64x128xi32>
    %ne3A_78 = arith.cmpi ne, %and3A_76, %ne3A_77 : vector<64x128xi32>
    %slice3A = vector.extract_strided_slice %add3A_69 {offsets = [0, 127], sizes = [64, 1], strides = [1, 1]} : vector<64x128xi32> to vector<64x1xi32>
    %slice3A_79 = vector.extract_strided_slice %add3A_69 {offsets = [0, 0], sizes = [64, 127], strides = [1, 1]} : vector<64x128xi32> to vector<64x127xi32>
    %concatenate3A = tpu.concatenate %slice3A, %slice3A_79 in 1 : vector<64x1xi32>, vector<64x127xi32> -> vector<64x128xi32>
    %slice3A_80 = vector.extract_strided_slice %add3A_69 {offsets = [0, 1], sizes = [64, 127], strides = [1, 1]} : vector<64x128xi32> to vector<64x127xi32>
    %slice3A_81 = vector.extract_strided_slice %add3A_69 {offsets = [0, 0], sizes = [64, 1], strides = [1, 1]} : vector<64x128xi32> to vector<64x1xi32>
    %concatenate3A_82 = tpu.concatenate %slice3A_80, %slice3A_81 in 1 : vector<64x127xi32>, vector<64x1xi32> -> vector<64x128xi32>
    %select_n3A = arith.select %ne3A_78, %concatenate3A, %concatenate3A_82 : vector<64x128xi1>, vector<64x128xi32>
    %slice3A_83 = vector.extract_strided_slice %add3A_74 {offsets = [0, 127], sizes = [64, 1], strides = [1, 1]} : vector<64x128xi32> to vector<64x1xi32>
    %slice3A_84 = vector.extract_strided_slice %add3A_74 {offsets = [0, 0], sizes = [64, 127], strides = [1, 1]} : vector<64x128xi32> to vector<64x127xi32>
    %concatenate3A_85 = tpu.concatenate %slice3A_83, %slice3A_84 in 1 : vector<64x1xi32>, vector<64x127xi32> -> vector<64x128xi32>
    %slice3A_86 = vector.extract_strided_slice %add3A_74 {offsets = [0, 1], sizes = [64, 127], strides = [1, 1]} : vector<64x128xi32> to vector<64x127xi32>
    %slice3A_87 = vector.extract_strided_slice %add3A_74 {offsets = [0, 0], sizes = [64, 1], strides = [1, 1]} : vector<64x128xi32> to vector<64x1xi32>
    %concatenate3A_88 = tpu.concatenate %slice3A_86, %slice3A_87 in 1 : vector<64x127xi32>, vector<64x1xi32> -> vector<64x128xi32>
    %select_n3A_89 = arith.select %ne3A_78, %concatenate3A_85, %concatenate3A_88 : vector<64x128xi1>, vector<64x128xi32>
    %and3A_90 = arith.constant 2 : i32
    %and3A_91 = vector.broadcast %and3A_90 : i32 to vector<64x128xi32>
    %and3A_92 = arith.andi %add3A_74, %and3A_91 : vector<64x128xi32>
    %eq3A = arith.constant 0 : i32
    %eq3A_93 = vector.broadcast %eq3A : i32 to vector<64x128xi32>
    %eq3A_94 = arith.cmpi eq, %and3A_92, %eq3A_93 : vector<64x128xi32>
    %not3A = arith.constant dense<true> : vector<64x128xi1>
    %not3A_95 = arith.xori %ne3A_78, %not3A : vector<64x128xi1>
    %eq3A_96 = arith.xori %not3A_95, %eq3A_94 : vector<64x128xi1>
    %eq3A_97 = arith.constant dense<true> : vector<64x128xi1>
    %eq3A_98 = arith.xori %eq3A_96, %eq3A_97 : vector<64x128xi1>
    %lt3A = arith.cmpi slt, %select_n3A, %add3A_69 : vector<64x128xi32>
    %eq3A_99 = arith.cmpi eq, %select_n3A, %add3A_69 : vector<64x128xi32>
    %lt3A_100 = arith.cmpi slt, %select_n3A_89, %add3A_74 : vector<64x128xi32>
    %and3A_101 = arith.andi %eq3A_99, %lt3A_100 : vector<64x128xi1>
    %or3A = arith.ori %lt3A, %and3A_101 : vector<64x128xi1>
    %eq3A_102 = arith.xori %eq3A_98, %or3A : vector<64x128xi1>
    %eq3A_103 = arith.constant dense<true> : vector<64x128xi1>
    %eq3A_104 = arith.xori %eq3A_102, %eq3A_103 : vector<64x128xi1>
    %select_n3A_105 = arith.select %eq3A_104, %select_n3A, %add3A_69 : vector<64x128xi1>, vector<64x128xi32>
    %select_n3A_106 = arith.select %eq3A_104, %select_n3A_89, %add3A_74 : vector<64x128xi1>, vector<64x128xi32>
    %and3A_107 = arith.constant 2 : i32
    %and3A_108 = vector.broadcast %and3A_107 : i32 to vector<64x128xi32>
    %and3A_109 = arith.andi %add3A_74, %and3A_108 : vector<64x128xi32>
    %ne3A_110 = arith.constant 0 : i32
    %ne3A_111 = vector.broadcast %ne3A_110 : i32 to vector<64x128xi32>
    %ne3A_112 = arith.cmpi ne, %and3A_109, %ne3A_111 : vector<64x128xi32>
    %slice3A_113 = vector.extract_strided_slice %select_n3A_105 {offsets = [0, 126], sizes = [64, 2], strides = [1, 1]} : vector<64x128xi32> to vector<64x2xi32>
    %slice3A_114 = vector.extract_strided_slice %select_n3A_105 {offsets = [0, 0], sizes = [64, 126], strides = [1, 1]} : vector<64x128xi32> to vector<64x126xi32>
    %concatenate3A_115 = tpu.concatenate %slice3A_113, %slice3A_114 in 1 : vector<64x2xi32>, vector<64x126xi32> -> vector<64x128xi32>
    %slice3A_116 = vector.extract_strided_slice %select_n3A_105 {offsets = [0, 2], sizes = [64, 126], strides = [1, 1]} : vector<64x128xi32> to vector<64x126xi32>
    %slice3A_117 = vector.extract_strided_slice %select_n3A_105 {offsets = [0, 0], sizes = [64, 2], strides = [1, 1]} : vector<64x128xi32> to vector<64x2xi32>
    %concatenate3A_118 = tpu.concatenate %slice3A_116, %slice3A_117 in 1 : vector<64x126xi32>, vector<64x2xi32> -> vector<64x128xi32>
    %select_n3A_119 = arith.select %ne3A_112, %concatenate3A_115, %concatenate3A_118 : vector<64x128xi1>, vector<64x128xi32>
    %slice3A_120 = vector.extract_strided_slice %select_n3A_106 {offsets = [0, 126], sizes = [64, 2], strides = [1, 1]} : vector<64x128xi32> to vector<64x2xi32>
    %slice3A_121 = vector.extract_strided_slice %select_n3A_106 {offsets = [0, 0], sizes = [64, 126], strides = [1, 1]} : vector<64x128xi32> to vector<64x126xi32>
    %concatenate3A_122 = tpu.concatenate %slice3A_120, %slice3A_121 in 1 : vector<64x2xi32>, vector<64x126xi32> -> vector<64x128xi32>
    %slice3A_123 = vector.extract_strided_slice %select_n3A_106 {offsets = [0, 2], sizes = [64, 126], strides = [1, 1]} : vector<64x128xi32> to vector<64x126xi32>
    %slice3A_124 = vector.extract_strided_slice %select_n3A_106 {offsets = [0, 0], sizes = [64, 2], strides = [1, 1]} : vector<64x128xi32> to vector<64x2xi32>
    %concatenate3A_125 = tpu.concatenate %slice3A_123, %slice3A_124 in 1 : vector<64x126xi32>, vector<64x2xi32> -> vector<64x128xi32>
    %select_n3A_126 = arith.select %ne3A_112, %concatenate3A_122, %concatenate3A_125 : vector<64x128xi1>, vector<64x128xi32>
    %and3A_127 = arith.constant 4 : i32
    %and3A_128 = vector.broadcast %and3A_127 : i32 to vector<64x128xi32>
    %and3A_129 = arith.andi %add3A_74, %and3A_128 : vector<64x128xi32>
    %eq3A_130 = arith.constant 0 : i32
    %eq3A_131 = vector.broadcast %eq3A_130 : i32 to vector<64x128xi32>
    %eq3A_132 = arith.cmpi eq, %and3A_129, %eq3A_131 : vector<64x128xi32>
    %not3A_133 = arith.constant dense<true> : vector<64x128xi1>
    %not3A_134 = arith.xori %ne3A_112, %not3A_133 : vector<64x128xi1>
    %eq3A_135 = arith.xori %not3A_134, %eq3A_132 : vector<64x128xi1>
    %eq3A_136 = arith.constant dense<true> : vector<64x128xi1>
    %eq3A_137 = arith.xori %eq3A_135, %eq3A_136 : vector<64x128xi1>
    %lt3A_138 = arith.cmpi slt, %select_n3A_119, %select_n3A_105 : vector<64x128xi32>
    %eq3A_139 = arith.cmpi eq, %select_n3A_119, %select_n3A_105 : vector<64x128xi32>
    %lt3A_140 = arith.cmpi slt, %select_n3A_126, %select_n3A_106 : vector<64x128xi32>
    %and3A_141 = arith.andi %eq3A_139, %lt3A_140 : vector<64x128xi1>
    %or3A_142 = arith.ori %lt3A_138, %and3A_141 : vector<64x128xi1>
    %eq3A_143 = arith.xori %eq3A_137, %or3A_142 : vector<64x128xi1>
    %eq3A_144 = arith.constant dense<true> : vector<64x128xi1>
    %eq3A_145 = arith.xori %eq3A_143, %eq3A_144 : vector<64x128xi1>
    %select_n3A_146 = arith.select %eq3A_145, %select_n3A_119, %select_n3A_105 : vector<64x128xi1>, vector<64x128xi32>
    %select_n3A_147 = arith.select %eq3A_145, %select_n3A_126, %select_n3A_106 : vector<64x128xi1>, vector<64x128xi32>
    %and3A_148 = arith.constant 1 : i32
    %and3A_149 = vector.broadcast %and3A_148 : i32 to vector<64x128xi32>
    %and3A_150 = arith.andi %add3A_74, %and3A_149 : vector<64x128xi32>
    %ne3A_151 = arith.constant 0 : i32
    %ne3A_152 = vector.broadcast %ne3A_151 : i32 to vector<64x128xi32>
    %ne3A_153 = arith.cmpi ne, %and3A_150, %ne3A_152 : vector<64x128xi32>
    %slice3A_154 = vector.extract_strided_slice %select_n3A_146 {offsets = [0, 127], sizes = [64, 1], strides = [1, 1]} : vector<64x128xi32> to vector<64x1xi32>
    %slice3A_155 = vector.extract_strided_slice %select_n3A_146 {offsets = [0, 0], sizes = [64, 127], strides = [1, 1]} : vector<64x128xi32> to vector<64x127xi32>
    %concatenate3A_156 = tpu.concatenate %slice3A_154, %slice3A_155 in 1 : vector<64x1xi32>, vector<64x127xi32> -> vector<64x128xi32>
    %slice3A_157 = vector.extract_strided_slice %select_n3A_146 {offsets = [0, 1], sizes = [64, 127], strides = [1, 1]} : vector<64x128xi32> to vector<64x127xi32>
    %slice3A_158 = vector.extract_strided_slice %select_n3A_146 {offsets = [0, 0], sizes = [64, 1], strides = [1, 1]} : vector<64x128xi32> to vector<64x1xi32>
    %concatenate3A_159 = tpu.concatenate %slice3A_157, %slice3A_158 in 1 : vector<64x127xi32>, vector<64x1xi32> -> vector<64x128xi32>
    %select_n3A_160 = arith.select %ne3A_153, %concatenate3A_156, %concatenate3A_159 : vector<64x128xi1>, vector<64x128xi32>
    %slice3A_161 = vector.extract_strided_slice %select_n3A_147 {offsets = [0, 127], sizes = [64, 1], strides = [1, 1]} : vector<64x128xi32> to vector<64x1xi32>
    %slice3A_162 = vector.extract_strided_slice %select_n3A_147 {offsets = [0, 0], sizes = [64, 127], strides = [1, 1]} : vector<64x128xi32> to vector<64x127xi32>
    %concatenate3A_163 = tpu.concatenate %slice3A_161, %slice3A_162 in 1 : vector<64x1xi32>, vector<64x127xi32> -> vector<64x128xi32>
    %slice3A_164 = vector.extract_strided_slice %select_n3A_147 {offsets = [0, 1], sizes = [64, 127], strides = [1, 1]} : vector<64x128xi32> to vector<64x127xi32>
    %slice3A_165 = vector.extract_strided_slice %select_n3A_147 {offsets = [0, 0], sizes = [64, 1], strides = [1, 1]} : vector<64x128xi32> to vector<64x1xi32>
    %concatenate3A_166 = tpu.concatenate %slice3A_164, %slice3A_165 in 1 : vector<64x127xi32>, vector<64x1xi32> -> vector<64x128xi32>
    %select_n3A_167 = arith.select %ne3A_153, %concatenate3A_163, %concatenate3A_166 : vector<64x128xi1>, vector<64x128xi32>
    %and3A_168 = arith.constant 4 : i32
    %and3A_169 = vector.broadcast %and3A_168 : i32 to vector<64x128xi32>
    %and3A_170 = arith.andi %add3A_74, %and3A_169 : vector<64x128xi32>
    %eq3A_171 = arith.constant 0 : i32
    %eq3A_172 = vector.broadcast %eq3A_171 : i32 to vector<64x128xi32>
    %eq3A_173 = arith.cmpi eq, %and3A_170, %eq3A_172 : vector<64x128xi32>
    %not3A_174 = arith.constant dense<true> : vector<64x128xi1>
    %not3A_175 = arith.xori %ne3A_153, %not3A_174 : vector<64x128xi1>
    %eq3A_176 = arith.xori %not3A_175, %eq3A_173 : vector<64x128xi1>
    %eq3A_177 = arith.constant dense<true> : vector<64x128xi1>
    %eq3A_178 = arith.xori %eq3A_176, %eq3A_177 : vector<64x128xi1>
    %lt3A_179 = arith.cmpi slt, %select_n3A_160, %select_n3A_146 : vector<64x128xi32>
    %eq3A_180 = arith.cmpi eq, %select_n3A_160, %select_n3A_146 : vector<64x128xi32>
    %lt3A_181 = arith.cmpi slt, %select_n3A_167, %select_n3A_147 : vector<64x128xi32>
    %and3A_182 = arith.andi %eq3A_180, %lt3A_181 : vector<64x128xi1>
    %or3A_183 = arith.ori %lt3A_179, %and3A_182 : vector<64x128xi1>
    %eq3A_184 = arith.xori %eq3A_178, %or3A_183 : vector<64x128xi1>
    %eq3A_185 = arith.constant dense<true> : vector<64x128xi1>
    %eq3A_186 = arith.xori %eq3A_184, %eq3A_185 : vector<64x128xi1>
    %select_n3A_187 = arith.select %eq3A_186, %select_n3A_160, %select_n3A_146 : vector<64x128xi1>, vector<64x128xi32>
    %select_n3A_188 = arith.select %eq3A_186, %select_n3A_167, %select_n3A_147 : vector<64x128xi1>, vector<64x128xi32>
    %and3A_189 = arith.constant 4 : i32
    %and3A_190 = vector.broadcast %and3A_189 : i32 to vector<64x128xi32>
    %and3A_191 = arith.andi %add3A_74, %and3A_190 : vector<64x128xi32>
    %ne3A_192 = arith.constant 0 : i32
    %ne3A_193 = vector.broadcast %ne3A_192 : i32 to vector<64x128xi32>
    %ne3A_194 = arith.cmpi ne, %and3A_191, %ne3A_193 : vector<64x128xi32>
    %slice3A_195 = vector.extract_strided_slice %select_n3A_187 {offsets = [0, 124], sizes = [64, 4], strides = [1, 1]} : vector<64x128xi32> to vector<64x4xi32>
    %slice3A_196 = vector.extract_strided_slice %select_n3A_187 {offsets = [0, 0], sizes = [64, 124], strides = [1, 1]} : vector<64x128xi32> to vector<64x124xi32>
    %concatenate3A_197 = tpu.concatenate %slice3A_195, %slice3A_196 in 1 : vector<64x4xi32>, vector<64x124xi32> -> vector<64x128xi32>
    %slice3A_198 = vector.extract_strided_slice %select_n3A_187 {offsets = [0, 4], sizes = [64, 124], strides = [1, 1]} : vector<64x128xi32> to vector<64x124xi32>
    %slice3A_199 = vector.extract_strided_slice %select_n3A_187 {offsets = [0, 0], sizes = [64, 4], strides = [1, 1]} : vector<64x128xi32> to vector<64x4xi32>
    %concatenate3A_200 = tpu.concatenate %slice3A_198, %slice3A_199 in 1 : vector<64x124xi32>, vector<64x4xi32> -> vector<64x128xi32>
    %select_n3A_201 = arith.select %ne3A_194, %concatenate3A_197, %concatenate3A_200 : vector<64x128xi1>, vector<64x128xi32>
    %slice3A_202 = vector.extract_strided_slice %select_n3A_188 {offsets = [0, 124], sizes = [64, 4], strides = [1, 1]} : vector<64x128xi32> to vector<64x4xi32>
    %slice3A_203 = vector.extract_strided_slice %select_n3A_188 {offsets = [0, 0], sizes = [64, 124], strides = [1, 1]} : vector<64x128xi32> to vector<64x124xi32>
    %concatenate3A_204 = tpu.concatenate %slice3A_202, %slice3A_203 in 1 : vector<64x4xi32>, vector<64x124xi32> -> vector<64x128xi32>
    %slice3A_205 = vector.extract_strided_slice %select_n3A_188 {offsets = [0, 4], sizes = [64, 124], strides = [1, 1]} : vector<64x128xi32> to vector<64x124xi32>
    %slice3A_206 = vector.extract_strided_slice %select_n3A_188 {offsets = [0, 0], sizes = [64, 4], strides = [1, 1]} : vector<64x128xi32> to vector<64x4xi32>
    %concatenate3A_207 = tpu.concatenate %slice3A_205, %slice3A_206 in 1 : vector<64x124xi32>, vector<64x4xi32> -> vector<64x128xi32>
    %select_n3A_208 = arith.select %ne3A_194, %concatenate3A_204, %concatenate3A_207 : vector<64x128xi1>, vector<64x128xi32>
    %and3A_209 = arith.constant 8 : i32
    %and3A_210 = vector.broadcast %and3A_209 : i32 to vector<64x128xi32>
    %and3A_211 = arith.andi %add3A_74, %and3A_210 : vector<64x128xi32>
    %eq3A_212 = arith.constant 0 : i32
    %eq3A_213 = vector.broadcast %eq3A_212 : i32 to vector<64x128xi32>
    %eq3A_214 = arith.cmpi eq, %and3A_211, %eq3A_213 : vector<64x128xi32>
    %not3A_215 = arith.constant dense<true> : vector<64x128xi1>
    %not3A_216 = arith.xori %ne3A_194, %not3A_215 : vector<64x128xi1>
    %eq3A_217 = arith.xori %not3A_216, %eq3A_214 : vector<64x128xi1>
    %eq3A_218 = arith.constant dense<true> : vector<64x128xi1>
    %eq3A_219 = arith.xori %eq3A_217, %eq3A_218 : vector<64x128xi1>
    %lt3A_220 = arith.cmpi slt, %select_n3A_201, %select_n3A_187 : vector<64x128xi32>
    %eq3A_221 = arith.cmpi eq, %select_n3A_201, %select_n3A_187 : vector<64x128xi32>
    %lt3A_222 = arith.cmpi slt, %select_n3A_208, %select_n3A_188 : vector<64x128xi32>
    %and3A_223 = arith.andi %eq3A_221, %lt3A_222 : vector<64x128xi1>
    %or3A_224 = arith.ori %lt3A_220, %and3A_223 : vector<64x128xi1>
    %eq3A_225 = arith.xori %eq3A_219, %or3A_224 : vector<64x128xi1>
    %eq3A_226 = arith.constant dense<true> : vector<64x128xi1>
    %eq3A_227 = arith.xori %eq3A_225, %eq3A_226 : vector<64x128xi1>
    %select_n3A_228 = arith.select %eq3A_227, %select_n3A_201, %select_n3A_187 : vector<64x128xi1>, vector<64x128xi32>
    %select_n3A_229 = arith.select %eq3A_227, %select_n3A_208, %select_n3A_188 : vector<64x128xi1>, vector<64x128xi32>
    %and3A_230 = arith.constant 2 : i32
    %and3A_231 = vector.broadcast %and3A_230 : i32 to vector<64x128xi32>
    %and3A_232 = arith.andi %add3A_74, %and3A_231 : vector<64x128xi32>
    %ne3A_233 = arith.constant 0 : i32
    %ne3A_234 = vector.broadcast %ne3A_233 : i32 to vector<64x128xi32>
    %ne3A_235 = arith.cmpi ne, %and3A_232, %ne3A_234 : vector<64x128xi32>
    %slice3A_236 = vector.extract_strided_slice %select_n3A_228 {offsets = [0, 126], sizes = [64, 2], strides = [1, 1]} : vector<64x128xi32> to vector<64x2xi32>
    %slice3A_237 = vector.extract_strided_slice %select_n3A_228 {offsets = [0, 0], sizes = [64, 126], strides = [1, 1]} : vector<64x128xi32> to vector<64x126xi32>
    %concatenate3A_238 = tpu.concatenate %slice3A_236, %slice3A_237 in 1 : vector<64x2xi32>, vector<64x126xi32> -> vector<64x128xi32>
    %slice3A_239 = vector.extract_strided_slice %select_n3A_228 {offsets = [0, 2], sizes = [64, 126], strides = [1, 1]} : vector<64x128xi32> to vector<64x126xi32>
    %slice3A_240 = vector.extract_strided_slice %select_n3A_228 {offsets = [0, 0], sizes = [64, 2], strides = [1, 1]} : vector<64x128xi32> to vector<64x2xi32>
    %concatenate3A_241 = tpu.concatenate %slice3A_239, %slice3A_240 in 1 : vector<64x126xi32>, vector<64x2xi32> -> vector<64x128xi32>
    %select_n3A_242 = arith.select %ne3A_235, %concatenate3A_238, %concatenate3A_241 : vector<64x128xi1>, vector<64x128xi32>
    %slice3A_243 = vector.extract_strided_slice %select_n3A_229 {offsets = [0, 126], sizes = [64, 2], strides = [1, 1]} : vector<64x128xi32> to vector<64x2xi32>
    %slice3A_244 = vector.extract_strided_slice %select_n3A_229 {offsets = [0, 0], sizes = [64, 126], strides = [1, 1]} : vector<64x128xi32> to vector<64x126xi32>
    %concatenate3A_245 = tpu.concatenate %slice3A_243, %slice3A_244 in 1 : vector<64x2xi32>, vector<64x126xi32> -> vector<64x128xi32>
    %slice3A_246 = vector.extract_strided_slice %select_n3A_229 {offsets = [0, 2], sizes = [64, 126], strides = [1, 1]} : vector<64x128xi32> to vector<64x126xi32>
    %slice3A_247 = vector.extract_strided_slice %select_n3A_229 {offsets = [0, 0], sizes = [64, 2], strides = [1, 1]} : vector<64x128xi32> to vector<64x2xi32>
    %concatenate3A_248 = tpu.concatenate %slice3A_246, %slice3A_247 in 1 : vector<64x126xi32>, vector<64x2xi32> -> vector<64x128xi32>
    %select_n3A_249 = arith.select %ne3A_235, %concatenate3A_245, %concatenate3A_248 : vector<64x128xi1>, vector<64x128xi32>
    %and3A_250 = arith.constant 8 : i32
    %and3A_251 = vector.broadcast %and3A_250 : i32 to vector<64x128xi32>
    %and3A_252 = arith.andi %add3A_74, %and3A_251 : vector<64x128xi32>
    %eq3A_253 = arith.constant 0 : i32
    %eq3A_254 = vector.broadcast %eq3A_253 : i32 to vector<64x128xi32>
    %eq3A_255 = arith.cmpi eq, %and3A_252, %eq3A_254 : vector<64x128xi32>
    %not3A_256 = arith.constant dense<true> : vector<64x128xi1>
    %not3A_257 = arith.xori %ne3A_235, %not3A_256 : vector<64x128xi1>
    %eq3A_258 = arith.xori %not3A_257, %eq3A_255 : vector<64x128xi1>
    %eq3A_259 = arith.constant dense<true> : vector<64x128xi1>
    %eq3A_260 = arith.xori %eq3A_258, %eq3A_259 : vector<64x128xi1>
    %lt3A_261 = arith.cmpi slt, %select_n3A_242, %select_n3A_228 : vector<64x128xi32>
    %eq3A_262 = arith.cmpi eq, %select_n3A_242, %select_n3A_228 : vector<64x128xi32>
    %lt3A_263 = arith.cmpi slt, %select_n3A_249, %select_n3A_229 : vector<64x128xi32>
    %and3A_264 = arith.andi %eq3A_262, %lt3A_263 : vector<64x128xi1>
    %or3A_265 = arith.ori %lt3A_261, %and3A_264 : vector<64x128xi1>
    %eq3A_266 = arith.xori %eq3A_260, %or3A_265 : vector<64x128xi1>
    %eq3A_267 = arith.constant dense<true> : vector<64x128xi1>
    %eq3A_268 = arith.xori %eq3A_266, %eq3A_267 : vector<64x128xi1>
    %select_n3A_269 = arith.select %eq3A_268, %select_n3A_242, %select_n3A_228 : vector<64x128xi1>, vector<64x128xi32>
    %select_n3A_270 = arith.select %eq3A_268, %select_n3A_249, %select_n3A_229 : vector<64x128xi1>, vector<64x128xi32>
    %and3A_271 = arith.constant 1 : i32
    %and3A_272 = vector.broadcast %and3A_271 : i32 to vector<64x128xi32>
    %and3A_273 = arith.andi %add3A_74, %and3A_272 : vector<64x128xi32>
    %ne3A_274 = arith.constant 0 : i32
    %ne3A_275 = vector.broadcast %ne3A_274 : i32 to vector<64x128xi32>
    %ne3A_276 = arith.cmpi ne, %and3A_273, %ne3A_275 : vector<64x128xi32>
    %slice3A_277 = vector.extract_strided_slice %select_n3A_269 {offsets = [0, 127], sizes = [64, 1], strides = [1, 1]} : vector<64x128xi32> to vector<64x1xi32>
    %slice3A_278 = vector.extract_strided_slice %select_n3A_269 {offsets = [0, 0], sizes = [64, 127], strides = [1, 1]} : vector<64x128xi32> to vector<64x127xi32>
    %concatenate3A_279 = tpu.concatenate %slice3A_277, %slice3A_278 in 1 : vector<64x1xi32>, vector<64x127xi32> -> vector<64x128xi32>
    %slice3A_280 = vector.extract_strided_slice %select_n3A_269 {offsets = [0, 1], sizes = [64, 127], strides = [1, 1]} : vector<64x128xi32> to vector<64x127xi32>
    %slice3A_281 = vector.extract_strided_slice %select_n3A_269 {offsets = [0, 0], sizes = [64, 1], strides = [1, 1]} : vector<64x128xi32> to vector<64x1xi32>
    %concatenate3A_282 = tpu.concatenate %slice3A_280, %slice3A_281 in 1 : vector<64x127xi32>, vector<64x1xi32> -> vector<64x128xi32>
    %select_n3A_283 = arith.select %ne3A_276, %concatenate3A_279, %concatenate3A_282 : vector<64x128xi1>, vector<64x128xi32>
    %slice3A_284 = vector.extract_strided_slice %select_n3A_270 {offsets = [0, 127], sizes = [64, 1], strides = [1, 1]} : vector<64x128xi32> to vector<64x1xi32>
    %slice3A_285 = vector.extract_strided_slice %select_n3A_270 {offsets = [0, 0], sizes = [64, 127], strides = [1, 1]} : vector<64x128xi32> to vector<64x127xi32>
    %concatenate3A_286 = tpu.concatenate %slice3A_284, %slice3A_285 in 1 : vector<64x1xi32>, vector<64x127xi32> -> vector<64x128xi32>
    %slice3A_287 = vector.extract_strided_slice %select_n3A_270 {offsets = [0, 1], sizes = [64, 127], strides = [1, 1]} : vector<64x128xi32> to vector<64x127xi32>
    %slice3A_288 = vector.extract_strided_slice %select_n3A_270 {offsets = [0, 0], sizes = [64, 1], strides = [1, 1]} : vector<64x128xi32> to vector<64x1xi32>
    %concatenate3A_289 = tpu.concatenate %slice3A_287, %slice3A_288 in 1 : vector<64x127xi32>, vector<64x1xi32> -> vector<64x128xi32>
    %select_n3A_290 = arith.select %ne3A_276, %concatenate3A_286, %concatenate3A_289 : vector<64x128xi1>, vector<64x128xi32>
    %and3A_291 = arith.constant 8 : i32
    %and3A_292 = vector.broadcast %and3A_291 : i32 to vector<64x128xi32>
    %and3A_293 = arith.andi %add3A_74, %and3A_292 : vector<64x128xi32>
    %eq3A_294 = arith.constant 0 : i32
    %eq3A_295 = vector.broadcast %eq3A_294 : i32 to vector<64x128xi32>
    %eq3A_296 = arith.cmpi eq, %and3A_293, %eq3A_295 : vector<64x128xi32>
    %not3A_297 = arith.constant dense<true> : vector<64x128xi1>
    %not3A_298 = arith.xori %ne3A_276, %not3A_297 : vector<64x128xi1>
    %eq3A_299 = arith.xori %not3A_298, %eq3A_296 : vector<64x128xi1>
    %eq3A_300 = arith.constant dense<true> : vector<64x128xi1>
    %eq3A_301 = arith.xori %eq3A_299, %eq3A_300 : vector<64x128xi1>
    %lt3A_302 = arith.cmpi slt, %select_n3A_283, %select_n3A_269 : vector<64x128xi32>
    %eq3A_303 = arith.cmpi eq, %select_n3A_283, %select_n3A_269 : vector<64x128xi32>
    %lt3A_304 = arith.cmpi slt, %select_n3A_290, %select_n3A_270 : vector<64x128xi32>
    %and3A_305 = arith.andi %eq3A_303, %lt3A_304 : vector<64x128xi1>
    %or3A_306 = arith.ori %lt3A_302, %and3A_305 : vector<64x128xi1>
    %eq3A_307 = arith.xori %eq3A_301, %or3A_306 : vector<64x128xi1>
    %eq3A_308 = arith.constant dense<true> : vector<64x128xi1>
    %eq3A_309 = arith.xori %eq3A_307, %eq3A_308 : vector<64x128xi1>
    %select_n3A_310 = arith.select %eq3A_309, %select_n3A_283, %select_n3A_269 : vector<64x128xi1>, vector<64x128xi32>
    %select_n3A_311 = arith.select %eq3A_309, %select_n3A_290, %select_n3A_270 : vector<64x128xi1>, vector<64x128xi32>
    %and3A_312 = arith.constant 8 : i32
    %and3A_313 = vector.broadcast %and3A_312 : i32 to vector<64x128xi32>
    %and3A_314 = arith.andi %add3A_74, %and3A_313 : vector<64x128xi32>
    %ne3A_315 = arith.constant 0 : i32
    %ne3A_316 = vector.broadcast %ne3A_315 : i32 to vector<64x128xi32>
    %ne3A_317 = arith.cmpi ne, %and3A_314, %ne3A_316 : vector<64x128xi32>
    %slice3A_318 = vector.extract_strided_slice %select_n3A_310 {offsets = [0, 120], sizes = [64, 8], strides = [1, 1]} : vector<64x128xi32> to vector<64x8xi32>
    %slice3A_319 = vector.extract_strided_slice %select_n3A_310 {offsets = [0, 0], sizes = [64, 120], strides = [1, 1]} : vector<64x128xi32> to vector<64x120xi32>
    %concatenate3A_320 = tpu.concatenate %slice3A_318, %slice3A_319 in 1 : vector<64x8xi32>, vector<64x120xi32> -> vector<64x128xi32>
    %slice3A_321 = vector.extract_strided_slice %select_n3A_310 {offsets = [0, 8], sizes = [64, 120], strides = [1, 1]} : vector<64x128xi32> to vector<64x120xi32>
    %slice3A_322 = vector.extract_strided_slice %select_n3A_310 {offsets = [0, 0], sizes = [64, 8], strides = [1, 1]} : vector<64x128xi32> to vector<64x8xi32>
    %concatenate3A_323 = tpu.concatenate %slice3A_321, %slice3A_322 in 1 : vector<64x120xi32>, vector<64x8xi32> -> vector<64x128xi32>
    %select_n3A_324 = arith.select %ne3A_317, %concatenate3A_320, %concatenate3A_323 : vector<64x128xi1>, vector<64x128xi32>
    %slice3A_325 = vector.extract_strided_slice %select_n3A_311 {offsets = [0, 120], sizes = [64, 8], strides = [1, 1]} : vector<64x128xi32> to vector<64x8xi32>
    %slice3A_326 = vector.extract_strided_slice %select_n3A_311 {offsets = [0, 0], sizes = [64, 120], strides = [1, 1]} : vector<64x128xi32> to vector<64x120xi32>
    %concatenate3A_327 = tpu.concatenate %slice3A_325, %slice3A_326 in 1 : vector<64x8xi32>, vector<64x120xi32> -> vector<64x128xi32>
    %slice3A_328 = vector.extract_strided_slice %select_n3A_311 {offsets = [0, 8], sizes = [64, 120], strides = [1, 1]} : vector<64x128xi32> to vector<64x120xi32>
    %slice3A_329 = vector.extract_strided_slice %select_n3A_311 {offsets = [0, 0], sizes = [64, 8], strides = [1, 1]} : vector<64x128xi32> to vector<64x8xi32>
    %concatenate3A_330 = tpu.concatenate %slice3A_328, %slice3A_329 in 1 : vector<64x120xi32>, vector<64x8xi32> -> vector<64x128xi32>
    %select_n3A_331 = arith.select %ne3A_317, %concatenate3A_327, %concatenate3A_330 : vector<64x128xi1>, vector<64x128xi32>
    %and3A_332 = arith.constant 16 : i32
    %and3A_333 = vector.broadcast %and3A_332 : i32 to vector<64x128xi32>
    %and3A_334 = arith.andi %add3A_74, %and3A_333 : vector<64x128xi32>
    %eq3A_335 = arith.constant 0 : i32
    %eq3A_336 = vector.broadcast %eq3A_335 : i32 to vector<64x128xi32>
    %eq3A_337 = arith.cmpi eq, %and3A_334, %eq3A_336 : vector<64x128xi32>
    %not3A_338 = arith.constant dense<true> : vector<64x128xi1>
    %not3A_339 = arith.xori %ne3A_317, %not3A_338 : vector<64x128xi1>
    %eq3A_340 = arith.xori %not3A_339, %eq3A_337 : vector<64x128xi1>
    %eq3A_341 = arith.constant dense<true> : vector<64x128xi1>
    %eq3A_342 = arith.xori %eq3A_340, %eq3A_341 : vector<64x128xi1>
    %lt3A_343 = arith.cmpi slt, %select_n3A_324, %select_n3A_310 : vector<64x128xi32>
    %eq3A_344 = arith.cmpi eq, %select_n3A_324, %select_n3A_310 : vector<64x128xi32>
    %lt3A_345 = arith.cmpi slt, %select_n3A_331, %select_n3A_311 : vector<64x128xi32>
    %and3A_346 = arith.andi %eq3A_344, %lt3A_345 : vector<64x128xi1>
    %or3A_347 = arith.ori %lt3A_343, %and3A_346 : vector<64x128xi1>
    %eq3A_348 = arith.xori %eq3A_342, %or3A_347 : vector<64x128xi1>
    %eq3A_349 = arith.constant dense<true> : vector<64x128xi1>
    %eq3A_350 = arith.xori %eq3A_348, %eq3A_349 : vector<64x128xi1>
    %select_n3A_351 = arith.select %eq3A_350, %select_n3A_324, %select_n3A_310 : vector<64x128xi1>, vector<64x128xi32>
    %select_n3A_352 = arith.select %eq3A_350, %select_n3A_331, %select_n3A_311 : vector<64x128xi1>, vector<64x128xi32>
    %and3A_353 = arith.constant 4 : i32
    %and3A_354 = vector.broadcast %and3A_353 : i32 to vector<64x128xi32>
    %and3A_355 = arith.andi %add3A_74, %and3A_354 : vector<64x128xi32>
    %ne3A_356 = arith.constant 0 : i32
    %ne3A_357 = vector.broadcast %ne3A_356 : i32 to vector<64x128xi32>
    %ne3A_358 = arith.cmpi ne, %and3A_355, %ne3A_357 : vector<64x128xi32>
    %slice3A_359 = vector.extract_strided_slice %select_n3A_351 {offsets = [0, 124], sizes = [64, 4], strides = [1, 1]} : vector<64x128xi32> to vector<64x4xi32>
    %slice3A_360 = vector.extract_strided_slice %select_n3A_351 {offsets = [0, 0], sizes = [64, 124], strides = [1, 1]} : vector<64x128xi32> to vector<64x124xi32>
    %concatenate3A_361 = tpu.concatenate %slice3A_359, %slice3A_360 in 1 : vector<64x4xi32>, vector<64x124xi32> -> vector<64x128xi32>
    %slice3A_362 = vector.extract_strided_slice %select_n3A_351 {offsets = [0, 4], sizes = [64, 124], strides = [1, 1]} : vector<64x128xi32> to vector<64x124xi32>
    %slice3A_363 = vector.extract_strided_slice %select_n3A_351 {offsets = [0, 0], sizes = [64, 4], strides = [1, 1]} : vector<64x128xi32> to vector<64x4xi32>
    %concatenate3A_364 = tpu.concatenate %slice3A_362, %slice3A_363 in 1 : vector<64x124xi32>, vector<64x4xi32> -> vector<64x128xi32>
    %select_n3A_365 = arith.select %ne3A_358, %concatenate3A_361, %concatenate3A_364 : vector<64x128xi1>, vector<64x128xi32>
    %slice3A_366 = vector.extract_strided_slice %select_n3A_352 {offsets = [0, 124], sizes = [64, 4], strides = [1, 1]} : vector<64x128xi32> to vector<64x4xi32>
    %slice3A_367 = vector.extract_strided_slice %select_n3A_352 {offsets = [0, 0], sizes = [64, 124], strides = [1, 1]} : vector<64x128xi32> to vector<64x124xi32>
    %concatenate3A_368 = tpu.concatenate %slice3A_366, %slice3A_367 in 1 : vector<64x4xi32>, vector<64x124xi32> -> vector<64x128xi32>
    %slice3A_369 = vector.extract_strided_slice %select_n3A_352 {offsets = [0, 4], sizes = [64, 124], strides = [1, 1]} : vector<64x128xi32> to vector<64x124xi32>
    %slice3A_370 = vector.extract_strided_slice %select_n3A_352 {offsets = [0, 0], sizes = [64, 4], strides = [1, 1]} : vector<64x128xi32> to vector<64x4xi32>
    %concatenate3A_371 = tpu.concatenate %slice3A_369, %slice3A_370 in 1 : vector<64x124xi32>, vector<64x4xi32> -> vector<64x128xi32>
    %select_n3A_372 = arith.select %ne3A_358, %concatenate3A_368, %concatenate3A_371 : vector<64x128xi1>, vector<64x128xi32>
    %and3A_373 = arith.constant 16 : i32
    %and3A_374 = vector.broadcast %and3A_373 : i32 to vector<64x128xi32>
    %and3A_375 = arith.andi %add3A_74, %and3A_374 : vector<64x128xi32>
    %eq3A_376 = arith.constant 0 : i32
    %eq3A_377 = vector.broadcast %eq3A_376 : i32 to vector<64x128xi32>
    %eq3A_378 = arith.cmpi eq, %and3A_375, %eq3A_377 : vector<64x128xi32>
    %not3A_379 = arith.constant dense<true> : vector<64x128xi1>
    %not3A_380 = arith.xori %ne3A_358, %not3A_379 : vector<64x128xi1>
    %eq3A_381 = arith.xori %not3A_380, %eq3A_378 : vector<64x128xi1>
    %eq3A_382 = arith.constant dense<true> : vector<64x128xi1>
    %eq3A_383 = arith.xori %eq3A_381, %eq3A_382 : vector<64x128xi1>
    %lt3A_384 = arith.cmpi slt, %select_n3A_365, %select_n3A_351 : vector<64x128xi32>
    %eq3A_385 = arith.cmpi eq, %select_n3A_365, %select_n3A_351 : vector<64x128xi32>
    %lt3A_386 = arith.cmpi slt, %select_n3A_372, %select_n3A_352 : vector<64x128xi32>
    %and3A_387 = arith.andi %eq3A_385, %lt3A_386 : vector<64x128xi1>
    %or3A_388 = arith.ori %lt3A_384, %and3A_387 : vector<64x128xi1>
    %eq3A_389 = arith.xori %eq3A_383, %or3A_388 : vector<64x128xi1>
    %eq3A_390 = arith.constant dense<true> : vector<64x128xi1>
    %eq3A_391 = arith.xori %eq3A_389, %eq3A_390 : vector<64x128xi1>
    %select_n3A_392 = arith.select %eq3A_391, %select_n3A_365, %select_n3A_351 : vector<64x128xi1>, vector<64x128xi32>
    %select_n3A_393 = arith.select %eq3A_391, %select_n3A_372, %select_n3A_352 : vector<64x128xi1>, vector<64x128xi32>
    %and3A_394 = arith.constant 2 : i32
    %and3A_395 = vector.broadcast %and3A_394 : i32 to vector<64x128xi32>
    %and3A_396 = arith.andi %add3A_74, %and3A_395 : vector<64x128xi32>
    %ne3A_397 = arith.constant 0 : i32
    %ne3A_398 = vector.broadcast %ne3A_397 : i32 to vector<64x128xi32>
    %ne3A_399 = arith.cmpi ne, %and3A_396, %ne3A_398 : vector<64x128xi32>
    %slice3A_400 = vector.extract_strided_slice %select_n3A_392 {offsets = [0, 126], sizes = [64, 2], strides = [1, 1]} : vector<64x128xi32> to vector<64x2xi32>
    %slice3A_401 = vector.extract_strided_slice %select_n3A_392 {offsets = [0, 0], sizes = [64, 126], strides = [1, 1]} : vector<64x128xi32> to vector<64x126xi32>
    %concatenate3A_402 = tpu.concatenate %slice3A_400, %slice3A_401 in 1 : vector<64x2xi32>, vector<64x126xi32> -> vector<64x128xi32>
    %slice3A_403 = vector.extract_strided_slice %select_n3A_392 {offsets = [0, 2], sizes = [64, 126], strides = [1, 1]} : vector<64x128xi32> to vector<64x126xi32>
    %slice3A_404 = vector.extract_strided_slice %select_n3A_392 {offsets = [0, 0], sizes = [64, 2], strides = [1, 1]} : vector<64x128xi32> to vector<64x2xi32>
    %concatenate3A_405 = tpu.concatenate %slice3A_403, %slice3A_404 in 1 : vector<64x126xi32>, vector<64x2xi32> -> vector<64x128xi32>
    %select_n3A_406 = arith.select %ne3A_399, %concatenate3A_402, %concatenate3A_405 : vector<64x128xi1>, vector<64x128xi32>
    %slice3A_407 = vector.extract_strided_slice %select_n3A_393 {offsets = [0, 126], sizes = [64, 2], strides = [1, 1]} : vector<64x128xi32> to vector<64x2xi32>
    %slice3A_408 = vector.extract_strided_slice %select_n3A_393 {offsets = [0, 0], sizes = [64, 126], strides = [1, 1]} : vector<64x128xi32> to vector<64x126xi32>
    %concatenate3A_409 = tpu.concatenate %slice3A_407, %slice3A_408 in 1 : vector<64x2xi32>, vector<64x126xi32> -> vector<64x128xi32>
    %slice3A_410 = vector.extract_strided_slice %select_n3A_393 {offsets = [0, 2], sizes = [64, 126], strides = [1, 1]} : vector<64x128xi32> to vector<64x126xi32>
    %slice3A_411 = vector.extract_strided_slice %select_n3A_393 {offsets = [0, 0], sizes = [64, 2], strides = [1, 1]} : vector<64x128xi32> to vector<64x2xi32>
    %concatenate3A_412 = tpu.concatenate %slice3A_410, %slice3A_411 in 1 : vector<64x126xi32>, vector<64x2xi32> -> vector<64x128xi32>
    %select_n3A_413 = arith.select %ne3A_399, %concatenate3A_409, %concatenate3A_412 : vector<64x128xi1>, vector<64x128xi32>
    %and3A_414 = arith.constant 16 : i32
    %and3A_415 = vector.broadcast %and3A_414 : i32 to vector<64x128xi32>
    %and3A_416 = arith.andi %add3A_74, %and3A_415 : vector<64x128xi32>
    %eq3A_417 = arith.constant 0 : i32
    %eq3A_418 = vector.broadcast %eq3A_417 : i32 to vector<64x128xi32>
    %eq3A_419 = arith.cmpi eq, %and3A_416, %eq3A_418 : vector<64x128xi32>
    %not3A_420 = arith.constant dense<true> : vector<64x128xi1>
    %not3A_421 = arith.xori %ne3A_399, %not3A_420 : vector<64x128xi1>
    %eq3A_422 = arith.xori %not3A_421, %eq3A_419 : vector<64x128xi1>
    %eq3A_423 = arith.constant dense<true> : vector<64x128xi1>
    %eq3A_424 = arith.xori %eq3A_422, %eq3A_423 : vector<64x128xi1>
    %lt3A_425 = arith.cmpi slt, %select_n3A_406, %select_n3A_392 : vector<64x128xi32>
    %eq3A_426 = arith.cmpi eq, %select_n3A_406, %select_n3A_392 : vector<64x128xi32>
    %lt3A_427 = arith.cmpi slt, %select_n3A_413, %select_n3A_393 : vector<64x128xi32>
    %and3A_428 = arith.andi %eq3A_426, %lt3A_427 : vector<64x128xi1>
    %or3A_429 = arith.ori %lt3A_425, %and3A_428 : vector<64x128xi1>
    %eq3A_430 = arith.xori %eq3A_424, %or3A_429 : vector<64x128xi1>
    %eq3A_431 = arith.constant dense<true> : vector<64x128xi1>
    %eq3A_432 = arith.xori %eq3A_430, %eq3A_431 : vector<64x128xi1>
    %select_n3A_433 = arith.select %eq3A_432, %select_n3A_406, %select_n3A_392 : vector<64x128xi1>, vector<64x128xi32>
    %select_n3A_434 = arith.select %eq3A_432, %select_n3A_413, %select_n3A_393 : vector<64x128xi1>, vector<64x128xi32>
    %and3A_435 = arith.constant 1 : i32
    %and3A_436 = vector.broadcast %and3A_435 : i32 to vector<64x128xi32>
    %and3A_437 = arith.andi %add3A_74, %and3A_436 : vector<64x128xi32>
    %ne3A_438 = arith.constant 0 : i32
    %ne3A_439 = vector.broadcast %ne3A_438 : i32 to vector<64x128xi32>
    %ne3A_440 = arith.cmpi ne, %and3A_437, %ne3A_439 : vector<64x128xi32>
    %slice3A_441 = vector.extract_strided_slice %select_n3A_433 {offsets = [0, 127], sizes = [64, 1], strides = [1, 1]} : vector<64x128xi32> to vector<64x1xi32>
    %slice3A_442 = vector.extract_strided_slice %select_n3A_433 {offsets = [0, 0], sizes = [64, 127], strides = [1, 1]} : vector<64x128xi32> to vector<64x127xi32>
    %concatenate3A_443 = tpu.concatenate %slice3A_441, %slice3A_442 in 1 : vector<64x1xi32>, vector<64x127xi32> -> vector<64x128xi32>
    %slice3A_444 = vector.extract_strided_slice %select_n3A_433 {offsets = [0, 1], sizes = [64, 127], strides = [1, 1]} : vector<64x128xi32> to vector<64x127xi32>
    %slice3A_445 = vector.extract_strided_slice %select_n3A_433 {offsets = [0, 0], sizes = [64, 1], strides = [1, 1]} : vector<64x128xi32> to vector<64x1xi32>
    %concatenate3A_446 = tpu.concatenate %slice3A_444, %slice3A_445 in 1 : vector<64x127xi32>, vector<64x1xi32> -> vector<64x128xi32>
    %select_n3A_447 = arith.select %ne3A_440, %concatenate3A_443, %concatenate3A_446 : vector<64x128xi1>, vector<64x128xi32>
    %slice3A_448 = vector.extract_strided_slice %select_n3A_434 {offsets = [0, 127], sizes = [64, 1], strides = [1, 1]} : vector<64x128xi32> to vector<64x1xi32>
    %slice3A_449 = vector.extract_strided_slice %select_n3A_434 {offsets = [0, 0], sizes = [64, 127], strides = [1, 1]} : vector<64x128xi32> to vector<64x127xi32>
    %concatenate3A_450 = tpu.concatenate %slice3A_448, %slice3A_449 in 1 : vector<64x1xi32>, vector<64x127xi32> -> vector<64x128xi32>
    %slice3A_451 = vector.extract_strided_slice %select_n3A_434 {offsets = [0, 1], sizes = [64, 127], strides = [1, 1]} : vector<64x128xi32> to vector<64x127xi32>
    %slice3A_452 = vector.extract_strided_slice %select_n3A_434 {offsets = [0, 0], sizes = [64, 1], strides = [1, 1]} : vector<64x128xi32> to vector<64x1xi32>
    %concatenate3A_453 = tpu.concatenate %slice3A_451, %slice3A_452 in 1 : vector<64x127xi32>, vector<64x1xi32> -> vector<64x128xi32>
    %select_n3A_454 = arith.select %ne3A_440, %concatenate3A_450, %concatenate3A_453 : vector<64x128xi1>, vector<64x128xi32>
    %and3A_455 = arith.constant 16 : i32
    %and3A_456 = vector.broadcast %and3A_455 : i32 to vector<64x128xi32>
    %and3A_457 = arith.andi %add3A_74, %and3A_456 : vector<64x128xi32>
    %eq3A_458 = arith.constant 0 : i32
    %eq3A_459 = vector.broadcast %eq3A_458 : i32 to vector<64x128xi32>
    %eq3A_460 = arith.cmpi eq, %and3A_457, %eq3A_459 : vector<64x128xi32>
    %not3A_461 = arith.constant dense<true> : vector<64x128xi1>
    %not3A_462 = arith.xori %ne3A_440, %not3A_461 : vector<64x128xi1>
    %eq3A_463 = arith.xori %not3A_462, %eq3A_460 : vector<64x128xi1>
    %eq3A_464 = arith.constant dense<true> : vector<64x128xi1>
    %eq3A_465 = arith.xori %eq3A_463, %eq3A_464 : vector<64x128xi1>
    %lt3A_466 = arith.cmpi slt, %select_n3A_447, %select_n3A_433 : vector<64x128xi32>
    %eq3A_467 = arith.cmpi eq, %select_n3A_447, %select_n3A_433 : vector<64x128xi32>
    %lt3A_468 = arith.cmpi slt, %select_n3A_454, %select_n3A_434 : vector<64x128xi32>
    %and3A_469 = arith.andi %eq3A_467, %lt3A_468 : vector<64x128xi1>
    %or3A_470 = arith.ori %lt3A_466, %and3A_469 : vector<64x128xi1>
    %eq3A_471 = arith.xori %eq3A_465, %or3A_470 : vector<64x128xi1>
    %eq3A_472 = arith.constant dense<true> : vector<64x128xi1>
    %eq3A_473 = arith.xori %eq3A_471, %eq3A_472 : vector<64x128xi1>
    %select_n3A_474 = arith.select %eq3A_473, %select_n3A_447, %select_n3A_433 : vector<64x128xi1>, vector<64x128xi32>
    %select_n3A_475 = arith.select %eq3A_473, %select_n3A_454, %select_n3A_434 : vector<64x128xi1>, vector<64x128xi32>
    %and3A_476 = arith.constant 16 : i32
    %and3A_477 = vector.broadcast %and3A_476 : i32 to vector<64x128xi32>
    %and3A_478 = arith.andi %add3A_74, %and3A_477 : vector<64x128xi32>
    %ne3A_479 = arith.constant 0 : i32
    %ne3A_480 = vector.broadcast %ne3A_479 : i32 to vector<64x128xi32>
    %ne3A_481 = arith.cmpi ne, %and3A_478, %ne3A_480 : vector<64x128xi32>
    %slice3A_482 = vector.extract_strided_slice %select_n3A_474 {offsets = [0, 112], sizes = [64, 16], strides = [1, 1]} : vector<64x128xi32> to vector<64x16xi32>
    %slice3A_483 = vector.extract_strided_slice %select_n3A_474 {offsets = [0, 0], sizes = [64, 112], strides = [1, 1]} : vector<64x128xi32> to vector<64x112xi32>
    %concatenate3A_484 = tpu.concatenate %slice3A_482, %slice3A_483 in 1 : vector<64x16xi32>, vector<64x112xi32> -> vector<64x128xi32>
    %slice3A_485 = vector.extract_strided_slice %select_n3A_474 {offsets = [0, 16], sizes = [64, 112], strides = [1, 1]} : vector<64x128xi32> to vector<64x112xi32>
    %slice3A_486 = vector.extract_strided_slice %select_n3A_474 {offsets = [0, 0], sizes = [64, 16], strides = [1, 1]} : vector<64x128xi32> to vector<64x16xi32>
    %concatenate3A_487 = tpu.concatenate %slice3A_485, %slice3A_486 in 1 : vector<64x112xi32>, vector<64x16xi32> -> vector<64x128xi32>
    %select_n3A_488 = arith.select %ne3A_481, %concatenate3A_484, %concatenate3A_487 : vector<64x128xi1>, vector<64x128xi32>
    %slice3A_489 = vector.extract_strided_slice %select_n3A_475 {offsets = [0, 112], sizes = [64, 16], strides = [1, 1]} : vector<64x128xi32> to vector<64x16xi32>
    %slice3A_490 = vector.extract_strided_slice %select_n3A_475 {offsets = [0, 0], sizes = [64, 112], strides = [1, 1]} : vector<64x128xi32> to vector<64x112xi32>
    %concatenate3A_491 = tpu.concatenate %slice3A_489, %slice3A_490 in 1 : vector<64x16xi32>, vector<64x112xi32> -> vector<64x128xi32>
    %slice3A_492 = vector.extract_strided_slice %select_n3A_475 {offsets = [0, 16], sizes = [64, 112], strides = [1, 1]} : vector<64x128xi32> to vector<64x112xi32>
    %slice3A_493 = vector.extract_strided_slice %select_n3A_475 {offsets = [0, 0], sizes = [64, 16], strides = [1, 1]} : vector<64x128xi32> to vector<64x16xi32>
    %concatenate3A_494 = tpu.concatenate %slice3A_492, %slice3A_493 in 1 : vector<64x112xi32>, vector<64x16xi32> -> vector<64x128xi32>
    %select_n3A_495 = arith.select %ne3A_481, %concatenate3A_491, %concatenate3A_494 : vector<64x128xi1>, vector<64x128xi32>
    %and3A_496 = arith.constant 32 : i32
    %and3A_497 = vector.broadcast %and3A_496 : i32 to vector<64x128xi32>
    %and3A_498 = arith.andi %add3A_74, %and3A_497 : vector<64x128xi32>
    %eq3A_499 = arith.constant 0 : i32
    %eq3A_500 = vector.broadcast %eq3A_499 : i32 to vector<64x128xi32>
    %eq3A_501 = arith.cmpi eq, %and3A_498, %eq3A_500 : vector<64x128xi32>
    %not3A_502 = arith.constant dense<true> : vector<64x128xi1>
    %not3A_503 = arith.xori %ne3A_481, %not3A_502 : vector<64x128xi1>
    %eq3A_504 = arith.xori %not3A_503, %eq3A_501 : vector<64x128xi1>
    %eq3A_505 = arith.constant dense<true> : vector<64x128xi1>
    %eq3A_506 = arith.xori %eq3A_504, %eq3A_505 : vector<64x128xi1>
    %lt3A_507 = arith.cmpi slt, %select_n3A_488, %select_n3A_474 : vector<64x128xi32>
    %eq3A_508 = arith.cmpi eq, %select_n3A_488, %select_n3A_474 : vector<64x128xi32>
    %lt3A_509 = arith.cmpi slt, %select_n3A_495, %select_n3A_475 : vector<64x128xi32>
    %and3A_510 = arith.andi %eq3A_508, %lt3A_509 : vector<64x128xi1>
    %or3A_511 = arith.ori %lt3A_507, %and3A_510 : vector<64x128xi1>
    %eq3A_512 = arith.xori %eq3A_506, %or3A_511 : vector<64x128xi1>
    %eq3A_513 = arith.constant dense<true> : vector<64x128xi1>
    %eq3A_514 = arith.xori %eq3A_512, %eq3A_513 : vector<64x128xi1>
    %select_n3A_515 = arith.select %eq3A_514, %select_n3A_488, %select_n3A_474 : vector<64x128xi1>, vector<64x128xi32>
    %select_n3A_516 = arith.select %eq3A_514, %select_n3A_495, %select_n3A_475 : vector<64x128xi1>, vector<64x128xi32>
    %and3A_517 = arith.constant 8 : i32
    %and3A_518 = vector.broadcast %and3A_517 : i32 to vector<64x128xi32>
    %and3A_519 = arith.andi %add3A_74, %and3A_518 : vector<64x128xi32>
    %ne3A_520 = arith.constant 0 : i32
    %ne3A_521 = vector.broadcast %ne3A_520 : i32 to vector<64x128xi32>
    %ne3A_522 = arith.cmpi ne, %and3A_519, %ne3A_521 : vector<64x128xi32>
    %slice3A_523 = vector.extract_strided_slice %select_n3A_515 {offsets = [0, 120], sizes = [64, 8], strides = [1, 1]} : vector<64x128xi32> to vector<64x8xi32>
    %slice3A_524 = vector.extract_strided_slice %select_n3A_515 {offsets = [0, 0], sizes = [64, 120], strides = [1, 1]} : vector<64x128xi32> to vector<64x120xi32>
    %concatenate3A_525 = tpu.concatenate %slice3A_523, %slice3A_524 in 1 : vector<64x8xi32>, vector<64x120xi32> -> vector<64x128xi32>
    %slice3A_526 = vector.extract_strided_slice %select_n3A_515 {offsets = [0, 8], sizes = [64, 120], strides = [1, 1]} : vector<64x128xi32> to vector<64x120xi32>
    %slice3A_527 = vector.extract_strided_slice %select_n3A_515 {offsets = [0, 0], sizes = [64, 8], strides = [1, 1]} : vector<64x128xi32> to vector<64x8xi32>
    %concatenate3A_528 = tpu.concatenate %slice3A_526, %slice3A_527 in 1 : vector<64x120xi32>, vector<64x8xi32> -> vector<64x128xi32>
    %select_n3A_529 = arith.select %ne3A_522, %concatenate3A_525, %concatenate3A_528 : vector<64x128xi1>, vector<64x128xi32>
    %slice3A_530 = vector.extract_strided_slice %select_n3A_516 {offsets = [0, 120], sizes = [64, 8], strides = [1, 1]} : vector<64x128xi32> to vector<64x8xi32>
    %slice3A_531 = vector.extract_strided_slice %select_n3A_516 {offsets = [0, 0], sizes = [64, 120], strides = [1, 1]} : vector<64x128xi32> to vector<64x120xi32>
    %concatenate3A_532 = tpu.concatenate %slice3A_530, %slice3A_531 in 1 : vector<64x8xi32>, vector<64x120xi32> -> vector<64x128xi32>
    %slice3A_533 = vector.extract_strided_slice %select_n3A_516 {offsets = [0, 8], sizes = [64, 120], strides = [1, 1]} : vector<64x128xi32> to vector<64x120xi32>
    %slice3A_534 = vector.extract_strided_slice %select_n3A_516 {offsets = [0, 0], sizes = [64, 8], strides = [1, 1]} : vector<64x128xi32> to vector<64x8xi32>
    %concatenate3A_535 = tpu.concatenate %slice3A_533, %slice3A_534 in 1 : vector<64x120xi32>, vector<64x8xi32> -> vector<64x128xi32>
    %select_n3A_536 = arith.select %ne3A_522, %concatenate3A_532, %concatenate3A_535 : vector<64x128xi1>, vector<64x128xi32>
    %and3A_537 = arith.constant 32 : i32
    %and3A_538 = vector.broadcast %and3A_537 : i32 to vector<64x128xi32>
    %and3A_539 = arith.andi %add3A_74, %and3A_538 : vector<64x128xi32>
    %eq3A_540 = arith.constant 0 : i32
    %eq3A_541 = vector.broadcast %eq3A_540 : i32 to vector<64x128xi32>
    %eq3A_542 = arith.cmpi eq, %and3A_539, %eq3A_541 : vector<64x128xi32>
    %not3A_543 = arith.constant dense<true> : vector<64x128xi1>
    %not3A_544 = arith.xori %ne3A_522, %not3A_543 : vector<64x128xi1>
    %eq3A_545 = arith.xori %not3A_544, %eq3A_542 : vector<64x128xi1>
    %eq3A_546 = arith.constant dense<true> : vector<64x128xi1>
    %eq3A_547 = arith.xori %eq3A_545, %eq3A_546 : vector<64x128xi1>
    %lt3A_548 = arith.cmpi slt, %select_n3A_529, %select_n3A_515 : vector<64x128xi32>
    %eq3A_549 = arith.cmpi eq, %select_n3A_529, %select_n3A_515 : vector<64x128xi32>
    %lt3A_550 = arith.cmpi slt, %select_n3A_536, %select_n3A_516 : vector<64x128xi32>
    %and3A_551 = arith.andi %eq3A_549, %lt3A_550 : vector<64x128xi1>
    %or3A_552 = arith.ori %lt3A_548, %and3A_551 : vector<64x128xi1>
    %eq3A_553 = arith.xori %eq3A_547, %or3A_552 : vector<64x128xi1>
    %eq3A_554 = arith.constant dense<true> : vector<64x128xi1>
    %eq3A_555 = arith.xori %eq3A_553, %eq3A_554 : vector<64x128xi1>
    %select_n3A_556 = arith.select %eq3A_555, %select_n3A_529, %select_n3A_515 : vector<64x128xi1>, vector<64x128xi32>
    %select_n3A_557 = arith.select %eq3A_555, %select_n3A_536, %select_n3A_516 : vector<64x128xi1>, vector<64x128xi32>
    %and3A_558 = arith.constant 4 : i32
    %and3A_559 = vector.broadcast %and3A_558 : i32 to vector<64x128xi32>
    %and3A_560 = arith.andi %add3A_74, %and3A_559 : vector<64x128xi32>
    %ne3A_561 = arith.constant 0 : i32
    %ne3A_562 = vector.broadcast %ne3A_561 : i32 to vector<64x128xi32>
    %ne3A_563 = arith.cmpi ne, %and3A_560, %ne3A_562 : vector<64x128xi32>
    %slice3A_564 = vector.extract_strided_slice %select_n3A_556 {offsets = [0, 124], sizes = [64, 4], strides = [1, 1]} : vector<64x128xi32> to vector<64x4xi32>
    %slice3A_565 = vector.extract_strided_slice %select_n3A_556 {offsets = [0, 0], sizes = [64, 124], strides = [1, 1]} : vector<64x128xi32> to vector<64x124xi32>
    %concatenate3A_566 = tpu.concatenate %slice3A_564, %slice3A_565 in 1 : vector<64x4xi32>, vector<64x124xi32> -> vector<64x128xi32>
    %slice3A_567 = vector.extract_strided_slice %select_n3A_556 {offsets = [0, 4], sizes = [64, 124], strides = [1, 1]} : vector<64x128xi32> to vector<64x124xi32>
    %slice3A_568 = vector.extract_strided_slice %select_n3A_556 {offsets = [0, 0], sizes = [64, 4], strides = [1, 1]} : vector<64x128xi32> to vector<64x4xi32>
    %concatenate3A_569 = tpu.concatenate %slice3A_567, %slice3A_568 in 1 : vector<64x124xi32>, vector<64x4xi32> -> vector<64x128xi32>
    %select_n3A_570 = arith.select %ne3A_563, %concatenate3A_566, %concatenate3A_569 : vector<64x128xi1>, vector<64x128xi32>
    %slice3A_571 = vector.extract_strided_slice %select_n3A_557 {offsets = [0, 124], sizes = [64, 4], strides = [1, 1]} : vector<64x128xi32> to vector<64x4xi32>
    %slice3A_572 = vector.extract_strided_slice %select_n3A_557 {offsets = [0, 0], sizes = [64, 124], strides = [1, 1]} : vector<64x128xi32> to vector<64x124xi32>
    %concatenate3A_573 = tpu.concatenate %slice3A_571, %slice3A_572 in 1 : vector<64x4xi32>, vector<64x124xi32> -> vector<64x128xi32>
    %slice3A_574 = vector.extract_strided_slice %select_n3A_557 {offsets = [0, 4], sizes = [64, 124], strides = [1, 1]} : vector<64x128xi32> to vector<64x124xi32>
    %slice3A_575 = vector.extract_strided_slice %select_n3A_557 {offsets = [0, 0], sizes = [64, 4], strides = [1, 1]} : vector<64x128xi32> to vector<64x4xi32>
    %concatenate3A_576 = tpu.concatenate %slice3A_574, %slice3A_575 in 1 : vector<64x124xi32>, vector<64x4xi32> -> vector<64x128xi32>
    %select_n3A_577 = arith.select %ne3A_563, %concatenate3A_573, %concatenate3A_576 : vector<64x128xi1>, vector<64x128xi32>
    %and3A_578 = arith.constant 32 : i32
    %and3A_579 = vector.broadcast %and3A_578 : i32 to vector<64x128xi32>
    %and3A_580 = arith.andi %add3A_74, %and3A_579 : vector<64x128xi32>
    %eq3A_581 = arith.constant 0 : i32
    %eq3A_582 = vector.broadcast %eq3A_581 : i32 to vector<64x128xi32>
    %eq3A_583 = arith.cmpi eq, %and3A_580, %eq3A_582 : vector<64x128xi32>
    %not3A_584 = arith.constant dense<true> : vector<64x128xi1>
    %not3A_585 = arith.xori %ne3A_563, %not3A_584 : vector<64x128xi1>
    %eq3A_586 = arith.xori %not3A_585, %eq3A_583 : vector<64x128xi1>
    %eq3A_587 = arith.constant dense<true> : vector<64x128xi1>
    %eq3A_588 = arith.xori %eq3A_586, %eq3A_587 : vector<64x128xi1>
    %lt3A_589 = arith.cmpi slt, %select_n3A_570, %select_n3A_556 : vector<64x128xi32>
    %eq3A_590 = arith.cmpi eq, %select_n3A_570, %select_n3A_556 : vector<64x128xi32>
    %lt3A_591 = arith.cmpi slt, %select_n3A_577, %select_n3A_557 : vector<64x128xi32>
    %and3A_592 = arith.andi %eq3A_590, %lt3A_591 : vector<64x128xi1>
    %or3A_593 = arith.ori %lt3A_589, %and3A_592 : vector<64x128xi1>
    %eq3A_594 = arith.xori %eq3A_588, %or3A_593 : vector<64x128xi1>
    %eq3A_595 = arith.constant dense<true> : vector<64x128xi1>
    %eq3A_596 = arith.xori %eq3A_594, %eq3A_595 : vector<64x128xi1>
    %select_n3A_597 = arith.select %eq3A_596, %select_n3A_570, %select_n3A_556 : vector<64x128xi1>, vector<64x128xi32>
    %select_n3A_598 = arith.select %eq3A_596, %select_n3A_577, %select_n3A_557 : vector<64x128xi1>, vector<64x128xi32>
    %and3A_599 = arith.constant 2 : i32
    %and3A_600 = vector.broadcast %and3A_599 : i32 to vector<64x128xi32>
    %and3A_601 = arith.andi %add3A_74, %and3A_600 : vector<64x128xi32>
    %ne3A_602 = arith.constant 0 : i32
    %ne3A_603 = vector.broadcast %ne3A_602 : i32 to vector<64x128xi32>
    %ne3A_604 = arith.cmpi ne, %and3A_601, %ne3A_603 : vector<64x128xi32>
    %slice3A_605 = vector.extract_strided_slice %select_n3A_597 {offsets = [0, 126], sizes = [64, 2], strides = [1, 1]} : vector<64x128xi32> to vector<64x2xi32>
    %slice3A_606 = vector.extract_strided_slice %select_n3A_597 {offsets = [0, 0], sizes = [64, 126], strides = [1, 1]} : vector<64x128xi32> to vector<64x126xi32>
    %concatenate3A_607 = tpu.concatenate %slice3A_605, %slice3A_606 in 1 : vector<64x2xi32>, vector<64x126xi32> -> vector<64x128xi32>
    %slice3A_608 = vector.extract_strided_slice %select_n3A_597 {offsets = [0, 2], sizes = [64, 126], strides = [1, 1]} : vector<64x128xi32> to vector<64x126xi32>
    %slice3A_609 = vector.extract_strided_slice %select_n3A_597 {offsets = [0, 0], sizes = [64, 2], strides = [1, 1]} : vector<64x128xi32> to vector<64x2xi32>
    %concatenate3A_610 = tpu.concatenate %slice3A_608, %slice3A_609 in 1 : vector<64x126xi32>, vector<64x2xi32> -> vector<64x128xi32>
    %select_n3A_611 = arith.select %ne3A_604, %concatenate3A_607, %concatenate3A_610 : vector<64x128xi1>, vector<64x128xi32>
    %slice3A_612 = vector.extract_strided_slice %select_n3A_598 {offsets = [0, 126], sizes = [64, 2], strides = [1, 1]} : vector<64x128xi32> to vector<64x2xi32>
    %slice3A_613 = vector.extract_strided_slice %select_n3A_598 {offsets = [0, 0], sizes = [64, 126], strides = [1, 1]} : vector<64x128xi32> to vector<64x126xi32>
    %concatenate3A_614 = tpu.concatenate %slice3A_612, %slice3A_613 in 1 : vector<64x2xi32>, vector<64x126xi32> -> vector<64x128xi32>
    %slice3A_615 = vector.extract_strided_slice %select_n3A_598 {offsets = [0, 2], sizes = [64, 126], strides = [1, 1]} : vector<64x128xi32> to vector<64x126xi32>
    %slice3A_616 = vector.extract_strided_slice %select_n3A_598 {offsets = [0, 0], sizes = [64, 2], strides = [1, 1]} : vector<64x128xi32> to vector<64x2xi32>
    %concatenate3A_617 = tpu.concatenate %slice3A_615, %slice3A_616 in 1 : vector<64x126xi32>, vector<64x2xi32> -> vector<64x128xi32>
    %select_n3A_618 = arith.select %ne3A_604, %concatenate3A_614, %concatenate3A_617 : vector<64x128xi1>, vector<64x128xi32>
    %and3A_619 = arith.constant 32 : i32
    %and3A_620 = vector.broadcast %and3A_619 : i32 to vector<64x128xi32>
    %and3A_621 = arith.andi %add3A_74, %and3A_620 : vector<64x128xi32>
    %eq3A_622 = arith.constant 0 : i32
    %eq3A_623 = vector.broadcast %eq3A_622 : i32 to vector<64x128xi32>
    %eq3A_624 = arith.cmpi eq, %and3A_621, %eq3A_623 : vector<64x128xi32>
    %not3A_625 = arith.constant dense<true> : vector<64x128xi1>
    %not3A_626 = arith.xori %ne3A_604, %not3A_625 : vector<64x128xi1>
    %eq3A_627 = arith.xori %not3A_626, %eq3A_624 : vector<64x128xi1>
    %eq3A_628 = arith.constant dense<true> : vector<64x128xi1>
    %eq3A_629 = arith.xori %eq3A_627, %eq3A_628 : vector<64x128xi1>
    %lt3A_630 = arith.cmpi slt, %select_n3A_611, %select_n3A_597 : vector<64x128xi32>
    %eq3A_631 = arith.cmpi eq, %select_n3A_611, %select_n3A_597 : vector<64x128xi32>
    %lt3A_632 = arith.cmpi slt, %select_n3A_618, %select_n3A_598 : vector<64x128xi32>
    %and3A_633 = arith.andi %eq3A_631, %lt3A_632 : vector<64x128xi1>
    %or3A_634 = arith.ori %lt3A_630, %and3A_633 : vector<64x128xi1>
    %eq3A_635 = arith.xori %eq3A_629, %or3A_634 : vector<64x128xi1>
    %eq3A_636 = arith.constant dense<true> : vector<64x128xi1>
    %eq3A_637 = arith.xori %eq3A_635, %eq3A_636 : vector<64x128xi1>
    %select_n3A_638 = arith.select %eq3A_637, %select_n3A_611, %select_n3A_597 : vector<64x128xi1>, vector<64x128xi32>
    %select_n3A_639 = arith.select %eq3A_637, %select_n3A_618, %select_n3A_598 : vector<64x128xi1>, vector<64x128xi32>
    %and3A_640 = arith.constant 1 : i32
    %and3A_641 = vector.broadcast %and3A_640 : i32 to vector<64x128xi32>
    %and3A_642 = arith.andi %add3A_74, %and3A_641 : vector<64x128xi32>
    %ne3A_643 = arith.constant 0 : i32
    %ne3A_644 = vector.broadcast %ne3A_643 : i32 to vector<64x128xi32>
    %ne3A_645 = arith.cmpi ne, %and3A_642, %ne3A_644 : vector<64x128xi32>
    %slice3A_646 = vector.extract_strided_slice %select_n3A_638 {offsets = [0, 127], sizes = [64, 1], strides = [1, 1]} : vector<64x128xi32> to vector<64x1xi32>
    %slice3A_647 = vector.extract_strided_slice %select_n3A_638 {offsets = [0, 0], sizes = [64, 127], strides = [1, 1]} : vector<64x128xi32> to vector<64x127xi32>
    %concatenate3A_648 = tpu.concatenate %slice3A_646, %slice3A_647 in 1 : vector<64x1xi32>, vector<64x127xi32> -> vector<64x128xi32>
    %slice3A_649 = vector.extract_strided_slice %select_n3A_638 {offsets = [0, 1], sizes = [64, 127], strides = [1, 1]} : vector<64x128xi32> to vector<64x127xi32>
    %slice3A_650 = vector.extract_strided_slice %select_n3A_638 {offsets = [0, 0], sizes = [64, 1], strides = [1, 1]} : vector<64x128xi32> to vector<64x1xi32>
    %concatenate3A_651 = tpu.concatenate %slice3A_649, %slice3A_650 in 1 : vector<64x127xi32>, vector<64x1xi32> -> vector<64x128xi32>
    %select_n3A_652 = arith.select %ne3A_645, %concatenate3A_648, %concatenate3A_651 : vector<64x128xi1>, vector<64x128xi32>
    %slice3A_653 = vector.extract_strided_slice %select_n3A_639 {offsets = [0, 127], sizes = [64, 1], strides = [1, 1]} : vector<64x128xi32> to vector<64x1xi32>
    %slice3A_654 = vector.extract_strided_slice %select_n3A_639 {offsets = [0, 0], sizes = [64, 127], strides = [1, 1]} : vector<64x128xi32> to vector<64x127xi32>
    %concatenate3A_655 = tpu.concatenate %slice3A_653, %slice3A_654 in 1 : vector<64x1xi32>, vector<64x127xi32> -> vector<64x128xi32>
    %slice3A_656 = vector.extract_strided_slice %select_n3A_639 {offsets = [0, 1], sizes = [64, 127], strides = [1, 1]} : vector<64x128xi32> to vector<64x127xi32>
    %slice3A_657 = vector.extract_strided_slice %select_n3A_639 {offsets = [0, 0], sizes = [64, 1], strides = [1, 1]} : vector<64x128xi32> to vector<64x1xi32>
    %concatenate3A_658 = tpu.concatenate %slice3A_656, %slice3A_657 in 1 : vector<64x127xi32>, vector<64x1xi32> -> vector<64x128xi32>
    %select_n3A_659 = arith.select %ne3A_645, %concatenate3A_655, %concatenate3A_658 : vector<64x128xi1>, vector<64x128xi32>
    %and3A_660 = arith.constant 32 : i32
    %and3A_661 = vector.broadcast %and3A_660 : i32 to vector<64x128xi32>
    %and3A_662 = arith.andi %add3A_74, %and3A_661 : vector<64x128xi32>
    %eq3A_663 = arith.constant 0 : i32
    %eq3A_664 = vector.broadcast %eq3A_663 : i32 to vector<64x128xi32>
    %eq3A_665 = arith.cmpi eq, %and3A_662, %eq3A_664 : vector<64x128xi32>
    %not3A_666 = arith.constant dense<true> : vector<64x128xi1>
    %not3A_667 = arith.xori %ne3A_645, %not3A_666 : vector<64x128xi1>
    %eq3A_668 = arith.xori %not3A_667, %eq3A_665 : vector<64x128xi1>
    %eq3A_669 = arith.constant dense<true> : vector<64x128xi1>
    %eq3A_670 = arith.xori %eq3A_668, %eq3A_669 : vector<64x128xi1>
    %lt3A_671 = arith.cmpi slt, %select_n3A_652, %select_n3A_638 : vector<64x128xi32>
    %eq3A_672 = arith.cmpi eq, %select_n3A_652, %select_n3A_638 : vector<64x128xi32>
    %lt3A_673 = arith.cmpi slt, %select_n3A_659, %select_n3A_639 : vector<64x128xi32>
    %and3A_674 = arith.andi %eq3A_672, %lt3A_673 : vector<64x128xi1>
    %or3A_675 = arith.ori %lt3A_671, %and3A_674 : vector<64x128xi1>
    %eq3A_676 = arith.xori %eq3A_670, %or3A_675 : vector<64x128xi1>
    %eq3A_677 = arith.constant dense<true> : vector<64x128xi1>
    %eq3A_678 = arith.xori %eq3A_676, %eq3A_677 : vector<64x128xi1>
    %select_n3A_679 = arith.select %eq3A_678, %select_n3A_652, %select_n3A_638 : vector<64x128xi1>, vector<64x128xi32>
    %select_n3A_680 = arith.select %eq3A_678, %select_n3A_659, %select_n3A_639 : vector<64x128xi1>, vector<64x128xi32>
    %and3A_681 = arith.constant 32 : i32
    %and3A_682 = vector.broadcast %and3A_681 : i32 to vector<64x128xi32>
    %and3A_683 = arith.andi %add3A_74, %and3A_682 : vector<64x128xi32>
    %ne3A_684 = arith.constant 0 : i32
    %ne3A_685 = vector.broadcast %ne3A_684 : i32 to vector<64x128xi32>
    %ne3A_686 = arith.cmpi ne, %and3A_683, %ne3A_685 : vector<64x128xi32>
    %slice3A_687 = vector.extract_strided_slice %select_n3A_679 {offsets = [0, 96], sizes = [64, 32], strides = [1, 1]} : vector<64x128xi32> to vector<64x32xi32>
    %slice3A_688 = vector.extract_strided_slice %select_n3A_679 {offsets = [0, 0], sizes = [64, 96], strides = [1, 1]} : vector<64x128xi32> to vector<64x96xi32>
    %concatenate3A_689 = tpu.concatenate %slice3A_687, %slice3A_688 in 1 : vector<64x32xi32>, vector<64x96xi32> -> vector<64x128xi32>
    %slice3A_690 = vector.extract_strided_slice %select_n3A_679 {offsets = [0, 32], sizes = [64, 96], strides = [1, 1]} : vector<64x128xi32> to vector<64x96xi32>
    %slice3A_691 = vector.extract_strided_slice %select_n3A_679 {offsets = [0, 0], sizes = [64, 32], strides = [1, 1]} : vector<64x128xi32> to vector<64x32xi32>
    %concatenate3A_692 = tpu.concatenate %slice3A_690, %slice3A_691 in 1 : vector<64x96xi32>, vector<64x32xi32> -> vector<64x128xi32>
    %select_n3A_693 = arith.select %ne3A_686, %concatenate3A_689, %concatenate3A_692 : vector<64x128xi1>, vector<64x128xi32>
    %slice3A_694 = vector.extract_strided_slice %select_n3A_680 {offsets = [0, 96], sizes = [64, 32], strides = [1, 1]} : vector<64x128xi32> to vector<64x32xi32>
    %slice3A_695 = vector.extract_strided_slice %select_n3A_680 {offsets = [0, 0], sizes = [64, 96], strides = [1, 1]} : vector<64x128xi32> to vector<64x96xi32>
    %concatenate3A_696 = tpu.concatenate %slice3A_694, %slice3A_695 in 1 : vector<64x32xi32>, vector<64x96xi32> -> vector<64x128xi32>
    %slice3A_697 = vector.extract_strided_slice %select_n3A_680 {offsets = [0, 32], sizes = [64, 96], strides = [1, 1]} : vector<64x128xi32> to vector<64x96xi32>
    %slice3A_698 = vector.extract_strided_slice %select_n3A_680 {offsets = [0, 0], sizes = [64, 32], strides = [1, 1]} : vector<64x128xi32> to vector<64x32xi32>
    %concatenate3A_699 = tpu.concatenate %slice3A_697, %slice3A_698 in 1 : vector<64x96xi32>, vector<64x32xi32> -> vector<64x128xi32>
    %select_n3A_700 = arith.select %ne3A_686, %concatenate3A_696, %concatenate3A_699 : vector<64x128xi1>, vector<64x128xi32>
    %and3A_701 = arith.constant 64 : i32
    %and3A_702 = vector.broadcast %and3A_701 : i32 to vector<64x128xi32>
    %and3A_703 = arith.andi %add3A_74, %and3A_702 : vector<64x128xi32>
    %eq3A_704 = arith.constant 0 : i32
    %eq3A_705 = vector.broadcast %eq3A_704 : i32 to vector<64x128xi32>
    %eq3A_706 = arith.cmpi eq, %and3A_703, %eq3A_705 : vector<64x128xi32>
    %not3A_707 = arith.constant dense<true> : vector<64x128xi1>
    %not3A_708 = arith.xori %ne3A_686, %not3A_707 : vector<64x128xi1>
    %eq3A_709 = arith.xori %not3A_708, %eq3A_706 : vector<64x128xi1>
    %eq3A_710 = arith.constant dense<true> : vector<64x128xi1>
    %eq3A_711 = arith.xori %eq3A_709, %eq3A_710 : vector<64x128xi1>
    %lt3A_712 = arith.cmpi slt, %select_n3A_693, %select_n3A_679 : vector<64x128xi32>
    %eq3A_713 = arith.cmpi eq, %select_n3A_693, %select_n3A_679 : vector<64x128xi32>
    %lt3A_714 = arith.cmpi slt, %select_n3A_700, %select_n3A_680 : vector<64x128xi32>
    %and3A_715 = arith.andi %eq3A_713, %lt3A_714 : vector<64x128xi1>
    %or3A_716 = arith.ori %lt3A_712, %and3A_715 : vector<64x128xi1>
    %eq3A_717 = arith.xori %eq3A_711, %or3A_716 : vector<64x128xi1>
    %eq3A_718 = arith.constant dense<true> : vector<64x128xi1>
    %eq3A_719 = arith.xori %eq3A_717, %eq3A_718 : vector<64x128xi1>
    %select_n3A_720 = arith.select %eq3A_719, %select_n3A_693, %select_n3A_679 : vector<64x128xi1>, vector<64x128xi32>
    %select_n3A_721 = arith.select %eq3A_719, %select_n3A_700, %select_n3A_680 : vector<64x128xi1>, vector<64x128xi32>
    %and3A_722 = arith.constant 16 : i32
    %and3A_723 = vector.broadcast %and3A_722 : i32 to vector<64x128xi32>
    %and3A_724 = arith.andi %add3A_74, %and3A_723 : vector<64x128xi32>
    %ne3A_725 = arith.constant 0 : i32
    %ne3A_726 = vector.broadcast %ne3A_725 : i32 to vector<64x128xi32>
    %ne3A_727 = arith.cmpi ne, %and3A_724, %ne3A_726 : vector<64x128xi32>
    %slice3A_728 = vector.extract_strided_slice %select_n3A_720 {offsets = [0, 112], sizes = [64, 16], strides = [1, 1]} : vector<64x128xi32> to vector<64x16xi32>
    %slice3A_729 = vector.extract_strided_slice %select_n3A_720 {offsets = [0, 0], sizes = [64, 112], strides = [1, 1]} : vector<64x128xi32> to vector<64x112xi32>
    %concatenate3A_730 = tpu.concatenate %slice3A_728, %slice3A_729 in 1 : vector<64x16xi32>, vector<64x112xi32> -> vector<64x128xi32>
    %slice3A_731 = vector.extract_strided_slice %select_n3A_720 {offsets = [0, 16], sizes = [64, 112], strides = [1, 1]} : vector<64x128xi32> to vector<64x112xi32>
    %slice3A_732 = vector.extract_strided_slice %select_n3A_720 {offsets = [0, 0], sizes = [64, 16], strides = [1, 1]} : vector<64x128xi32> to vector<64x16xi32>
    %concatenate3A_733 = tpu.concatenate %slice3A_731, %slice3A_732 in 1 : vector<64x112xi32>, vector<64x16xi32> -> vector<64x128xi32>
    %select_n3A_734 = arith.select %ne3A_727, %concatenate3A_730, %concatenate3A_733 : vector<64x128xi1>, vector<64x128xi32>
    %slice3A_735 = vector.extract_strided_slice %select_n3A_721 {offsets = [0, 112], sizes = [64, 16], strides = [1, 1]} : vector<64x128xi32> to vector<64x16xi32>
    %slice3A_736 = vector.extract_strided_slice %select_n3A_721 {offsets = [0, 0], sizes = [64, 112], strides = [1, 1]} : vector<64x128xi32> to vector<64x112xi32>
    %concatenate3A_737 = tpu.concatenate %slice3A_735, %slice3A_736 in 1 : vector<64x16xi32>, vector<64x112xi32> -> vector<64x128xi32>
    %slice3A_738 = vector.extract_strided_slice %select_n3A_721 {offsets = [0, 16], sizes = [64, 112], strides = [1, 1]} : vector<64x128xi32> to vector<64x112xi32>
    %slice3A_739 = vector.extract_strided_slice %select_n3A_721 {offsets = [0, 0], sizes = [64, 16], strides = [1, 1]} : vector<64x128xi32> to vector<64x16xi32>
    %concatenate3A_740 = tpu.concatenate %slice3A_738, %slice3A_739 in 1 : vector<64x112xi32>, vector<64x16xi32> -> vector<64x128xi32>
    %select_n3A_741 = arith.select %ne3A_727, %concatenate3A_737, %concatenate3A_740 : vector<64x128xi1>, vector<64x128xi32>
    %and3A_742 = arith.constant 64 : i32
    %and3A_743 = vector.broadcast %and3A_742 : i32 to vector<64x128xi32>
    %and3A_744 = arith.andi %add3A_74, %and3A_743 : vector<64x128xi32>
    %eq3A_745 = arith.constant 0 : i32
    %eq3A_746 = vector.broadcast %eq3A_745 : i32 to vector<64x128xi32>
    %eq3A_747 = arith.cmpi eq, %and3A_744, %eq3A_746 : vector<64x128xi32>
    %not3A_748 = arith.constant dense<true> : vector<64x128xi1>
    %not3A_749 = arith.xori %ne3A_727, %not3A_748 : vector<64x128xi1>
    %eq3A_750 = arith.xori %not3A_749, %eq3A_747 : vector<64x128xi1>
    %eq3A_751 = arith.constant dense<true> : vector<64x128xi1>
    %eq3A_752 = arith.xori %eq3A_750, %eq3A_751 : vector<64x128xi1>
    %lt3A_753 = arith.cmpi slt, %select_n3A_734, %select_n3A_720 : vector<64x128xi32>
    %eq3A_754 = arith.cmpi eq, %select_n3A_734, %select_n3A_720 : vector<64x128xi32>
    %lt3A_755 = arith.cmpi slt, %select_n3A_741, %select_n3A_721 : vector<64x128xi32>
    %and3A_756 = arith.andi %eq3A_754, %lt3A_755 : vector<64x128xi1>
    %or3A_757 = arith.ori %lt3A_753, %and3A_756 : vector<64x128xi1>
    %eq3A_758 = arith.xori %eq3A_752, %or3A_757 : vector<64x128xi1>
    %eq3A_759 = arith.constant dense<true> : vector<64x128xi1>
    %eq3A_760 = arith.xori %eq3A_758, %eq3A_759 : vector<64x128xi1>
    %select_n3A_761 = arith.select %eq3A_760, %select_n3A_734, %select_n3A_720 : vector<64x128xi1>, vector<64x128xi32>
    %select_n3A_762 = arith.select %eq3A_760, %select_n3A_741, %select_n3A_721 : vector<64x128xi1>, vector<64x128xi32>
    %and3A_763 = arith.constant 8 : i32
    %and3A_764 = vector.broadcast %and3A_763 : i32 to vector<64x128xi32>
    %and3A_765 = arith.andi %add3A_74, %and3A_764 : vector<64x128xi32>
    %ne3A_766 = arith.constant 0 : i32
    %ne3A_767 = vector.broadcast %ne3A_766 : i32 to vector<64x128xi32>
    %ne3A_768 = arith.cmpi ne, %and3A_765, %ne3A_767 : vector<64x128xi32>
    %slice3A_769 = vector.extract_strided_slice %select_n3A_761 {offsets = [0, 120], sizes = [64, 8], strides = [1, 1]} : vector<64x128xi32> to vector<64x8xi32>
    %slice3A_770 = vector.extract_strided_slice %select_n3A_761 {offsets = [0, 0], sizes = [64, 120], strides = [1, 1]} : vector<64x128xi32> to vector<64x120xi32>
    %concatenate3A_771 = tpu.concatenate %slice3A_769, %slice3A_770 in 1 : vector<64x8xi32>, vector<64x120xi32> -> vector<64x128xi32>
    %slice3A_772 = vector.extract_strided_slice %select_n3A_761 {offsets = [0, 8], sizes = [64, 120], strides = [1, 1]} : vector<64x128xi32> to vector<64x120xi32>
    %slice3A_773 = vector.extract_strided_slice %select_n3A_761 {offsets = [0, 0], sizes = [64, 8], strides = [1, 1]} : vector<64x128xi32> to vector<64x8xi32>
    %concatenate3A_774 = tpu.concatenate %slice3A_772, %slice3A_773 in 1 : vector<64x120xi32>, vector<64x8xi32> -> vector<64x128xi32>
    %select_n3A_775 = arith.select %ne3A_768, %concatenate3A_771, %concatenate3A_774 : vector<64x128xi1>, vector<64x128xi32>
    %slice3A_776 = vector.extract_strided_slice %select_n3A_762 {offsets = [0, 120], sizes = [64, 8], strides = [1, 1]} : vector<64x128xi32> to vector<64x8xi32>
    %slice3A_777 = vector.extract_strided_slice %select_n3A_762 {offsets = [0, 0], sizes = [64, 120], strides = [1, 1]} : vector<64x128xi32> to vector<64x120xi32>
    %concatenate3A_778 = tpu.concatenate %slice3A_776, %slice3A_777 in 1 : vector<64x8xi32>, vector<64x120xi32> -> vector<64x128xi32>
    %slice3A_779 = vector.extract_strided_slice %select_n3A_762 {offsets = [0, 8], sizes = [64, 120], strides = [1, 1]} : vector<64x128xi32> to vector<64x120xi32>
    %slice3A_780 = vector.extract_strided_slice %select_n3A_762 {offsets = [0, 0], sizes = [64, 8], strides = [1, 1]} : vector<64x128xi32> to vector<64x8xi32>
    %concatenate3A_781 = tpu.concatenate %slice3A_779, %slice3A_780 in 1 : vector<64x120xi32>, vector<64x8xi32> -> vector<64x128xi32>
    %select_n3A_782 = arith.select %ne3A_768, %concatenate3A_778, %concatenate3A_781 : vector<64x128xi1>, vector<64x128xi32>
    %and3A_783 = arith.constant 64 : i32
    %and3A_784 = vector.broadcast %and3A_783 : i32 to vector<64x128xi32>
    %and3A_785 = arith.andi %add3A_74, %and3A_784 : vector<64x128xi32>
    %eq3A_786 = arith.constant 0 : i32
    %eq3A_787 = vector.broadcast %eq3A_786 : i32 to vector<64x128xi32>
    %eq3A_788 = arith.cmpi eq, %and3A_785, %eq3A_787 : vector<64x128xi32>
    %not3A_789 = arith.constant dense<true> : vector<64x128xi1>
    %not3A_790 = arith.xori %ne3A_768, %not3A_789 : vector<64x128xi1>
    %eq3A_791 = arith.xori %not3A_790, %eq3A_788 : vector<64x128xi1>
    %eq3A_792 = arith.constant dense<true> : vector<64x128xi1>
    %eq3A_793 = arith.xori %eq3A_791, %eq3A_792 : vector<64x128xi1>
    %lt3A_794 = arith.cmpi slt, %select_n3A_775, %select_n3A_761 : vector<64x128xi32>
    %eq3A_795 = arith.cmpi eq, %select_n3A_775, %select_n3A_761 : vector<64x128xi32>
    %lt3A_796 = arith.cmpi slt, %select_n3A_782, %select_n3A_762 : vector<64x128xi32>
    %and3A_797 = arith.andi %eq3A_795, %lt3A_796 : vector<64x128xi1>
    %or3A_798 = arith.ori %lt3A_794, %and3A_797 : vector<64x128xi1>
    %eq3A_799 = arith.xori %eq3A_793, %or3A_798 : vector<64x128xi1>
    %eq3A_800 = arith.constant dense<true> : vector<64x128xi1>
    %eq3A_801 = arith.xori %eq3A_799, %eq3A_800 : vector<64x128xi1>
    %select_n3A_802 = arith.select %eq3A_801, %select_n3A_775, %select_n3A_761 : vector<64x128xi1>, vector<64x128xi32>
    %select_n3A_803 = arith.select %eq3A_801, %select_n3A_782, %select_n3A_762 : vector<64x128xi1>, vector<64x128xi32>
    %and3A_804 = arith.constant 4 : i32
    %and3A_805 = vector.broadcast %and3A_804 : i32 to vector<64x128xi32>
    %and3A_806 = arith.andi %add3A_74, %and3A_805 : vector<64x128xi32>
    %ne3A_807 = arith.constant 0 : i32
    %ne3A_808 = vector.broadcast %ne3A_807 : i32 to vector<64x128xi32>
    %ne3A_809 = arith.cmpi ne, %and3A_806, %ne3A_808 : vector<64x128xi32>
    %slice3A_810 = vector.extract_strided_slice %select_n3A_802 {offsets = [0, 124], sizes = [64, 4], strides = [1, 1]} : vector<64x128xi32> to vector<64x4xi32>
    %slice3A_811 = vector.extract_strided_slice %select_n3A_802 {offsets = [0, 0], sizes = [64, 124], strides = [1, 1]} : vector<64x128xi32> to vector<64x124xi32>
    %concatenate3A_812 = tpu.concatenate %slice3A_810, %slice3A_811 in 1 : vector<64x4xi32>, vector<64x124xi32> -> vector<64x128xi32>
    %slice3A_813 = vector.extract_strided_slice %select_n3A_802 {offsets = [0, 4], sizes = [64, 124], strides = [1, 1]} : vector<64x128xi32> to vector<64x124xi32>
    %slice3A_814 = vector.extract_strided_slice %select_n3A_802 {offsets = [0, 0], sizes = [64, 4], strides = [1, 1]} : vector<64x128xi32> to vector<64x4xi32>
    %concatenate3A_815 = tpu.concatenate %slice3A_813, %slice3A_814 in 1 : vector<64x124xi32>, vector<64x4xi32> -> vector<64x128xi32>
    %select_n3A_816 = arith.select %ne3A_809, %concatenate3A_812, %concatenate3A_815 : vector<64x128xi1>, vector<64x128xi32>
    %slice3A_817 = vector.extract_strided_slice %select_n3A_803 {offsets = [0, 124], sizes = [64, 4], strides = [1, 1]} : vector<64x128xi32> to vector<64x4xi32>
    %slice3A_818 = vector.extract_strided_slice %select_n3A_803 {offsets = [0, 0], sizes = [64, 124], strides = [1, 1]} : vector<64x128xi32> to vector<64x124xi32>
    %concatenate3A_819 = tpu.concatenate %slice3A_817, %slice3A_818 in 1 : vector<64x4xi32>, vector<64x124xi32> -> vector<64x128xi32>
    %slice3A_820 = vector.extract_strided_slice %select_n3A_803 {offsets = [0, 4], sizes = [64, 124], strides = [1, 1]} : vector<64x128xi32> to vector<64x124xi32>
    %slice3A_821 = vector.extract_strided_slice %select_n3A_803 {offsets = [0, 0], sizes = [64, 4], strides = [1, 1]} : vector<64x128xi32> to vector<64x4xi32>
    %concatenate3A_822 = tpu.concatenate %slice3A_820, %slice3A_821 in 1 : vector<64x124xi32>, vector<64x4xi32> -> vector<64x128xi32>
    %select_n3A_823 = arith.select %ne3A_809, %concatenate3A_819, %concatenate3A_822 : vector<64x128xi1>, vector<64x128xi32>
    %and3A_824 = arith.constant 64 : i32
    %and3A_825 = vector.broadcast %and3A_824 : i32 to vector<64x128xi32>
    %and3A_826 = arith.andi %add3A_74, %and3A_825 : vector<64x128xi32>
    %eq3A_827 = arith.constant 0 : i32
    %eq3A_828 = vector.broadcast %eq3A_827 : i32 to vector<64x128xi32>
    %eq3A_829 = arith.cmpi eq, %and3A_826, %eq3A_828 : vector<64x128xi32>
    %not3A_830 = arith.constant dense<true> : vector<64x128xi1>
    %not3A_831 = arith.xori %ne3A_809, %not3A_830 : vector<64x128xi1>
    %eq3A_832 = arith.xori %not3A_831, %eq3A_829 : vector<64x128xi1>
    %eq3A_833 = arith.constant dense<true> : vector<64x128xi1>
    %eq3A_834 = arith.xori %eq3A_832, %eq3A_833 : vector<64x128xi1>
    %lt3A_835 = arith.cmpi slt, %select_n3A_816, %select_n3A_802 : vector<64x128xi32>
    %eq3A_836 = arith.cmpi eq, %select_n3A_816, %select_n3A_802 : vector<64x128xi32>
    %lt3A_837 = arith.cmpi slt, %select_n3A_823, %select_n3A_803 : vector<64x128xi32>
    %and3A_838 = arith.andi %eq3A_836, %lt3A_837 : vector<64x128xi1>
    %or3A_839 = arith.ori %lt3A_835, %and3A_838 : vector<64x128xi1>
    %eq3A_840 = arith.xori %eq3A_834, %or3A_839 : vector<64x128xi1>
    %eq3A_841 = arith.constant dense<true> : vector<64x128xi1>
    %eq3A_842 = arith.xori %eq3A_840, %eq3A_841 : vector<64x128xi1>
    %select_n3A_843 = arith.select %eq3A_842, %select_n3A_816, %select_n3A_802 : vector<64x128xi1>, vector<64x128xi32>
    %select_n3A_844 = arith.select %eq3A_842, %select_n3A_823, %select_n3A_803 : vector<64x128xi1>, vector<64x128xi32>
    %and3A_845 = arith.constant 2 : i32
    %and3A_846 = vector.broadcast %and3A_845 : i32 to vector<64x128xi32>
    %and3A_847 = arith.andi %add3A_74, %and3A_846 : vector<64x128xi32>
    %ne3A_848 = arith.constant 0 : i32
    %ne3A_849 = vector.broadcast %ne3A_848 : i32 to vector<64x128xi32>
    %ne3A_850 = arith.cmpi ne, %and3A_847, %ne3A_849 : vector<64x128xi32>
    %slice3A_851 = vector.extract_strided_slice %select_n3A_843 {offsets = [0, 126], sizes = [64, 2], strides = [1, 1]} : vector<64x128xi32> to vector<64x2xi32>
    %slice3A_852 = vector.extract_strided_slice %select_n3A_843 {offsets = [0, 0], sizes = [64, 126], strides = [1, 1]} : vector<64x128xi32> to vector<64x126xi32>
    %concatenate3A_853 = tpu.concatenate %slice3A_851, %slice3A_852 in 1 : vector<64x2xi32>, vector<64x126xi32> -> vector<64x128xi32>
    %slice3A_854 = vector.extract_strided_slice %select_n3A_843 {offsets = [0, 2], sizes = [64, 126], strides = [1, 1]} : vector<64x128xi32> to vector<64x126xi32>
    %slice3A_855 = vector.extract_strided_slice %select_n3A_843 {offsets = [0, 0], sizes = [64, 2], strides = [1, 1]} : vector<64x128xi32> to vector<64x2xi32>
    %concatenate3A_856 = tpu.concatenate %slice3A_854, %slice3A_855 in 1 : vector<64x126xi32>, vector<64x2xi32> -> vector<64x128xi32>
    %select_n3A_857 = arith.select %ne3A_850, %concatenate3A_853, %concatenate3A_856 : vector<64x128xi1>, vector<64x128xi32>
    %slice3A_858 = vector.extract_strided_slice %select_n3A_844 {offsets = [0, 126], sizes = [64, 2], strides = [1, 1]} : vector<64x128xi32> to vector<64x2xi32>
    %slice3A_859 = vector.extract_strided_slice %select_n3A_844 {offsets = [0, 0], sizes = [64, 126], strides = [1, 1]} : vector<64x128xi32> to vector<64x126xi32>
    %concatenate3A_860 = tpu.concatenate %slice3A_858, %slice3A_859 in 1 : vector<64x2xi32>, vector<64x126xi32> -> vector<64x128xi32>
    %slice3A_861 = vector.extract_strided_slice %select_n3A_844 {offsets = [0, 2], sizes = [64, 126], strides = [1, 1]} : vector<64x128xi32> to vector<64x126xi32>
    %slice3A_862 = vector.extract_strided_slice %select_n3A_844 {offsets = [0, 0], sizes = [64, 2], strides = [1, 1]} : vector<64x128xi32> to vector<64x2xi32>
    %concatenate3A_863 = tpu.concatenate %slice3A_861, %slice3A_862 in 1 : vector<64x126xi32>, vector<64x2xi32> -> vector<64x128xi32>
    %select_n3A_864 = arith.select %ne3A_850, %concatenate3A_860, %concatenate3A_863 : vector<64x128xi1>, vector<64x128xi32>
    %and3A_865 = arith.constant 64 : i32
    %and3A_866 = vector.broadcast %and3A_865 : i32 to vector<64x128xi32>
    %and3A_867 = arith.andi %add3A_74, %and3A_866 : vector<64x128xi32>
    %eq3A_868 = arith.constant 0 : i32
    %eq3A_869 = vector.broadcast %eq3A_868 : i32 to vector<64x128xi32>
    %eq3A_870 = arith.cmpi eq, %and3A_867, %eq3A_869 : vector<64x128xi32>
    %not3A_871 = arith.constant dense<true> : vector<64x128xi1>
    %not3A_872 = arith.xori %ne3A_850, %not3A_871 : vector<64x128xi1>
    %eq3A_873 = arith.xori %not3A_872, %eq3A_870 : vector<64x128xi1>
    %eq3A_874 = arith.constant dense<true> : vector<64x128xi1>
    %eq3A_875 = arith.xori %eq3A_873, %eq3A_874 : vector<64x128xi1>
    %lt3A_876 = arith.cmpi slt, %select_n3A_857, %select_n3A_843 : vector<64x128xi32>
    %eq3A_877 = arith.cmpi eq, %select_n3A_857, %select_n3A_843 : vector<64x128xi32>
    %lt3A_878 = arith.cmpi slt, %select_n3A_864, %select_n3A_844 : vector<64x128xi32>
    %and3A_879 = arith.andi %eq3A_877, %lt3A_878 : vector<64x128xi1>
    %or3A_880 = arith.ori %lt3A_876, %and3A_879 : vector<64x128xi1>
    %eq3A_881 = arith.xori %eq3A_875, %or3A_880 : vector<64x128xi1>
    %eq3A_882 = arith.constant dense<true> : vector<64x128xi1>
    %eq3A_883 = arith.xori %eq3A_881, %eq3A_882 : vector<64x128xi1>
    %select_n3A_884 = arith.select %eq3A_883, %select_n3A_857, %select_n3A_843 : vector<64x128xi1>, vector<64x128xi32>
    %select_n3A_885 = arith.select %eq3A_883, %select_n3A_864, %select_n3A_844 : vector<64x128xi1>, vector<64x128xi32>
    %and3A_886 = arith.constant 1 : i32
    %and3A_887 = vector.broadcast %and3A_886 : i32 to vector<64x128xi32>
    %and3A_888 = arith.andi %add3A_74, %and3A_887 : vector<64x128xi32>
    %ne3A_889 = arith.constant 0 : i32
    %ne3A_890 = vector.broadcast %ne3A_889 : i32 to vector<64x128xi32>
    %ne3A_891 = arith.cmpi ne, %and3A_888, %ne3A_890 : vector<64x128xi32>
    %slice3A_892 = vector.extract_strided_slice %select_n3A_884 {offsets = [0, 127], sizes = [64, 1], strides = [1, 1]} : vector<64x128xi32> to vector<64x1xi32>
    %slice3A_893 = vector.extract_strided_slice %select_n3A_884 {offsets = [0, 0], sizes = [64, 127], strides = [1, 1]} : vector<64x128xi32> to vector<64x127xi32>
    %concatenate3A_894 = tpu.concatenate %slice3A_892, %slice3A_893 in 1 : vector<64x1xi32>, vector<64x127xi32> -> vector<64x128xi32>
    %slice3A_895 = vector.extract_strided_slice %select_n3A_884 {offsets = [0, 1], sizes = [64, 127], strides = [1, 1]} : vector<64x128xi32> to vector<64x127xi32>
    %slice3A_896 = vector.extract_strided_slice %select_n3A_884 {offsets = [0, 0], sizes = [64, 1], strides = [1, 1]} : vector<64x128xi32> to vector<64x1xi32>
    %concatenate3A_897 = tpu.concatenate %slice3A_895, %slice3A_896 in 1 : vector<64x127xi32>, vector<64x1xi32> -> vector<64x128xi32>
    %select_n3A_898 = arith.select %ne3A_891, %concatenate3A_894, %concatenate3A_897 : vector<64x128xi1>, vector<64x128xi32>
    %slice3A_899 = vector.extract_strided_slice %select_n3A_885 {offsets = [0, 127], sizes = [64, 1], strides = [1, 1]} : vector<64x128xi32> to vector<64x1xi32>
    %slice3A_900 = vector.extract_strided_slice %select_n3A_885 {offsets = [0, 0], sizes = [64, 127], strides = [1, 1]} : vector<64x128xi32> to vector<64x127xi32>
    %concatenate3A_901 = tpu.concatenate %slice3A_899, %slice3A_900 in 1 : vector<64x1xi32>, vector<64x127xi32> -> vector<64x128xi32>
    %slice3A_902 = vector.extract_strided_slice %select_n3A_885 {offsets = [0, 1], sizes = [64, 127], strides = [1, 1]} : vector<64x128xi32> to vector<64x127xi32>
    %slice3A_903 = vector.extract_strided_slice %select_n3A_885 {offsets = [0, 0], sizes = [64, 1], strides = [1, 1]} : vector<64x128xi32> to vector<64x1xi32>
    %concatenate3A_904 = tpu.concatenate %slice3A_902, %slice3A_903 in 1 : vector<64x127xi32>, vector<64x1xi32> -> vector<64x128xi32>
    %select_n3A_905 = arith.select %ne3A_891, %concatenate3A_901, %concatenate3A_904 : vector<64x128xi1>, vector<64x128xi32>
    %and3A_906 = arith.constant 64 : i32
    %and3A_907 = vector.broadcast %and3A_906 : i32 to vector<64x128xi32>
    %and3A_908 = arith.andi %add3A_74, %and3A_907 : vector<64x128xi32>
    %eq3A_909 = arith.constant 0 : i32
    %eq3A_910 = vector.broadcast %eq3A_909 : i32 to vector<64x128xi32>
    %eq3A_911 = arith.cmpi eq, %and3A_908, %eq3A_910 : vector<64x128xi32>
    %not3A_912 = arith.constant dense<true> : vector<64x128xi1>
    %not3A_913 = arith.xori %ne3A_891, %not3A_912 : vector<64x128xi1>
    %eq3A_914 = arith.xori %not3A_913, %eq3A_911 : vector<64x128xi1>
    %eq3A_915 = arith.constant dense<true> : vector<64x128xi1>
    %eq3A_916 = arith.xori %eq3A_914, %eq3A_915 : vector<64x128xi1>
    %lt3A_917 = arith.cmpi slt, %select_n3A_898, %select_n3A_884 : vector<64x128xi32>
    %eq3A_918 = arith.cmpi eq, %select_n3A_898, %select_n3A_884 : vector<64x128xi32>
    %lt3A_919 = arith.cmpi slt, %select_n3A_905, %select_n3A_885 : vector<64x128xi32>
    %and3A_920 = arith.andi %eq3A_918, %lt3A_919 : vector<64x128xi1>
    %or3A_921 = arith.ori %lt3A_917, %and3A_920 : vector<64x128xi1>
    %eq3A_922 = arith.xori %eq3A_916, %or3A_921 : vector<64x128xi1>
    %eq3A_923 = arith.constant dense<true> : vector<64x128xi1>
    %eq3A_924 = arith.xori %eq3A_922, %eq3A_923 : vector<64x128xi1>
    %select_n3A_925 = arith.select %eq3A_924, %select_n3A_898, %select_n3A_884 : vector<64x128xi1>, vector<64x128xi32>
    %select_n3A_926 = arith.select %eq3A_924, %select_n3A_905, %select_n3A_885 : vector<64x128xi1>, vector<64x128xi32>
    %and3A_927 = arith.constant 64 : i32
    %and3A_928 = vector.broadcast %and3A_927 : i32 to vector<64x128xi32>
    %and3A_929 = arith.andi %add3A_74, %and3A_928 : vector<64x128xi32>
    %ne3A_930 = arith.constant 0 : i32
    %ne3A_931 = vector.broadcast %ne3A_930 : i32 to vector<64x128xi32>
    %ne3A_932 = arith.cmpi ne, %and3A_929, %ne3A_931 : vector<64x128xi32>
    %slice3A_933 = vector.extract_strided_slice %select_n3A_925 {offsets = [0, 64], sizes = [64, 64], strides = [1, 1]} : vector<64x128xi32> to vector<64x64xi32>
    %slice3A_934 = vector.extract_strided_slice %select_n3A_925 {offsets = [0, 0], sizes = [64, 64], strides = [1, 1]} : vector<64x128xi32> to vector<64x64xi32>
    %concatenate3A_935 = tpu.concatenate %slice3A_933, %slice3A_934 in 1 : vector<64x64xi32>, vector<64x64xi32> -> vector<64x128xi32>
    %slice3A_936 = vector.extract_strided_slice %select_n3A_925 {offsets = [0, 64], sizes = [64, 64], strides = [1, 1]} : vector<64x128xi32> to vector<64x64xi32>
    %slice3A_937 = vector.extract_strided_slice %select_n3A_925 {offsets = [0, 0], sizes = [64, 64], strides = [1, 1]} : vector<64x128xi32> to vector<64x64xi32>
    %concatenate3A_938 = tpu.concatenate %slice3A_936, %slice3A_937 in 1 : vector<64x64xi32>, vector<64x64xi32> -> vector<64x128xi32>
    %select_n3A_939 = arith.select %ne3A_932, %concatenate3A_935, %concatenate3A_938 : vector<64x128xi1>, vector<64x128xi32>
    %slice3A_940 = vector.extract_strided_slice %select_n3A_926 {offsets = [0, 64], sizes = [64, 64], strides = [1, 1]} : vector<64x128xi32> to vector<64x64xi32>
    %slice3A_941 = vector.extract_strided_slice %select_n3A_926 {offsets = [0, 0], sizes = [64, 64], strides = [1, 1]} : vector<64x128xi32> to vector<64x64xi32>
    %concatenate3A_942 = tpu.concatenate %slice3A_940, %slice3A_941 in 1 : vector<64x64xi32>, vector<64x64xi32> -> vector<64x128xi32>
    %slice3A_943 = vector.extract_strided_slice %select_n3A_926 {offsets = [0, 64], sizes = [64, 64], strides = [1, 1]} : vector<64x128xi32> to vector<64x64xi32>
    %slice3A_944 = vector.extract_strided_slice %select_n3A_926 {offsets = [0, 0], sizes = [64, 64], strides = [1, 1]} : vector<64x128xi32> to vector<64x64xi32>
    %concatenate3A_945 = tpu.concatenate %slice3A_943, %slice3A_944 in 1 : vector<64x64xi32>, vector<64x64xi32> -> vector<64x128xi32>
    %select_n3A_946 = arith.select %ne3A_932, %concatenate3A_942, %concatenate3A_945 : vector<64x128xi1>, vector<64x128xi32>
    %and3A_947 = arith.constant 128 : i32
    %and3A_948 = vector.broadcast %and3A_947 : i32 to vector<64x128xi32>
    %and3A_949 = arith.andi %add3A_74, %and3A_948 : vector<64x128xi32>
    %eq3A_950 = arith.constant 0 : i32
    %eq3A_951 = vector.broadcast %eq3A_950 : i32 to vector<64x128xi32>
    %eq3A_952 = arith.cmpi eq, %and3A_949, %eq3A_951 : vector<64x128xi32>
    %not3A_953 = arith.constant dense<true> : vector<64x128xi1>
    %not3A_954 = arith.xori %ne3A_932, %not3A_953 : vector<64x128xi1>
    %eq3A_955 = arith.xori %not3A_954, %eq3A_952 : vector<64x128xi1>
    %eq3A_956 = arith.constant dense<true> : vector<64x128xi1>
    %eq3A_957 = arith.xori %eq3A_955, %eq3A_956 : vector<64x128xi1>
    %lt3A_958 = arith.cmpi slt, %select_n3A_939, %select_n3A_925 : vector<64x128xi32>
    %eq3A_959 = arith.cmpi eq, %select_n3A_939, %select_n3A_925 : vector<64x128xi32>
    %lt3A_960 = arith.cmpi slt, %select_n3A_946, %select_n3A_926 : vector<64x128xi32>
    %and3A_961 = arith.andi %eq3A_959, %lt3A_960 : vector<64x128xi1>
    %or3A_962 = arith.ori %lt3A_958, %and3A_961 : vector<64x128xi1>
    %eq3A_963 = arith.xori %eq3A_957, %or3A_962 : vector<64x128xi1>
    %eq3A_964 = arith.constant dense<true> : vector<64x128xi1>
    %eq3A_965 = arith.xori %eq3A_963, %eq3A_964 : vector<64x128xi1>
    %select_n3A_966 = arith.select %eq3A_965, %select_n3A_939, %select_n3A_925 : vector<64x128xi1>, vector<64x128xi32>
    %select_n3A_967 = arith.select %eq3A_965, %select_n3A_946, %select_n3A_926 : vector<64x128xi1>, vector<64x128xi32>
    %and3A_968 = arith.constant 32 : i32
    %and3A_969 = vector.broadcast %and3A_968 : i32 to vector<64x128xi32>
    %and3A_970 = arith.andi %add3A_74, %and3A_969 : vector<64x128xi32>
    %ne3A_971 = arith.constant 0 : i32
    %ne3A_972 = vector.broadcast %ne3A_971 : i32 to vector<64x128xi32>
    %ne3A_973 = arith.cmpi ne, %and3A_970, %ne3A_972 : vector<64x128xi32>
    %slice3A_974 = vector.extract_strided_slice %select_n3A_966 {offsets = [0, 96], sizes = [64, 32], strides = [1, 1]} : vector<64x128xi32> to vector<64x32xi32>
    %slice3A_975 = vector.extract_strided_slice %select_n3A_966 {offsets = [0, 0], sizes = [64, 96], strides = [1, 1]} : vector<64x128xi32> to vector<64x96xi32>
    %concatenate3A_976 = tpu.concatenate %slice3A_974, %slice3A_975 in 1 : vector<64x32xi32>, vector<64x96xi32> -> vector<64x128xi32>
    %slice3A_977 = vector.extract_strided_slice %select_n3A_966 {offsets = [0, 32], sizes = [64, 96], strides = [1, 1]} : vector<64x128xi32> to vector<64x96xi32>
    %slice3A_978 = vector.extract_strided_slice %select_n3A_966 {offsets = [0, 0], sizes = [64, 32], strides = [1, 1]} : vector<64x128xi32> to vector<64x32xi32>
    %concatenate3A_979 = tpu.concatenate %slice3A_977, %slice3A_978 in 1 : vector<64x96xi32>, vector<64x32xi32> -> vector<64x128xi32>
    %select_n3A_980 = arith.select %ne3A_973, %concatenate3A_976, %concatenate3A_979 : vector<64x128xi1>, vector<64x128xi32>
    %slice3A_981 = vector.extract_strided_slice %select_n3A_967 {offsets = [0, 96], sizes = [64, 32], strides = [1, 1]} : vector<64x128xi32> to vector<64x32xi32>
    %slice3A_982 = vector.extract_strided_slice %select_n3A_967 {offsets = [0, 0], sizes = [64, 96], strides = [1, 1]} : vector<64x128xi32> to vector<64x96xi32>
    %concatenate3A_983 = tpu.concatenate %slice3A_981, %slice3A_982 in 1 : vector<64x32xi32>, vector<64x96xi32> -> vector<64x128xi32>
    %slice3A_984 = vector.extract_strided_slice %select_n3A_967 {offsets = [0, 32], sizes = [64, 96], strides = [1, 1]} : vector<64x128xi32> to vector<64x96xi32>
    %slice3A_985 = vector.extract_strided_slice %select_n3A_967 {offsets = [0, 0], sizes = [64, 32], strides = [1, 1]} : vector<64x128xi32> to vector<64x32xi32>
    %concatenate3A_986 = tpu.concatenate %slice3A_984, %slice3A_985 in 1 : vector<64x96xi32>, vector<64x32xi32> -> vector<64x128xi32>
    %select_n3A_987 = arith.select %ne3A_973, %concatenate3A_983, %concatenate3A_986 : vector<64x128xi1>, vector<64x128xi32>
    %and3A_988 = arith.constant 128 : i32
    %and3A_989 = vector.broadcast %and3A_988 : i32 to vector<64x128xi32>
    %and3A_990 = arith.andi %add3A_74, %and3A_989 : vector<64x128xi32>
    %eq3A_991 = arith.constant 0 : i32
    %eq3A_992 = vector.broadcast %eq3A_991 : i32 to vector<64x128xi32>
    %eq3A_993 = arith.cmpi eq, %and3A_990, %eq3A_992 : vector<64x128xi32>
    %not3A_994 = arith.constant dense<true> : vector<64x128xi1>
    %not3A_995 = arith.xori %ne3A_973, %not3A_994 : vector<64x128xi1>
    %eq3A_996 = arith.xori %not3A_995, %eq3A_993 : vector<64x128xi1>
    %eq3A_997 = arith.constant dense<true> : vector<64x128xi1>
    %eq3A_998 = arith.xori %eq3A_996, %eq3A_997 : vector<64x128xi1>
    %lt3A_999 = arith.cmpi slt, %select_n3A_980, %select_n3A_966 : vector<64x128xi32>
    %eq3A_1000 = arith.cmpi eq, %select_n3A_980, %select_n3A_966 : vector<64x128xi32>
    %lt3A_1001 = arith.cmpi slt, %select_n3A_987, %select_n3A_967 : vector<64x128xi32>
    %and3A_1002 = arith.andi %eq3A_1000, %lt3A_1001 : vector<64x128xi1>
    %or3A_1003 = arith.ori %lt3A_999, %and3A_1002 : vector<64x128xi1>
    %eq3A_1004 = arith.xori %eq3A_998, %or3A_1003 : vector<64x128xi1>
    %eq3A_1005 = arith.constant dense<true> : vector<64x128xi1>
    %eq3A_1006 = arith.xori %eq3A_1004, %eq3A_1005 : vector<64x128xi1>
    %select_n3A_1007 = arith.select %eq3A_1006, %select_n3A_980, %select_n3A_966 : vector<64x128xi1>, vector<64x128xi32>
    %select_n3A_1008 = arith.select %eq3A_1006, %select_n3A_987, %select_n3A_967 : vector<64x128xi1>, vector<64x128xi32>
    %and3A_1009 = arith.constant 16 : i32
    %and3A_1010 = vector.broadcast %and3A_1009 : i32 to vector<64x128xi32>
    %and3A_1011 = arith.andi %add3A_74, %and3A_1010 : vector<64x128xi32>
    %ne3A_1012 = arith.constant 0 : i32
    %ne3A_1013 = vector.broadcast %ne3A_1012 : i32 to vector<64x128xi32>
    %ne3A_1014 = arith.cmpi ne, %and3A_1011, %ne3A_1013 : vector<64x128xi32>
    %slice3A_1015 = vector.extract_strided_slice %select_n3A_1007 {offsets = [0, 112], sizes = [64, 16], strides = [1, 1]} : vector<64x128xi32> to vector<64x16xi32>
    %slice3A_1016 = vector.extract_strided_slice %select_n3A_1007 {offsets = [0, 0], sizes = [64, 112], strides = [1, 1]} : vector<64x128xi32> to vector<64x112xi32>
    %concatenate3A_1017 = tpu.concatenate %slice3A_1015, %slice3A_1016 in 1 : vector<64x16xi32>, vector<64x112xi32> -> vector<64x128xi32>
    %slice3A_1018 = vector.extract_strided_slice %select_n3A_1007 {offsets = [0, 16], sizes = [64, 112], strides = [1, 1]} : vector<64x128xi32> to vector<64x112xi32>
    %slice3A_1019 = vector.extract_strided_slice %select_n3A_1007 {offsets = [0, 0], sizes = [64, 16], strides = [1, 1]} : vector<64x128xi32> to vector<64x16xi32>
    %concatenate3A_1020 = tpu.concatenate %slice3A_1018, %slice3A_1019 in 1 : vector<64x112xi32>, vector<64x16xi32> -> vector<64x128xi32>
    %select_n3A_1021 = arith.select %ne3A_1014, %concatenate3A_1017, %concatenate3A_1020 : vector<64x128xi1>, vector<64x128xi32>
    %slice3A_1022 = vector.extract_strided_slice %select_n3A_1008 {offsets = [0, 112], sizes = [64, 16], strides = [1, 1]} : vector<64x128xi32> to vector<64x16xi32>
    %slice3A_1023 = vector.extract_strided_slice %select_n3A_1008 {offsets = [0, 0], sizes = [64, 112], strides = [1, 1]} : vector<64x128xi32> to vector<64x112xi32>
    %concatenate3A_1024 = tpu.concatenate %slice3A_1022, %slice3A_1023 in 1 : vector<64x16xi32>, vector<64x112xi32> -> vector<64x128xi32>
    %slice3A_1025 = vector.extract_strided_slice %select_n3A_1008 {offsets = [0, 16], sizes = [64, 112], strides = [1, 1]} : vector<64x128xi32> to vector<64x112xi32>
    %slice3A_1026 = vector.extract_strided_slice %select_n3A_1008 {offsets = [0, 0], sizes = [64, 16], strides = [1, 1]} : vector<64x128xi32> to vector<64x16xi32>
    %concatenate3A_1027 = tpu.concatenate %slice3A_1025, %slice3A_1026 in 1 : vector<64x112xi32>, vector<64x16xi32> -> vector<64x128xi32>
    %select_n3A_1028 = arith.select %ne3A_1014, %concatenate3A_1024, %concatenate3A_1027 : vector<64x128xi1>, vector<64x128xi32>
    %and3A_1029 = arith.constant 128 : i32
    %and3A_1030 = vector.broadcast %and3A_1029 : i32 to vector<64x128xi32>
    %and3A_1031 = arith.andi %add3A_74, %and3A_1030 : vector<64x128xi32>
    %eq3A_1032 = arith.constant 0 : i32
    %eq3A_1033 = vector.broadcast %eq3A_1032 : i32 to vector<64x128xi32>
    %eq3A_1034 = arith.cmpi eq, %and3A_1031, %eq3A_1033 : vector<64x128xi32>
    %not3A_1035 = arith.constant dense<true> : vector<64x128xi1>
    %not3A_1036 = arith.xori %ne3A_1014, %not3A_1035 : vector<64x128xi1>
    %eq3A_1037 = arith.xori %not3A_1036, %eq3A_1034 : vector<64x128xi1>
    %eq3A_1038 = arith.constant dense<true> : vector<64x128xi1>
    %eq3A_1039 = arith.xori %eq3A_1037, %eq3A_1038 : vector<64x128xi1>
    %lt3A_1040 = arith.cmpi slt, %select_n3A_1021, %select_n3A_1007 : vector<64x128xi32>
    %eq3A_1041 = arith.cmpi eq, %select_n3A_1021, %select_n3A_1007 : vector<64x128xi32>
    %lt3A_1042 = arith.cmpi slt, %select_n3A_1028, %select_n3A_1008 : vector<64x128xi32>
    %and3A_1043 = arith.andi %eq3A_1041, %lt3A_1042 : vector<64x128xi1>
    %or3A_1044 = arith.ori %lt3A_1040, %and3A_1043 : vector<64x128xi1>
    %eq3A_1045 = arith.xori %eq3A_1039, %or3A_1044 : vector<64x128xi1>
    %eq3A_1046 = arith.constant dense<true> : vector<64x128xi1>
    %eq3A_1047 = arith.xori %eq3A_1045, %eq3A_1046 : vector<64x128xi1>
    %select_n3A_1048 = arith.select %eq3A_1047, %select_n3A_1021, %select_n3A_1007 : vector<64x128xi1>, vector<64x128xi32>
    %select_n3A_1049 = arith.select %eq3A_1047, %select_n3A_1028, %select_n3A_1008 : vector<64x128xi1>, vector<64x128xi32>
    %and3A_1050 = arith.constant 8 : i32
    %and3A_1051 = vector.broadcast %and3A_1050 : i32 to vector<64x128xi32>
    %and3A_1052 = arith.andi %add3A_74, %and3A_1051 : vector<64x128xi32>
    %ne3A_1053 = arith.constant 0 : i32
    %ne3A_1054 = vector.broadcast %ne3A_1053 : i32 to vector<64x128xi32>
    %ne3A_1055 = arith.cmpi ne, %and3A_1052, %ne3A_1054 : vector<64x128xi32>
    %slice3A_1056 = vector.extract_strided_slice %select_n3A_1048 {offsets = [0, 120], sizes = [64, 8], strides = [1, 1]} : vector<64x128xi32> to vector<64x8xi32>
    %slice3A_1057 = vector.extract_strided_slice %select_n3A_1048 {offsets = [0, 0], sizes = [64, 120], strides = [1, 1]} : vector<64x128xi32> to vector<64x120xi32>
    %concatenate3A_1058 = tpu.concatenate %slice3A_1056, %slice3A_1057 in 1 : vector<64x8xi32>, vector<64x120xi32> -> vector<64x128xi32>
    %slice3A_1059 = vector.extract_strided_slice %select_n3A_1048 {offsets = [0, 8], sizes = [64, 120], strides = [1, 1]} : vector<64x128xi32> to vector<64x120xi32>
    %slice3A_1060 = vector.extract_strided_slice %select_n3A_1048 {offsets = [0, 0], sizes = [64, 8], strides = [1, 1]} : vector<64x128xi32> to vector<64x8xi32>
    %concatenate3A_1061 = tpu.concatenate %slice3A_1059, %slice3A_1060 in 1 : vector<64x120xi32>, vector<64x8xi32> -> vector<64x128xi32>
    %select_n3A_1062 = arith.select %ne3A_1055, %concatenate3A_1058, %concatenate3A_1061 : vector<64x128xi1>, vector<64x128xi32>
    %slice3A_1063 = vector.extract_strided_slice %select_n3A_1049 {offsets = [0, 120], sizes = [64, 8], strides = [1, 1]} : vector<64x128xi32> to vector<64x8xi32>
    %slice3A_1064 = vector.extract_strided_slice %select_n3A_1049 {offsets = [0, 0], sizes = [64, 120], strides = [1, 1]} : vector<64x128xi32> to vector<64x120xi32>
    %concatenate3A_1065 = tpu.concatenate %slice3A_1063, %slice3A_1064 in 1 : vector<64x8xi32>, vector<64x120xi32> -> vector<64x128xi32>
    %slice3A_1066 = vector.extract_strided_slice %select_n3A_1049 {offsets = [0, 8], sizes = [64, 120], strides = [1, 1]} : vector<64x128xi32> to vector<64x120xi32>
    %slice3A_1067 = vector.extract_strided_slice %select_n3A_1049 {offsets = [0, 0], sizes = [64, 8], strides = [1, 1]} : vector<64x128xi32> to vector<64x8xi32>
    %concatenate3A_1068 = tpu.concatenate %slice3A_1066, %slice3A_1067 in 1 : vector<64x120xi32>, vector<64x8xi32> -> vector<64x128xi32>
    %select_n3A_1069 = arith.select %ne3A_1055, %concatenate3A_1065, %concatenate3A_1068 : vector<64x128xi1>, vector<64x128xi32>
    %and3A_1070 = arith.constant 128 : i32
    %and3A_1071 = vector.broadcast %and3A_1070 : i32 to vector<64x128xi32>
    %and3A_1072 = arith.andi %add3A_74, %and3A_1071 : vector<64x128xi32>
    %eq3A_1073 = arith.constant 0 : i32
    %eq3A_1074 = vector.broadcast %eq3A_1073 : i32 to vector<64x128xi32>
    %eq3A_1075 = arith.cmpi eq, %and3A_1072, %eq3A_1074 : vector<64x128xi32>
    %not3A_1076 = arith.constant dense<true> : vector<64x128xi1>
    %not3A_1077 = arith.xori %ne3A_1055, %not3A_1076 : vector<64x128xi1>
    %eq3A_1078 = arith.xori %not3A_1077, %eq3A_1075 : vector<64x128xi1>
    %eq3A_1079 = arith.constant dense<true> : vector<64x128xi1>
    %eq3A_1080 = arith.xori %eq3A_1078, %eq3A_1079 : vector<64x128xi1>
    %lt3A_1081 = arith.cmpi slt, %select_n3A_1062, %select_n3A_1048 : vector<64x128xi32>
    %eq3A_1082 = arith.cmpi eq, %select_n3A_1062, %select_n3A_1048 : vector<64x128xi32>
    %lt3A_1083 = arith.cmpi slt, %select_n3A_1069, %select_n3A_1049 : vector<64x128xi32>
    %and3A_1084 = arith.andi %eq3A_1082, %lt3A_1083 : vector<64x128xi1>
    %or3A_1085 = arith.ori %lt3A_1081, %and3A_1084 : vector<64x128xi1>
    %eq3A_1086 = arith.xori %eq3A_1080, %or3A_1085 : vector<64x128xi1>
    %eq3A_1087 = arith.constant dense<true> : vector<64x128xi1>
    %eq3A_1088 = arith.xori %eq3A_1086, %eq3A_1087 : vector<64x128xi1>
    %select_n3A_1089 = arith.select %eq3A_1088, %select_n3A_1062, %select_n3A_1048 : vector<64x128xi1>, vector<64x128xi32>
    %select_n3A_1090 = arith.select %eq3A_1088, %select_n3A_1069, %select_n3A_1049 : vector<64x128xi1>, vector<64x128xi32>
    %and3A_1091 = arith.constant 4 : i32
    %and3A_1092 = vector.broadcast %and3A_1091 : i32 to vector<64x128xi32>
    %and3A_1093 = arith.andi %add3A_74, %and3A_1092 : vector<64x128xi32>
    %ne3A_1094 = arith.constant 0 : i32
    %ne3A_1095 = vector.broadcast %ne3A_1094 : i32 to vector<64x128xi32>
    %ne3A_1096 = arith.cmpi ne, %and3A_1093, %ne3A_1095 : vector<64x128xi32>
    %slice3A_1097 = vector.extract_strided_slice %select_n3A_1089 {offsets = [0, 124], sizes = [64, 4], strides = [1, 1]} : vector<64x128xi32> to vector<64x4xi32>
    %slice3A_1098 = vector.extract_strided_slice %select_n3A_1089 {offsets = [0, 0], sizes = [64, 124], strides = [1, 1]} : vector<64x128xi32> to vector<64x124xi32>
    %concatenate3A_1099 = tpu.concatenate %slice3A_1097, %slice3A_1098 in 1 : vector<64x4xi32>, vector<64x124xi32> -> vector<64x128xi32>
    %slice3A_1100 = vector.extract_strided_slice %select_n3A_1089 {offsets = [0, 4], sizes = [64, 124], strides = [1, 1]} : vector<64x128xi32> to vector<64x124xi32>
    %slice3A_1101 = vector.extract_strided_slice %select_n3A_1089 {offsets = [0, 0], sizes = [64, 4], strides = [1, 1]} : vector<64x128xi32> to vector<64x4xi32>
    %concatenate3A_1102 = tpu.concatenate %slice3A_1100, %slice3A_1101 in 1 : vector<64x124xi32>, vector<64x4xi32> -> vector<64x128xi32>
    %select_n3A_1103 = arith.select %ne3A_1096, %concatenate3A_1099, %concatenate3A_1102 : vector<64x128xi1>, vector<64x128xi32>
    %slice3A_1104 = vector.extract_strided_slice %select_n3A_1090 {offsets = [0, 124], sizes = [64, 4], strides = [1, 1]} : vector<64x128xi32> to vector<64x4xi32>
    %slice3A_1105 = vector.extract_strided_slice %select_n3A_1090 {offsets = [0, 0], sizes = [64, 124], strides = [1, 1]} : vector<64x128xi32> to vector<64x124xi32>
    %concatenate3A_1106 = tpu.concatenate %slice3A_1104, %slice3A_1105 in 1 : vector<64x4xi32>, vector<64x124xi32> -> vector<64x128xi32>
    %slice3A_1107 = vector.extract_strided_slice %select_n3A_1090 {offsets = [0, 4], sizes = [64, 124], strides = [1, 1]} : vector<64x128xi32> to vector<64x124xi32>
    %slice3A_1108 = vector.extract_strided_slice %select_n3A_1090 {offsets = [0, 0], sizes = [64, 4], strides = [1, 1]} : vector<64x128xi32> to vector<64x4xi32>
    %concatenate3A_1109 = tpu.concatenate %slice3A_1107, %slice3A_1108 in 1 : vector<64x124xi32>, vector<64x4xi32> -> vector<64x128xi32>
    %select_n3A_1110 = arith.select %ne3A_1096, %concatenate3A_1106, %concatenate3A_1109 : vector<64x128xi1>, vector<64x128xi32>
    %and3A_1111 = arith.constant 128 : i32
    %and3A_1112 = vector.broadcast %and3A_1111 : i32 to vector<64x128xi32>
    %and3A_1113 = arith.andi %add3A_74, %and3A_1112 : vector<64x128xi32>
    %eq3A_1114 = arith.constant 0 : i32
    %eq3A_1115 = vector.broadcast %eq3A_1114 : i32 to vector<64x128xi32>
    %eq3A_1116 = arith.cmpi eq, %and3A_1113, %eq3A_1115 : vector<64x128xi32>
    %not3A_1117 = arith.constant dense<true> : vector<64x128xi1>
    %not3A_1118 = arith.xori %ne3A_1096, %not3A_1117 : vector<64x128xi1>
    %eq3A_1119 = arith.xori %not3A_1118, %eq3A_1116 : vector<64x128xi1>
    %eq3A_1120 = arith.constant dense<true> : vector<64x128xi1>
    %eq3A_1121 = arith.xori %eq3A_1119, %eq3A_1120 : vector<64x128xi1>
    %lt3A_1122 = arith.cmpi slt, %select_n3A_1103, %select_n3A_1089 : vector<64x128xi32>
    %eq3A_1123 = arith.cmpi eq, %select_n3A_1103, %select_n3A_1089 : vector<64x128xi32>
    %lt3A_1124 = arith.cmpi slt, %select_n3A_1110, %select_n3A_1090 : vector<64x128xi32>
    %and3A_1125 = arith.andi %eq3A_1123, %lt3A_1124 : vector<64x128xi1>
    %or3A_1126 = arith.ori %lt3A_1122, %and3A_1125 : vector<64x128xi1>
    %eq3A_1127 = arith.xori %eq3A_1121, %or3A_1126 : vector<64x128xi1>
    %eq3A_1128 = arith.constant dense<true> : vector<64x128xi1>
    %eq3A_1129 = arith.xori %eq3A_1127, %eq3A_1128 : vector<64x128xi1>
    %select_n3A_1130 = arith.select %eq3A_1129, %select_n3A_1103, %select_n3A_1089 : vector<64x128xi1>, vector<64x128xi32>
    %select_n3A_1131 = arith.select %eq3A_1129, %select_n3A_1110, %select_n3A_1090 : vector<64x128xi1>, vector<64x128xi32>
    %and3A_1132 = arith.constant 2 : i32
    %and3A_1133 = vector.broadcast %and3A_1132 : i32 to vector<64x128xi32>
    %and3A_1134 = arith.andi %add3A_74, %and3A_1133 : vector<64x128xi32>
    %ne3A_1135 = arith.constant 0 : i32
    %ne3A_1136 = vector.broadcast %ne3A_1135 : i32 to vector<64x128xi32>
    %ne3A_1137 = arith.cmpi ne, %and3A_1134, %ne3A_1136 : vector<64x128xi32>
    %slice3A_1138 = vector.extract_strided_slice %select_n3A_1130 {offsets = [0, 126], sizes = [64, 2], strides = [1, 1]} : vector<64x128xi32> to vector<64x2xi32>
    %slice3A_1139 = vector.extract_strided_slice %select_n3A_1130 {offsets = [0, 0], sizes = [64, 126], strides = [1, 1]} : vector<64x128xi32> to vector<64x126xi32>
    %concatenate3A_1140 = tpu.concatenate %slice3A_1138, %slice3A_1139 in 1 : vector<64x2xi32>, vector<64x126xi32> -> vector<64x128xi32>
    %slice3A_1141 = vector.extract_strided_slice %select_n3A_1130 {offsets = [0, 2], sizes = [64, 126], strides = [1, 1]} : vector<64x128xi32> to vector<64x126xi32>
    %slice3A_1142 = vector.extract_strided_slice %select_n3A_1130 {offsets = [0, 0], sizes = [64, 2], strides = [1, 1]} : vector<64x128xi32> to vector<64x2xi32>
    %concatenate3A_1143 = tpu.concatenate %slice3A_1141, %slice3A_1142 in 1 : vector<64x126xi32>, vector<64x2xi32> -> vector<64x128xi32>
    %select_n3A_1144 = arith.select %ne3A_1137, %concatenate3A_1140, %concatenate3A_1143 : vector<64x128xi1>, vector<64x128xi32>
    %slice3A_1145 = vector.extract_strided_slice %select_n3A_1131 {offsets = [0, 126], sizes = [64, 2], strides = [1, 1]} : vector<64x128xi32> to vector<64x2xi32>
    %slice3A_1146 = vector.extract_strided_slice %select_n3A_1131 {offsets = [0, 0], sizes = [64, 126], strides = [1, 1]} : vector<64x128xi32> to vector<64x126xi32>
    %concatenate3A_1147 = tpu.concatenate %slice3A_1145, %slice3A_1146 in 1 : vector<64x2xi32>, vector<64x126xi32> -> vector<64x128xi32>
    %slice3A_1148 = vector.extract_strided_slice %select_n3A_1131 {offsets = [0, 2], sizes = [64, 126], strides = [1, 1]} : vector<64x128xi32> to vector<64x126xi32>
    %slice3A_1149 = vector.extract_strided_slice %select_n3A_1131 {offsets = [0, 0], sizes = [64, 2], strides = [1, 1]} : vector<64x128xi32> to vector<64x2xi32>
    %concatenate3A_1150 = tpu.concatenate %slice3A_1148, %slice3A_1149 in 1 : vector<64x126xi32>, vector<64x2xi32> -> vector<64x128xi32>
    %select_n3A_1151 = arith.select %ne3A_1137, %concatenate3A_1147, %concatenate3A_1150 : vector<64x128xi1>, vector<64x128xi32>
    %and3A_1152 = arith.constant 128 : i32
    %and3A_1153 = vector.broadcast %and3A_1152 : i32 to vector<64x128xi32>
    %and3A_1154 = arith.andi %add3A_74, %and3A_1153 : vector<64x128xi32>
    %eq3A_1155 = arith.constant 0 : i32
    %eq3A_1156 = vector.broadcast %eq3A_1155 : i32 to vector<64x128xi32>
    %eq3A_1157 = arith.cmpi eq, %and3A_1154, %eq3A_1156 : vector<64x128xi32>
    %not3A_1158 = arith.constant dense<true> : vector<64x128xi1>
    %not3A_1159 = arith.xori %ne3A_1137, %not3A_1158 : vector<64x128xi1>
    %eq3A_1160 = arith.xori %not3A_1159, %eq3A_1157 : vector<64x128xi1>
    %eq3A_1161 = arith.constant dense<true> : vector<64x128xi1>
    %eq3A_1162 = arith.xori %eq3A_1160, %eq3A_1161 : vector<64x128xi1>
    %lt3A_1163 = arith.cmpi slt, %select_n3A_1144, %select_n3A_1130 : vector<64x128xi32>
    %eq3A_1164 = arith.cmpi eq, %select_n3A_1144, %select_n3A_1130 : vector<64x128xi32>
    %lt3A_1165 = arith.cmpi slt, %select_n3A_1151, %select_n3A_1131 : vector<64x128xi32>
    %and3A_1166 = arith.andi %eq3A_1164, %lt3A_1165 : vector<64x128xi1>
    %or3A_1167 = arith.ori %lt3A_1163, %and3A_1166 : vector<64x128xi1>
    %eq3A_1168 = arith.xori %eq3A_1162, %or3A_1167 : vector<64x128xi1>
    %eq3A_1169 = arith.constant dense<true> : vector<64x128xi1>
    %eq3A_1170 = arith.xori %eq3A_1168, %eq3A_1169 : vector<64x128xi1>
    %select_n3A_1171 = arith.select %eq3A_1170, %select_n3A_1144, %select_n3A_1130 : vector<64x128xi1>, vector<64x128xi32>
    %select_n3A_1172 = arith.select %eq3A_1170, %select_n3A_1151, %select_n3A_1131 : vector<64x128xi1>, vector<64x128xi32>
    %and3A_1173 = arith.constant 1 : i32
    %and3A_1174 = vector.broadcast %and3A_1173 : i32 to vector<64x128xi32>
    %and3A_1175 = arith.andi %add3A_74, %and3A_1174 : vector<64x128xi32>
    %ne3A_1176 = arith.constant 0 : i32
    %ne3A_1177 = vector.broadcast %ne3A_1176 : i32 to vector<64x128xi32>
    %ne3A_1178 = arith.cmpi ne, %and3A_1175, %ne3A_1177 : vector<64x128xi32>
    %slice3A_1179 = vector.extract_strided_slice %select_n3A_1171 {offsets = [0, 127], sizes = [64, 1], strides = [1, 1]} : vector<64x128xi32> to vector<64x1xi32>
    %slice3A_1180 = vector.extract_strided_slice %select_n3A_1171 {offsets = [0, 0], sizes = [64, 127], strides = [1, 1]} : vector<64x128xi32> to vector<64x127xi32>
    %concatenate3A_1181 = tpu.concatenate %slice3A_1179, %slice3A_1180 in 1 : vector<64x1xi32>, vector<64x127xi32> -> vector<64x128xi32>
    %slice3A_1182 = vector.extract_strided_slice %select_n3A_1171 {offsets = [0, 1], sizes = [64, 127], strides = [1, 1]} : vector<64x128xi32> to vector<64x127xi32>
    %slice3A_1183 = vector.extract_strided_slice %select_n3A_1171 {offsets = [0, 0], sizes = [64, 1], strides = [1, 1]} : vector<64x128xi32> to vector<64x1xi32>
    %concatenate3A_1184 = tpu.concatenate %slice3A_1182, %slice3A_1183 in 1 : vector<64x127xi32>, vector<64x1xi32> -> vector<64x128xi32>
    %select_n3A_1185 = arith.select %ne3A_1178, %concatenate3A_1181, %concatenate3A_1184 : vector<64x128xi1>, vector<64x128xi32>
    %slice3A_1186 = vector.extract_strided_slice %select_n3A_1172 {offsets = [0, 127], sizes = [64, 1], strides = [1, 1]} : vector<64x128xi32> to vector<64x1xi32>
    %slice3A_1187 = vector.extract_strided_slice %select_n3A_1172 {offsets = [0, 0], sizes = [64, 127], strides = [1, 1]} : vector<64x128xi32> to vector<64x127xi32>
    %concatenate3A_1188 = tpu.concatenate %slice3A_1186, %slice3A_1187 in 1 : vector<64x1xi32>, vector<64x127xi32> -> vector<64x128xi32>
    %slice3A_1189 = vector.extract_strided_slice %select_n3A_1172 {offsets = [0, 1], sizes = [64, 127], strides = [1, 1]} : vector<64x128xi32> to vector<64x127xi32>
    %slice3A_1190 = vector.extract_strided_slice %select_n3A_1172 {offsets = [0, 0], sizes = [64, 1], strides = [1, 1]} : vector<64x128xi32> to vector<64x1xi32>
    %concatenate3A_1191 = tpu.concatenate %slice3A_1189, %slice3A_1190 in 1 : vector<64x127xi32>, vector<64x1xi32> -> vector<64x128xi32>
    %select_n3A_1192 = arith.select %ne3A_1178, %concatenate3A_1188, %concatenate3A_1191 : vector<64x128xi1>, vector<64x128xi32>
    %and3A_1193 = arith.constant 128 : i32
    %and3A_1194 = vector.broadcast %and3A_1193 : i32 to vector<64x128xi32>
    %and3A_1195 = arith.andi %add3A_74, %and3A_1194 : vector<64x128xi32>
    %eq3A_1196 = arith.constant 0 : i32
    %eq3A_1197 = vector.broadcast %eq3A_1196 : i32 to vector<64x128xi32>
    %eq3A_1198 = arith.cmpi eq, %and3A_1195, %eq3A_1197 : vector<64x128xi32>
    %not3A_1199 = arith.constant dense<true> : vector<64x128xi1>
    %not3A_1200 = arith.xori %ne3A_1178, %not3A_1199 : vector<64x128xi1>
    %eq3A_1201 = arith.xori %not3A_1200, %eq3A_1198 : vector<64x128xi1>
    %eq3A_1202 = arith.constant dense<true> : vector<64x128xi1>
    %eq3A_1203 = arith.xori %eq3A_1201, %eq3A_1202 : vector<64x128xi1>
    %lt3A_1204 = arith.cmpi slt, %select_n3A_1185, %select_n3A_1171 : vector<64x128xi32>
    %eq3A_1205 = arith.cmpi eq, %select_n3A_1185, %select_n3A_1171 : vector<64x128xi32>
    %lt3A_1206 = arith.cmpi slt, %select_n3A_1192, %select_n3A_1172 : vector<64x128xi32>
    %and3A_1207 = arith.andi %eq3A_1205, %lt3A_1206 : vector<64x128xi1>
    %or3A_1208 = arith.ori %lt3A_1204, %and3A_1207 : vector<64x128xi1>
    %eq3A_1209 = arith.xori %eq3A_1203, %or3A_1208 : vector<64x128xi1>
    %eq3A_1210 = arith.constant dense<true> : vector<64x128xi1>
    %eq3A_1211 = arith.xori %eq3A_1209, %eq3A_1210 : vector<64x128xi1>
    %select_n3A_1212 = arith.select %eq3A_1211, %select_n3A_1185, %select_n3A_1171 : vector<64x128xi1>, vector<64x128xi32>
    %select_n3A_1213 = arith.select %eq3A_1211, %select_n3A_1192, %select_n3A_1172 : vector<64x128xi1>, vector<64x128xi32>
    %and3A_1214 = arith.constant 128 : i32
    %and3A_1215 = vector.broadcast %and3A_1214 : i32 to vector<64x128xi32>
    %and3A_1216 = arith.andi %add3A_74, %and3A_1215 : vector<64x128xi32>
    %ne3A_1217 = arith.constant 0 : i32
    %ne3A_1218 = vector.broadcast %ne3A_1217 : i32 to vector<64x128xi32>
    %ne3A_1219 = arith.cmpi ne, %and3A_1216, %ne3A_1218 : vector<64x128xi32>
    %slice3A_1220 = vector.extract_strided_slice %select_n3A_1212 {offsets = [63, 0], sizes = [1, 128], strides = [1, 1]} : vector<64x128xi32> to vector<1x128xi32>
    %slice3A_1221 = vector.extract_strided_slice %select_n3A_1212 {offsets = [0, 0], sizes = [63, 128], strides = [1, 1]} : vector<64x128xi32> to vector<63x128xi32>
    %concatenate3A_1222 = tpu.concatenate %slice3A_1220, %slice3A_1221 in 0 : vector<1x128xi32>, vector<63x128xi32> -> vector<64x128xi32>
    %slice3A_1223 = vector.extract_strided_slice %select_n3A_1212 {offsets = [1, 0], sizes = [63, 128], strides = [1, 1]} : vector<64x128xi32> to vector<63x128xi32>
    %slice3A_1224 = vector.extract_strided_slice %select_n3A_1212 {offsets = [0, 0], sizes = [1, 128], strides = [1, 1]} : vector<64x128xi32> to vector<1x128xi32>
    %concatenate3A_1225 = tpu.concatenate %slice3A_1223, %slice3A_1224 in 0 : vector<63x128xi32>, vector<1x128xi32> -> vector<64x128xi32>
    %select_n3A_1226 = arith.select %ne3A_1219, %concatenate3A_1222, %concatenate3A_1225 : vector<64x128xi1>, vector<64x128xi32>
    %slice3A_1227 = vector.extract_strided_slice %select_n3A_1213 {offsets = [63, 0], sizes = [1, 128], strides = [1, 1]} : vector<64x128xi32> to vector<1x128xi32>
    %slice3A_1228 = vector.extract_strided_slice %select_n3A_1213 {offsets = [0, 0], sizes = [63, 128], strides = [1, 1]} : vector<64x128xi32> to vector<63x128xi32>
    %concatenate3A_1229 = tpu.concatenate %slice3A_1227, %slice3A_1228 in 0 : vector<1x128xi32>, vector<63x128xi32> -> vector<64x128xi32>
    %slice3A_1230 = vector.extract_strided_slice %select_n3A_1213 {offsets = [1, 0], sizes = [63, 128], strides = [1, 1]} : vector<64x128xi32> to vector<63x128xi32>
    %slice3A_1231 = vector.extract_strided_slice %select_n3A_1213 {offsets = [0, 0], sizes = [1, 128], strides = [1, 1]} : vector<64x128xi32> to vector<1x128xi32>
    %concatenate3A_1232 = tpu.concatenate %slice3A_1230, %slice3A_1231 in 0 : vector<63x128xi32>, vector<1x128xi32> -> vector<64x128xi32>
    %select_n3A_1233 = arith.select %ne3A_1219, %concatenate3A_1229, %concatenate3A_1232 : vector<64x128xi1>, vector<64x128xi32>
    %and3A_1234 = arith.constant 256 : i32
    %and3A_1235 = vector.broadcast %and3A_1234 : i32 to vector<64x128xi32>
    %and3A_1236 = arith.andi %add3A_74, %and3A_1235 : vector<64x128xi32>
    %eq3A_1237 = arith.constant 0 : i32
    %eq3A_1238 = vector.broadcast %eq3A_1237 : i32 to vector<64x128xi32>
    %eq3A_1239 = arith.cmpi eq, %and3A_1236, %eq3A_1238 : vector<64x128xi32>
    %not3A_1240 = arith.constant dense<true> : vector<64x128xi1>
    %not3A_1241 = arith.xori %ne3A_1219, %not3A_1240 : vector<64x128xi1>
    %eq3A_1242 = arith.xori %not3A_1241, %eq3A_1239 : vector<64x128xi1>
    %eq3A_1243 = arith.constant dense<true> : vector<64x128xi1>
    %eq3A_1244 = arith.xori %eq3A_1242, %eq3A_1243 : vector<64x128xi1>
    %lt3A_1245 = arith.cmpi slt, %select_n3A_1226, %select_n3A_1212 : vector<64x128xi32>
    %eq3A_1246 = arith.cmpi eq, %select_n3A_1226, %select_n3A_1212 : vector<64x128xi32>
    %lt3A_1247 = arith.cmpi slt, %select_n3A_1233, %select_n3A_1213 : vector<64x128xi32>
    %and3A_1248 = arith.andi %eq3A_1246, %lt3A_1247 : vector<64x128xi1>
    %or3A_1249 = arith.ori %lt3A_1245, %and3A_1248 : vector<64x128xi1>
    %eq3A_1250 = arith.xori %eq3A_1244, %or3A_1249 : vector<64x128xi1>
    %eq3A_1251 = arith.constant dense<true> : vector<64x128xi1>
    %eq3A_1252 = arith.xori %eq3A_1250, %eq3A_1251 : vector<64x128xi1>
    %select_n3A_1253 = arith.select %eq3A_1252, %select_n3A_1226, %select_n3A_1212 : vector<64x128xi1>, vector<64x128xi32>
    %select_n3A_1254 = arith.select %eq3A_1252, %select_n3A_1233, %select_n3A_1213 : vector<64x128xi1>, vector<64x128xi32>
    %and3A_1255 = arith.constant 64 : i32
    %and3A_1256 = vector.broadcast %and3A_1255 : i32 to vector<64x128xi32>
    %and3A_1257 = arith.andi %add3A_74, %and3A_1256 : vector<64x128xi32>
    %ne3A_1258 = arith.constant 0 : i32
    %ne3A_1259 = vector.broadcast %ne3A_1258 : i32 to vector<64x128xi32>
    %ne3A_1260 = arith.cmpi ne, %and3A_1257, %ne3A_1259 : vector<64x128xi32>
    %slice3A_1261 = vector.extract_strided_slice %select_n3A_1253 {offsets = [0, 64], sizes = [64, 64], strides = [1, 1]} : vector<64x128xi32> to vector<64x64xi32>
    %slice3A_1262 = vector.extract_strided_slice %select_n3A_1253 {offsets = [0, 0], sizes = [64, 64], strides = [1, 1]} : vector<64x128xi32> to vector<64x64xi32>
    %concatenate3A_1263 = tpu.concatenate %slice3A_1261, %slice3A_1262 in 1 : vector<64x64xi32>, vector<64x64xi32> -> vector<64x128xi32>
    %slice3A_1264 = vector.extract_strided_slice %select_n3A_1253 {offsets = [0, 64], sizes = [64, 64], strides = [1, 1]} : vector<64x128xi32> to vector<64x64xi32>
    %slice3A_1265 = vector.extract_strided_slice %select_n3A_1253 {offsets = [0, 0], sizes = [64, 64], strides = [1, 1]} : vector<64x128xi32> to vector<64x64xi32>
    %concatenate3A_1266 = tpu.concatenate %slice3A_1264, %slice3A_1265 in 1 : vector<64x64xi32>, vector<64x64xi32> -> vector<64x128xi32>
    %select_n3A_1267 = arith.select %ne3A_1260, %concatenate3A_1263, %concatenate3A_1266 : vector<64x128xi1>, vector<64x128xi32>
    %slice3A_1268 = vector.extract_strided_slice %select_n3A_1254 {offsets = [0, 64], sizes = [64, 64], strides = [1, 1]} : vector<64x128xi32> to vector<64x64xi32>
    %slice3A_1269 = vector.extract_strided_slice %select_n3A_1254 {offsets = [0, 0], sizes = [64, 64], strides = [1, 1]} : vector<64x128xi32> to vector<64x64xi32>
    %concatenate3A_1270 = tpu.concatenate %slice3A_1268, %slice3A_1269 in 1 : vector<64x64xi32>, vector<64x64xi32> -> vector<64x128xi32>
    %slice3A_1271 = vector.extract_strided_slice %select_n3A_1254 {offsets = [0, 64], sizes = [64, 64], strides = [1, 1]} : vector<64x128xi32> to vector<64x64xi32>
    %slice3A_1272 = vector.extract_strided_slice %select_n3A_1254 {offsets = [0, 0], sizes = [64, 64], strides = [1, 1]} : vector<64x128xi32> to vector<64x64xi32>
    %concatenate3A_1273 = tpu.concatenate %slice3A_1271, %slice3A_1272 in 1 : vector<64x64xi32>, vector<64x64xi32> -> vector<64x128xi32>
    %select_n3A_1274 = arith.select %ne3A_1260, %concatenate3A_1270, %concatenate3A_1273 : vector<64x128xi1>, vector<64x128xi32>
    %and3A_1275 = arith.constant 256 : i32
    %and3A_1276 = vector.broadcast %and3A_1275 : i32 to vector<64x128xi32>
    %and3A_1277 = arith.andi %add3A_74, %and3A_1276 : vector<64x128xi32>
    %eq3A_1278 = arith.constant 0 : i32
    %eq3A_1279 = vector.broadcast %eq3A_1278 : i32 to vector<64x128xi32>
    %eq3A_1280 = arith.cmpi eq, %and3A_1277, %eq3A_1279 : vector<64x128xi32>
    %not3A_1281 = arith.constant dense<true> : vector<64x128xi1>
    %not3A_1282 = arith.xori %ne3A_1260, %not3A_1281 : vector<64x128xi1>
    %eq3A_1283 = arith.xori %not3A_1282, %eq3A_1280 : vector<64x128xi1>
    %eq3A_1284 = arith.constant dense<true> : vector<64x128xi1>
    %eq3A_1285 = arith.xori %eq3A_1283, %eq3A_1284 : vector<64x128xi1>
    %lt3A_1286 = arith.cmpi slt, %select_n3A_1267, %select_n3A_1253 : vector<64x128xi32>
    %eq3A_1287 = arith.cmpi eq, %select_n3A_1267, %select_n3A_1253 : vector<64x128xi32>
    %lt3A_1288 = arith.cmpi slt, %select_n3A_1274, %select_n3A_1254 : vector<64x128xi32>
    %and3A_1289 = arith.andi %eq3A_1287, %lt3A_1288 : vector<64x128xi1>
    %or3A_1290 = arith.ori %lt3A_1286, %and3A_1289 : vector<64x128xi1>
    %eq3A_1291 = arith.xori %eq3A_1285, %or3A_1290 : vector<64x128xi1>
    %eq3A_1292 = arith.constant dense<true> : vector<64x128xi1>
    %eq3A_1293 = arith.xori %eq3A_1291, %eq3A_1292 : vector<64x128xi1>
    %select_n3A_1294 = arith.select %eq3A_1293, %select_n3A_1267, %select_n3A_1253 : vector<64x128xi1>, vector<64x128xi32>
    %select_n3A_1295 = arith.select %eq3A_1293, %select_n3A_1274, %select_n3A_1254 : vector<64x128xi1>, vector<64x128xi32>
    %and3A_1296 = arith.constant 32 : i32
    %and3A_1297 = vector.broadcast %and3A_1296 : i32 to vector<64x128xi32>
    %and3A_1298 = arith.andi %add3A_74, %and3A_1297 : vector<64x128xi32>
    %ne3A_1299 = arith.constant 0 : i32
    %ne3A_1300 = vector.broadcast %ne3A_1299 : i32 to vector<64x128xi32>
    %ne3A_1301 = arith.cmpi ne, %and3A_1298, %ne3A_1300 : vector<64x128xi32>
    %slice3A_1302 = vector.extract_strided_slice %select_n3A_1294 {offsets = [0, 96], sizes = [64, 32], strides = [1, 1]} : vector<64x128xi32> to vector<64x32xi32>
    %slice3A_1303 = vector.extract_strided_slice %select_n3A_1294 {offsets = [0, 0], sizes = [64, 96], strides = [1, 1]} : vector<64x128xi32> to vector<64x96xi32>
    %concatenate3A_1304 = tpu.concatenate %slice3A_1302, %slice3A_1303 in 1 : vector<64x32xi32>, vector<64x96xi32> -> vector<64x128xi32>
    %slice3A_1305 = vector.extract_strided_slice %select_n3A_1294 {offsets = [0, 32], sizes = [64, 96], strides = [1, 1]} : vector<64x128xi32> to vector<64x96xi32>
    %slice3A_1306 = vector.extract_strided_slice %select_n3A_1294 {offsets = [0, 0], sizes = [64, 32], strides = [1, 1]} : vector<64x128xi32> to vector<64x32xi32>
    %concatenate3A_1307 = tpu.concatenate %slice3A_1305, %slice3A_1306 in 1 : vector<64x96xi32>, vector<64x32xi32> -> vector<64x128xi32>
    %select_n3A_1308 = arith.select %ne3A_1301, %concatenate3A_1304, %concatenate3A_1307 : vector<64x128xi1>, vector<64x128xi32>
    %slice3A_1309 = vector.extract_strided_slice %select_n3A_1295 {offsets = [0, 96], sizes = [64, 32], strides = [1, 1]} : vector<64x128xi32> to vector<64x32xi32>
    %slice3A_1310 = vector.extract_strided_slice %select_n3A_1295 {offsets = [0, 0], sizes = [64, 96], strides = [1, 1]} : vector<64x128xi32> to vector<64x96xi32>
    %concatenate3A_1311 = tpu.concatenate %slice3A_1309, %slice3A_1310 in 1 : vector<64x32xi32>, vector<64x96xi32> -> vector<64x128xi32>
    %slice3A_1312 = vector.extract_strided_slice %select_n3A_1295 {offsets = [0, 32], sizes = [64, 96], strides = [1, 1]} : vector<64x128xi32> to vector<64x96xi32>
    %slice3A_1313 = vector.extract_strided_slice %select_n3A_1295 {offsets = [0, 0], sizes = [64, 32], strides = [1, 1]} : vector<64x128xi32> to vector<64x32xi32>
    %concatenate3A_1314 = tpu.concatenate %slice3A_1312, %slice3A_1313 in 1 : vector<64x96xi32>, vector<64x32xi32> -> vector<64x128xi32>
    %select_n3A_1315 = arith.select %ne3A_1301, %concatenate3A_1311, %concatenate3A_1314 : vector<64x128xi1>, vector<64x128xi32>
    %and3A_1316 = arith.constant 256 : i32
    %and3A_1317 = vector.broadcast %and3A_1316 : i32 to vector<64x128xi32>
    %and3A_1318 = arith.andi %add3A_74, %and3A_1317 : vector<64x128xi32>
    %eq3A_1319 = arith.constant 0 : i32
    %eq3A_1320 = vector.broadcast %eq3A_1319 : i32 to vector<64x128xi32>
    %eq3A_1321 = arith.cmpi eq, %and3A_1318, %eq3A_1320 : vector<64x128xi32>
    %not3A_1322 = arith.constant dense<true> : vector<64x128xi1>
    %not3A_1323 = arith.xori %ne3A_1301, %not3A_1322 : vector<64x128xi1>
    %eq3A_1324 = arith.xori %not3A_1323, %eq3A_1321 : vector<64x128xi1>
    %eq3A_1325 = arith.constant dense<true> : vector<64x128xi1>
    %eq3A_1326 = arith.xori %eq3A_1324, %eq3A_1325 : vector<64x128xi1>
    %lt3A_1327 = arith.cmpi slt, %select_n3A_1308, %select_n3A_1294 : vector<64x128xi32>
    %eq3A_1328 = arith.cmpi eq, %select_n3A_1308, %select_n3A_1294 : vector<64x128xi32>
    %lt3A_1329 = arith.cmpi slt, %select_n3A_1315, %select_n3A_1295 : vector<64x128xi32>
    %and3A_1330 = arith.andi %eq3A_1328, %lt3A_1329 : vector<64x128xi1>
    %or3A_1331 = arith.ori %lt3A_1327, %and3A_1330 : vector<64x128xi1>
    %eq3A_1332 = arith.xori %eq3A_1326, %or3A_1331 : vector<64x128xi1>
    %eq3A_1333 = arith.constant dense<true> : vector<64x128xi1>
    %eq3A_1334 = arith.xori %eq3A_1332, %eq3A_1333 : vector<64x128xi1>
    %select_n3A_1335 = arith.select %eq3A_1334, %select_n3A_1308, %select_n3A_1294 : vector<64x128xi1>, vector<64x128xi32>
    %select_n3A_1336 = arith.select %eq3A_1334, %select_n3A_1315, %select_n3A_1295 : vector<64x128xi1>, vector<64x128xi32>
    %and3A_1337 = arith.constant 16 : i32
    %and3A_1338 = vector.broadcast %and3A_1337 : i32 to vector<64x128xi32>
    %and3A_1339 = arith.andi %add3A_74, %and3A_1338 : vector<64x128xi32>
    %ne3A_1340 = arith.constant 0 : i32
    %ne3A_1341 = vector.broadcast %ne3A_1340 : i32 to vector<64x128xi32>
    %ne3A_1342 = arith.cmpi ne, %and3A_1339, %ne3A_1341 : vector<64x128xi32>
    %slice3A_1343 = vector.extract_strided_slice %select_n3A_1335 {offsets = [0, 112], sizes = [64, 16], strides = [1, 1]} : vector<64x128xi32> to vector<64x16xi32>
    %slice3A_1344 = vector.extract_strided_slice %select_n3A_1335 {offsets = [0, 0], sizes = [64, 112], strides = [1, 1]} : vector<64x128xi32> to vector<64x112xi32>
    %concatenate3A_1345 = tpu.concatenate %slice3A_1343, %slice3A_1344 in 1 : vector<64x16xi32>, vector<64x112xi32> -> vector<64x128xi32>
    %slice3A_1346 = vector.extract_strided_slice %select_n3A_1335 {offsets = [0, 16], sizes = [64, 112], strides = [1, 1]} : vector<64x128xi32> to vector<64x112xi32>
    %slice3A_1347 = vector.extract_strided_slice %select_n3A_1335 {offsets = [0, 0], sizes = [64, 16], strides = [1, 1]} : vector<64x128xi32> to vector<64x16xi32>
    %concatenate3A_1348 = tpu.concatenate %slice3A_1346, %slice3A_1347 in 1 : vector<64x112xi32>, vector<64x16xi32> -> vector<64x128xi32>
    %select_n3A_1349 = arith.select %ne3A_1342, %concatenate3A_1345, %concatenate3A_1348 : vector<64x128xi1>, vector<64x128xi32>
    %slice3A_1350 = vector.extract_strided_slice %select_n3A_1336 {offsets = [0, 112], sizes = [64, 16], strides = [1, 1]} : vector<64x128xi32> to vector<64x16xi32>
    %slice3A_1351 = vector.extract_strided_slice %select_n3A_1336 {offsets = [0, 0], sizes = [64, 112], strides = [1, 1]} : vector<64x128xi32> to vector<64x112xi32>
    %concatenate3A_1352 = tpu.concatenate %slice3A_1350, %slice3A_1351 in 1 : vector<64x16xi32>, vector<64x112xi32> -> vector<64x128xi32>
    %slice3A_1353 = vector.extract_strided_slice %select_n3A_1336 {offsets = [0, 16], sizes = [64, 112], strides = [1, 1]} : vector<64x128xi32> to vector<64x112xi32>
    %slice3A_1354 = vector.extract_strided_slice %select_n3A_1336 {offsets = [0, 0], sizes = [64, 16], strides = [1, 1]} : vector<64x128xi32> to vector<64x16xi32>
    %concatenate3A_1355 = tpu.concatenate %slice3A_1353, %slice3A_1354 in 1 : vector<64x112xi32>, vector<64x16xi32> -> vector<64x128xi32>
    %select_n3A_1356 = arith.select %ne3A_1342, %concatenate3A_1352, %concatenate3A_1355 : vector<64x128xi1>, vector<64x128xi32>
    %and3A_1357 = arith.constant 256 : i32
    %and3A_1358 = vector.broadcast %and3A_1357 : i32 to vector<64x128xi32>
    %and3A_1359 = arith.andi %add3A_74, %and3A_1358 : vector<64x128xi32>
    %eq3A_1360 = arith.constant 0 : i32
    %eq3A_1361 = vector.broadcast %eq3A_1360 : i32 to vector<64x128xi32>
    %eq3A_1362 = arith.cmpi eq, %and3A_1359, %eq3A_1361 : vector<64x128xi32>
    %not3A_1363 = arith.constant dense<true> : vector<64x128xi1>
    %not3A_1364 = arith.xori %ne3A_1342, %not3A_1363 : vector<64x128xi1>
    %eq3A_1365 = arith.xori %not3A_1364, %eq3A_1362 : vector<64x128xi1>
    %eq3A_1366 = arith.constant dense<true> : vector<64x128xi1>
    %eq3A_1367 = arith.xori %eq3A_1365, %eq3A_1366 : vector<64x128xi1>
    %lt3A_1368 = arith.cmpi slt, %select_n3A_1349, %select_n3A_1335 : vector<64x128xi32>
    %eq3A_1369 = arith.cmpi eq, %select_n3A_1349, %select_n3A_1335 : vector<64x128xi32>
    %lt3A_1370 = arith.cmpi slt, %select_n3A_1356, %select_n3A_1336 : vector<64x128xi32>
    %and3A_1371 = arith.andi %eq3A_1369, %lt3A_1370 : vector<64x128xi1>
    %or3A_1372 = arith.ori %lt3A_1368, %and3A_1371 : vector<64x128xi1>
    %eq3A_1373 = arith.xori %eq3A_1367, %or3A_1372 : vector<64x128xi1>
    %eq3A_1374 = arith.constant dense<true> : vector<64x128xi1>
    %eq3A_1375 = arith.xori %eq3A_1373, %eq3A_1374 : vector<64x128xi1>
    %select_n3A_1376 = arith.select %eq3A_1375, %select_n3A_1349, %select_n3A_1335 : vector<64x128xi1>, vector<64x128xi32>
    %select_n3A_1377 = arith.select %eq3A_1375, %select_n3A_1356, %select_n3A_1336 : vector<64x128xi1>, vector<64x128xi32>
    %and3A_1378 = arith.constant 8 : i32
    %and3A_1379 = vector.broadcast %and3A_1378 : i32 to vector<64x128xi32>
    %and3A_1380 = arith.andi %add3A_74, %and3A_1379 : vector<64x128xi32>
    %ne3A_1381 = arith.constant 0 : i32
    %ne3A_1382 = vector.broadcast %ne3A_1381 : i32 to vector<64x128xi32>
    %ne3A_1383 = arith.cmpi ne, %and3A_1380, %ne3A_1382 : vector<64x128xi32>
    %slice3A_1384 = vector.extract_strided_slice %select_n3A_1376 {offsets = [0, 120], sizes = [64, 8], strides = [1, 1]} : vector<64x128xi32> to vector<64x8xi32>
    %slice3A_1385 = vector.extract_strided_slice %select_n3A_1376 {offsets = [0, 0], sizes = [64, 120], strides = [1, 1]} : vector<64x128xi32> to vector<64x120xi32>
    %concatenate3A_1386 = tpu.concatenate %slice3A_1384, %slice3A_1385 in 1 : vector<64x8xi32>, vector<64x120xi32> -> vector<64x128xi32>
    %slice3A_1387 = vector.extract_strided_slice %select_n3A_1376 {offsets = [0, 8], sizes = [64, 120], strides = [1, 1]} : vector<64x128xi32> to vector<64x120xi32>
    %slice3A_1388 = vector.extract_strided_slice %select_n3A_1376 {offsets = [0, 0], sizes = [64, 8], strides = [1, 1]} : vector<64x128xi32> to vector<64x8xi32>
    %concatenate3A_1389 = tpu.concatenate %slice3A_1387, %slice3A_1388 in 1 : vector<64x120xi32>, vector<64x8xi32> -> vector<64x128xi32>
    %select_n3A_1390 = arith.select %ne3A_1383, %concatenate3A_1386, %concatenate3A_1389 : vector<64x128xi1>, vector<64x128xi32>
    %slice3A_1391 = vector.extract_strided_slice %select_n3A_1377 {offsets = [0, 120], sizes = [64, 8], strides = [1, 1]} : vector<64x128xi32> to vector<64x8xi32>
    %slice3A_1392 = vector.extract_strided_slice %select_n3A_1377 {offsets = [0, 0], sizes = [64, 120], strides = [1, 1]} : vector<64x128xi32> to vector<64x120xi32>
    %concatenate3A_1393 = tpu.concatenate %slice3A_1391, %slice3A_1392 in 1 : vector<64x8xi32>, vector<64x120xi32> -> vector<64x128xi32>
    %slice3A_1394 = vector.extract_strided_slice %select_n3A_1377 {offsets = [0, 8], sizes = [64, 120], strides = [1, 1]} : vector<64x128xi32> to vector<64x120xi32>
    %slice3A_1395 = vector.extract_strided_slice %select_n3A_1377 {offsets = [0, 0], sizes = [64, 8], strides = [1, 1]} : vector<64x128xi32> to vector<64x8xi32>
    %concatenate3A_1396 = tpu.concatenate %slice3A_1394, %slice3A_1395 in 1 : vector<64x120xi32>, vector<64x8xi32> -> vector<64x128xi32>
    %select_n3A_1397 = arith.select %ne3A_1383, %concatenate3A_1393, %concatenate3A_1396 : vector<64x128xi1>, vector<64x128xi32>
    %and3A_1398 = arith.constant 256 : i32
    %and3A_1399 = vector.broadcast %and3A_1398 : i32 to vector<64x128xi32>
    %and3A_1400 = arith.andi %add3A_74, %and3A_1399 : vector<64x128xi32>
    %eq3A_1401 = arith.constant 0 : i32
    %eq3A_1402 = vector.broadcast %eq3A_1401 : i32 to vector<64x128xi32>
    %eq3A_1403 = arith.cmpi eq, %and3A_1400, %eq3A_1402 : vector<64x128xi32>
    %not3A_1404 = arith.constant dense<true> : vector<64x128xi1>
    %not3A_1405 = arith.xori %ne3A_1383, %not3A_1404 : vector<64x128xi1>
    %eq3A_1406 = arith.xori %not3A_1405, %eq3A_1403 : vector<64x128xi1>
    %eq3A_1407 = arith.constant dense<true> : vector<64x128xi1>
    %eq3A_1408 = arith.xori %eq3A_1406, %eq3A_1407 : vector<64x128xi1>
    %lt3A_1409 = arith.cmpi slt, %select_n3A_1390, %select_n3A_1376 : vector<64x128xi32>
    %eq3A_1410 = arith.cmpi eq, %select_n3A_1390, %select_n3A_1376 : vector<64x128xi32>
    %lt3A_1411 = arith.cmpi slt, %select_n3A_1397, %select_n3A_1377 : vector<64x128xi32>
    %and3A_1412 = arith.andi %eq3A_1410, %lt3A_1411 : vector<64x128xi1>
    %or3A_1413 = arith.ori %lt3A_1409, %and3A_1412 : vector<64x128xi1>
    %eq3A_1414 = arith.xori %eq3A_1408, %or3A_1413 : vector<64x128xi1>
    %eq3A_1415 = arith.constant dense<true> : vector<64x128xi1>
    %eq3A_1416 = arith.xori %eq3A_1414, %eq3A_1415 : vector<64x128xi1>
    %select_n3A_1417 = arith.select %eq3A_1416, %select_n3A_1390, %select_n3A_1376 : vector<64x128xi1>, vector<64x128xi32>
    %select_n3A_1418 = arith.select %eq3A_1416, %select_n3A_1397, %select_n3A_1377 : vector<64x128xi1>, vector<64x128xi32>
    %and3A_1419 = arith.constant 4 : i32
    %and3A_1420 = vector.broadcast %and3A_1419 : i32 to vector<64x128xi32>
    %and3A_1421 = arith.andi %add3A_74, %and3A_1420 : vector<64x128xi32>
    %ne3A_1422 = arith.constant 0 : i32
    %ne3A_1423 = vector.broadcast %ne3A_1422 : i32 to vector<64x128xi32>
    %ne3A_1424 = arith.cmpi ne, %and3A_1421, %ne3A_1423 : vector<64x128xi32>
    %slice3A_1425 = vector.extract_strided_slice %select_n3A_1417 {offsets = [0, 124], sizes = [64, 4], strides = [1, 1]} : vector<64x128xi32> to vector<64x4xi32>
    %slice3A_1426 = vector.extract_strided_slice %select_n3A_1417 {offsets = [0, 0], sizes = [64, 124], strides = [1, 1]} : vector<64x128xi32> to vector<64x124xi32>
    %concatenate3A_1427 = tpu.concatenate %slice3A_1425, %slice3A_1426 in 1 : vector<64x4xi32>, vector<64x124xi32> -> vector<64x128xi32>
    %slice3A_1428 = vector.extract_strided_slice %select_n3A_1417 {offsets = [0, 4], sizes = [64, 124], strides = [1, 1]} : vector<64x128xi32> to vector<64x124xi32>
    %slice3A_1429 = vector.extract_strided_slice %select_n3A_1417 {offsets = [0, 0], sizes = [64, 4], strides = [1, 1]} : vector<64x128xi32> to vector<64x4xi32>
    %concatenate3A_1430 = tpu.concatenate %slice3A_1428, %slice3A_1429 in 1 : vector<64x124xi32>, vector<64x4xi32> -> vector<64x128xi32>
    %select_n3A_1431 = arith.select %ne3A_1424, %concatenate3A_1427, %concatenate3A_1430 : vector<64x128xi1>, vector<64x128xi32>
    %slice3A_1432 = vector.extract_strided_slice %select_n3A_1418 {offsets = [0, 124], sizes = [64, 4], strides = [1, 1]} : vector<64x128xi32> to vector<64x4xi32>
    %slice3A_1433 = vector.extract_strided_slice %select_n3A_1418 {offsets = [0, 0], sizes = [64, 124], strides = [1, 1]} : vector<64x128xi32> to vector<64x124xi32>
    %concatenate3A_1434 = tpu.concatenate %slice3A_1432, %slice3A_1433 in 1 : vector<64x4xi32>, vector<64x124xi32> -> vector<64x128xi32>
    %slice3A_1435 = vector.extract_strided_slice %select_n3A_1418 {offsets = [0, 4], sizes = [64, 124], strides = [1, 1]} : vector<64x128xi32> to vector<64x124xi32>
    %slice3A_1436 = vector.extract_strided_slice %select_n3A_1418 {offsets = [0, 0], sizes = [64, 4], strides = [1, 1]} : vector<64x128xi32> to vector<64x4xi32>
    %concatenate3A_1437 = tpu.concatenate %slice3A_1435, %slice3A_1436 in 1 : vector<64x124xi32>, vector<64x4xi32> -> vector<64x128xi32>
    %select_n3A_1438 = arith.select %ne3A_1424, %concatenate3A_1434, %concatenate3A_1437 : vector<64x128xi1>, vector<64x128xi32>
    %and3A_1439 = arith.constant 256 : i32
    %and3A_1440 = vector.broadcast %and3A_1439 : i32 to vector<64x128xi32>
    %and3A_1441 = arith.andi %add3A_74, %and3A_1440 : vector<64x128xi32>
    %eq3A_1442 = arith.constant 0 : i32
    %eq3A_1443 = vector.broadcast %eq3A_1442 : i32 to vector<64x128xi32>
    %eq3A_1444 = arith.cmpi eq, %and3A_1441, %eq3A_1443 : vector<64x128xi32>
    %not3A_1445 = arith.constant dense<true> : vector<64x128xi1>
    %not3A_1446 = arith.xori %ne3A_1424, %not3A_1445 : vector<64x128xi1>
    %eq3A_1447 = arith.xori %not3A_1446, %eq3A_1444 : vector<64x128xi1>
    %eq3A_1448 = arith.constant dense<true> : vector<64x128xi1>
    %eq3A_1449 = arith.xori %eq3A_1447, %eq3A_1448 : vector<64x128xi1>
    %lt3A_1450 = arith.cmpi slt, %select_n3A_1431, %select_n3A_1417 : vector<64x128xi32>
    %eq3A_1451 = arith.cmpi eq, %select_n3A_1431, %select_n3A_1417 : vector<64x128xi32>
    %lt3A_1452 = arith.cmpi slt, %select_n3A_1438, %select_n3A_1418 : vector<64x128xi32>
    %and3A_1453 = arith.andi %eq3A_1451, %lt3A_1452 : vector<64x128xi1>
    %or3A_1454 = arith.ori %lt3A_1450, %and3A_1453 : vector<64x128xi1>
    %eq3A_1455 = arith.xori %eq3A_1449, %or3A_1454 : vector<64x128xi1>
    %eq3A_1456 = arith.constant dense<true> : vector<64x128xi1>
    %eq3A_1457 = arith.xori %eq3A_1455, %eq3A_1456 : vector<64x128xi1>
    %select_n3A_1458 = arith.select %eq3A_1457, %select_n3A_1431, %select_n3A_1417 : vector<64x128xi1>, vector<64x128xi32>
    %select_n3A_1459 = arith.select %eq3A_1457, %select_n3A_1438, %select_n3A_1418 : vector<64x128xi1>, vector<64x128xi32>
    %and3A_1460 = arith.constant 2 : i32
    %and3A_1461 = vector.broadcast %and3A_1460 : i32 to vector<64x128xi32>
    %and3A_1462 = arith.andi %add3A_74, %and3A_1461 : vector<64x128xi32>
    %ne3A_1463 = arith.constant 0 : i32
    %ne3A_1464 = vector.broadcast %ne3A_1463 : i32 to vector<64x128xi32>
    %ne3A_1465 = arith.cmpi ne, %and3A_1462, %ne3A_1464 : vector<64x128xi32>
    %slice3A_1466 = vector.extract_strided_slice %select_n3A_1458 {offsets = [0, 126], sizes = [64, 2], strides = [1, 1]} : vector<64x128xi32> to vector<64x2xi32>
    %slice3A_1467 = vector.extract_strided_slice %select_n3A_1458 {offsets = [0, 0], sizes = [64, 126], strides = [1, 1]} : vector<64x128xi32> to vector<64x126xi32>
    %concatenate3A_1468 = tpu.concatenate %slice3A_1466, %slice3A_1467 in 1 : vector<64x2xi32>, vector<64x126xi32> -> vector<64x128xi32>
    %slice3A_1469 = vector.extract_strided_slice %select_n3A_1458 {offsets = [0, 2], sizes = [64, 126], strides = [1, 1]} : vector<64x128xi32> to vector<64x126xi32>
    %slice3A_1470 = vector.extract_strided_slice %select_n3A_1458 {offsets = [0, 0], sizes = [64, 2], strides = [1, 1]} : vector<64x128xi32> to vector<64x2xi32>
    %concatenate3A_1471 = tpu.concatenate %slice3A_1469, %slice3A_1470 in 1 : vector<64x126xi32>, vector<64x2xi32> -> vector<64x128xi32>
    %select_n3A_1472 = arith.select %ne3A_1465, %concatenate3A_1468, %concatenate3A_1471 : vector<64x128xi1>, vector<64x128xi32>
    %slice3A_1473 = vector.extract_strided_slice %select_n3A_1459 {offsets = [0, 126], sizes = [64, 2], strides = [1, 1]} : vector<64x128xi32> to vector<64x2xi32>
    %slice3A_1474 = vector.extract_strided_slice %select_n3A_1459 {offsets = [0, 0], sizes = [64, 126], strides = [1, 1]} : vector<64x128xi32> to vector<64x126xi32>
    %concatenate3A_1475 = tpu.concatenate %slice3A_1473, %slice3A_1474 in 1 : vector<64x2xi32>, vector<64x126xi32> -> vector<64x128xi32>
    %slice3A_1476 = vector.extract_strided_slice %select_n3A_1459 {offsets = [0, 2], sizes = [64, 126], strides = [1, 1]} : vector<64x128xi32> to vector<64x126xi32>
    %slice3A_1477 = vector.extract_strided_slice %select_n3A_1459 {offsets = [0, 0], sizes = [64, 2], strides = [1, 1]} : vector<64x128xi32> to vector<64x2xi32>
    %concatenate3A_1478 = tpu.concatenate %slice3A_1476, %slice3A_1477 in 1 : vector<64x126xi32>, vector<64x2xi32> -> vector<64x128xi32>
    %select_n3A_1479 = arith.select %ne3A_1465, %concatenate3A_1475, %concatenate3A_1478 : vector<64x128xi1>, vector<64x128xi32>
    %and3A_1480 = arith.constant 256 : i32
    %and3A_1481 = vector.broadcast %and3A_1480 : i32 to vector<64x128xi32>
    %and3A_1482 = arith.andi %add3A_74, %and3A_1481 : vector<64x128xi32>
    %eq3A_1483 = arith.constant 0 : i32
    %eq3A_1484 = vector.broadcast %eq3A_1483 : i32 to vector<64x128xi32>
    %eq3A_1485 = arith.cmpi eq, %and3A_1482, %eq3A_1484 : vector<64x128xi32>
    %not3A_1486 = arith.constant dense<true> : vector<64x128xi1>
    %not3A_1487 = arith.xori %ne3A_1465, %not3A_1486 : vector<64x128xi1>
    %eq3A_1488 = arith.xori %not3A_1487, %eq3A_1485 : vector<64x128xi1>
    %eq3A_1489 = arith.constant dense<true> : vector<64x128xi1>
    %eq3A_1490 = arith.xori %eq3A_1488, %eq3A_1489 : vector<64x128xi1>
    %lt3A_1491 = arith.cmpi slt, %select_n3A_1472, %select_n3A_1458 : vector<64x128xi32>
    %eq3A_1492 = arith.cmpi eq, %select_n3A_1472, %select_n3A_1458 : vector<64x128xi32>
    %lt3A_1493 = arith.cmpi slt, %select_n3A_1479, %select_n3A_1459 : vector<64x128xi32>
    %and3A_1494 = arith.andi %eq3A_1492, %lt3A_1493 : vector<64x128xi1>
    %or3A_1495 = arith.ori %lt3A_1491, %and3A_1494 : vector<64x128xi1>
    %eq3A_1496 = arith.xori %eq3A_1490, %or3A_1495 : vector<64x128xi1>
    %eq3A_1497 = arith.constant dense<true> : vector<64x128xi1>
    %eq3A_1498 = arith.xori %eq3A_1496, %eq3A_1497 : vector<64x128xi1>
    %select_n3A_1499 = arith.select %eq3A_1498, %select_n3A_1472, %select_n3A_1458 : vector<64x128xi1>, vector<64x128xi32>
    %select_n3A_1500 = arith.select %eq3A_1498, %select_n3A_1479, %select_n3A_1459 : vector<64x128xi1>, vector<64x128xi32>
    %and3A_1501 = arith.constant 1 : i32
    %and3A_1502 = vector.broadcast %and3A_1501 : i32 to vector<64x128xi32>
    %and3A_1503 = arith.andi %add3A_74, %and3A_1502 : vector<64x128xi32>
    %ne3A_1504 = arith.constant 0 : i32
    %ne3A_1505 = vector.broadcast %ne3A_1504 : i32 to vector<64x128xi32>
    %ne3A_1506 = arith.cmpi ne, %and3A_1503, %ne3A_1505 : vector<64x128xi32>
    %slice3A_1507 = vector.extract_strided_slice %select_n3A_1499 {offsets = [0, 127], sizes = [64, 1], strides = [1, 1]} : vector<64x128xi32> to vector<64x1xi32>
    %slice3A_1508 = vector.extract_strided_slice %select_n3A_1499 {offsets = [0, 0], sizes = [64, 127], strides = [1, 1]} : vector<64x128xi32> to vector<64x127xi32>
    %concatenate3A_1509 = tpu.concatenate %slice3A_1507, %slice3A_1508 in 1 : vector<64x1xi32>, vector<64x127xi32> -> vector<64x128xi32>
    %slice3A_1510 = vector.extract_strided_slice %select_n3A_1499 {offsets = [0, 1], sizes = [64, 127], strides = [1, 1]} : vector<64x128xi32> to vector<64x127xi32>
    %slice3A_1511 = vector.extract_strided_slice %select_n3A_1499 {offsets = [0, 0], sizes = [64, 1], strides = [1, 1]} : vector<64x128xi32> to vector<64x1xi32>
    %concatenate3A_1512 = tpu.concatenate %slice3A_1510, %slice3A_1511 in 1 : vector<64x127xi32>, vector<64x1xi32> -> vector<64x128xi32>
    %select_n3A_1513 = arith.select %ne3A_1506, %concatenate3A_1509, %concatenate3A_1512 : vector<64x128xi1>, vector<64x128xi32>
    %slice3A_1514 = vector.extract_strided_slice %select_n3A_1500 {offsets = [0, 127], sizes = [64, 1], strides = [1, 1]} : vector<64x128xi32> to vector<64x1xi32>
    %slice3A_1515 = vector.extract_strided_slice %select_n3A_1500 {offsets = [0, 0], sizes = [64, 127], strides = [1, 1]} : vector<64x128xi32> to vector<64x127xi32>
    %concatenate3A_1516 = tpu.concatenate %slice3A_1514, %slice3A_1515 in 1 : vector<64x1xi32>, vector<64x127xi32> -> vector<64x128xi32>
    %slice3A_1517 = vector.extract_strided_slice %select_n3A_1500 {offsets = [0, 1], sizes = [64, 127], strides = [1, 1]} : vector<64x128xi32> to vector<64x127xi32>
    %slice3A_1518 = vector.extract_strided_slice %select_n3A_1500 {offsets = [0, 0], sizes = [64, 1], strides = [1, 1]} : vector<64x128xi32> to vector<64x1xi32>
    %concatenate3A_1519 = tpu.concatenate %slice3A_1517, %slice3A_1518 in 1 : vector<64x127xi32>, vector<64x1xi32> -> vector<64x128xi32>
    %select_n3A_1520 = arith.select %ne3A_1506, %concatenate3A_1516, %concatenate3A_1519 : vector<64x128xi1>, vector<64x128xi32>
    %and3A_1521 = arith.constant 256 : i32
    %and3A_1522 = vector.broadcast %and3A_1521 : i32 to vector<64x128xi32>
    %and3A_1523 = arith.andi %add3A_74, %and3A_1522 : vector<64x128xi32>
    %eq3A_1524 = arith.constant 0 : i32
    %eq3A_1525 = vector.broadcast %eq3A_1524 : i32 to vector<64x128xi32>
    %eq3A_1526 = arith.cmpi eq, %and3A_1523, %eq3A_1525 : vector<64x128xi32>
    %not3A_1527 = arith.constant dense<true> : vector<64x128xi1>
    %not3A_1528 = arith.xori %ne3A_1506, %not3A_1527 : vector<64x128xi1>
    %eq3A_1529 = arith.xori %not3A_1528, %eq3A_1526 : vector<64x128xi1>
    %eq3A_1530 = arith.constant dense<true> : vector<64x128xi1>
    %eq3A_1531 = arith.xori %eq3A_1529, %eq3A_1530 : vector<64x128xi1>
    %lt3A_1532 = arith.cmpi slt, %select_n3A_1513, %select_n3A_1499 : vector<64x128xi32>
    %eq3A_1533 = arith.cmpi eq, %select_n3A_1513, %select_n3A_1499 : vector<64x128xi32>
    %lt3A_1534 = arith.cmpi slt, %select_n3A_1520, %select_n3A_1500 : vector<64x128xi32>
    %and3A_1535 = arith.andi %eq3A_1533, %lt3A_1534 : vector<64x128xi1>
    %or3A_1536 = arith.ori %lt3A_1532, %and3A_1535 : vector<64x128xi1>
    %eq3A_1537 = arith.xori %eq3A_1531, %or3A_1536 : vector<64x128xi1>
    %eq3A_1538 = arith.constant dense<true> : vector<64x128xi1>
    %eq3A_1539 = arith.xori %eq3A_1537, %eq3A_1538 : vector<64x128xi1>
    %select_n3A_1540 = arith.select %eq3A_1539, %select_n3A_1513, %select_n3A_1499 : vector<64x128xi1>, vector<64x128xi32>
    %select_n3A_1541 = arith.select %eq3A_1539, %select_n3A_1520, %select_n3A_1500 : vector<64x128xi1>, vector<64x128xi32>
    %and3A_1542 = arith.constant 256 : i32
    %and3A_1543 = vector.broadcast %and3A_1542 : i32 to vector<64x128xi32>
    %and3A_1544 = arith.andi %add3A_74, %and3A_1543 : vector<64x128xi32>
    %ne3A_1545 = arith.constant 0 : i32
    %ne3A_1546 = vector.broadcast %ne3A_1545 : i32 to vector<64x128xi32>
    %ne3A_1547 = arith.cmpi ne, %and3A_1544, %ne3A_1546 : vector<64x128xi32>
    %slice3A_1548 = vector.extract_strided_slice %select_n3A_1540 {offsets = [62, 0], sizes = [2, 128], strides = [1, 1]} : vector<64x128xi32> to vector<2x128xi32>
    %slice3A_1549 = vector.extract_strided_slice %select_n3A_1540 {offsets = [0, 0], sizes = [62, 128], strides = [1, 1]} : vector<64x128xi32> to vector<62x128xi32>
    %concatenate3A_1550 = tpu.concatenate %slice3A_1548, %slice3A_1549 in 0 : vector<2x128xi32>, vector<62x128xi32> -> vector<64x128xi32>
    %slice3A_1551 = vector.extract_strided_slice %select_n3A_1540 {offsets = [2, 0], sizes = [62, 128], strides = [1, 1]} : vector<64x128xi32> to vector<62x128xi32>
    %slice3A_1552 = vector.extract_strided_slice %select_n3A_1540 {offsets = [0, 0], sizes = [2, 128], strides = [1, 1]} : vector<64x128xi32> to vector<2x128xi32>
    %concatenate3A_1553 = tpu.concatenate %slice3A_1551, %slice3A_1552 in 0 : vector<62x128xi32>, vector<2x128xi32> -> vector<64x128xi32>
    %select_n3A_1554 = arith.select %ne3A_1547, %concatenate3A_1550, %concatenate3A_1553 : vector<64x128xi1>, vector<64x128xi32>
    %slice3A_1555 = vector.extract_strided_slice %select_n3A_1541 {offsets = [62, 0], sizes = [2, 128], strides = [1, 1]} : vector<64x128xi32> to vector<2x128xi32>
    %slice3A_1556 = vector.extract_strided_slice %select_n3A_1541 {offsets = [0, 0], sizes = [62, 128], strides = [1, 1]} : vector<64x128xi32> to vector<62x128xi32>
    %concatenate3A_1557 = tpu.concatenate %slice3A_1555, %slice3A_1556 in 0 : vector<2x128xi32>, vector<62x128xi32> -> vector<64x128xi32>
    %slice3A_1558 = vector.extract_strided_slice %select_n3A_1541 {offsets = [2, 0], sizes = [62, 128], strides = [1, 1]} : vector<64x128xi32> to vector<62x128xi32>
    %slice3A_1559 = vector.extract_strided_slice %select_n3A_1541 {offsets = [0, 0], sizes = [2, 128], strides = [1, 1]} : vector<64x128xi32> to vector<2x128xi32>
    %concatenate3A_1560 = tpu.concatenate %slice3A_1558, %slice3A_1559 in 0 : vector<62x128xi32>, vector<2x128xi32> -> vector<64x128xi32>
    %select_n3A_1561 = arith.select %ne3A_1547, %concatenate3A_1557, %concatenate3A_1560 : vector<64x128xi1>, vector<64x128xi32>
    %and3A_1562 = arith.constant 512 : i32
    %and3A_1563 = vector.broadcast %and3A_1562 : i32 to vector<64x128xi32>
    %and3A_1564 = arith.andi %add3A_74, %and3A_1563 : vector<64x128xi32>
    %eq3A_1565 = arith.constant 0 : i32
    %eq3A_1566 = vector.broadcast %eq3A_1565 : i32 to vector<64x128xi32>
    %eq3A_1567 = arith.cmpi eq, %and3A_1564, %eq3A_1566 : vector<64x128xi32>
    %not3A_1568 = arith.constant dense<true> : vector<64x128xi1>
    %not3A_1569 = arith.xori %ne3A_1547, %not3A_1568 : vector<64x128xi1>
    %eq3A_1570 = arith.xori %not3A_1569, %eq3A_1567 : vector<64x128xi1>
    %eq3A_1571 = arith.constant dense<true> : vector<64x128xi1>
    %eq3A_1572 = arith.xori %eq3A_1570, %eq3A_1571 : vector<64x128xi1>
    %lt3A_1573 = arith.cmpi slt, %select_n3A_1554, %select_n3A_1540 : vector<64x128xi32>
    %eq3A_1574 = arith.cmpi eq, %select_n3A_1554, %select_n3A_1540 : vector<64x128xi32>
    %lt3A_1575 = arith.cmpi slt, %select_n3A_1561, %select_n3A_1541 : vector<64x128xi32>
    %and3A_1576 = arith.andi %eq3A_1574, %lt3A_1575 : vector<64x128xi1>
    %or3A_1577 = arith.ori %lt3A_1573, %and3A_1576 : vector<64x128xi1>
    %eq3A_1578 = arith.xori %eq3A_1572, %or3A_1577 : vector<64x128xi1>
    %eq3A_1579 = arith.constant dense<true> : vector<64x128xi1>
    %eq3A_1580 = arith.xori %eq3A_1578, %eq3A_1579 : vector<64x128xi1>
    %select_n3A_1581 = arith.select %eq3A_1580, %select_n3A_1554, %select_n3A_1540 : vector<64x128xi1>, vector<64x128xi32>
    %select_n3A_1582 = arith.select %eq3A_1580, %select_n3A_1561, %select_n3A_1541 : vector<64x128xi1>, vector<64x128xi32>
    %and3A_1583 = arith.constant 128 : i32
    %and3A_1584 = vector.broadcast %and3A_1583 : i32 to vector<64x128xi32>
    %and3A_1585 = arith.andi %add3A_74, %and3A_1584 : vector<64x128xi32>
    %ne3A_1586 = arith.constant 0 : i32
    %ne3A_1587 = vector.broadcast %ne3A_1586 : i32 to vector<64x128xi32>
    %ne3A_1588 = arith.cmpi ne, %and3A_1585, %ne3A_1587 : vector<64x128xi32>
    %slice3A_1589 = vector.extract_strided_slice %select_n3A_1581 {offsets = [63, 0], sizes = [1, 128], strides = [1, 1]} : vector<64x128xi32> to vector<1x128xi32>
    %slice3A_1590 = vector.extract_strided_slice %select_n3A_1581 {offsets = [0, 0], sizes = [63, 128], strides = [1, 1]} : vector<64x128xi32> to vector<63x128xi32>
    %concatenate3A_1591 = tpu.concatenate %slice3A_1589, %slice3A_1590 in 0 : vector<1x128xi32>, vector<63x128xi32> -> vector<64x128xi32>
    %slice3A_1592 = vector.extract_strided_slice %select_n3A_1581 {offsets = [1, 0], sizes = [63, 128], strides = [1, 1]} : vector<64x128xi32> to vector<63x128xi32>
    %slice3A_1593 = vector.extract_strided_slice %select_n3A_1581 {offsets = [0, 0], sizes = [1, 128], strides = [1, 1]} : vector<64x128xi32> to vector<1x128xi32>
    %concatenate3A_1594 = tpu.concatenate %slice3A_1592, %slice3A_1593 in 0 : vector<63x128xi32>, vector<1x128xi32> -> vector<64x128xi32>
    %select_n3A_1595 = arith.select %ne3A_1588, %concatenate3A_1591, %concatenate3A_1594 : vector<64x128xi1>, vector<64x128xi32>
    %slice3A_1596 = vector.extract_strided_slice %select_n3A_1582 {offsets = [63, 0], sizes = [1, 128], strides = [1, 1]} : vector<64x128xi32> to vector<1x128xi32>
    %slice3A_1597 = vector.extract_strided_slice %select_n3A_1582 {offsets = [0, 0], sizes = [63, 128], strides = [1, 1]} : vector<64x128xi32> to vector<63x128xi32>
    %concatenate3A_1598 = tpu.concatenate %slice3A_1596, %slice3A_1597 in 0 : vector<1x128xi32>, vector<63x128xi32> -> vector<64x128xi32>
    %slice3A_1599 = vector.extract_strided_slice %select_n3A_1582 {offsets = [1, 0], sizes = [63, 128], strides = [1, 1]} : vector<64x128xi32> to vector<63x128xi32>
    %slice3A_1600 = vector.extract_strided_slice %select_n3A_1582 {offsets = [0, 0], sizes = [1, 128], strides = [1, 1]} : vector<64x128xi32> to vector<1x128xi32>
    %concatenate3A_1601 = tpu.concatenate %slice3A_1599, %slice3A_1600 in 0 : vector<63x128xi32>, vector<1x128xi32> -> vector<64x128xi32>
    %select_n3A_1602 = arith.select %ne3A_1588, %concatenate3A_1598, %concatenate3A_1601 : vector<64x128xi1>, vector<64x128xi32>
    %and3A_1603 = arith.constant 512 : i32
    %and3A_1604 = vector.broadcast %and3A_1603 : i32 to vector<64x128xi32>
    %and3A_1605 = arith.andi %add3A_74, %and3A_1604 : vector<64x128xi32>
    %eq3A_1606 = arith.constant 0 : i32
    %eq3A_1607 = vector.broadcast %eq3A_1606 : i32 to vector<64x128xi32>
    %eq3A_1608 = arith.cmpi eq, %and3A_1605, %eq3A_1607 : vector<64x128xi32>
    %not3A_1609 = arith.constant dense<true> : vector<64x128xi1>
    %not3A_1610 = arith.xori %ne3A_1588, %not3A_1609 : vector<64x128xi1>
    %eq3A_1611 = arith.xori %not3A_1610, %eq3A_1608 : vector<64x128xi1>
    %eq3A_1612 = arith.constant dense<true> : vector<64x128xi1>
    %eq3A_1613 = arith.xori %eq3A_1611, %eq3A_1612 : vector<64x128xi1>
    %lt3A_1614 = arith.cmpi slt, %select_n3A_1595, %select_n3A_1581 : vector<64x128xi32>
    %eq3A_1615 = arith.cmpi eq, %select_n3A_1595, %select_n3A_1581 : vector<64x128xi32>
    %lt3A_1616 = arith.cmpi slt, %select_n3A_1602, %select_n3A_1582 : vector<64x128xi32>
    %and3A_1617 = arith.andi %eq3A_1615, %lt3A_1616 : vector<64x128xi1>
    %or3A_1618 = arith.ori %lt3A_1614, %and3A_1617 : vector<64x128xi1>
    %eq3A_1619 = arith.xori %eq3A_1613, %or3A_1618 : vector<64x128xi1>
    %eq3A_1620 = arith.constant dense<true> : vector<64x128xi1>
    %eq3A_1621 = arith.xori %eq3A_1619, %eq3A_1620 : vector<64x128xi1>
    %select_n3A_1622 = arith.select %eq3A_1621, %select_n3A_1595, %select_n3A_1581 : vector<64x128xi1>, vector<64x128xi32>
    %select_n3A_1623 = arith.select %eq3A_1621, %select_n3A_1602, %select_n3A_1582 : vector<64x128xi1>, vector<64x128xi32>
    %and3A_1624 = arith.constant 64 : i32
    %and3A_1625 = vector.broadcast %and3A_1624 : i32 to vector<64x128xi32>
    %and3A_1626 = arith.andi %add3A_74, %and3A_1625 : vector<64x128xi32>
    %ne3A_1627 = arith.constant 0 : i32
    %ne3A_1628 = vector.broadcast %ne3A_1627 : i32 to vector<64x128xi32>
    %ne3A_1629 = arith.cmpi ne, %and3A_1626, %ne3A_1628 : vector<64x128xi32>
    %slice3A_1630 = vector.extract_strided_slice %select_n3A_1622 {offsets = [0, 64], sizes = [64, 64], strides = [1, 1]} : vector<64x128xi32> to vector<64x64xi32>
    %slice3A_1631 = vector.extract_strided_slice %select_n3A_1622 {offsets = [0, 0], sizes = [64, 64], strides = [1, 1]} : vector<64x128xi32> to vector<64x64xi32>
    %concatenate3A_1632 = tpu.concatenate %slice3A_1630, %slice3A_1631 in 1 : vector<64x64xi32>, vector<64x64xi32> -> vector<64x128xi32>
    %slice3A_1633 = vector.extract_strided_slice %select_n3A_1622 {offsets = [0, 64], sizes = [64, 64], strides = [1, 1]} : vector<64x128xi32> to vector<64x64xi32>
    %slice3A_1634 = vector.extract_strided_slice %select_n3A_1622 {offsets = [0, 0], sizes = [64, 64], strides = [1, 1]} : vector<64x128xi32> to vector<64x64xi32>
    %concatenate3A_1635 = tpu.concatenate %slice3A_1633, %slice3A_1634 in 1 : vector<64x64xi32>, vector<64x64xi32> -> vector<64x128xi32>
    %select_n3A_1636 = arith.select %ne3A_1629, %concatenate3A_1632, %concatenate3A_1635 : vector<64x128xi1>, vector<64x128xi32>
    %slice3A_1637 = vector.extract_strided_slice %select_n3A_1623 {offsets = [0, 64], sizes = [64, 64], strides = [1, 1]} : vector<64x128xi32> to vector<64x64xi32>
    %slice3A_1638 = vector.extract_strided_slice %select_n3A_1623 {offsets = [0, 0], sizes = [64, 64], strides = [1, 1]} : vector<64x128xi32> to vector<64x64xi32>
    %concatenate3A_1639 = tpu.concatenate %slice3A_1637, %slice3A_1638 in 1 : vector<64x64xi32>, vector<64x64xi32> -> vector<64x128xi32>
    %slice3A_1640 = vector.extract_strided_slice %select_n3A_1623 {offsets = [0, 64], sizes = [64, 64], strides = [1, 1]} : vector<64x128xi32> to vector<64x64xi32>
    %slice3A_1641 = vector.extract_strided_slice %select_n3A_1623 {offsets = [0, 0], sizes = [64, 64], strides = [1, 1]} : vector<64x128xi32> to vector<64x64xi32>
    %concatenate3A_1642 = tpu.concatenate %slice3A_1640, %slice3A_1641 in 1 : vector<64x64xi32>, vector<64x64xi32> -> vector<64x128xi32>
    %select_n3A_1643 = arith.select %ne3A_1629, %concatenate3A_1639, %concatenate3A_1642 : vector<64x128xi1>, vector<64x128xi32>
    %and3A_1644 = arith.constant 512 : i32
    %and3A_1645 = vector.broadcast %and3A_1644 : i32 to vector<64x128xi32>
    %and3A_1646 = arith.andi %add3A_74, %and3A_1645 : vector<64x128xi32>
    %eq3A_1647 = arith.constant 0 : i32
    %eq3A_1648 = vector.broadcast %eq3A_1647 : i32 to vector<64x128xi32>
    %eq3A_1649 = arith.cmpi eq, %and3A_1646, %eq3A_1648 : vector<64x128xi32>
    %not3A_1650 = arith.constant dense<true> : vector<64x128xi1>
    %not3A_1651 = arith.xori %ne3A_1629, %not3A_1650 : vector<64x128xi1>
    %eq3A_1652 = arith.xori %not3A_1651, %eq3A_1649 : vector<64x128xi1>
    %eq3A_1653 = arith.constant dense<true> : vector<64x128xi1>
    %eq3A_1654 = arith.xori %eq3A_1652, %eq3A_1653 : vector<64x128xi1>
    %lt3A_1655 = arith.cmpi slt, %select_n3A_1636, %select_n3A_1622 : vector<64x128xi32>
    %eq3A_1656 = arith.cmpi eq, %select_n3A_1636, %select_n3A_1622 : vector<64x128xi32>
    %lt3A_1657 = arith.cmpi slt, %select_n3A_1643, %select_n3A_1623 : vector<64x128xi32>
    %and3A_1658 = arith.andi %eq3A_1656, %lt3A_1657 : vector<64x128xi1>
    %or3A_1659 = arith.ori %lt3A_1655, %and3A_1658 : vector<64x128xi1>
    %eq3A_1660 = arith.xori %eq3A_1654, %or3A_1659 : vector<64x128xi1>
    %eq3A_1661 = arith.constant dense<true> : vector<64x128xi1>
    %eq3A_1662 = arith.xori %eq3A_1660, %eq3A_1661 : vector<64x128xi1>
    %select_n3A_1663 = arith.select %eq3A_1662, %select_n3A_1636, %select_n3A_1622 : vector<64x128xi1>, vector<64x128xi32>
    %select_n3A_1664 = arith.select %eq3A_1662, %select_n3A_1643, %select_n3A_1623 : vector<64x128xi1>, vector<64x128xi32>
    %and3A_1665 = arith.constant 32 : i32
    %and3A_1666 = vector.broadcast %and3A_1665 : i32 to vector<64x128xi32>
    %and3A_1667 = arith.andi %add3A_74, %and3A_1666 : vector<64x128xi32>
    %ne3A_1668 = arith.constant 0 : i32
    %ne3A_1669 = vector.broadcast %ne3A_1668 : i32 to vector<64x128xi32>
    %ne3A_1670 = arith.cmpi ne, %and3A_1667, %ne3A_1669 : vector<64x128xi32>
    %slice3A_1671 = vector.extract_strided_slice %select_n3A_1663 {offsets = [0, 96], sizes = [64, 32], strides = [1, 1]} : vector<64x128xi32> to vector<64x32xi32>
    %slice3A_1672 = vector.extract_strided_slice %select_n3A_1663 {offsets = [0, 0], sizes = [64, 96], strides = [1, 1]} : vector<64x128xi32> to vector<64x96xi32>
    %concatenate3A_1673 = tpu.concatenate %slice3A_1671, %slice3A_1672 in 1 : vector<64x32xi32>, vector<64x96xi32> -> vector<64x128xi32>
    %slice3A_1674 = vector.extract_strided_slice %select_n3A_1663 {offsets = [0, 32], sizes = [64, 96], strides = [1, 1]} : vector<64x128xi32> to vector<64x96xi32>
    %slice3A_1675 = vector.extract_strided_slice %select_n3A_1663 {offsets = [0, 0], sizes = [64, 32], strides = [1, 1]} : vector<64x128xi32> to vector<64x32xi32>
    %concatenate3A_1676 = tpu.concatenate %slice3A_1674, %slice3A_1675 in 1 : vector<64x96xi32>, vector<64x32xi32> -> vector<64x128xi32>
    %select_n3A_1677 = arith.select %ne3A_1670, %concatenate3A_1673, %concatenate3A_1676 : vector<64x128xi1>, vector<64x128xi32>
    %slice3A_1678 = vector.extract_strided_slice %select_n3A_1664 {offsets = [0, 96], sizes = [64, 32], strides = [1, 1]} : vector<64x128xi32> to vector<64x32xi32>
    %slice3A_1679 = vector.extract_strided_slice %select_n3A_1664 {offsets = [0, 0], sizes = [64, 96], strides = [1, 1]} : vector<64x128xi32> to vector<64x96xi32>
    %concatenate3A_1680 = tpu.concatenate %slice3A_1678, %slice3A_1679 in 1 : vector<64x32xi32>, vector<64x96xi32> -> vector<64x128xi32>
    %slice3A_1681 = vector.extract_strided_slice %select_n3A_1664 {offsets = [0, 32], sizes = [64, 96], strides = [1, 1]} : vector<64x128xi32> to vector<64x96xi32>
    %slice3A_1682 = vector.extract_strided_slice %select_n3A_1664 {offsets = [0, 0], sizes = [64, 32], strides = [1, 1]} : vector<64x128xi32> to vector<64x32xi32>
    %concatenate3A_1683 = tpu.concatenate %slice3A_1681, %slice3A_1682 in 1 : vector<64x96xi32>, vector<64x32xi32> -> vector<64x128xi32>
    %select_n3A_1684 = arith.select %ne3A_1670, %concatenate3A_1680, %concatenate3A_1683 : vector<64x128xi1>, vector<64x128xi32>
    %and3A_1685 = arith.constant 512 : i32
    %and3A_1686 = vector.broadcast %and3A_1685 : i32 to vector<64x128xi32>
    %and3A_1687 = arith.andi %add3A_74, %and3A_1686 : vector<64x128xi32>
    %eq3A_1688 = arith.constant 0 : i32
    %eq3A_1689 = vector.broadcast %eq3A_1688 : i32 to vector<64x128xi32>
    %eq3A_1690 = arith.cmpi eq, %and3A_1687, %eq3A_1689 : vector<64x128xi32>
    %not3A_1691 = arith.constant dense<true> : vector<64x128xi1>
    %not3A_1692 = arith.xori %ne3A_1670, %not3A_1691 : vector<64x128xi1>
    %eq3A_1693 = arith.xori %not3A_1692, %eq3A_1690 : vector<64x128xi1>
    %eq3A_1694 = arith.constant dense<true> : vector<64x128xi1>
    %eq3A_1695 = arith.xori %eq3A_1693, %eq3A_1694 : vector<64x128xi1>
    %lt3A_1696 = arith.cmpi slt, %select_n3A_1677, %select_n3A_1663 : vector<64x128xi32>
    %eq3A_1697 = arith.cmpi eq, %select_n3A_1677, %select_n3A_1663 : vector<64x128xi32>
    %lt3A_1698 = arith.cmpi slt, %select_n3A_1684, %select_n3A_1664 : vector<64x128xi32>
    %and3A_1699 = arith.andi %eq3A_1697, %lt3A_1698 : vector<64x128xi1>
    %or3A_1700 = arith.ori %lt3A_1696, %and3A_1699 : vector<64x128xi1>
    %eq3A_1701 = arith.xori %eq3A_1695, %or3A_1700 : vector<64x128xi1>
    %eq3A_1702 = arith.constant dense<true> : vector<64x128xi1>
    %eq3A_1703 = arith.xori %eq3A_1701, %eq3A_1702 : vector<64x128xi1>
    %select_n3A_1704 = arith.select %eq3A_1703, %select_n3A_1677, %select_n3A_1663 : vector<64x128xi1>, vector<64x128xi32>
    %select_n3A_1705 = arith.select %eq3A_1703, %select_n3A_1684, %select_n3A_1664 : vector<64x128xi1>, vector<64x128xi32>
    %and3A_1706 = arith.constant 16 : i32
    %and3A_1707 = vector.broadcast %and3A_1706 : i32 to vector<64x128xi32>
    %and3A_1708 = arith.andi %add3A_74, %and3A_1707 : vector<64x128xi32>
    %ne3A_1709 = arith.constant 0 : i32
    %ne3A_1710 = vector.broadcast %ne3A_1709 : i32 to vector<64x128xi32>
    %ne3A_1711 = arith.cmpi ne, %and3A_1708, %ne3A_1710 : vector<64x128xi32>
    %slice3A_1712 = vector.extract_strided_slice %select_n3A_1704 {offsets = [0, 112], sizes = [64, 16], strides = [1, 1]} : vector<64x128xi32> to vector<64x16xi32>
    %slice3A_1713 = vector.extract_strided_slice %select_n3A_1704 {offsets = [0, 0], sizes = [64, 112], strides = [1, 1]} : vector<64x128xi32> to vector<64x112xi32>
    %concatenate3A_1714 = tpu.concatenate %slice3A_1712, %slice3A_1713 in 1 : vector<64x16xi32>, vector<64x112xi32> -> vector<64x128xi32>
    %slice3A_1715 = vector.extract_strided_slice %select_n3A_1704 {offsets = [0, 16], sizes = [64, 112], strides = [1, 1]} : vector<64x128xi32> to vector<64x112xi32>
    %slice3A_1716 = vector.extract_strided_slice %select_n3A_1704 {offsets = [0, 0], sizes = [64, 16], strides = [1, 1]} : vector<64x128xi32> to vector<64x16xi32>
    %concatenate3A_1717 = tpu.concatenate %slice3A_1715, %slice3A_1716 in 1 : vector<64x112xi32>, vector<64x16xi32> -> vector<64x128xi32>
    %select_n3A_1718 = arith.select %ne3A_1711, %concatenate3A_1714, %concatenate3A_1717 : vector<64x128xi1>, vector<64x128xi32>
    %slice3A_1719 = vector.extract_strided_slice %select_n3A_1705 {offsets = [0, 112], sizes = [64, 16], strides = [1, 1]} : vector<64x128xi32> to vector<64x16xi32>
    %slice3A_1720 = vector.extract_strided_slice %select_n3A_1705 {offsets = [0, 0], sizes = [64, 112], strides = [1, 1]} : vector<64x128xi32> to vector<64x112xi32>
    %concatenate3A_1721 = tpu.concatenate %slice3A_1719, %slice3A_1720 in 1 : vector<64x16xi32>, vector<64x112xi32> -> vector<64x128xi32>
    %slice3A_1722 = vector.extract_strided_slice %select_n3A_1705 {offsets = [0, 16], sizes = [64, 112], strides = [1, 1]} : vector<64x128xi32> to vector<64x112xi32>
    %slice3A_1723 = vector.extract_strided_slice %select_n3A_1705 {offsets = [0, 0], sizes = [64, 16], strides = [1, 1]} : vector<64x128xi32> to vector<64x16xi32>
    %concatenate3A_1724 = tpu.concatenate %slice3A_1722, %slice3A_1723 in 1 : vector<64x112xi32>, vector<64x16xi32> -> vector<64x128xi32>
    %select_n3A_1725 = arith.select %ne3A_1711, %concatenate3A_1721, %concatenate3A_1724 : vector<64x128xi1>, vector<64x128xi32>
    %and3A_1726 = arith.constant 512 : i32
    %and3A_1727 = vector.broadcast %and3A_1726 : i32 to vector<64x128xi32>
    %and3A_1728 = arith.andi %add3A_74, %and3A_1727 : vector<64x128xi32>
    %eq3A_1729 = arith.constant 0 : i32
    %eq3A_1730 = vector.broadcast %eq3A_1729 : i32 to vector<64x128xi32>
    %eq3A_1731 = arith.cmpi eq, %and3A_1728, %eq3A_1730 : vector<64x128xi32>
    %not3A_1732 = arith.constant dense<true> : vector<64x128xi1>
    %not3A_1733 = arith.xori %ne3A_1711, %not3A_1732 : vector<64x128xi1>
    %eq3A_1734 = arith.xori %not3A_1733, %eq3A_1731 : vector<64x128xi1>
    %eq3A_1735 = arith.constant dense<true> : vector<64x128xi1>
    %eq3A_1736 = arith.xori %eq3A_1734, %eq3A_1735 : vector<64x128xi1>
    %lt3A_1737 = arith.cmpi slt, %select_n3A_1718, %select_n3A_1704 : vector<64x128xi32>
    %eq3A_1738 = arith.cmpi eq, %select_n3A_1718, %select_n3A_1704 : vector<64x128xi32>
    %lt3A_1739 = arith.cmpi slt, %select_n3A_1725, %select_n3A_1705 : vector<64x128xi32>
    %and3A_1740 = arith.andi %eq3A_1738, %lt3A_1739 : vector<64x128xi1>
    %or3A_1741 = arith.ori %lt3A_1737, %and3A_1740 : vector<64x128xi1>
    %eq3A_1742 = arith.xori %eq3A_1736, %or3A_1741 : vector<64x128xi1>
    %eq3A_1743 = arith.constant dense<true> : vector<64x128xi1>
    %eq3A_1744 = arith.xori %eq3A_1742, %eq3A_1743 : vector<64x128xi1>
    %select_n3A_1745 = arith.select %eq3A_1744, %select_n3A_1718, %select_n3A_1704 : vector<64x128xi1>, vector<64x128xi32>
    %select_n3A_1746 = arith.select %eq3A_1744, %select_n3A_1725, %select_n3A_1705 : vector<64x128xi1>, vector<64x128xi32>
    %and3A_1747 = arith.constant 8 : i32
    %and3A_1748 = vector.broadcast %and3A_1747 : i32 to vector<64x128xi32>
    %and3A_1749 = arith.andi %add3A_74, %and3A_1748 : vector<64x128xi32>
    %ne3A_1750 = arith.constant 0 : i32
    %ne3A_1751 = vector.broadcast %ne3A_1750 : i32 to vector<64x128xi32>
    %ne3A_1752 = arith.cmpi ne, %and3A_1749, %ne3A_1751 : vector<64x128xi32>
    %slice3A_1753 = vector.extract_strided_slice %select_n3A_1745 {offsets = [0, 120], sizes = [64, 8], strides = [1, 1]} : vector<64x128xi32> to vector<64x8xi32>
    %slice3A_1754 = vector.extract_strided_slice %select_n3A_1745 {offsets = [0, 0], sizes = [64, 120], strides = [1, 1]} : vector<64x128xi32> to vector<64x120xi32>
    %concatenate3A_1755 = tpu.concatenate %slice3A_1753, %slice3A_1754 in 1 : vector<64x8xi32>, vector<64x120xi32> -> vector<64x128xi32>
    %slice3A_1756 = vector.extract_strided_slice %select_n3A_1745 {offsets = [0, 8], sizes = [64, 120], strides = [1, 1]} : vector<64x128xi32> to vector<64x120xi32>
    %slice3A_1757 = vector.extract_strided_slice %select_n3A_1745 {offsets = [0, 0], sizes = [64, 8], strides = [1, 1]} : vector<64x128xi32> to vector<64x8xi32>
    %concatenate3A_1758 = tpu.concatenate %slice3A_1756, %slice3A_1757 in 1 : vector<64x120xi32>, vector<64x8xi32> -> vector<64x128xi32>
    %select_n3A_1759 = arith.select %ne3A_1752, %concatenate3A_1755, %concatenate3A_1758 : vector<64x128xi1>, vector<64x128xi32>
    %slice3A_1760 = vector.extract_strided_slice %select_n3A_1746 {offsets = [0, 120], sizes = [64, 8], strides = [1, 1]} : vector<64x128xi32> to vector<64x8xi32>
    %slice3A_1761 = vector.extract_strided_slice %select_n3A_1746 {offsets = [0, 0], sizes = [64, 120], strides = [1, 1]} : vector<64x128xi32> to vector<64x120xi32>
    %concatenate3A_1762 = tpu.concatenate %slice3A_1760, %slice3A_1761 in 1 : vector<64x8xi32>, vector<64x120xi32> -> vector<64x128xi32>
    %slice3A_1763 = vector.extract_strided_slice %select_n3A_1746 {offsets = [0, 8], sizes = [64, 120], strides = [1, 1]} : vector<64x128xi32> to vector<64x120xi32>
    %slice3A_1764 = vector.extract_strided_slice %select_n3A_1746 {offsets = [0, 0], sizes = [64, 8], strides = [1, 1]} : vector<64x128xi32> to vector<64x8xi32>
    %concatenate3A_1765 = tpu.concatenate %slice3A_1763, %slice3A_1764 in 1 : vector<64x120xi32>, vector<64x8xi32> -> vector<64x128xi32>
    %select_n3A_1766 = arith.select %ne3A_1752, %concatenate3A_1762, %concatenate3A_1765 : vector<64x128xi1>, vector<64x128xi32>
    %and3A_1767 = arith.constant 512 : i32
    %and3A_1768 = vector.broadcast %and3A_1767 : i32 to vector<64x128xi32>
    %and3A_1769 = arith.andi %add3A_74, %and3A_1768 : vector<64x128xi32>
    %eq3A_1770 = arith.constant 0 : i32
    %eq3A_1771 = vector.broadcast %eq3A_1770 : i32 to vector<64x128xi32>
    %eq3A_1772 = arith.cmpi eq, %and3A_1769, %eq3A_1771 : vector<64x128xi32>
    %not3A_1773 = arith.constant dense<true> : vector<64x128xi1>
    %not3A_1774 = arith.xori %ne3A_1752, %not3A_1773 : vector<64x128xi1>
    %eq3A_1775 = arith.xori %not3A_1774, %eq3A_1772 : vector<64x128xi1>
    %eq3A_1776 = arith.constant dense<true> : vector<64x128xi1>
    %eq3A_1777 = arith.xori %eq3A_1775, %eq3A_1776 : vector<64x128xi1>
    %lt3A_1778 = arith.cmpi slt, %select_n3A_1759, %select_n3A_1745 : vector<64x128xi32>
    %eq3A_1779 = arith.cmpi eq, %select_n3A_1759, %select_n3A_1745 : vector<64x128xi32>
    %lt3A_1780 = arith.cmpi slt, %select_n3A_1766, %select_n3A_1746 : vector<64x128xi32>
    %and3A_1781 = arith.andi %eq3A_1779, %lt3A_1780 : vector<64x128xi1>
    %or3A_1782 = arith.ori %lt3A_1778, %and3A_1781 : vector<64x128xi1>
    %eq3A_1783 = arith.xori %eq3A_1777, %or3A_1782 : vector<64x128xi1>
    %eq3A_1784 = arith.constant dense<true> : vector<64x128xi1>
    %eq3A_1785 = arith.xori %eq3A_1783, %eq3A_1784 : vector<64x128xi1>
    %select_n3A_1786 = arith.select %eq3A_1785, %select_n3A_1759, %select_n3A_1745 : vector<64x128xi1>, vector<64x128xi32>
    %select_n3A_1787 = arith.select %eq3A_1785, %select_n3A_1766, %select_n3A_1746 : vector<64x128xi1>, vector<64x128xi32>
    %and3A_1788 = arith.constant 4 : i32
    %and3A_1789 = vector.broadcast %and3A_1788 : i32 to vector<64x128xi32>
    %and3A_1790 = arith.andi %add3A_74, %and3A_1789 : vector<64x128xi32>
    %ne3A_1791 = arith.constant 0 : i32
    %ne3A_1792 = vector.broadcast %ne3A_1791 : i32 to vector<64x128xi32>
    %ne3A_1793 = arith.cmpi ne, %and3A_1790, %ne3A_1792 : vector<64x128xi32>
    %slice3A_1794 = vector.extract_strided_slice %select_n3A_1786 {offsets = [0, 124], sizes = [64, 4], strides = [1, 1]} : vector<64x128xi32> to vector<64x4xi32>
    %slice3A_1795 = vector.extract_strided_slice %select_n3A_1786 {offsets = [0, 0], sizes = [64, 124], strides = [1, 1]} : vector<64x128xi32> to vector<64x124xi32>
    %concatenate3A_1796 = tpu.concatenate %slice3A_1794, %slice3A_1795 in 1 : vector<64x4xi32>, vector<64x124xi32> -> vector<64x128xi32>
    %slice3A_1797 = vector.extract_strided_slice %select_n3A_1786 {offsets = [0, 4], sizes = [64, 124], strides = [1, 1]} : vector<64x128xi32> to vector<64x124xi32>
    %slice3A_1798 = vector.extract_strided_slice %select_n3A_1786 {offsets = [0, 0], sizes = [64, 4], strides = [1, 1]} : vector<64x128xi32> to vector<64x4xi32>
    %concatenate3A_1799 = tpu.concatenate %slice3A_1797, %slice3A_1798 in 1 : vector<64x124xi32>, vector<64x4xi32> -> vector<64x128xi32>
    %select_n3A_1800 = arith.select %ne3A_1793, %concatenate3A_1796, %concatenate3A_1799 : vector<64x128xi1>, vector<64x128xi32>
    %slice3A_1801 = vector.extract_strided_slice %select_n3A_1787 {offsets = [0, 124], sizes = [64, 4], strides = [1, 1]} : vector<64x128xi32> to vector<64x4xi32>
    %slice3A_1802 = vector.extract_strided_slice %select_n3A_1787 {offsets = [0, 0], sizes = [64, 124], strides = [1, 1]} : vector<64x128xi32> to vector<64x124xi32>
    %concatenate3A_1803 = tpu.concatenate %slice3A_1801, %slice3A_1802 in 1 : vector<64x4xi32>, vector<64x124xi32> -> vector<64x128xi32>
    %slice3A_1804 = vector.extract_strided_slice %select_n3A_1787 {offsets = [0, 4], sizes = [64, 124], strides = [1, 1]} : vector<64x128xi32> to vector<64x124xi32>
    %slice3A_1805 = vector.extract_strided_slice %select_n3A_1787 {offsets = [0, 0], sizes = [64, 4], strides = [1, 1]} : vector<64x128xi32> to vector<64x4xi32>
    %concatenate3A_1806 = tpu.concatenate %slice3A_1804, %slice3A_1805 in 1 : vector<64x124xi32>, vector<64x4xi32> -> vector<64x128xi32>
    %select_n3A_1807 = arith.select %ne3A_1793, %concatenate3A_1803, %concatenate3A_1806 : vector<64x128xi1>, vector<64x128xi32>
    %and3A_1808 = arith.constant 512 : i32
    %and3A_1809 = vector.broadcast %and3A_1808 : i32 to vector<64x128xi32>
    %and3A_1810 = arith.andi %add3A_74, %and3A_1809 : vector<64x128xi32>
    %eq3A_1811 = arith.constant 0 : i32
    %eq3A_1812 = vector.broadcast %eq3A_1811 : i32 to vector<64x128xi32>
    %eq3A_1813 = arith.cmpi eq, %and3A_1810, %eq3A_1812 : vector<64x128xi32>
    %not3A_1814 = arith.constant dense<true> : vector<64x128xi1>
    %not3A_1815 = arith.xori %ne3A_1793, %not3A_1814 : vector<64x128xi1>
    %eq3A_1816 = arith.xori %not3A_1815, %eq3A_1813 : vector<64x128xi1>
    %eq3A_1817 = arith.constant dense<true> : vector<64x128xi1>
    %eq3A_1818 = arith.xori %eq3A_1816, %eq3A_1817 : vector<64x128xi1>
    %lt3A_1819 = arith.cmpi slt, %select_n3A_1800, %select_n3A_1786 : vector<64x128xi32>
    %eq3A_1820 = arith.cmpi eq, %select_n3A_1800, %select_n3A_1786 : vector<64x128xi32>
    %lt3A_1821 = arith.cmpi slt, %select_n3A_1807, %select_n3A_1787 : vector<64x128xi32>
    %and3A_1822 = arith.andi %eq3A_1820, %lt3A_1821 : vector<64x128xi1>
    %or3A_1823 = arith.ori %lt3A_1819, %and3A_1822 : vector<64x128xi1>
    %eq3A_1824 = arith.xori %eq3A_1818, %or3A_1823 : vector<64x128xi1>
    %eq3A_1825 = arith.constant dense<true> : vector<64x128xi1>
    %eq3A_1826 = arith.xori %eq3A_1824, %eq3A_1825 : vector<64x128xi1>
    %select_n3A_1827 = arith.select %eq3A_1826, %select_n3A_1800, %select_n3A_1786 : vector<64x128xi1>, vector<64x128xi32>
    %select_n3A_1828 = arith.select %eq3A_1826, %select_n3A_1807, %select_n3A_1787 : vector<64x128xi1>, vector<64x128xi32>
    %and3A_1829 = arith.constant 2 : i32
    %and3A_1830 = vector.broadcast %and3A_1829 : i32 to vector<64x128xi32>
    %and3A_1831 = arith.andi %add3A_74, %and3A_1830 : vector<64x128xi32>
    %ne3A_1832 = arith.constant 0 : i32
    %ne3A_1833 = vector.broadcast %ne3A_1832 : i32 to vector<64x128xi32>
    %ne3A_1834 = arith.cmpi ne, %and3A_1831, %ne3A_1833 : vector<64x128xi32>
    %slice3A_1835 = vector.extract_strided_slice %select_n3A_1827 {offsets = [0, 126], sizes = [64, 2], strides = [1, 1]} : vector<64x128xi32> to vector<64x2xi32>
    %slice3A_1836 = vector.extract_strided_slice %select_n3A_1827 {offsets = [0, 0], sizes = [64, 126], strides = [1, 1]} : vector<64x128xi32> to vector<64x126xi32>
    %concatenate3A_1837 = tpu.concatenate %slice3A_1835, %slice3A_1836 in 1 : vector<64x2xi32>, vector<64x126xi32> -> vector<64x128xi32>
    %slice3A_1838 = vector.extract_strided_slice %select_n3A_1827 {offsets = [0, 2], sizes = [64, 126], strides = [1, 1]} : vector<64x128xi32> to vector<64x126xi32>
    %slice3A_1839 = vector.extract_strided_slice %select_n3A_1827 {offsets = [0, 0], sizes = [64, 2], strides = [1, 1]} : vector<64x128xi32> to vector<64x2xi32>
    %concatenate3A_1840 = tpu.concatenate %slice3A_1838, %slice3A_1839 in 1 : vector<64x126xi32>, vector<64x2xi32> -> vector<64x128xi32>
    %select_n3A_1841 = arith.select %ne3A_1834, %concatenate3A_1837, %concatenate3A_1840 : vector<64x128xi1>, vector<64x128xi32>
    %slice3A_1842 = vector.extract_strided_slice %select_n3A_1828 {offsets = [0, 126], sizes = [64, 2], strides = [1, 1]} : vector<64x128xi32> to vector<64x2xi32>
    %slice3A_1843 = vector.extract_strided_slice %select_n3A_1828 {offsets = [0, 0], sizes = [64, 126], strides = [1, 1]} : vector<64x128xi32> to vector<64x126xi32>
    %concatenate3A_1844 = tpu.concatenate %slice3A_1842, %slice3A_1843 in 1 : vector<64x2xi32>, vector<64x126xi32> -> vector<64x128xi32>
    %slice3A_1845 = vector.extract_strided_slice %select_n3A_1828 {offsets = [0, 2], sizes = [64, 126], strides = [1, 1]} : vector<64x128xi32> to vector<64x126xi32>
    %slice3A_1846 = vector.extract_strided_slice %select_n3A_1828 {offsets = [0, 0], sizes = [64, 2], strides = [1, 1]} : vector<64x128xi32> to vector<64x2xi32>
    %concatenate3A_1847 = tpu.concatenate %slice3A_1845, %slice3A_1846 in 1 : vector<64x126xi32>, vector<64x2xi32> -> vector<64x128xi32>
    %select_n3A_1848 = arith.select %ne3A_1834, %concatenate3A_1844, %concatenate3A_1847 : vector<64x128xi1>, vector<64x128xi32>
    %and3A_1849 = arith.constant 512 : i32
    %and3A_1850 = vector.broadcast %and3A_1849 : i32 to vector<64x128xi32>
    %and3A_1851 = arith.andi %add3A_74, %and3A_1850 : vector<64x128xi32>
    %eq3A_1852 = arith.constant 0 : i32
    %eq3A_1853 = vector.broadcast %eq3A_1852 : i32 to vector<64x128xi32>
    %eq3A_1854 = arith.cmpi eq, %and3A_1851, %eq3A_1853 : vector<64x128xi32>
    %not3A_1855 = arith.constant dense<true> : vector<64x128xi1>
    %not3A_1856 = arith.xori %ne3A_1834, %not3A_1855 : vector<64x128xi1>
    %eq3A_1857 = arith.xori %not3A_1856, %eq3A_1854 : vector<64x128xi1>
    %eq3A_1858 = arith.constant dense<true> : vector<64x128xi1>
    %eq3A_1859 = arith.xori %eq3A_1857, %eq3A_1858 : vector<64x128xi1>
    %lt3A_1860 = arith.cmpi slt, %select_n3A_1841, %select_n3A_1827 : vector<64x128xi32>
    %eq3A_1861 = arith.cmpi eq, %select_n3A_1841, %select_n3A_1827 : vector<64x128xi32>
    %lt3A_1862 = arith.cmpi slt, %select_n3A_1848, %select_n3A_1828 : vector<64x128xi32>
    %and3A_1863 = arith.andi %eq3A_1861, %lt3A_1862 : vector<64x128xi1>
    %or3A_1864 = arith.ori %lt3A_1860, %and3A_1863 : vector<64x128xi1>
    %eq3A_1865 = arith.xori %eq3A_1859, %or3A_1864 : vector<64x128xi1>
    %eq3A_1866 = arith.constant dense<true> : vector<64x128xi1>
    %eq3A_1867 = arith.xori %eq3A_1865, %eq3A_1866 : vector<64x128xi1>
    %select_n3A_1868 = arith.select %eq3A_1867, %select_n3A_1841, %select_n3A_1827 : vector<64x128xi1>, vector<64x128xi32>
    %select_n3A_1869 = arith.select %eq3A_1867, %select_n3A_1848, %select_n3A_1828 : vector<64x128xi1>, vector<64x128xi32>
    %and3A_1870 = arith.constant 1 : i32
    %and3A_1871 = vector.broadcast %and3A_1870 : i32 to vector<64x128xi32>
    %and3A_1872 = arith.andi %add3A_74, %and3A_1871 : vector<64x128xi32>
    %ne3A_1873 = arith.constant 0 : i32
    %ne3A_1874 = vector.broadcast %ne3A_1873 : i32 to vector<64x128xi32>
    %ne3A_1875 = arith.cmpi ne, %and3A_1872, %ne3A_1874 : vector<64x128xi32>
    %slice3A_1876 = vector.extract_strided_slice %select_n3A_1868 {offsets = [0, 127], sizes = [64, 1], strides = [1, 1]} : vector<64x128xi32> to vector<64x1xi32>
    %slice3A_1877 = vector.extract_strided_slice %select_n3A_1868 {offsets = [0, 0], sizes = [64, 127], strides = [1, 1]} : vector<64x128xi32> to vector<64x127xi32>
    %concatenate3A_1878 = tpu.concatenate %slice3A_1876, %slice3A_1877 in 1 : vector<64x1xi32>, vector<64x127xi32> -> vector<64x128xi32>
    %slice3A_1879 = vector.extract_strided_slice %select_n3A_1868 {offsets = [0, 1], sizes = [64, 127], strides = [1, 1]} : vector<64x128xi32> to vector<64x127xi32>
    %slice3A_1880 = vector.extract_strided_slice %select_n3A_1868 {offsets = [0, 0], sizes = [64, 1], strides = [1, 1]} : vector<64x128xi32> to vector<64x1xi32>
    %concatenate3A_1881 = tpu.concatenate %slice3A_1879, %slice3A_1880 in 1 : vector<64x127xi32>, vector<64x1xi32> -> vector<64x128xi32>
    %select_n3A_1882 = arith.select %ne3A_1875, %concatenate3A_1878, %concatenate3A_1881 : vector<64x128xi1>, vector<64x128xi32>
    %slice3A_1883 = vector.extract_strided_slice %select_n3A_1869 {offsets = [0, 127], sizes = [64, 1], strides = [1, 1]} : vector<64x128xi32> to vector<64x1xi32>
    %slice3A_1884 = vector.extract_strided_slice %select_n3A_1869 {offsets = [0, 0], sizes = [64, 127], strides = [1, 1]} : vector<64x128xi32> to vector<64x127xi32>
    %concatenate3A_1885 = tpu.concatenate %slice3A_1883, %slice3A_1884 in 1 : vector<64x1xi32>, vector<64x127xi32> -> vector<64x128xi32>
    %slice3A_1886 = vector.extract_strided_slice %select_n3A_1869 {offsets = [0, 1], sizes = [64, 127], strides = [1, 1]} : vector<64x128xi32> to vector<64x127xi32>
    %slice3A_1887 = vector.extract_strided_slice %select_n3A_1869 {offsets = [0, 0], sizes = [64, 1], strides = [1, 1]} : vector<64x128xi32> to vector<64x1xi32>
    %concatenate3A_1888 = tpu.concatenate %slice3A_1886, %slice3A_1887 in 1 : vector<64x127xi32>, vector<64x1xi32> -> vector<64x128xi32>
    %select_n3A_1889 = arith.select %ne3A_1875, %concatenate3A_1885, %concatenate3A_1888 : vector<64x128xi1>, vector<64x128xi32>
    %and3A_1890 = arith.constant 512 : i32
    %and3A_1891 = vector.broadcast %and3A_1890 : i32 to vector<64x128xi32>
    %and3A_1892 = arith.andi %add3A_74, %and3A_1891 : vector<64x128xi32>
    %eq3A_1893 = arith.constant 0 : i32
    %eq3A_1894 = vector.broadcast %eq3A_1893 : i32 to vector<64x128xi32>
    %eq3A_1895 = arith.cmpi eq, %and3A_1892, %eq3A_1894 : vector<64x128xi32>
    %not3A_1896 = arith.constant dense<true> : vector<64x128xi1>
    %not3A_1897 = arith.xori %ne3A_1875, %not3A_1896 : vector<64x128xi1>
    %eq3A_1898 = arith.xori %not3A_1897, %eq3A_1895 : vector<64x128xi1>
    %eq3A_1899 = arith.constant dense<true> : vector<64x128xi1>
    %eq3A_1900 = arith.xori %eq3A_1898, %eq3A_1899 : vector<64x128xi1>
    %lt3A_1901 = arith.cmpi slt, %select_n3A_1882, %select_n3A_1868 : vector<64x128xi32>
    %eq3A_1902 = arith.cmpi eq, %select_n3A_1882, %select_n3A_1868 : vector<64x128xi32>
    %lt3A_1903 = arith.cmpi slt, %select_n3A_1889, %select_n3A_1869 : vector<64x128xi32>
    %and3A_1904 = arith.andi %eq3A_1902, %lt3A_1903 : vector<64x128xi1>
    %or3A_1905 = arith.ori %lt3A_1901, %and3A_1904 : vector<64x128xi1>
    %eq3A_1906 = arith.xori %eq3A_1900, %or3A_1905 : vector<64x128xi1>
    %eq3A_1907 = arith.constant dense<true> : vector<64x128xi1>
    %eq3A_1908 = arith.xori %eq3A_1906, %eq3A_1907 : vector<64x128xi1>
    %select_n3A_1909 = arith.select %eq3A_1908, %select_n3A_1882, %select_n3A_1868 : vector<64x128xi1>, vector<64x128xi32>
    %select_n3A_1910 = arith.select %eq3A_1908, %select_n3A_1889, %select_n3A_1869 : vector<64x128xi1>, vector<64x128xi32>
    %and3A_1911 = arith.constant 512 : i32
    %and3A_1912 = vector.broadcast %and3A_1911 : i32 to vector<64x128xi32>
    %and3A_1913 = arith.andi %add3A_74, %and3A_1912 : vector<64x128xi32>
    %ne3A_1914 = arith.constant 0 : i32
    %ne3A_1915 = vector.broadcast %ne3A_1914 : i32 to vector<64x128xi32>
    %ne3A_1916 = arith.cmpi ne, %and3A_1913, %ne3A_1915 : vector<64x128xi32>
    %slice3A_1917 = vector.extract_strided_slice %select_n3A_1909 {offsets = [60, 0], sizes = [4, 128], strides = [1, 1]} : vector<64x128xi32> to vector<4x128xi32>
    %slice3A_1918 = vector.extract_strided_slice %select_n3A_1909 {offsets = [0, 0], sizes = [60, 128], strides = [1, 1]} : vector<64x128xi32> to vector<60x128xi32>
    %concatenate3A_1919 = tpu.concatenate %slice3A_1917, %slice3A_1918 in 0 : vector<4x128xi32>, vector<60x128xi32> -> vector<64x128xi32>
    %slice3A_1920 = vector.extract_strided_slice %select_n3A_1909 {offsets = [4, 0], sizes = [60, 128], strides = [1, 1]} : vector<64x128xi32> to vector<60x128xi32>
    %slice3A_1921 = vector.extract_strided_slice %select_n3A_1909 {offsets = [0, 0], sizes = [4, 128], strides = [1, 1]} : vector<64x128xi32> to vector<4x128xi32>
    %concatenate3A_1922 = tpu.concatenate %slice3A_1920, %slice3A_1921 in 0 : vector<60x128xi32>, vector<4x128xi32> -> vector<64x128xi32>
    %select_n3A_1923 = arith.select %ne3A_1916, %concatenate3A_1919, %concatenate3A_1922 : vector<64x128xi1>, vector<64x128xi32>
    %slice3A_1924 = vector.extract_strided_slice %select_n3A_1910 {offsets = [60, 0], sizes = [4, 128], strides = [1, 1]} : vector<64x128xi32> to vector<4x128xi32>
    %slice3A_1925 = vector.extract_strided_slice %select_n3A_1910 {offsets = [0, 0], sizes = [60, 128], strides = [1, 1]} : vector<64x128xi32> to vector<60x128xi32>
    %concatenate3A_1926 = tpu.concatenate %slice3A_1924, %slice3A_1925 in 0 : vector<4x128xi32>, vector<60x128xi32> -> vector<64x128xi32>
    %slice3A_1927 = vector.extract_strided_slice %select_n3A_1910 {offsets = [4, 0], sizes = [60, 128], strides = [1, 1]} : vector<64x128xi32> to vector<60x128xi32>
    %slice3A_1928 = vector.extract_strided_slice %select_n3A_1910 {offsets = [0, 0], sizes = [4, 128], strides = [1, 1]} : vector<64x128xi32> to vector<4x128xi32>
    %concatenate3A_1929 = tpu.concatenate %slice3A_1927, %slice3A_1928 in 0 : vector<60x128xi32>, vector<4x128xi32> -> vector<64x128xi32>
    %select_n3A_1930 = arith.select %ne3A_1916, %concatenate3A_1926, %concatenate3A_1929 : vector<64x128xi1>, vector<64x128xi32>
    %and3A_1931 = arith.constant 1024 : i32
    %and3A_1932 = vector.broadcast %and3A_1931 : i32 to vector<64x128xi32>
    %and3A_1933 = arith.andi %add3A_74, %and3A_1932 : vector<64x128xi32>
    %eq3A_1934 = arith.constant 0 : i32
    %eq3A_1935 = vector.broadcast %eq3A_1934 : i32 to vector<64x128xi32>
    %eq3A_1936 = arith.cmpi eq, %and3A_1933, %eq3A_1935 : vector<64x128xi32>
    %not3A_1937 = arith.constant dense<true> : vector<64x128xi1>
    %not3A_1938 = arith.xori %ne3A_1916, %not3A_1937 : vector<64x128xi1>
    %eq3A_1939 = arith.xori %not3A_1938, %eq3A_1936 : vector<64x128xi1>
    %eq3A_1940 = arith.constant dense<true> : vector<64x128xi1>
    %eq3A_1941 = arith.xori %eq3A_1939, %eq3A_1940 : vector<64x128xi1>
    %lt3A_1942 = arith.cmpi slt, %select_n3A_1923, %select_n3A_1909 : vector<64x128xi32>
    %eq3A_1943 = arith.cmpi eq, %select_n3A_1923, %select_n3A_1909 : vector<64x128xi32>
    %lt3A_1944 = arith.cmpi slt, %select_n3A_1930, %select_n3A_1910 : vector<64x128xi32>
    %and3A_1945 = arith.andi %eq3A_1943, %lt3A_1944 : vector<64x128xi1>
    %or3A_1946 = arith.ori %lt3A_1942, %and3A_1945 : vector<64x128xi1>
    %eq3A_1947 = arith.xori %eq3A_1941, %or3A_1946 : vector<64x128xi1>
    %eq3A_1948 = arith.constant dense<true> : vector<64x128xi1>
    %eq3A_1949 = arith.xori %eq3A_1947, %eq3A_1948 : vector<64x128xi1>
    %select_n3A_1950 = arith.select %eq3A_1949, %select_n3A_1923, %select_n3A_1909 : vector<64x128xi1>, vector<64x128xi32>
    %select_n3A_1951 = arith.select %eq3A_1949, %select_n3A_1930, %select_n3A_1910 : vector<64x128xi1>, vector<64x128xi32>
    %and3A_1952 = arith.constant 256 : i32
    %and3A_1953 = vector.broadcast %and3A_1952 : i32 to vector<64x128xi32>
    %and3A_1954 = arith.andi %add3A_74, %and3A_1953 : vector<64x128xi32>
    %ne3A_1955 = arith.constant 0 : i32
    %ne3A_1956 = vector.broadcast %ne3A_1955 : i32 to vector<64x128xi32>
    %ne3A_1957 = arith.cmpi ne, %and3A_1954, %ne3A_1956 : vector<64x128xi32>
    %slice3A_1958 = vector.extract_strided_slice %select_n3A_1950 {offsets = [62, 0], sizes = [2, 128], strides = [1, 1]} : vector<64x128xi32> to vector<2x128xi32>
    %slice3A_1959 = vector.extract_strided_slice %select_n3A_1950 {offsets = [0, 0], sizes = [62, 128], strides = [1, 1]} : vector<64x128xi32> to vector<62x128xi32>
    %concatenate3A_1960 = tpu.concatenate %slice3A_1958, %slice3A_1959 in 0 : vector<2x128xi32>, vector<62x128xi32> -> vector<64x128xi32>
    %slice3A_1961 = vector.extract_strided_slice %select_n3A_1950 {offsets = [2, 0], sizes = [62, 128], strides = [1, 1]} : vector<64x128xi32> to vector<62x128xi32>
    %slice3A_1962 = vector.extract_strided_slice %select_n3A_1950 {offsets = [0, 0], sizes = [2, 128], strides = [1, 1]} : vector<64x128xi32> to vector<2x128xi32>
    %concatenate3A_1963 = tpu.concatenate %slice3A_1961, %slice3A_1962 in 0 : vector<62x128xi32>, vector<2x128xi32> -> vector<64x128xi32>
    %select_n3A_1964 = arith.select %ne3A_1957, %concatenate3A_1960, %concatenate3A_1963 : vector<64x128xi1>, vector<64x128xi32>
    %slice3A_1965 = vector.extract_strided_slice %select_n3A_1951 {offsets = [62, 0], sizes = [2, 128], strides = [1, 1]} : vector<64x128xi32> to vector<2x128xi32>
    %slice3A_1966 = vector.extract_strided_slice %select_n3A_1951 {offsets = [0, 0], sizes = [62, 128], strides = [1, 1]} : vector<64x128xi32> to vector<62x128xi32>
    %concatenate3A_1967 = tpu.concatenate %slice3A_1965, %slice3A_1966 in 0 : vector<2x128xi32>, vector<62x128xi32> -> vector<64x128xi32>
    %slice3A_1968 = vector.extract_strided_slice %select_n3A_1951 {offsets = [2, 0], sizes = [62, 128], strides = [1, 1]} : vector<64x128xi32> to vector<62x128xi32>
    %slice3A_1969 = vector.extract_strided_slice %select_n3A_1951 {offsets = [0, 0], sizes = [2, 128], strides = [1, 1]} : vector<64x128xi32> to vector<2x128xi32>
    %concatenate3A_1970 = tpu.concatenate %slice3A_1968, %slice3A_1969 in 0 : vector<62x128xi32>, vector<2x128xi32> -> vector<64x128xi32>
    %select_n3A_1971 = arith.select %ne3A_1957, %concatenate3A_1967, %concatenate3A_1970 : vector<64x128xi1>, vector<64x128xi32>
    %and3A_1972 = arith.constant 1024 : i32
    %and3A_1973 = vector.broadcast %and3A_1972 : i32 to vector<64x128xi32>
    %and3A_1974 = arith.andi %add3A_74, %and3A_1973 : vector<64x128xi32>
    %eq3A_1975 = arith.constant 0 : i32
    %eq3A_1976 = vector.broadcast %eq3A_1975 : i32 to vector<64x128xi32>
    %eq3A_1977 = arith.cmpi eq, %and3A_1974, %eq3A_1976 : vector<64x128xi32>
    %not3A_1978 = arith.constant dense<true> : vector<64x128xi1>
    %not3A_1979 = arith.xori %ne3A_1957, %not3A_1978 : vector<64x128xi1>
    %eq3A_1980 = arith.xori %not3A_1979, %eq3A_1977 : vector<64x128xi1>
    %eq3A_1981 = arith.constant dense<true> : vector<64x128xi1>
    %eq3A_1982 = arith.xori %eq3A_1980, %eq3A_1981 : vector<64x128xi1>
    %lt3A_1983 = arith.cmpi slt, %select_n3A_1964, %select_n3A_1950 : vector<64x128xi32>
    %eq3A_1984 = arith.cmpi eq, %select_n3A_1964, %select_n3A_1950 : vector<64x128xi32>
    %lt3A_1985 = arith.cmpi slt, %select_n3A_1971, %select_n3A_1951 : vector<64x128xi32>
    %and3A_1986 = arith.andi %eq3A_1984, %lt3A_1985 : vector<64x128xi1>
    %or3A_1987 = arith.ori %lt3A_1983, %and3A_1986 : vector<64x128xi1>
    %eq3A_1988 = arith.xori %eq3A_1982, %or3A_1987 : vector<64x128xi1>
    %eq3A_1989 = arith.constant dense<true> : vector<64x128xi1>
    %eq3A_1990 = arith.xori %eq3A_1988, %eq3A_1989 : vector<64x128xi1>
    %select_n3A_1991 = arith.select %eq3A_1990, %select_n3A_1964, %select_n3A_1950 : vector<64x128xi1>, vector<64x128xi32>
    %select_n3A_1992 = arith.select %eq3A_1990, %select_n3A_1971, %select_n3A_1951 : vector<64x128xi1>, vector<64x128xi32>
    %and3A_1993 = arith.constant 128 : i32
    %and3A_1994 = vector.broadcast %and3A_1993 : i32 to vector<64x128xi32>
    %and3A_1995 = arith.andi %add3A_74, %and3A_1994 : vector<64x128xi32>
    %ne3A_1996 = arith.constant 0 : i32
    %ne3A_1997 = vector.broadcast %ne3A_1996 : i32 to vector<64x128xi32>
    %ne3A_1998 = arith.cmpi ne, %and3A_1995, %ne3A_1997 : vector<64x128xi32>
    %slice3A_1999 = vector.extract_strided_slice %select_n3A_1991 {offsets = [63, 0], sizes = [1, 128], strides = [1, 1]} : vector<64x128xi32> to vector<1x128xi32>
    %slice3A_2000 = vector.extract_strided_slice %select_n3A_1991 {offsets = [0, 0], sizes = [63, 128], strides = [1, 1]} : vector<64x128xi32> to vector<63x128xi32>
    %concatenate3A_2001 = tpu.concatenate %slice3A_1999, %slice3A_2000 in 0 : vector<1x128xi32>, vector<63x128xi32> -> vector<64x128xi32>
    %slice3A_2002 = vector.extract_strided_slice %select_n3A_1991 {offsets = [1, 0], sizes = [63, 128], strides = [1, 1]} : vector<64x128xi32> to vector<63x128xi32>
    %slice3A_2003 = vector.extract_strided_slice %select_n3A_1991 {offsets = [0, 0], sizes = [1, 128], strides = [1, 1]} : vector<64x128xi32> to vector<1x128xi32>
    %concatenate3A_2004 = tpu.concatenate %slice3A_2002, %slice3A_2003 in 0 : vector<63x128xi32>, vector<1x128xi32> -> vector<64x128xi32>
    %select_n3A_2005 = arith.select %ne3A_1998, %concatenate3A_2001, %concatenate3A_2004 : vector<64x128xi1>, vector<64x128xi32>
    %slice3A_2006 = vector.extract_strided_slice %select_n3A_1992 {offsets = [63, 0], sizes = [1, 128], strides = [1, 1]} : vector<64x128xi32> to vector<1x128xi32>
    %slice3A_2007 = vector.extract_strided_slice %select_n3A_1992 {offsets = [0, 0], sizes = [63, 128], strides = [1, 1]} : vector<64x128xi32> to vector<63x128xi32>
    %concatenate3A_2008 = tpu.concatenate %slice3A_2006, %slice3A_2007 in 0 : vector<1x128xi32>, vector<63x128xi32> -> vector<64x128xi32>
    %slice3A_2009 = vector.extract_strided_slice %select_n3A_1992 {offsets = [1, 0], sizes = [63, 128], strides = [1, 1]} : vector<64x128xi32> to vector<63x128xi32>
    %slice3A_2010 = vector.extract_strided_slice %select_n3A_1992 {offsets = [0, 0], sizes = [1, 128], strides = [1, 1]} : vector<64x128xi32> to vector<1x128xi32>
    %concatenate3A_2011 = tpu.concatenate %slice3A_2009, %slice3A_2010 in 0 : vector<63x128xi32>, vector<1x128xi32> -> vector<64x128xi32>
    %select_n3A_2012 = arith.select %ne3A_1998, %concatenate3A_2008, %concatenate3A_2011 : vector<64x128xi1>, vector<64x128xi32>
    %and3A_2013 = arith.constant 1024 : i32
    %and3A_2014 = vector.broadcast %and3A_2013 : i32 to vector<64x128xi32>
    %and3A_2015 = arith.andi %add3A_74, %and3A_2014 : vector<64x128xi32>
    %eq3A_2016 = arith.constant 0 : i32
    %eq3A_2017 = vector.broadcast %eq3A_2016 : i32 to vector<64x128xi32>
    %eq3A_2018 = arith.cmpi eq, %and3A_2015, %eq3A_2017 : vector<64x128xi32>
    %not3A_2019 = arith.constant dense<true> : vector<64x128xi1>
    %not3A_2020 = arith.xori %ne3A_1998, %not3A_2019 : vector<64x128xi1>
    %eq3A_2021 = arith.xori %not3A_2020, %eq3A_2018 : vector<64x128xi1>
    %eq3A_2022 = arith.constant dense<true> : vector<64x128xi1>
    %eq3A_2023 = arith.xori %eq3A_2021, %eq3A_2022 : vector<64x128xi1>
    %lt3A_2024 = arith.cmpi slt, %select_n3A_2005, %select_n3A_1991 : vector<64x128xi32>
    %eq3A_2025 = arith.cmpi eq, %select_n3A_2005, %select_n3A_1991 : vector<64x128xi32>
    %lt3A_2026 = arith.cmpi slt, %select_n3A_2012, %select_n3A_1992 : vector<64x128xi32>
    %and3A_2027 = arith.andi %eq3A_2025, %lt3A_2026 : vector<64x128xi1>
    %or3A_2028 = arith.ori %lt3A_2024, %and3A_2027 : vector<64x128xi1>
    %eq3A_2029 = arith.xori %eq3A_2023, %or3A_2028 : vector<64x128xi1>
    %eq3A_2030 = arith.constant dense<true> : vector<64x128xi1>
    %eq3A_2031 = arith.xori %eq3A_2029, %eq3A_2030 : vector<64x128xi1>
    %select_n3A_2032 = arith.select %eq3A_2031, %select_n3A_2005, %select_n3A_1991 : vector<64x128xi1>, vector<64x128xi32>
    %select_n3A_2033 = arith.select %eq3A_2031, %select_n3A_2012, %select_n3A_1992 : vector<64x128xi1>, vector<64x128xi32>
    %and3A_2034 = arith.constant 64 : i32
    %and3A_2035 = vector.broadcast %and3A_2034 : i32 to vector<64x128xi32>
    %and3A_2036 = arith.andi %add3A_74, %and3A_2035 : vector<64x128xi32>
    %ne3A_2037 = arith.constant 0 : i32
    %ne3A_2038 = vector.broadcast %ne3A_2037 : i32 to vector<64x128xi32>
    %ne3A_2039 = arith.cmpi ne, %and3A_2036, %ne3A_2038 : vector<64x128xi32>
    %slice3A_2040 = vector.extract_strided_slice %select_n3A_2032 {offsets = [0, 64], sizes = [64, 64], strides = [1, 1]} : vector<64x128xi32> to vector<64x64xi32>
    %slice3A_2041 = vector.extract_strided_slice %select_n3A_2032 {offsets = [0, 0], sizes = [64, 64], strides = [1, 1]} : vector<64x128xi32> to vector<64x64xi32>
    %concatenate3A_2042 = tpu.concatenate %slice3A_2040, %slice3A_2041 in 1 : vector<64x64xi32>, vector<64x64xi32> -> vector<64x128xi32>
    %slice3A_2043 = vector.extract_strided_slice %select_n3A_2032 {offsets = [0, 64], sizes = [64, 64], strides = [1, 1]} : vector<64x128xi32> to vector<64x64xi32>
    %slice3A_2044 = vector.extract_strided_slice %select_n3A_2032 {offsets = [0, 0], sizes = [64, 64], strides = [1, 1]} : vector<64x128xi32> to vector<64x64xi32>
    %concatenate3A_2045 = tpu.concatenate %slice3A_2043, %slice3A_2044 in 1 : vector<64x64xi32>, vector<64x64xi32> -> vector<64x128xi32>
    %select_n3A_2046 = arith.select %ne3A_2039, %concatenate3A_2042, %concatenate3A_2045 : vector<64x128xi1>, vector<64x128xi32>
    %slice3A_2047 = vector.extract_strided_slice %select_n3A_2033 {offsets = [0, 64], sizes = [64, 64], strides = [1, 1]} : vector<64x128xi32> to vector<64x64xi32>
    %slice3A_2048 = vector.extract_strided_slice %select_n3A_2033 {offsets = [0, 0], sizes = [64, 64], strides = [1, 1]} : vector<64x128xi32> to vector<64x64xi32>
    %concatenate3A_2049 = tpu.concatenate %slice3A_2047, %slice3A_2048 in 1 : vector<64x64xi32>, vector<64x64xi32> -> vector<64x128xi32>
    %slice3A_2050 = vector.extract_strided_slice %select_n3A_2033 {offsets = [0, 64], sizes = [64, 64], strides = [1, 1]} : vector<64x128xi32> to vector<64x64xi32>
    %slice3A_2051 = vector.extract_strided_slice %select_n3A_2033 {offsets = [0, 0], sizes = [64, 64], strides = [1, 1]} : vector<64x128xi32> to vector<64x64xi32>
    %concatenate3A_2052 = tpu.concatenate %slice3A_2050, %slice3A_2051 in 1 : vector<64x64xi32>, vector<64x64xi32> -> vector<64x128xi32>
    %select_n3A_2053 = arith.select %ne3A_2039, %concatenate3A_2049, %concatenate3A_2052 : vector<64x128xi1>, vector<64x128xi32>
    %and3A_2054 = arith.constant 1024 : i32
    %and3A_2055 = vector.broadcast %and3A_2054 : i32 to vector<64x128xi32>
    %and3A_2056 = arith.andi %add3A_74, %and3A_2055 : vector<64x128xi32>
    %eq3A_2057 = arith.constant 0 : i32
    %eq3A_2058 = vector.broadcast %eq3A_2057 : i32 to vector<64x128xi32>
    %eq3A_2059 = arith.cmpi eq, %and3A_2056, %eq3A_2058 : vector<64x128xi32>
    %not3A_2060 = arith.constant dense<true> : vector<64x128xi1>
    %not3A_2061 = arith.xori %ne3A_2039, %not3A_2060 : vector<64x128xi1>
    %eq3A_2062 = arith.xori %not3A_2061, %eq3A_2059 : vector<64x128xi1>
    %eq3A_2063 = arith.constant dense<true> : vector<64x128xi1>
    %eq3A_2064 = arith.xori %eq3A_2062, %eq3A_2063 : vector<64x128xi1>
    %lt3A_2065 = arith.cmpi slt, %select_n3A_2046, %select_n3A_2032 : vector<64x128xi32>
    %eq3A_2066 = arith.cmpi eq, %select_n3A_2046, %select_n3A_2032 : vector<64x128xi32>
    %lt3A_2067 = arith.cmpi slt, %select_n3A_2053, %select_n3A_2033 : vector<64x128xi32>
    %and3A_2068 = arith.andi %eq3A_2066, %lt3A_2067 : vector<64x128xi1>
    %or3A_2069 = arith.ori %lt3A_2065, %and3A_2068 : vector<64x128xi1>
    %eq3A_2070 = arith.xori %eq3A_2064, %or3A_2069 : vector<64x128xi1>
    %eq3A_2071 = arith.constant dense<true> : vector<64x128xi1>
    %eq3A_2072 = arith.xori %eq3A_2070, %eq3A_2071 : vector<64x128xi1>
    %select_n3A_2073 = arith.select %eq3A_2072, %select_n3A_2046, %select_n3A_2032 : vector<64x128xi1>, vector<64x128xi32>
    %select_n3A_2074 = arith.select %eq3A_2072, %select_n3A_2053, %select_n3A_2033 : vector<64x128xi1>, vector<64x128xi32>
    %and3A_2075 = arith.constant 32 : i32
    %and3A_2076 = vector.broadcast %and3A_2075 : i32 to vector<64x128xi32>
    %and3A_2077 = arith.andi %add3A_74, %and3A_2076 : vector<64x128xi32>
    %ne3A_2078 = arith.constant 0 : i32
    %ne3A_2079 = vector.broadcast %ne3A_2078 : i32 to vector<64x128xi32>
    %ne3A_2080 = arith.cmpi ne, %and3A_2077, %ne3A_2079 : vector<64x128xi32>
    %slice3A_2081 = vector.extract_strided_slice %select_n3A_2073 {offsets = [0, 96], sizes = [64, 32], strides = [1, 1]} : vector<64x128xi32> to vector<64x32xi32>
    %slice3A_2082 = vector.extract_strided_slice %select_n3A_2073 {offsets = [0, 0], sizes = [64, 96], strides = [1, 1]} : vector<64x128xi32> to vector<64x96xi32>
    %concatenate3A_2083 = tpu.concatenate %slice3A_2081, %slice3A_2082 in 1 : vector<64x32xi32>, vector<64x96xi32> -> vector<64x128xi32>
    %slice3A_2084 = vector.extract_strided_slice %select_n3A_2073 {offsets = [0, 32], sizes = [64, 96], strides = [1, 1]} : vector<64x128xi32> to vector<64x96xi32>
    %slice3A_2085 = vector.extract_strided_slice %select_n3A_2073 {offsets = [0, 0], sizes = [64, 32], strides = [1, 1]} : vector<64x128xi32> to vector<64x32xi32>
    %concatenate3A_2086 = tpu.concatenate %slice3A_2084, %slice3A_2085 in 1 : vector<64x96xi32>, vector<64x32xi32> -> vector<64x128xi32>
    %select_n3A_2087 = arith.select %ne3A_2080, %concatenate3A_2083, %concatenate3A_2086 : vector<64x128xi1>, vector<64x128xi32>
    %slice3A_2088 = vector.extract_strided_slice %select_n3A_2074 {offsets = [0, 96], sizes = [64, 32], strides = [1, 1]} : vector<64x128xi32> to vector<64x32xi32>
    %slice3A_2089 = vector.extract_strided_slice %select_n3A_2074 {offsets = [0, 0], sizes = [64, 96], strides = [1, 1]} : vector<64x128xi32> to vector<64x96xi32>
    %concatenate3A_2090 = tpu.concatenate %slice3A_2088, %slice3A_2089 in 1 : vector<64x32xi32>, vector<64x96xi32> -> vector<64x128xi32>
    %slice3A_2091 = vector.extract_strided_slice %select_n3A_2074 {offsets = [0, 32], sizes = [64, 96], strides = [1, 1]} : vector<64x128xi32> to vector<64x96xi32>
    %slice3A_2092 = vector.extract_strided_slice %select_n3A_2074 {offsets = [0, 0], sizes = [64, 32], strides = [1, 1]} : vector<64x128xi32> to vector<64x32xi32>
    %concatenate3A_2093 = tpu.concatenate %slice3A_2091, %slice3A_2092 in 1 : vector<64x96xi32>, vector<64x32xi32> -> vector<64x128xi32>
    %select_n3A_2094 = arith.select %ne3A_2080, %concatenate3A_2090, %concatenate3A_2093 : vector<64x128xi1>, vector<64x128xi32>
    %and3A_2095 = arith.constant 1024 : i32
    %and3A_2096 = vector.broadcast %and3A_2095 : i32 to vector<64x128xi32>
    %and3A_2097 = arith.andi %add3A_74, %and3A_2096 : vector<64x128xi32>
    %eq3A_2098 = arith.constant 0 : i32
    %eq3A_2099 = vector.broadcast %eq3A_2098 : i32 to vector<64x128xi32>
    %eq3A_2100 = arith.cmpi eq, %and3A_2097, %eq3A_2099 : vector<64x128xi32>
    %not3A_2101 = arith.constant dense<true> : vector<64x128xi1>
    %not3A_2102 = arith.xori %ne3A_2080, %not3A_2101 : vector<64x128xi1>
    %eq3A_2103 = arith.xori %not3A_2102, %eq3A_2100 : vector<64x128xi1>
    %eq3A_2104 = arith.constant dense<true> : vector<64x128xi1>
    %eq3A_2105 = arith.xori %eq3A_2103, %eq3A_2104 : vector<64x128xi1>
    %lt3A_2106 = arith.cmpi slt, %select_n3A_2087, %select_n3A_2073 : vector<64x128xi32>
    %eq3A_2107 = arith.cmpi eq, %select_n3A_2087, %select_n3A_2073 : vector<64x128xi32>
    %lt3A_2108 = arith.cmpi slt, %select_n3A_2094, %select_n3A_2074 : vector<64x128xi32>
    %and3A_2109 = arith.andi %eq3A_2107, %lt3A_2108 : vector<64x128xi1>
    %or3A_2110 = arith.ori %lt3A_2106, %and3A_2109 : vector<64x128xi1>
    %eq3A_2111 = arith.xori %eq3A_2105, %or3A_2110 : vector<64x128xi1>
    %eq3A_2112 = arith.constant dense<true> : vector<64x128xi1>
    %eq3A_2113 = arith.xori %eq3A_2111, %eq3A_2112 : vector<64x128xi1>
    %select_n3A_2114 = arith.select %eq3A_2113, %select_n3A_2087, %select_n3A_2073 : vector<64x128xi1>, vector<64x128xi32>
    %select_n3A_2115 = arith.select %eq3A_2113, %select_n3A_2094, %select_n3A_2074 : vector<64x128xi1>, vector<64x128xi32>
    %and3A_2116 = arith.constant 16 : i32
    %and3A_2117 = vector.broadcast %and3A_2116 : i32 to vector<64x128xi32>
    %and3A_2118 = arith.andi %add3A_74, %and3A_2117 : vector<64x128xi32>
    %ne3A_2119 = arith.constant 0 : i32
    %ne3A_2120 = vector.broadcast %ne3A_2119 : i32 to vector<64x128xi32>
    %ne3A_2121 = arith.cmpi ne, %and3A_2118, %ne3A_2120 : vector<64x128xi32>
    %slice3A_2122 = vector.extract_strided_slice %select_n3A_2114 {offsets = [0, 112], sizes = [64, 16], strides = [1, 1]} : vector<64x128xi32> to vector<64x16xi32>
    %slice3A_2123 = vector.extract_strided_slice %select_n3A_2114 {offsets = [0, 0], sizes = [64, 112], strides = [1, 1]} : vector<64x128xi32> to vector<64x112xi32>
    %concatenate3A_2124 = tpu.concatenate %slice3A_2122, %slice3A_2123 in 1 : vector<64x16xi32>, vector<64x112xi32> -> vector<64x128xi32>
    %slice3A_2125 = vector.extract_strided_slice %select_n3A_2114 {offsets = [0, 16], sizes = [64, 112], strides = [1, 1]} : vector<64x128xi32> to vector<64x112xi32>
    %slice3A_2126 = vector.extract_strided_slice %select_n3A_2114 {offsets = [0, 0], sizes = [64, 16], strides = [1, 1]} : vector<64x128xi32> to vector<64x16xi32>
    %concatenate3A_2127 = tpu.concatenate %slice3A_2125, %slice3A_2126 in 1 : vector<64x112xi32>, vector<64x16xi32> -> vector<64x128xi32>
    %select_n3A_2128 = arith.select %ne3A_2121, %concatenate3A_2124, %concatenate3A_2127 : vector<64x128xi1>, vector<64x128xi32>
    %slice3A_2129 = vector.extract_strided_slice %select_n3A_2115 {offsets = [0, 112], sizes = [64, 16], strides = [1, 1]} : vector<64x128xi32> to vector<64x16xi32>
    %slice3A_2130 = vector.extract_strided_slice %select_n3A_2115 {offsets = [0, 0], sizes = [64, 112], strides = [1, 1]} : vector<64x128xi32> to vector<64x112xi32>
    %concatenate3A_2131 = tpu.concatenate %slice3A_2129, %slice3A_2130 in 1 : vector<64x16xi32>, vector<64x112xi32> -> vector<64x128xi32>
    %slice3A_2132 = vector.extract_strided_slice %select_n3A_2115 {offsets = [0, 16], sizes = [64, 112], strides = [1, 1]} : vector<64x128xi32> to vector<64x112xi32>
    %slice3A_2133 = vector.extract_strided_slice %select_n3A_2115 {offsets = [0, 0], sizes = [64, 16], strides = [1, 1]} : vector<64x128xi32> to vector<64x16xi32>
    %concatenate3A_2134 = tpu.concatenate %slice3A_2132, %slice3A_2133 in 1 : vector<64x112xi32>, vector<64x16xi32> -> vector<64x128xi32>
    %select_n3A_2135 = arith.select %ne3A_2121, %concatenate3A_2131, %concatenate3A_2134 : vector<64x128xi1>, vector<64x128xi32>
    %and3A_2136 = arith.constant 1024 : i32
    %and3A_2137 = vector.broadcast %and3A_2136 : i32 to vector<64x128xi32>
    %and3A_2138 = arith.andi %add3A_74, %and3A_2137 : vector<64x128xi32>
    %eq3A_2139 = arith.constant 0 : i32
    %eq3A_2140 = vector.broadcast %eq3A_2139 : i32 to vector<64x128xi32>
    %eq3A_2141 = arith.cmpi eq, %and3A_2138, %eq3A_2140 : vector<64x128xi32>
    %not3A_2142 = arith.constant dense<true> : vector<64x128xi1>
    %not3A_2143 = arith.xori %ne3A_2121, %not3A_2142 : vector<64x128xi1>
    %eq3A_2144 = arith.xori %not3A_2143, %eq3A_2141 : vector<64x128xi1>
    %eq3A_2145 = arith.constant dense<true> : vector<64x128xi1>
    %eq3A_2146 = arith.xori %eq3A_2144, %eq3A_2145 : vector<64x128xi1>
    %lt3A_2147 = arith.cmpi slt, %select_n3A_2128, %select_n3A_2114 : vector<64x128xi32>
    %eq3A_2148 = arith.cmpi eq, %select_n3A_2128, %select_n3A_2114 : vector<64x128xi32>
    %lt3A_2149 = arith.cmpi slt, %select_n3A_2135, %select_n3A_2115 : vector<64x128xi32>
    %and3A_2150 = arith.andi %eq3A_2148, %lt3A_2149 : vector<64x128xi1>
    %or3A_2151 = arith.ori %lt3A_2147, %and3A_2150 : vector<64x128xi1>
    %eq3A_2152 = arith.xori %eq3A_2146, %or3A_2151 : vector<64x128xi1>
    %eq3A_2153 = arith.constant dense<true> : vector<64x128xi1>
    %eq3A_2154 = arith.xori %eq3A_2152, %eq3A_2153 : vector<64x128xi1>
    %select_n3A_2155 = arith.select %eq3A_2154, %select_n3A_2128, %select_n3A_2114 : vector<64x128xi1>, vector<64x128xi32>
    %select_n3A_2156 = arith.select %eq3A_2154, %select_n3A_2135, %select_n3A_2115 : vector<64x128xi1>, vector<64x128xi32>
    %and3A_2157 = arith.constant 8 : i32
    %and3A_2158 = vector.broadcast %and3A_2157 : i32 to vector<64x128xi32>
    %and3A_2159 = arith.andi %add3A_74, %and3A_2158 : vector<64x128xi32>
    %ne3A_2160 = arith.constant 0 : i32
    %ne3A_2161 = vector.broadcast %ne3A_2160 : i32 to vector<64x128xi32>
    %ne3A_2162 = arith.cmpi ne, %and3A_2159, %ne3A_2161 : vector<64x128xi32>
    %slice3A_2163 = vector.extract_strided_slice %select_n3A_2155 {offsets = [0, 120], sizes = [64, 8], strides = [1, 1]} : vector<64x128xi32> to vector<64x8xi32>
    %slice3A_2164 = vector.extract_strided_slice %select_n3A_2155 {offsets = [0, 0], sizes = [64, 120], strides = [1, 1]} : vector<64x128xi32> to vector<64x120xi32>
    %concatenate3A_2165 = tpu.concatenate %slice3A_2163, %slice3A_2164 in 1 : vector<64x8xi32>, vector<64x120xi32> -> vector<64x128xi32>
    %slice3A_2166 = vector.extract_strided_slice %select_n3A_2155 {offsets = [0, 8], sizes = [64, 120], strides = [1, 1]} : vector<64x128xi32> to vector<64x120xi32>
    %slice3A_2167 = vector.extract_strided_slice %select_n3A_2155 {offsets = [0, 0], sizes = [64, 8], strides = [1, 1]} : vector<64x128xi32> to vector<64x8xi32>
    %concatenate3A_2168 = tpu.concatenate %slice3A_2166, %slice3A_2167 in 1 : vector<64x120xi32>, vector<64x8xi32> -> vector<64x128xi32>
    %select_n3A_2169 = arith.select %ne3A_2162, %concatenate3A_2165, %concatenate3A_2168 : vector<64x128xi1>, vector<64x128xi32>
    %slice3A_2170 = vector.extract_strided_slice %select_n3A_2156 {offsets = [0, 120], sizes = [64, 8], strides = [1, 1]} : vector<64x128xi32> to vector<64x8xi32>
    %slice3A_2171 = vector.extract_strided_slice %select_n3A_2156 {offsets = [0, 0], sizes = [64, 120], strides = [1, 1]} : vector<64x128xi32> to vector<64x120xi32>
    %concatenate3A_2172 = tpu.concatenate %slice3A_2170, %slice3A_2171 in 1 : vector<64x8xi32>, vector<64x120xi32> -> vector<64x128xi32>
    %slice3A_2173 = vector.extract_strided_slice %select_n3A_2156 {offsets = [0, 8], sizes = [64, 120], strides = [1, 1]} : vector<64x128xi32> to vector<64x120xi32>
    %slice3A_2174 = vector.extract_strided_slice %select_n3A_2156 {offsets = [0, 0], sizes = [64, 8], strides = [1, 1]} : vector<64x128xi32> to vector<64x8xi32>
    %concatenate3A_2175 = tpu.concatenate %slice3A_2173, %slice3A_2174 in 1 : vector<64x120xi32>, vector<64x8xi32> -> vector<64x128xi32>
    %select_n3A_2176 = arith.select %ne3A_2162, %concatenate3A_2172, %concatenate3A_2175 : vector<64x128xi1>, vector<64x128xi32>
    %and3A_2177 = arith.constant 1024 : i32
    %and3A_2178 = vector.broadcast %and3A_2177 : i32 to vector<64x128xi32>
    %and3A_2179 = arith.andi %add3A_74, %and3A_2178 : vector<64x128xi32>
    %eq3A_2180 = arith.constant 0 : i32
    %eq3A_2181 = vector.broadcast %eq3A_2180 : i32 to vector<64x128xi32>
    %eq3A_2182 = arith.cmpi eq, %and3A_2179, %eq3A_2181 : vector<64x128xi32>
    %not3A_2183 = arith.constant dense<true> : vector<64x128xi1>
    %not3A_2184 = arith.xori %ne3A_2162, %not3A_2183 : vector<64x128xi1>
    %eq3A_2185 = arith.xori %not3A_2184, %eq3A_2182 : vector<64x128xi1>
    %eq3A_2186 = arith.constant dense<true> : vector<64x128xi1>
    %eq3A_2187 = arith.xori %eq3A_2185, %eq3A_2186 : vector<64x128xi1>
    %lt3A_2188 = arith.cmpi slt, %select_n3A_2169, %select_n3A_2155 : vector<64x128xi32>
    %eq3A_2189 = arith.cmpi eq, %select_n3A_2169, %select_n3A_2155 : vector<64x128xi32>
    %lt3A_2190 = arith.cmpi slt, %select_n3A_2176, %select_n3A_2156 : vector<64x128xi32>
    %and3A_2191 = arith.andi %eq3A_2189, %lt3A_2190 : vector<64x128xi1>
    %or3A_2192 = arith.ori %lt3A_2188, %and3A_2191 : vector<64x128xi1>
    %eq3A_2193 = arith.xori %eq3A_2187, %or3A_2192 : vector<64x128xi1>
    %eq3A_2194 = arith.constant dense<true> : vector<64x128xi1>
    %eq3A_2195 = arith.xori %eq3A_2193, %eq3A_2194 : vector<64x128xi1>
    %select_n3A_2196 = arith.select %eq3A_2195, %select_n3A_2169, %select_n3A_2155 : vector<64x128xi1>, vector<64x128xi32>
    %select_n3A_2197 = arith.select %eq3A_2195, %select_n3A_2176, %select_n3A_2156 : vector<64x128xi1>, vector<64x128xi32>
    %and3A_2198 = arith.constant 4 : i32
    %and3A_2199 = vector.broadcast %and3A_2198 : i32 to vector<64x128xi32>
    %and3A_2200 = arith.andi %add3A_74, %and3A_2199 : vector<64x128xi32>
    %ne3A_2201 = arith.constant 0 : i32
    %ne3A_2202 = vector.broadcast %ne3A_2201 : i32 to vector<64x128xi32>
    %ne3A_2203 = arith.cmpi ne, %and3A_2200, %ne3A_2202 : vector<64x128xi32>
    %slice3A_2204 = vector.extract_strided_slice %select_n3A_2196 {offsets = [0, 124], sizes = [64, 4], strides = [1, 1]} : vector<64x128xi32> to vector<64x4xi32>
    %slice3A_2205 = vector.extract_strided_slice %select_n3A_2196 {offsets = [0, 0], sizes = [64, 124], strides = [1, 1]} : vector<64x128xi32> to vector<64x124xi32>
    %concatenate3A_2206 = tpu.concatenate %slice3A_2204, %slice3A_2205 in 1 : vector<64x4xi32>, vector<64x124xi32> -> vector<64x128xi32>
    %slice3A_2207 = vector.extract_strided_slice %select_n3A_2196 {offsets = [0, 4], sizes = [64, 124], strides = [1, 1]} : vector<64x128xi32> to vector<64x124xi32>
    %slice3A_2208 = vector.extract_strided_slice %select_n3A_2196 {offsets = [0, 0], sizes = [64, 4], strides = [1, 1]} : vector<64x128xi32> to vector<64x4xi32>
    %concatenate3A_2209 = tpu.concatenate %slice3A_2207, %slice3A_2208 in 1 : vector<64x124xi32>, vector<64x4xi32> -> vector<64x128xi32>
    %select_n3A_2210 = arith.select %ne3A_2203, %concatenate3A_2206, %concatenate3A_2209 : vector<64x128xi1>, vector<64x128xi32>
    %slice3A_2211 = vector.extract_strided_slice %select_n3A_2197 {offsets = [0, 124], sizes = [64, 4], strides = [1, 1]} : vector<64x128xi32> to vector<64x4xi32>
    %slice3A_2212 = vector.extract_strided_slice %select_n3A_2197 {offsets = [0, 0], sizes = [64, 124], strides = [1, 1]} : vector<64x128xi32> to vector<64x124xi32>
    %concatenate3A_2213 = tpu.concatenate %slice3A_2211, %slice3A_2212 in 1 : vector<64x4xi32>, vector<64x124xi32> -> vector<64x128xi32>
    %slice3A_2214 = vector.extract_strided_slice %select_n3A_2197 {offsets = [0, 4], sizes = [64, 124], strides = [1, 1]} : vector<64x128xi32> to vector<64x124xi32>
    %slice3A_2215 = vector.extract_strided_slice %select_n3A_2197 {offsets = [0, 0], sizes = [64, 4], strides = [1, 1]} : vector<64x128xi32> to vector<64x4xi32>
    %concatenate3A_2216 = tpu.concatenate %slice3A_2214, %slice3A_2215 in 1 : vector<64x124xi32>, vector<64x4xi32> -> vector<64x128xi32>
    %select_n3A_2217 = arith.select %ne3A_2203, %concatenate3A_2213, %concatenate3A_2216 : vector<64x128xi1>, vector<64x128xi32>
    %and3A_2218 = arith.constant 1024 : i32
    %and3A_2219 = vector.broadcast %and3A_2218 : i32 to vector<64x128xi32>
    %and3A_2220 = arith.andi %add3A_74, %and3A_2219 : vector<64x128xi32>
    %eq3A_2221 = arith.constant 0 : i32
    %eq3A_2222 = vector.broadcast %eq3A_2221 : i32 to vector<64x128xi32>
    %eq3A_2223 = arith.cmpi eq, %and3A_2220, %eq3A_2222 : vector<64x128xi32>
    %not3A_2224 = arith.constant dense<true> : vector<64x128xi1>
    %not3A_2225 = arith.xori %ne3A_2203, %not3A_2224 : vector<64x128xi1>
    %eq3A_2226 = arith.xori %not3A_2225, %eq3A_2223 : vector<64x128xi1>
    %eq3A_2227 = arith.constant dense<true> : vector<64x128xi1>
    %eq3A_2228 = arith.xori %eq3A_2226, %eq3A_2227 : vector<64x128xi1>
    %lt3A_2229 = arith.cmpi slt, %select_n3A_2210, %select_n3A_2196 : vector<64x128xi32>
    %eq3A_2230 = arith.cmpi eq, %select_n3A_2210, %select_n3A_2196 : vector<64x128xi32>
    %lt3A_2231 = arith.cmpi slt, %select_n3A_2217, %select_n3A_2197 : vector<64x128xi32>
    %and3A_2232 = arith.andi %eq3A_2230, %lt3A_2231 : vector<64x128xi1>
    %or3A_2233 = arith.ori %lt3A_2229, %and3A_2232 : vector<64x128xi1>
    %eq3A_2234 = arith.xori %eq3A_2228, %or3A_2233 : vector<64x128xi1>
    %eq3A_2235 = arith.constant dense<true> : vector<64x128xi1>
    %eq3A_2236 = arith.xori %eq3A_2234, %eq3A_2235 : vector<64x128xi1>
    %select_n3A_2237 = arith.select %eq3A_2236, %select_n3A_2210, %select_n3A_2196 : vector<64x128xi1>, vector<64x128xi32>
    %select_n3A_2238 = arith.select %eq3A_2236, %select_n3A_2217, %select_n3A_2197 : vector<64x128xi1>, vector<64x128xi32>
    %and3A_2239 = arith.constant 2 : i32
    %and3A_2240 = vector.broadcast %and3A_2239 : i32 to vector<64x128xi32>
    %and3A_2241 = arith.andi %add3A_74, %and3A_2240 : vector<64x128xi32>
    %ne3A_2242 = arith.constant 0 : i32
    %ne3A_2243 = vector.broadcast %ne3A_2242 : i32 to vector<64x128xi32>
    %ne3A_2244 = arith.cmpi ne, %and3A_2241, %ne3A_2243 : vector<64x128xi32>
    %slice3A_2245 = vector.extract_strided_slice %select_n3A_2237 {offsets = [0, 126], sizes = [64, 2], strides = [1, 1]} : vector<64x128xi32> to vector<64x2xi32>
    %slice3A_2246 = vector.extract_strided_slice %select_n3A_2237 {offsets = [0, 0], sizes = [64, 126], strides = [1, 1]} : vector<64x128xi32> to vector<64x126xi32>
    %concatenate3A_2247 = tpu.concatenate %slice3A_2245, %slice3A_2246 in 1 : vector<64x2xi32>, vector<64x126xi32> -> vector<64x128xi32>
    %slice3A_2248 = vector.extract_strided_slice %select_n3A_2237 {offsets = [0, 2], sizes = [64, 126], strides = [1, 1]} : vector<64x128xi32> to vector<64x126xi32>
    %slice3A_2249 = vector.extract_strided_slice %select_n3A_2237 {offsets = [0, 0], sizes = [64, 2], strides = [1, 1]} : vector<64x128xi32> to vector<64x2xi32>
    %concatenate3A_2250 = tpu.concatenate %slice3A_2248, %slice3A_2249 in 1 : vector<64x126xi32>, vector<64x2xi32> -> vector<64x128xi32>
    %select_n3A_2251 = arith.select %ne3A_2244, %concatenate3A_2247, %concatenate3A_2250 : vector<64x128xi1>, vector<64x128xi32>
    %slice3A_2252 = vector.extract_strided_slice %select_n3A_2238 {offsets = [0, 126], sizes = [64, 2], strides = [1, 1]} : vector<64x128xi32> to vector<64x2xi32>
    %slice3A_2253 = vector.extract_strided_slice %select_n3A_2238 {offsets = [0, 0], sizes = [64, 126], strides = [1, 1]} : vector<64x128xi32> to vector<64x126xi32>
    %concatenate3A_2254 = tpu.concatenate %slice3A_2252, %slice3A_2253 in 1 : vector<64x2xi32>, vector<64x126xi32> -> vector<64x128xi32>
    %slice3A_2255 = vector.extract_strided_slice %select_n3A_2238 {offsets = [0, 2], sizes = [64, 126], strides = [1, 1]} : vector<64x128xi32> to vector<64x126xi32>
    %slice3A_2256 = vector.extract_strided_slice %select_n3A_2238 {offsets = [0, 0], sizes = [64, 2], strides = [1, 1]} : vector<64x128xi32> to vector<64x2xi32>
    %concatenate3A_2257 = tpu.concatenate %slice3A_2255, %slice3A_2256 in 1 : vector<64x126xi32>, vector<64x2xi32> -> vector<64x128xi32>
    %select_n3A_2258 = arith.select %ne3A_2244, %concatenate3A_2254, %concatenate3A_2257 : vector<64x128xi1>, vector<64x128xi32>
    %and3A_2259 = arith.constant 1024 : i32
    %and3A_2260 = vector.broadcast %and3A_2259 : i32 to vector<64x128xi32>
    %and3A_2261 = arith.andi %add3A_74, %and3A_2260 : vector<64x128xi32>
    %eq3A_2262 = arith.constant 0 : i32
    %eq3A_2263 = vector.broadcast %eq3A_2262 : i32 to vector<64x128xi32>
    %eq3A_2264 = arith.cmpi eq, %and3A_2261, %eq3A_2263 : vector<64x128xi32>
    %not3A_2265 = arith.constant dense<true> : vector<64x128xi1>
    %not3A_2266 = arith.xori %ne3A_2244, %not3A_2265 : vector<64x128xi1>
    %eq3A_2267 = arith.xori %not3A_2266, %eq3A_2264 : vector<64x128xi1>
    %eq3A_2268 = arith.constant dense<true> : vector<64x128xi1>
    %eq3A_2269 = arith.xori %eq3A_2267, %eq3A_2268 : vector<64x128xi1>
    %lt3A_2270 = arith.cmpi slt, %select_n3A_2251, %select_n3A_2237 : vector<64x128xi32>
    %eq3A_2271 = arith.cmpi eq, %select_n3A_2251, %select_n3A_2237 : vector<64x128xi32>
    %lt3A_2272 = arith.cmpi slt, %select_n3A_2258, %select_n3A_2238 : vector<64x128xi32>
    %and3A_2273 = arith.andi %eq3A_2271, %lt3A_2272 : vector<64x128xi1>
    %or3A_2274 = arith.ori %lt3A_2270, %and3A_2273 : vector<64x128xi1>
    %eq3A_2275 = arith.xori %eq3A_2269, %or3A_2274 : vector<64x128xi1>
    %eq3A_2276 = arith.constant dense<true> : vector<64x128xi1>
    %eq3A_2277 = arith.xori %eq3A_2275, %eq3A_2276 : vector<64x128xi1>
    %select_n3A_2278 = arith.select %eq3A_2277, %select_n3A_2251, %select_n3A_2237 : vector<64x128xi1>, vector<64x128xi32>
    %select_n3A_2279 = arith.select %eq3A_2277, %select_n3A_2258, %select_n3A_2238 : vector<64x128xi1>, vector<64x128xi32>
    %and3A_2280 = arith.constant 1 : i32
    %and3A_2281 = vector.broadcast %and3A_2280 : i32 to vector<64x128xi32>
    %and3A_2282 = arith.andi %add3A_74, %and3A_2281 : vector<64x128xi32>
    %ne3A_2283 = arith.constant 0 : i32
    %ne3A_2284 = vector.broadcast %ne3A_2283 : i32 to vector<64x128xi32>
    %ne3A_2285 = arith.cmpi ne, %and3A_2282, %ne3A_2284 : vector<64x128xi32>
    %slice3A_2286 = vector.extract_strided_slice %select_n3A_2278 {offsets = [0, 127], sizes = [64, 1], strides = [1, 1]} : vector<64x128xi32> to vector<64x1xi32>
    %slice3A_2287 = vector.extract_strided_slice %select_n3A_2278 {offsets = [0, 0], sizes = [64, 127], strides = [1, 1]} : vector<64x128xi32> to vector<64x127xi32>
    %concatenate3A_2288 = tpu.concatenate %slice3A_2286, %slice3A_2287 in 1 : vector<64x1xi32>, vector<64x127xi32> -> vector<64x128xi32>
    %slice3A_2289 = vector.extract_strided_slice %select_n3A_2278 {offsets = [0, 1], sizes = [64, 127], strides = [1, 1]} : vector<64x128xi32> to vector<64x127xi32>
    %slice3A_2290 = vector.extract_strided_slice %select_n3A_2278 {offsets = [0, 0], sizes = [64, 1], strides = [1, 1]} : vector<64x128xi32> to vector<64x1xi32>
    %concatenate3A_2291 = tpu.concatenate %slice3A_2289, %slice3A_2290 in 1 : vector<64x127xi32>, vector<64x1xi32> -> vector<64x128xi32>
    %select_n3A_2292 = arith.select %ne3A_2285, %concatenate3A_2288, %concatenate3A_2291 : vector<64x128xi1>, vector<64x128xi32>
    %slice3A_2293 = vector.extract_strided_slice %select_n3A_2279 {offsets = [0, 127], sizes = [64, 1], strides = [1, 1]} : vector<64x128xi32> to vector<64x1xi32>
    %slice3A_2294 = vector.extract_strided_slice %select_n3A_2279 {offsets = [0, 0], sizes = [64, 127], strides = [1, 1]} : vector<64x128xi32> to vector<64x127xi32>
    %concatenate3A_2295 = tpu.concatenate %slice3A_2293, %slice3A_2294 in 1 : vector<64x1xi32>, vector<64x127xi32> -> vector<64x128xi32>
    %slice3A_2296 = vector.extract_strided_slice %select_n3A_2279 {offsets = [0, 1], sizes = [64, 127], strides = [1, 1]} : vector<64x128xi32> to vector<64x127xi32>
    %slice3A_2297 = vector.extract_strided_slice %select_n3A_2279 {offsets = [0, 0], sizes = [64, 1], strides = [1, 1]} : vector<64x128xi32> to vector<64x1xi32>
    %concatenate3A_2298 = tpu.concatenate %slice3A_2296, %slice3A_2297 in 1 : vector<64x127xi32>, vector<64x1xi32> -> vector<64x128xi32>
    %select_n3A_2299 = arith.select %ne3A_2285, %concatenate3A_2295, %concatenate3A_2298 : vector<64x128xi1>, vector<64x128xi32>
    %and3A_2300 = arith.constant 1024 : i32
    %and3A_2301 = vector.broadcast %and3A_2300 : i32 to vector<64x128xi32>
    %and3A_2302 = arith.andi %add3A_74, %and3A_2301 : vector<64x128xi32>
    %eq3A_2303 = arith.constant 0 : i32
    %eq3A_2304 = vector.broadcast %eq3A_2303 : i32 to vector<64x128xi32>
    %eq3A_2305 = arith.cmpi eq, %and3A_2302, %eq3A_2304 : vector<64x128xi32>
    %not3A_2306 = arith.constant dense<true> : vector<64x128xi1>
    %not3A_2307 = arith.xori %ne3A_2285, %not3A_2306 : vector<64x128xi1>
    %eq3A_2308 = arith.xori %not3A_2307, %eq3A_2305 : vector<64x128xi1>
    %eq3A_2309 = arith.constant dense<true> : vector<64x128xi1>
    %eq3A_2310 = arith.xori %eq3A_2308, %eq3A_2309 : vector<64x128xi1>
    %lt3A_2311 = arith.cmpi slt, %select_n3A_2292, %select_n3A_2278 : vector<64x128xi32>
    %eq3A_2312 = arith.cmpi eq, %select_n3A_2292, %select_n3A_2278 : vector<64x128xi32>
    %lt3A_2313 = arith.cmpi slt, %select_n3A_2299, %select_n3A_2279 : vector<64x128xi32>
    %and3A_2314 = arith.andi %eq3A_2312, %lt3A_2313 : vector<64x128xi1>
    %or3A_2315 = arith.ori %lt3A_2311, %and3A_2314 : vector<64x128xi1>
    %eq3A_2316 = arith.xori %eq3A_2310, %or3A_2315 : vector<64x128xi1>
    %eq3A_2317 = arith.constant dense<true> : vector<64x128xi1>
    %eq3A_2318 = arith.xori %eq3A_2316, %eq3A_2317 : vector<64x128xi1>
    %select_n3A_2319 = arith.select %eq3A_2318, %select_n3A_2292, %select_n3A_2278 : vector<64x128xi1>, vector<64x128xi32>
    %select_n3A_2320 = arith.select %eq3A_2318, %select_n3A_2299, %select_n3A_2279 : vector<64x128xi1>, vector<64x128xi32>
    %and3A_2321 = arith.constant 1024 : i32
    %and3A_2322 = vector.broadcast %and3A_2321 : i32 to vector<64x128xi32>
    %and3A_2323 = arith.andi %add3A_74, %and3A_2322 : vector<64x128xi32>
    %ne3A_2324 = arith.constant 0 : i32
    %ne3A_2325 = vector.broadcast %ne3A_2324 : i32 to vector<64x128xi32>
    %ne3A_2326 = arith.cmpi ne, %and3A_2323, %ne3A_2325 : vector<64x128xi32>
    %slice3A_2327 = vector.extract_strided_slice %select_n3A_2319 {offsets = [56, 0], sizes = [8, 128], strides = [1, 1]} : vector<64x128xi32> to vector<8x128xi32>
    %slice3A_2328 = vector.extract_strided_slice %select_n3A_2319 {offsets = [0, 0], sizes = [56, 128], strides = [1, 1]} : vector<64x128xi32> to vector<56x128xi32>
    %concatenate3A_2329 = tpu.concatenate %slice3A_2327, %slice3A_2328 in 0 : vector<8x128xi32>, vector<56x128xi32> -> vector<64x128xi32>
    %slice3A_2330 = vector.extract_strided_slice %select_n3A_2319 {offsets = [8, 0], sizes = [56, 128], strides = [1, 1]} : vector<64x128xi32> to vector<56x128xi32>
    %slice3A_2331 = vector.extract_strided_slice %select_n3A_2319 {offsets = [0, 0], sizes = [8, 128], strides = [1, 1]} : vector<64x128xi32> to vector<8x128xi32>
    %concatenate3A_2332 = tpu.concatenate %slice3A_2330, %slice3A_2331 in 0 : vector<56x128xi32>, vector<8x128xi32> -> vector<64x128xi32>
    %select_n3A_2333 = arith.select %ne3A_2326, %concatenate3A_2329, %concatenate3A_2332 : vector<64x128xi1>, vector<64x128xi32>
    %slice3A_2334 = vector.extract_strided_slice %select_n3A_2320 {offsets = [56, 0], sizes = [8, 128], strides = [1, 1]} : vector<64x128xi32> to vector<8x128xi32>
    %slice3A_2335 = vector.extract_strided_slice %select_n3A_2320 {offsets = [0, 0], sizes = [56, 128], strides = [1, 1]} : vector<64x128xi32> to vector<56x128xi32>
    %concatenate3A_2336 = tpu.concatenate %slice3A_2334, %slice3A_2335 in 0 : vector<8x128xi32>, vector<56x128xi32> -> vector<64x128xi32>
    %slice3A_2337 = vector.extract_strided_slice %select_n3A_2320 {offsets = [8, 0], sizes = [56, 128], strides = [1, 1]} : vector<64x128xi32> to vector<56x128xi32>
    %slice3A_2338 = vector.extract_strided_slice %select_n3A_2320 {offsets = [0, 0], sizes = [8, 128], strides = [1, 1]} : vector<64x128xi32> to vector<8x128xi32>
    %concatenate3A_2339 = tpu.concatenate %slice3A_2337, %slice3A_2338 in 0 : vector<56x128xi32>, vector<8x128xi32> -> vector<64x128xi32>
    %select_n3A_2340 = arith.select %ne3A_2326, %concatenate3A_2336, %concatenate3A_2339 : vector<64x128xi1>, vector<64x128xi32>
    %and3A_2341 = arith.constant 2048 : i32
    %and3A_2342 = vector.broadcast %and3A_2341 : i32 to vector<64x128xi32>
    %and3A_2343 = arith.andi %add3A_74, %and3A_2342 : vector<64x128xi32>
    %eq3A_2344 = arith.constant 0 : i32
    %eq3A_2345 = vector.broadcast %eq3A_2344 : i32 to vector<64x128xi32>
    %eq3A_2346 = arith.cmpi eq, %and3A_2343, %eq3A_2345 : vector<64x128xi32>
    %not3A_2347 = arith.constant dense<true> : vector<64x128xi1>
    %not3A_2348 = arith.xori %ne3A_2326, %not3A_2347 : vector<64x128xi1>
    %eq3A_2349 = arith.xori %not3A_2348, %eq3A_2346 : vector<64x128xi1>
    %eq3A_2350 = arith.constant dense<true> : vector<64x128xi1>
    %eq3A_2351 = arith.xori %eq3A_2349, %eq3A_2350 : vector<64x128xi1>
    %lt3A_2352 = arith.cmpi slt, %select_n3A_2333, %select_n3A_2319 : vector<64x128xi32>
    %eq3A_2353 = arith.cmpi eq, %select_n3A_2333, %select_n3A_2319 : vector<64x128xi32>
    %lt3A_2354 = arith.cmpi slt, %select_n3A_2340, %select_n3A_2320 : vector<64x128xi32>
    %and3A_2355 = arith.andi %eq3A_2353, %lt3A_2354 : vector<64x128xi1>
    %or3A_2356 = arith.ori %lt3A_2352, %and3A_2355 : vector<64x128xi1>
    %eq3A_2357 = arith.xori %eq3A_2351, %or3A_2356 : vector<64x128xi1>
    %eq3A_2358 = arith.constant dense<true> : vector<64x128xi1>
    %eq3A_2359 = arith.xori %eq3A_2357, %eq3A_2358 : vector<64x128xi1>
    %select_n3A_2360 = arith.select %eq3A_2359, %select_n3A_2333, %select_n3A_2319 : vector<64x128xi1>, vector<64x128xi32>
    %select_n3A_2361 = arith.select %eq3A_2359, %select_n3A_2340, %select_n3A_2320 : vector<64x128xi1>, vector<64x128xi32>
    %and3A_2362 = arith.constant 512 : i32
    %and3A_2363 = vector.broadcast %and3A_2362 : i32 to vector<64x128xi32>
    %and3A_2364 = arith.andi %add3A_74, %and3A_2363 : vector<64x128xi32>
    %ne3A_2365 = arith.constant 0 : i32
    %ne3A_2366 = vector.broadcast %ne3A_2365 : i32 to vector<64x128xi32>
    %ne3A_2367 = arith.cmpi ne, %and3A_2364, %ne3A_2366 : vector<64x128xi32>
    %slice3A_2368 = vector.extract_strided_slice %select_n3A_2360 {offsets = [60, 0], sizes = [4, 128], strides = [1, 1]} : vector<64x128xi32> to vector<4x128xi32>
    %slice3A_2369 = vector.extract_strided_slice %select_n3A_2360 {offsets = [0, 0], sizes = [60, 128], strides = [1, 1]} : vector<64x128xi32> to vector<60x128xi32>
    %concatenate3A_2370 = tpu.concatenate %slice3A_2368, %slice3A_2369 in 0 : vector<4x128xi32>, vector<60x128xi32> -> vector<64x128xi32>
    %slice3A_2371 = vector.extract_strided_slice %select_n3A_2360 {offsets = [4, 0], sizes = [60, 128], strides = [1, 1]} : vector<64x128xi32> to vector<60x128xi32>
    %slice3A_2372 = vector.extract_strided_slice %select_n3A_2360 {offsets = [0, 0], sizes = [4, 128], strides = [1, 1]} : vector<64x128xi32> to vector<4x128xi32>
    %concatenate3A_2373 = tpu.concatenate %slice3A_2371, %slice3A_2372 in 0 : vector<60x128xi32>, vector<4x128xi32> -> vector<64x128xi32>
    %select_n3A_2374 = arith.select %ne3A_2367, %concatenate3A_2370, %concatenate3A_2373 : vector<64x128xi1>, vector<64x128xi32>
    %slice3A_2375 = vector.extract_strided_slice %select_n3A_2361 {offsets = [60, 0], sizes = [4, 128], strides = [1, 1]} : vector<64x128xi32> to vector<4x128xi32>
    %slice3A_2376 = vector.extract_strided_slice %select_n3A_2361 {offsets = [0, 0], sizes = [60, 128], strides = [1, 1]} : vector<64x128xi32> to vector<60x128xi32>
    %concatenate3A_2377 = tpu.concatenate %slice3A_2375, %slice3A_2376 in 0 : vector<4x128xi32>, vector<60x128xi32> -> vector<64x128xi32>
    %slice3A_2378 = vector.extract_strided_slice %select_n3A_2361 {offsets = [4, 0], sizes = [60, 128], strides = [1, 1]} : vector<64x128xi32> to vector<60x128xi32>
    %slice3A_2379 = vector.extract_strided_slice %select_n3A_2361 {offsets = [0, 0], sizes = [4, 128], strides = [1, 1]} : vector<64x128xi32> to vector<4x128xi32>
    %concatenate3A_2380 = tpu.concatenate %slice3A_2378, %slice3A_2379 in 0 : vector<60x128xi32>, vector<4x128xi32> -> vector<64x128xi32>
    %select_n3A_2381 = arith.select %ne3A_2367, %concatenate3A_2377, %concatenate3A_2380 : vector<64x128xi1>, vector<64x128xi32>
    %and3A_2382 = arith.constant 2048 : i32
    %and3A_2383 = vector.broadcast %and3A_2382 : i32 to vector<64x128xi32>
    %and3A_2384 = arith.andi %add3A_74, %and3A_2383 : vector<64x128xi32>
    %eq3A_2385 = arith.constant 0 : i32
    %eq3A_2386 = vector.broadcast %eq3A_2385 : i32 to vector<64x128xi32>
    %eq3A_2387 = arith.cmpi eq, %and3A_2384, %eq3A_2386 : vector<64x128xi32>
    %not3A_2388 = arith.constant dense<true> : vector<64x128xi1>
    %not3A_2389 = arith.xori %ne3A_2367, %not3A_2388 : vector<64x128xi1>
    %eq3A_2390 = arith.xori %not3A_2389, %eq3A_2387 : vector<64x128xi1>
    %eq3A_2391 = arith.constant dense<true> : vector<64x128xi1>
    %eq3A_2392 = arith.xori %eq3A_2390, %eq3A_2391 : vector<64x128xi1>
    %lt3A_2393 = arith.cmpi slt, %select_n3A_2374, %select_n3A_2360 : vector<64x128xi32>
    %eq3A_2394 = arith.cmpi eq, %select_n3A_2374, %select_n3A_2360 : vector<64x128xi32>
    %lt3A_2395 = arith.cmpi slt, %select_n3A_2381, %select_n3A_2361 : vector<64x128xi32>
    %and3A_2396 = arith.andi %eq3A_2394, %lt3A_2395 : vector<64x128xi1>
    %or3A_2397 = arith.ori %lt3A_2393, %and3A_2396 : vector<64x128xi1>
    %eq3A_2398 = arith.xori %eq3A_2392, %or3A_2397 : vector<64x128xi1>
    %eq3A_2399 = arith.constant dense<true> : vector<64x128xi1>
    %eq3A_2400 = arith.xori %eq3A_2398, %eq3A_2399 : vector<64x128xi1>
    %select_n3A_2401 = arith.select %eq3A_2400, %select_n3A_2374, %select_n3A_2360 : vector<64x128xi1>, vector<64x128xi32>
    %select_n3A_2402 = arith.select %eq3A_2400, %select_n3A_2381, %select_n3A_2361 : vector<64x128xi1>, vector<64x128xi32>
    %and3A_2403 = arith.constant 256 : i32
    %and3A_2404 = vector.broadcast %and3A_2403 : i32 to vector<64x128xi32>
    %and3A_2405 = arith.andi %add3A_74, %and3A_2404 : vector<64x128xi32>
    %ne3A_2406 = arith.constant 0 : i32
    %ne3A_2407 = vector.broadcast %ne3A_2406 : i32 to vector<64x128xi32>
    %ne3A_2408 = arith.cmpi ne, %and3A_2405, %ne3A_2407 : vector<64x128xi32>
    %slice3A_2409 = vector.extract_strided_slice %select_n3A_2401 {offsets = [62, 0], sizes = [2, 128], strides = [1, 1]} : vector<64x128xi32> to vector<2x128xi32>
    %slice3A_2410 = vector.extract_strided_slice %select_n3A_2401 {offsets = [0, 0], sizes = [62, 128], strides = [1, 1]} : vector<64x128xi32> to vector<62x128xi32>
    %concatenate3A_2411 = tpu.concatenate %slice3A_2409, %slice3A_2410 in 0 : vector<2x128xi32>, vector<62x128xi32> -> vector<64x128xi32>
    %slice3A_2412 = vector.extract_strided_slice %select_n3A_2401 {offsets = [2, 0], sizes = [62, 128], strides = [1, 1]} : vector<64x128xi32> to vector<62x128xi32>
    %slice3A_2413 = vector.extract_strided_slice %select_n3A_2401 {offsets = [0, 0], sizes = [2, 128], strides = [1, 1]} : vector<64x128xi32> to vector<2x128xi32>
    %concatenate3A_2414 = tpu.concatenate %slice3A_2412, %slice3A_2413 in 0 : vector<62x128xi32>, vector<2x128xi32> -> vector<64x128xi32>
    %select_n3A_2415 = arith.select %ne3A_2408, %concatenate3A_2411, %concatenate3A_2414 : vector<64x128xi1>, vector<64x128xi32>
    %slice3A_2416 = vector.extract_strided_slice %select_n3A_2402 {offsets = [62, 0], sizes = [2, 128], strides = [1, 1]} : vector<64x128xi32> to vector<2x128xi32>
    %slice3A_2417 = vector.extract_strided_slice %select_n3A_2402 {offsets = [0, 0], sizes = [62, 128], strides = [1, 1]} : vector<64x128xi32> to vector<62x128xi32>
    %concatenate3A_2418 = tpu.concatenate %slice3A_2416, %slice3A_2417 in 0 : vector<2x128xi32>, vector<62x128xi32> -> vector<64x128xi32>
    %slice3A_2419 = vector.extract_strided_slice %select_n3A_2402 {offsets = [2, 0], sizes = [62, 128], strides = [1, 1]} : vector<64x128xi32> to vector<62x128xi32>
    %slice3A_2420 = vector.extract_strided_slice %select_n3A_2402 {offsets = [0, 0], sizes = [2, 128], strides = [1, 1]} : vector<64x128xi32> to vector<2x128xi32>
    %concatenate3A_2421 = tpu.concatenate %slice3A_2419, %slice3A_2420 in 0 : vector<62x128xi32>, vector<2x128xi32> -> vector<64x128xi32>
    %select_n3A_2422 = arith.select %ne3A_2408, %concatenate3A_2418, %concatenate3A_2421 : vector<64x128xi1>, vector<64x128xi32>
    %and3A_2423 = arith.constant 2048 : i32
    %and3A_2424 = vector.broadcast %and3A_2423 : i32 to vector<64x128xi32>
    %and3A_2425 = arith.andi %add3A_74, %and3A_2424 : vector<64x128xi32>
    %eq3A_2426 = arith.constant 0 : i32
    %eq3A_2427 = vector.broadcast %eq3A_2426 : i32 to vector<64x128xi32>
    %eq3A_2428 = arith.cmpi eq, %and3A_2425, %eq3A_2427 : vector<64x128xi32>
    %not3A_2429 = arith.constant dense<true> : vector<64x128xi1>
    %not3A_2430 = arith.xori %ne3A_2408, %not3A_2429 : vector<64x128xi1>
    %eq3A_2431 = arith.xori %not3A_2430, %eq3A_2428 : vector<64x128xi1>
    %eq3A_2432 = arith.constant dense<true> : vector<64x128xi1>
    %eq3A_2433 = arith.xori %eq3A_2431, %eq3A_2432 : vector<64x128xi1>
    %lt3A_2434 = arith.cmpi slt, %select_n3A_2415, %select_n3A_2401 : vector<64x128xi32>
    %eq3A_2435 = arith.cmpi eq, %select_n3A_2415, %select_n3A_2401 : vector<64x128xi32>
    %lt3A_2436 = arith.cmpi slt, %select_n3A_2422, %select_n3A_2402 : vector<64x128xi32>
    %and3A_2437 = arith.andi %eq3A_2435, %lt3A_2436 : vector<64x128xi1>
    %or3A_2438 = arith.ori %lt3A_2434, %and3A_2437 : vector<64x128xi1>
    %eq3A_2439 = arith.xori %eq3A_2433, %or3A_2438 : vector<64x128xi1>
    %eq3A_2440 = arith.constant dense<true> : vector<64x128xi1>
    %eq3A_2441 = arith.xori %eq3A_2439, %eq3A_2440 : vector<64x128xi1>
    %select_n3A_2442 = arith.select %eq3A_2441, %select_n3A_2415, %select_n3A_2401 : vector<64x128xi1>, vector<64x128xi32>
    %select_n3A_2443 = arith.select %eq3A_2441, %select_n3A_2422, %select_n3A_2402 : vector<64x128xi1>, vector<64x128xi32>
    %and3A_2444 = arith.constant 128 : i32
    %and3A_2445 = vector.broadcast %and3A_2444 : i32 to vector<64x128xi32>
    %and3A_2446 = arith.andi %add3A_74, %and3A_2445 : vector<64x128xi32>
    %ne3A_2447 = arith.constant 0 : i32
    %ne3A_2448 = vector.broadcast %ne3A_2447 : i32 to vector<64x128xi32>
    %ne3A_2449 = arith.cmpi ne, %and3A_2446, %ne3A_2448 : vector<64x128xi32>
    %slice3A_2450 = vector.extract_strided_slice %select_n3A_2442 {offsets = [63, 0], sizes = [1, 128], strides = [1, 1]} : vector<64x128xi32> to vector<1x128xi32>
    %slice3A_2451 = vector.extract_strided_slice %select_n3A_2442 {offsets = [0, 0], sizes = [63, 128], strides = [1, 1]} : vector<64x128xi32> to vector<63x128xi32>
    %concatenate3A_2452 = tpu.concatenate %slice3A_2450, %slice3A_2451 in 0 : vector<1x128xi32>, vector<63x128xi32> -> vector<64x128xi32>
    %slice3A_2453 = vector.extract_strided_slice %select_n3A_2442 {offsets = [1, 0], sizes = [63, 128], strides = [1, 1]} : vector<64x128xi32> to vector<63x128xi32>
    %slice3A_2454 = vector.extract_strided_slice %select_n3A_2442 {offsets = [0, 0], sizes = [1, 128], strides = [1, 1]} : vector<64x128xi32> to vector<1x128xi32>
    %concatenate3A_2455 = tpu.concatenate %slice3A_2453, %slice3A_2454 in 0 : vector<63x128xi32>, vector<1x128xi32> -> vector<64x128xi32>
    %select_n3A_2456 = arith.select %ne3A_2449, %concatenate3A_2452, %concatenate3A_2455 : vector<64x128xi1>, vector<64x128xi32>
    %slice3A_2457 = vector.extract_strided_slice %select_n3A_2443 {offsets = [63, 0], sizes = [1, 128], strides = [1, 1]} : vector<64x128xi32> to vector<1x128xi32>
    %slice3A_2458 = vector.extract_strided_slice %select_n3A_2443 {offsets = [0, 0], sizes = [63, 128], strides = [1, 1]} : vector<64x128xi32> to vector<63x128xi32>
    %concatenate3A_2459 = tpu.concatenate %slice3A_2457, %slice3A_2458 in 0 : vector<1x128xi32>, vector<63x128xi32> -> vector<64x128xi32>
    %slice3A_2460 = vector.extract_strided_slice %select_n3A_2443 {offsets = [1, 0], sizes = [63, 128], strides = [1, 1]} : vector<64x128xi32> to vector<63x128xi32>
    %slice3A_2461 = vector.extract_strided_slice %select_n3A_2443 {offsets = [0, 0], sizes = [1, 128], strides = [1, 1]} : vector<64x128xi32> to vector<1x128xi32>
    %concatenate3A_2462 = tpu.concatenate %slice3A_2460, %slice3A_2461 in 0 : vector<63x128xi32>, vector<1x128xi32> -> vector<64x128xi32>
    %select_n3A_2463 = arith.select %ne3A_2449, %concatenate3A_2459, %concatenate3A_2462 : vector<64x128xi1>, vector<64x128xi32>
    %and3A_2464 = arith.constant 2048 : i32
    %and3A_2465 = vector.broadcast %and3A_2464 : i32 to vector<64x128xi32>
    %and3A_2466 = arith.andi %add3A_74, %and3A_2465 : vector<64x128xi32>
    %eq3A_2467 = arith.constant 0 : i32
    %eq3A_2468 = vector.broadcast %eq3A_2467 : i32 to vector<64x128xi32>
    %eq3A_2469 = arith.cmpi eq, %and3A_2466, %eq3A_2468 : vector<64x128xi32>
    %not3A_2470 = arith.constant dense<true> : vector<64x128xi1>
    %not3A_2471 = arith.xori %ne3A_2449, %not3A_2470 : vector<64x128xi1>
    %eq3A_2472 = arith.xori %not3A_2471, %eq3A_2469 : vector<64x128xi1>
    %eq3A_2473 = arith.constant dense<true> : vector<64x128xi1>
    %eq3A_2474 = arith.xori %eq3A_2472, %eq3A_2473 : vector<64x128xi1>
    %lt3A_2475 = arith.cmpi slt, %select_n3A_2456, %select_n3A_2442 : vector<64x128xi32>
    %eq3A_2476 = arith.cmpi eq, %select_n3A_2456, %select_n3A_2442 : vector<64x128xi32>
    %lt3A_2477 = arith.cmpi slt, %select_n3A_2463, %select_n3A_2443 : vector<64x128xi32>
    %and3A_2478 = arith.andi %eq3A_2476, %lt3A_2477 : vector<64x128xi1>
    %or3A_2479 = arith.ori %lt3A_2475, %and3A_2478 : vector<64x128xi1>
    %eq3A_2480 = arith.xori %eq3A_2474, %or3A_2479 : vector<64x128xi1>
    %eq3A_2481 = arith.constant dense<true> : vector<64x128xi1>
    %eq3A_2482 = arith.xori %eq3A_2480, %eq3A_2481 : vector<64x128xi1>
    %select_n3A_2483 = arith.select %eq3A_2482, %select_n3A_2456, %select_n3A_2442 : vector<64x128xi1>, vector<64x128xi32>
    %select_n3A_2484 = arith.select %eq3A_2482, %select_n3A_2463, %select_n3A_2443 : vector<64x128xi1>, vector<64x128xi32>
    %and3A_2485 = arith.constant 64 : i32
    %and3A_2486 = vector.broadcast %and3A_2485 : i32 to vector<64x128xi32>
    %and3A_2487 = arith.andi %add3A_74, %and3A_2486 : vector<64x128xi32>
    %ne3A_2488 = arith.constant 0 : i32
    %ne3A_2489 = vector.broadcast %ne3A_2488 : i32 to vector<64x128xi32>
    %ne3A_2490 = arith.cmpi ne, %and3A_2487, %ne3A_2489 : vector<64x128xi32>
    %slice3A_2491 = vector.extract_strided_slice %select_n3A_2483 {offsets = [0, 64], sizes = [64, 64], strides = [1, 1]} : vector<64x128xi32> to vector<64x64xi32>
    %slice3A_2492 = vector.extract_strided_slice %select_n3A_2483 {offsets = [0, 0], sizes = [64, 64], strides = [1, 1]} : vector<64x128xi32> to vector<64x64xi32>
    %concatenate3A_2493 = tpu.concatenate %slice3A_2491, %slice3A_2492 in 1 : vector<64x64xi32>, vector<64x64xi32> -> vector<64x128xi32>
    %slice3A_2494 = vector.extract_strided_slice %select_n3A_2483 {offsets = [0, 64], sizes = [64, 64], strides = [1, 1]} : vector<64x128xi32> to vector<64x64xi32>
    %slice3A_2495 = vector.extract_strided_slice %select_n3A_2483 {offsets = [0, 0], sizes = [64, 64], strides = [1, 1]} : vector<64x128xi32> to vector<64x64xi32>
    %concatenate3A_2496 = tpu.concatenate %slice3A_2494, %slice3A_2495 in 1 : vector<64x64xi32>, vector<64x64xi32> -> vector<64x128xi32>
    %select_n3A_2497 = arith.select %ne3A_2490, %concatenate3A_2493, %concatenate3A_2496 : vector<64x128xi1>, vector<64x128xi32>
    %slice3A_2498 = vector.extract_strided_slice %select_n3A_2484 {offsets = [0, 64], sizes = [64, 64], strides = [1, 1]} : vector<64x128xi32> to vector<64x64xi32>
    %slice3A_2499 = vector.extract_strided_slice %select_n3A_2484 {offsets = [0, 0], sizes = [64, 64], strides = [1, 1]} : vector<64x128xi32> to vector<64x64xi32>
    %concatenate3A_2500 = tpu.concatenate %slice3A_2498, %slice3A_2499 in 1 : vector<64x64xi32>, vector<64x64xi32> -> vector<64x128xi32>
    %slice3A_2501 = vector.extract_strided_slice %select_n3A_2484 {offsets = [0, 64], sizes = [64, 64], strides = [1, 1]} : vector<64x128xi32> to vector<64x64xi32>
    %slice3A_2502 = vector.extract_strided_slice %select_n3A_2484 {offsets = [0, 0], sizes = [64, 64], strides = [1, 1]} : vector<64x128xi32> to vector<64x64xi32>
    %concatenate3A_2503 = tpu.concatenate %slice3A_2501, %slice3A_2502 in 1 : vector<64x64xi32>, vector<64x64xi32> -> vector<64x128xi32>
    %select_n3A_2504 = arith.select %ne3A_2490, %concatenate3A_2500, %concatenate3A_2503 : vector<64x128xi1>, vector<64x128xi32>
    %and3A_2505 = arith.constant 2048 : i32
    %and3A_2506 = vector.broadcast %and3A_2505 : i32 to vector<64x128xi32>
    %and3A_2507 = arith.andi %add3A_74, %and3A_2506 : vector<64x128xi32>
    %eq3A_2508 = arith.constant 0 : i32
    %eq3A_2509 = vector.broadcast %eq3A_2508 : i32 to vector<64x128xi32>
    %eq3A_2510 = arith.cmpi eq, %and3A_2507, %eq3A_2509 : vector<64x128xi32>
    %not3A_2511 = arith.constant dense<true> : vector<64x128xi1>
    %not3A_2512 = arith.xori %ne3A_2490, %not3A_2511 : vector<64x128xi1>
    %eq3A_2513 = arith.xori %not3A_2512, %eq3A_2510 : vector<64x128xi1>
    %eq3A_2514 = arith.constant dense<true> : vector<64x128xi1>
    %eq3A_2515 = arith.xori %eq3A_2513, %eq3A_2514 : vector<64x128xi1>
    %lt3A_2516 = arith.cmpi slt, %select_n3A_2497, %select_n3A_2483 : vector<64x128xi32>
    %eq3A_2517 = arith.cmpi eq, %select_n3A_2497, %select_n3A_2483 : vector<64x128xi32>
    %lt3A_2518 = arith.cmpi slt, %select_n3A_2504, %select_n3A_2484 : vector<64x128xi32>
    %and3A_2519 = arith.andi %eq3A_2517, %lt3A_2518 : vector<64x128xi1>
    %or3A_2520 = arith.ori %lt3A_2516, %and3A_2519 : vector<64x128xi1>
    %eq3A_2521 = arith.xori %eq3A_2515, %or3A_2520 : vector<64x128xi1>
    %eq3A_2522 = arith.constant dense<true> : vector<64x128xi1>
    %eq3A_2523 = arith.xori %eq3A_2521, %eq3A_2522 : vector<64x128xi1>
    %select_n3A_2524 = arith.select %eq3A_2523, %select_n3A_2497, %select_n3A_2483 : vector<64x128xi1>, vector<64x128xi32>
    %select_n3A_2525 = arith.select %eq3A_2523, %select_n3A_2504, %select_n3A_2484 : vector<64x128xi1>, vector<64x128xi32>
    %and3A_2526 = arith.constant 32 : i32
    %and3A_2527 = vector.broadcast %and3A_2526 : i32 to vector<64x128xi32>
    %and3A_2528 = arith.andi %add3A_74, %and3A_2527 : vector<64x128xi32>
    %ne3A_2529 = arith.constant 0 : i32
    %ne3A_2530 = vector.broadcast %ne3A_2529 : i32 to vector<64x128xi32>
    %ne3A_2531 = arith.cmpi ne, %and3A_2528, %ne3A_2530 : vector<64x128xi32>
    %slice3A_2532 = vector.extract_strided_slice %select_n3A_2524 {offsets = [0, 96], sizes = [64, 32], strides = [1, 1]} : vector<64x128xi32> to vector<64x32xi32>
    %slice3A_2533 = vector.extract_strided_slice %select_n3A_2524 {offsets = [0, 0], sizes = [64, 96], strides = [1, 1]} : vector<64x128xi32> to vector<64x96xi32>
    %concatenate3A_2534 = tpu.concatenate %slice3A_2532, %slice3A_2533 in 1 : vector<64x32xi32>, vector<64x96xi32> -> vector<64x128xi32>
    %slice3A_2535 = vector.extract_strided_slice %select_n3A_2524 {offsets = [0, 32], sizes = [64, 96], strides = [1, 1]} : vector<64x128xi32> to vector<64x96xi32>
    %slice3A_2536 = vector.extract_strided_slice %select_n3A_2524 {offsets = [0, 0], sizes = [64, 32], strides = [1, 1]} : vector<64x128xi32> to vector<64x32xi32>
    %concatenate3A_2537 = tpu.concatenate %slice3A_2535, %slice3A_2536 in 1 : vector<64x96xi32>, vector<64x32xi32> -> vector<64x128xi32>
    %select_n3A_2538 = arith.select %ne3A_2531, %concatenate3A_2534, %concatenate3A_2537 : vector<64x128xi1>, vector<64x128xi32>
    %slice3A_2539 = vector.extract_strided_slice %select_n3A_2525 {offsets = [0, 96], sizes = [64, 32], strides = [1, 1]} : vector<64x128xi32> to vector<64x32xi32>
    %slice3A_2540 = vector.extract_strided_slice %select_n3A_2525 {offsets = [0, 0], sizes = [64, 96], strides = [1, 1]} : vector<64x128xi32> to vector<64x96xi32>
    %concatenate3A_2541 = tpu.concatenate %slice3A_2539, %slice3A_2540 in 1 : vector<64x32xi32>, vector<64x96xi32> -> vector<64x128xi32>
    %slice3A_2542 = vector.extract_strided_slice %select_n3A_2525 {offsets = [0, 32], sizes = [64, 96], strides = [1, 1]} : vector<64x128xi32> to vector<64x96xi32>
    %slice3A_2543 = vector.extract_strided_slice %select_n3A_2525 {offsets = [0, 0], sizes = [64, 32], strides = [1, 1]} : vector<64x128xi32> to vector<64x32xi32>
    %concatenate3A_2544 = tpu.concatenate %slice3A_2542, %slice3A_2543 in 1 : vector<64x96xi32>, vector<64x32xi32> -> vector<64x128xi32>
    %select_n3A_2545 = arith.select %ne3A_2531, %concatenate3A_2541, %concatenate3A_2544 : vector<64x128xi1>, vector<64x128xi32>
    %and3A_2546 = arith.constant 2048 : i32
    %and3A_2547 = vector.broadcast %and3A_2546 : i32 to vector<64x128xi32>
    %and3A_2548 = arith.andi %add3A_74, %and3A_2547 : vector<64x128xi32>
    %eq3A_2549 = arith.constant 0 : i32
    %eq3A_2550 = vector.broadcast %eq3A_2549 : i32 to vector<64x128xi32>
    %eq3A_2551 = arith.cmpi eq, %and3A_2548, %eq3A_2550 : vector<64x128xi32>
    %not3A_2552 = arith.constant dense<true> : vector<64x128xi1>
    %not3A_2553 = arith.xori %ne3A_2531, %not3A_2552 : vector<64x128xi1>
    %eq3A_2554 = arith.xori %not3A_2553, %eq3A_2551 : vector<64x128xi1>
    %eq3A_2555 = arith.constant dense<true> : vector<64x128xi1>
    %eq3A_2556 = arith.xori %eq3A_2554, %eq3A_2555 : vector<64x128xi1>
    %lt3A_2557 = arith.cmpi slt, %select_n3A_2538, %select_n3A_2524 : vector<64x128xi32>
    %eq3A_2558 = arith.cmpi eq, %select_n3A_2538, %select_n3A_2524 : vector<64x128xi32>
    %lt3A_2559 = arith.cmpi slt, %select_n3A_2545, %select_n3A_2525 : vector<64x128xi32>
    %and3A_2560 = arith.andi %eq3A_2558, %lt3A_2559 : vector<64x128xi1>
    %or3A_2561 = arith.ori %lt3A_2557, %and3A_2560 : vector<64x128xi1>
    %eq3A_2562 = arith.xori %eq3A_2556, %or3A_2561 : vector<64x128xi1>
    %eq3A_2563 = arith.constant dense<true> : vector<64x128xi1>
    %eq3A_2564 = arith.xori %eq3A_2562, %eq3A_2563 : vector<64x128xi1>
    %select_n3A_2565 = arith.select %eq3A_2564, %select_n3A_2538, %select_n3A_2524 : vector<64x128xi1>, vector<64x128xi32>
    %select_n3A_2566 = arith.select %eq3A_2564, %select_n3A_2545, %select_n3A_2525 : vector<64x128xi1>, vector<64x128xi32>
    %and3A_2567 = arith.constant 16 : i32
    %and3A_2568 = vector.broadcast %and3A_2567 : i32 to vector<64x128xi32>
    %and3A_2569 = arith.andi %add3A_74, %and3A_2568 : vector<64x128xi32>
    %ne3A_2570 = arith.constant 0 : i32
    %ne3A_2571 = vector.broadcast %ne3A_2570 : i32 to vector<64x128xi32>
    %ne3A_2572 = arith.cmpi ne, %and3A_2569, %ne3A_2571 : vector<64x128xi32>
    %slice3A_2573 = vector.extract_strided_slice %select_n3A_2565 {offsets = [0, 112], sizes = [64, 16], strides = [1, 1]} : vector<64x128xi32> to vector<64x16xi32>
    %slice3A_2574 = vector.extract_strided_slice %select_n3A_2565 {offsets = [0, 0], sizes = [64, 112], strides = [1, 1]} : vector<64x128xi32> to vector<64x112xi32>
    %concatenate3A_2575 = tpu.concatenate %slice3A_2573, %slice3A_2574 in 1 : vector<64x16xi32>, vector<64x112xi32> -> vector<64x128xi32>
    %slice3A_2576 = vector.extract_strided_slice %select_n3A_2565 {offsets = [0, 16], sizes = [64, 112], strides = [1, 1]} : vector<64x128xi32> to vector<64x112xi32>
    %slice3A_2577 = vector.extract_strided_slice %select_n3A_2565 {offsets = [0, 0], sizes = [64, 16], strides = [1, 1]} : vector<64x128xi32> to vector<64x16xi32>
    %concatenate3A_2578 = tpu.concatenate %slice3A_2576, %slice3A_2577 in 1 : vector<64x112xi32>, vector<64x16xi32> -> vector<64x128xi32>
    %select_n3A_2579 = arith.select %ne3A_2572, %concatenate3A_2575, %concatenate3A_2578 : vector<64x128xi1>, vector<64x128xi32>
    %slice3A_2580 = vector.extract_strided_slice %select_n3A_2566 {offsets = [0, 112], sizes = [64, 16], strides = [1, 1]} : vector<64x128xi32> to vector<64x16xi32>
    %slice3A_2581 = vector.extract_strided_slice %select_n3A_2566 {offsets = [0, 0], sizes = [64, 112], strides = [1, 1]} : vector<64x128xi32> to vector<64x112xi32>
    %concatenate3A_2582 = tpu.concatenate %slice3A_2580, %slice3A_2581 in 1 : vector<64x16xi32>, vector<64x112xi32> -> vector<64x128xi32>
    %slice3A_2583 = vector.extract_strided_slice %select_n3A_2566 {offsets = [0, 16], sizes = [64, 112], strides = [1, 1]} : vector<64x128xi32> to vector<64x112xi32>
    %slice3A_2584 = vector.extract_strided_slice %select_n3A_2566 {offsets = [0, 0], sizes = [64, 16], strides = [1, 1]} : vector<64x128xi32> to vector<64x16xi32>
    %concatenate3A_2585 = tpu.concatenate %slice3A_2583, %slice3A_2584 in 1 : vector<64x112xi32>, vector<64x16xi32> -> vector<64x128xi32>
    %select_n3A_2586 = arith.select %ne3A_2572, %concatenate3A_2582, %concatenate3A_2585 : vector<64x128xi1>, vector<64x128xi32>
    %and3A_2587 = arith.constant 2048 : i32
    %and3A_2588 = vector.broadcast %and3A_2587 : i32 to vector<64x128xi32>
    %and3A_2589 = arith.andi %add3A_74, %and3A_2588 : vector<64x128xi32>
    %eq3A_2590 = arith.constant 0 : i32
    %eq3A_2591 = vector.broadcast %eq3A_2590 : i32 to vector<64x128xi32>
    %eq3A_2592 = arith.cmpi eq, %and3A_2589, %eq3A_2591 : vector<64x128xi32>
    %not3A_2593 = arith.constant dense<true> : vector<64x128xi1>
    %not3A_2594 = arith.xori %ne3A_2572, %not3A_2593 : vector<64x128xi1>
    %eq3A_2595 = arith.xori %not3A_2594, %eq3A_2592 : vector<64x128xi1>
    %eq3A_2596 = arith.constant dense<true> : vector<64x128xi1>
    %eq3A_2597 = arith.xori %eq3A_2595, %eq3A_2596 : vector<64x128xi1>
    %lt3A_2598 = arith.cmpi slt, %select_n3A_2579, %select_n3A_2565 : vector<64x128xi32>
    %eq3A_2599 = arith.cmpi eq, %select_n3A_2579, %select_n3A_2565 : vector<64x128xi32>
    %lt3A_2600 = arith.cmpi slt, %select_n3A_2586, %select_n3A_2566 : vector<64x128xi32>
    %and3A_2601 = arith.andi %eq3A_2599, %lt3A_2600 : vector<64x128xi1>
    %or3A_2602 = arith.ori %lt3A_2598, %and3A_2601 : vector<64x128xi1>
    %eq3A_2603 = arith.xori %eq3A_2597, %or3A_2602 : vector<64x128xi1>
    %eq3A_2604 = arith.constant dense<true> : vector<64x128xi1>
    %eq3A_2605 = arith.xori %eq3A_2603, %eq3A_2604 : vector<64x128xi1>
    %select_n3A_2606 = arith.select %eq3A_2605, %select_n3A_2579, %select_n3A_2565 : vector<64x128xi1>, vector<64x128xi32>
    %select_n3A_2607 = arith.select %eq3A_2605, %select_n3A_2586, %select_n3A_2566 : vector<64x128xi1>, vector<64x128xi32>
    %and3A_2608 = arith.constant 8 : i32
    %and3A_2609 = vector.broadcast %and3A_2608 : i32 to vector<64x128xi32>
    %and3A_2610 = arith.andi %add3A_74, %and3A_2609 : vector<64x128xi32>
    %ne3A_2611 = arith.constant 0 : i32
    %ne3A_2612 = vector.broadcast %ne3A_2611 : i32 to vector<64x128xi32>
    %ne3A_2613 = arith.cmpi ne, %and3A_2610, %ne3A_2612 : vector<64x128xi32>
    %slice3A_2614 = vector.extract_strided_slice %select_n3A_2606 {offsets = [0, 120], sizes = [64, 8], strides = [1, 1]} : vector<64x128xi32> to vector<64x8xi32>
    %slice3A_2615 = vector.extract_strided_slice %select_n3A_2606 {offsets = [0, 0], sizes = [64, 120], strides = [1, 1]} : vector<64x128xi32> to vector<64x120xi32>
    %concatenate3A_2616 = tpu.concatenate %slice3A_2614, %slice3A_2615 in 1 : vector<64x8xi32>, vector<64x120xi32> -> vector<64x128xi32>
    %slice3A_2617 = vector.extract_strided_slice %select_n3A_2606 {offsets = [0, 8], sizes = [64, 120], strides = [1, 1]} : vector<64x128xi32> to vector<64x120xi32>
    %slice3A_2618 = vector.extract_strided_slice %select_n3A_2606 {offsets = [0, 0], sizes = [64, 8], strides = [1, 1]} : vector<64x128xi32> to vector<64x8xi32>
    %concatenate3A_2619 = tpu.concatenate %slice3A_2617, %slice3A_2618 in 1 : vector<64x120xi32>, vector<64x8xi32> -> vector<64x128xi32>
    %select_n3A_2620 = arith.select %ne3A_2613, %concatenate3A_2616, %concatenate3A_2619 : vector<64x128xi1>, vector<64x128xi32>
    %slice3A_2621 = vector.extract_strided_slice %select_n3A_2607 {offsets = [0, 120], sizes = [64, 8], strides = [1, 1]} : vector<64x128xi32> to vector<64x8xi32>
    %slice3A_2622 = vector.extract_strided_slice %select_n3A_2607 {offsets = [0, 0], sizes = [64, 120], strides = [1, 1]} : vector<64x128xi32> to vector<64x120xi32>
    %concatenate3A_2623 = tpu.concatenate %slice3A_2621, %slice3A_2622 in 1 : vector<64x8xi32>, vector<64x120xi32> -> vector<64x128xi32>
    %slice3A_2624 = vector.extract_strided_slice %select_n3A_2607 {offsets = [0, 8], sizes = [64, 120], strides = [1, 1]} : vector<64x128xi32> to vector<64x120xi32>
    %slice3A_2625 = vector.extract_strided_slice %select_n3A_2607 {offsets = [0, 0], sizes = [64, 8], strides = [1, 1]} : vector<64x128xi32> to vector<64x8xi32>
    %concatenate3A_2626 = tpu.concatenate %slice3A_2624, %slice3A_2625 in 1 : vector<64x120xi32>, vector<64x8xi32> -> vector<64x128xi32>
    %select_n3A_2627 = arith.select %ne3A_2613, %concatenate3A_2623, %concatenate3A_2626 : vector<64x128xi1>, vector<64x128xi32>
    %and3A_2628 = arith.constant 2048 : i32
    %and3A_2629 = vector.broadcast %and3A_2628 : i32 to vector<64x128xi32>
    %and3A_2630 = arith.andi %add3A_74, %and3A_2629 : vector<64x128xi32>
    %eq3A_2631 = arith.constant 0 : i32
    %eq3A_2632 = vector.broadcast %eq3A_2631 : i32 to vector<64x128xi32>
    %eq3A_2633 = arith.cmpi eq, %and3A_2630, %eq3A_2632 : vector<64x128xi32>
    %not3A_2634 = arith.constant dense<true> : vector<64x128xi1>
    %not3A_2635 = arith.xori %ne3A_2613, %not3A_2634 : vector<64x128xi1>
    %eq3A_2636 = arith.xori %not3A_2635, %eq3A_2633 : vector<64x128xi1>
    %eq3A_2637 = arith.constant dense<true> : vector<64x128xi1>
    %eq3A_2638 = arith.xori %eq3A_2636, %eq3A_2637 : vector<64x128xi1>
    %lt3A_2639 = arith.cmpi slt, %select_n3A_2620, %select_n3A_2606 : vector<64x128xi32>
    %eq3A_2640 = arith.cmpi eq, %select_n3A_2620, %select_n3A_2606 : vector<64x128xi32>
    %lt3A_2641 = arith.cmpi slt, %select_n3A_2627, %select_n3A_2607 : vector<64x128xi32>
    %and3A_2642 = arith.andi %eq3A_2640, %lt3A_2641 : vector<64x128xi1>
    %or3A_2643 = arith.ori %lt3A_2639, %and3A_2642 : vector<64x128xi1>
    %eq3A_2644 = arith.xori %eq3A_2638, %or3A_2643 : vector<64x128xi1>
    %eq3A_2645 = arith.constant dense<true> : vector<64x128xi1>
    %eq3A_2646 = arith.xori %eq3A_2644, %eq3A_2645 : vector<64x128xi1>
    %select_n3A_2647 = arith.select %eq3A_2646, %select_n3A_2620, %select_n3A_2606 : vector<64x128xi1>, vector<64x128xi32>
    %select_n3A_2648 = arith.select %eq3A_2646, %select_n3A_2627, %select_n3A_2607 : vector<64x128xi1>, vector<64x128xi32>
    %and3A_2649 = arith.constant 4 : i32
    %and3A_2650 = vector.broadcast %and3A_2649 : i32 to vector<64x128xi32>
    %and3A_2651 = arith.andi %add3A_74, %and3A_2650 : vector<64x128xi32>
    %ne3A_2652 = arith.constant 0 : i32
    %ne3A_2653 = vector.broadcast %ne3A_2652 : i32 to vector<64x128xi32>
    %ne3A_2654 = arith.cmpi ne, %and3A_2651, %ne3A_2653 : vector<64x128xi32>
    %slice3A_2655 = vector.extract_strided_slice %select_n3A_2647 {offsets = [0, 124], sizes = [64, 4], strides = [1, 1]} : vector<64x128xi32> to vector<64x4xi32>
    %slice3A_2656 = vector.extract_strided_slice %select_n3A_2647 {offsets = [0, 0], sizes = [64, 124], strides = [1, 1]} : vector<64x128xi32> to vector<64x124xi32>
    %concatenate3A_2657 = tpu.concatenate %slice3A_2655, %slice3A_2656 in 1 : vector<64x4xi32>, vector<64x124xi32> -> vector<64x128xi32>
    %slice3A_2658 = vector.extract_strided_slice %select_n3A_2647 {offsets = [0, 4], sizes = [64, 124], strides = [1, 1]} : vector<64x128xi32> to vector<64x124xi32>
    %slice3A_2659 = vector.extract_strided_slice %select_n3A_2647 {offsets = [0, 0], sizes = [64, 4], strides = [1, 1]} : vector<64x128xi32> to vector<64x4xi32>
    %concatenate3A_2660 = tpu.concatenate %slice3A_2658, %slice3A_2659 in 1 : vector<64x124xi32>, vector<64x4xi32> -> vector<64x128xi32>
    %select_n3A_2661 = arith.select %ne3A_2654, %concatenate3A_2657, %concatenate3A_2660 : vector<64x128xi1>, vector<64x128xi32>
    %slice3A_2662 = vector.extract_strided_slice %select_n3A_2648 {offsets = [0, 124], sizes = [64, 4], strides = [1, 1]} : vector<64x128xi32> to vector<64x4xi32>
    %slice3A_2663 = vector.extract_strided_slice %select_n3A_2648 {offsets = [0, 0], sizes = [64, 124], strides = [1, 1]} : vector<64x128xi32> to vector<64x124xi32>
    %concatenate3A_2664 = tpu.concatenate %slice3A_2662, %slice3A_2663 in 1 : vector<64x4xi32>, vector<64x124xi32> -> vector<64x128xi32>
    %slice3A_2665 = vector.extract_strided_slice %select_n3A_2648 {offsets = [0, 4], sizes = [64, 124], strides = [1, 1]} : vector<64x128xi32> to vector<64x124xi32>
    %slice3A_2666 = vector.extract_strided_slice %select_n3A_2648 {offsets = [0, 0], sizes = [64, 4], strides = [1, 1]} : vector<64x128xi32> to vector<64x4xi32>
    %concatenate3A_2667 = tpu.concatenate %slice3A_2665, %slice3A_2666 in 1 : vector<64x124xi32>, vector<64x4xi32> -> vector<64x128xi32>
    %select_n3A_2668 = arith.select %ne3A_2654, %concatenate3A_2664, %concatenate3A_2667 : vector<64x128xi1>, vector<64x128xi32>
    %and3A_2669 = arith.constant 2048 : i32
    %and3A_2670 = vector.broadcast %and3A_2669 : i32 to vector<64x128xi32>
    %and3A_2671 = arith.andi %add3A_74, %and3A_2670 : vector<64x128xi32>
    %eq3A_2672 = arith.constant 0 : i32
    %eq3A_2673 = vector.broadcast %eq3A_2672 : i32 to vector<64x128xi32>
    %eq3A_2674 = arith.cmpi eq, %and3A_2671, %eq3A_2673 : vector<64x128xi32>
    %not3A_2675 = arith.constant dense<true> : vector<64x128xi1>
    %not3A_2676 = arith.xori %ne3A_2654, %not3A_2675 : vector<64x128xi1>
    %eq3A_2677 = arith.xori %not3A_2676, %eq3A_2674 : vector<64x128xi1>
    %eq3A_2678 = arith.constant dense<true> : vector<64x128xi1>
    %eq3A_2679 = arith.xori %eq3A_2677, %eq3A_2678 : vector<64x128xi1>
    %lt3A_2680 = arith.cmpi slt, %select_n3A_2661, %select_n3A_2647 : vector<64x128xi32>
    %eq3A_2681 = arith.cmpi eq, %select_n3A_2661, %select_n3A_2647 : vector<64x128xi32>
    %lt3A_2682 = arith.cmpi slt, %select_n3A_2668, %select_n3A_2648 : vector<64x128xi32>
    %and3A_2683 = arith.andi %eq3A_2681, %lt3A_2682 : vector<64x128xi1>
    %or3A_2684 = arith.ori %lt3A_2680, %and3A_2683 : vector<64x128xi1>
    %eq3A_2685 = arith.xori %eq3A_2679, %or3A_2684 : vector<64x128xi1>
    %eq3A_2686 = arith.constant dense<true> : vector<64x128xi1>
    %eq3A_2687 = arith.xori %eq3A_2685, %eq3A_2686 : vector<64x128xi1>
    %select_n3A_2688 = arith.select %eq3A_2687, %select_n3A_2661, %select_n3A_2647 : vector<64x128xi1>, vector<64x128xi32>
    %select_n3A_2689 = arith.select %eq3A_2687, %select_n3A_2668, %select_n3A_2648 : vector<64x128xi1>, vector<64x128xi32>
    %and3A_2690 = arith.constant 2 : i32
    %and3A_2691 = vector.broadcast %and3A_2690 : i32 to vector<64x128xi32>
    %and3A_2692 = arith.andi %add3A_74, %and3A_2691 : vector<64x128xi32>
    %ne3A_2693 = arith.constant 0 : i32
    %ne3A_2694 = vector.broadcast %ne3A_2693 : i32 to vector<64x128xi32>
    %ne3A_2695 = arith.cmpi ne, %and3A_2692, %ne3A_2694 : vector<64x128xi32>
    %slice3A_2696 = vector.extract_strided_slice %select_n3A_2688 {offsets = [0, 126], sizes = [64, 2], strides = [1, 1]} : vector<64x128xi32> to vector<64x2xi32>
    %slice3A_2697 = vector.extract_strided_slice %select_n3A_2688 {offsets = [0, 0], sizes = [64, 126], strides = [1, 1]} : vector<64x128xi32> to vector<64x126xi32>
    %concatenate3A_2698 = tpu.concatenate %slice3A_2696, %slice3A_2697 in 1 : vector<64x2xi32>, vector<64x126xi32> -> vector<64x128xi32>
    %slice3A_2699 = vector.extract_strided_slice %select_n3A_2688 {offsets = [0, 2], sizes = [64, 126], strides = [1, 1]} : vector<64x128xi32> to vector<64x126xi32>
    %slice3A_2700 = vector.extract_strided_slice %select_n3A_2688 {offsets = [0, 0], sizes = [64, 2], strides = [1, 1]} : vector<64x128xi32> to vector<64x2xi32>
    %concatenate3A_2701 = tpu.concatenate %slice3A_2699, %slice3A_2700 in 1 : vector<64x126xi32>, vector<64x2xi32> -> vector<64x128xi32>
    %select_n3A_2702 = arith.select %ne3A_2695, %concatenate3A_2698, %concatenate3A_2701 : vector<64x128xi1>, vector<64x128xi32>
    %slice3A_2703 = vector.extract_strided_slice %select_n3A_2689 {offsets = [0, 126], sizes = [64, 2], strides = [1, 1]} : vector<64x128xi32> to vector<64x2xi32>
    %slice3A_2704 = vector.extract_strided_slice %select_n3A_2689 {offsets = [0, 0], sizes = [64, 126], strides = [1, 1]} : vector<64x128xi32> to vector<64x126xi32>
    %concatenate3A_2705 = tpu.concatenate %slice3A_2703, %slice3A_2704 in 1 : vector<64x2xi32>, vector<64x126xi32> -> vector<64x128xi32>
    %slice3A_2706 = vector.extract_strided_slice %select_n3A_2689 {offsets = [0, 2], sizes = [64, 126], strides = [1, 1]} : vector<64x128xi32> to vector<64x126xi32>
    %slice3A_2707 = vector.extract_strided_slice %select_n3A_2689 {offsets = [0, 0], sizes = [64, 2], strides = [1, 1]} : vector<64x128xi32> to vector<64x2xi32>
    %concatenate3A_2708 = tpu.concatenate %slice3A_2706, %slice3A_2707 in 1 : vector<64x126xi32>, vector<64x2xi32> -> vector<64x128xi32>
    %select_n3A_2709 = arith.select %ne3A_2695, %concatenate3A_2705, %concatenate3A_2708 : vector<64x128xi1>, vector<64x128xi32>
    %and3A_2710 = arith.constant 2048 : i32
    %and3A_2711 = vector.broadcast %and3A_2710 : i32 to vector<64x128xi32>
    %and3A_2712 = arith.andi %add3A_74, %and3A_2711 : vector<64x128xi32>
    %eq3A_2713 = arith.constant 0 : i32
    %eq3A_2714 = vector.broadcast %eq3A_2713 : i32 to vector<64x128xi32>
    %eq3A_2715 = arith.cmpi eq, %and3A_2712, %eq3A_2714 : vector<64x128xi32>
    %not3A_2716 = arith.constant dense<true> : vector<64x128xi1>
    %not3A_2717 = arith.xori %ne3A_2695, %not3A_2716 : vector<64x128xi1>
    %eq3A_2718 = arith.xori %not3A_2717, %eq3A_2715 : vector<64x128xi1>
    %eq3A_2719 = arith.constant dense<true> : vector<64x128xi1>
    %eq3A_2720 = arith.xori %eq3A_2718, %eq3A_2719 : vector<64x128xi1>
    %lt3A_2721 = arith.cmpi slt, %select_n3A_2702, %select_n3A_2688 : vector<64x128xi32>
    %eq3A_2722 = arith.cmpi eq, %select_n3A_2702, %select_n3A_2688 : vector<64x128xi32>
    %lt3A_2723 = arith.cmpi slt, %select_n3A_2709, %select_n3A_2689 : vector<64x128xi32>
    %and3A_2724 = arith.andi %eq3A_2722, %lt3A_2723 : vector<64x128xi1>
    %or3A_2725 = arith.ori %lt3A_2721, %and3A_2724 : vector<64x128xi1>
    %eq3A_2726 = arith.xori %eq3A_2720, %or3A_2725 : vector<64x128xi1>
    %eq3A_2727 = arith.constant dense<true> : vector<64x128xi1>
    %eq3A_2728 = arith.xori %eq3A_2726, %eq3A_2727 : vector<64x128xi1>
    %select_n3A_2729 = arith.select %eq3A_2728, %select_n3A_2702, %select_n3A_2688 : vector<64x128xi1>, vector<64x128xi32>
    %select_n3A_2730 = arith.select %eq3A_2728, %select_n3A_2709, %select_n3A_2689 : vector<64x128xi1>, vector<64x128xi32>
    %and3A_2731 = arith.constant 1 : i32
    %and3A_2732 = vector.broadcast %and3A_2731 : i32 to vector<64x128xi32>
    %and3A_2733 = arith.andi %add3A_74, %and3A_2732 : vector<64x128xi32>
    %ne3A_2734 = arith.constant 0 : i32
    %ne3A_2735 = vector.broadcast %ne3A_2734 : i32 to vector<64x128xi32>
    %ne3A_2736 = arith.cmpi ne, %and3A_2733, %ne3A_2735 : vector<64x128xi32>
    %slice3A_2737 = vector.extract_strided_slice %select_n3A_2729 {offsets = [0, 127], sizes = [64, 1], strides = [1, 1]} : vector<64x128xi32> to vector<64x1xi32>
    %slice3A_2738 = vector.extract_strided_slice %select_n3A_2729 {offsets = [0, 0], sizes = [64, 127], strides = [1, 1]} : vector<64x128xi32> to vector<64x127xi32>
    %concatenate3A_2739 = tpu.concatenate %slice3A_2737, %slice3A_2738 in 1 : vector<64x1xi32>, vector<64x127xi32> -> vector<64x128xi32>
    %slice3A_2740 = vector.extract_strided_slice %select_n3A_2729 {offsets = [0, 1], sizes = [64, 127], strides = [1, 1]} : vector<64x128xi32> to vector<64x127xi32>
    %slice3A_2741 = vector.extract_strided_slice %select_n3A_2729 {offsets = [0, 0], sizes = [64, 1], strides = [1, 1]} : vector<64x128xi32> to vector<64x1xi32>
    %concatenate3A_2742 = tpu.concatenate %slice3A_2740, %slice3A_2741 in 1 : vector<64x127xi32>, vector<64x1xi32> -> vector<64x128xi32>
    %select_n3A_2743 = arith.select %ne3A_2736, %concatenate3A_2739, %concatenate3A_2742 : vector<64x128xi1>, vector<64x128xi32>
    %slice3A_2744 = vector.extract_strided_slice %select_n3A_2730 {offsets = [0, 127], sizes = [64, 1], strides = [1, 1]} : vector<64x128xi32> to vector<64x1xi32>
    %slice3A_2745 = vector.extract_strided_slice %select_n3A_2730 {offsets = [0, 0], sizes = [64, 127], strides = [1, 1]} : vector<64x128xi32> to vector<64x127xi32>
    %concatenate3A_2746 = tpu.concatenate %slice3A_2744, %slice3A_2745 in 1 : vector<64x1xi32>, vector<64x127xi32> -> vector<64x128xi32>
    %slice3A_2747 = vector.extract_strided_slice %select_n3A_2730 {offsets = [0, 1], sizes = [64, 127], strides = [1, 1]} : vector<64x128xi32> to vector<64x127xi32>
    %slice3A_2748 = vector.extract_strided_slice %select_n3A_2730 {offsets = [0, 0], sizes = [64, 1], strides = [1, 1]} : vector<64x128xi32> to vector<64x1xi32>
    %concatenate3A_2749 = tpu.concatenate %slice3A_2747, %slice3A_2748 in 1 : vector<64x127xi32>, vector<64x1xi32> -> vector<64x128xi32>
    %select_n3A_2750 = arith.select %ne3A_2736, %concatenate3A_2746, %concatenate3A_2749 : vector<64x128xi1>, vector<64x128xi32>
    %and3A_2751 = arith.constant 2048 : i32
    %and3A_2752 = vector.broadcast %and3A_2751 : i32 to vector<64x128xi32>
    %and3A_2753 = arith.andi %add3A_74, %and3A_2752 : vector<64x128xi32>
    %eq3A_2754 = arith.constant 0 : i32
    %eq3A_2755 = vector.broadcast %eq3A_2754 : i32 to vector<64x128xi32>
    %eq3A_2756 = arith.cmpi eq, %and3A_2753, %eq3A_2755 : vector<64x128xi32>
    %not3A_2757 = arith.constant dense<true> : vector<64x128xi1>
    %not3A_2758 = arith.xori %ne3A_2736, %not3A_2757 : vector<64x128xi1>
    %eq3A_2759 = arith.xori %not3A_2758, %eq3A_2756 : vector<64x128xi1>
    %eq3A_2760 = arith.constant dense<true> : vector<64x128xi1>
    %eq3A_2761 = arith.xori %eq3A_2759, %eq3A_2760 : vector<64x128xi1>
    %lt3A_2762 = arith.cmpi slt, %select_n3A_2743, %select_n3A_2729 : vector<64x128xi32>
    %eq3A_2763 = arith.cmpi eq, %select_n3A_2743, %select_n3A_2729 : vector<64x128xi32>
    %lt3A_2764 = arith.cmpi slt, %select_n3A_2750, %select_n3A_2730 : vector<64x128xi32>
    %and3A_2765 = arith.andi %eq3A_2763, %lt3A_2764 : vector<64x128xi1>
    %or3A_2766 = arith.ori %lt3A_2762, %and3A_2765 : vector<64x128xi1>
    %eq3A_2767 = arith.xori %eq3A_2761, %or3A_2766 : vector<64x128xi1>
    %eq3A_2768 = arith.constant dense<true> : vector<64x128xi1>
    %eq3A_2769 = arith.xori %eq3A_2767, %eq3A_2768 : vector<64x128xi1>
    %select_n3A_2770 = arith.select %eq3A_2769, %select_n3A_2743, %select_n3A_2729 : vector<64x128xi1>, vector<64x128xi32>
    %select_n3A_2771 = arith.select %eq3A_2769, %select_n3A_2750, %select_n3A_2730 : vector<64x128xi1>, vector<64x128xi32>
    %and3A_2772 = arith.constant 2048 : i32
    %and3A_2773 = vector.broadcast %and3A_2772 : i32 to vector<64x128xi32>
    %and3A_2774 = arith.andi %add3A_74, %and3A_2773 : vector<64x128xi32>
    %ne3A_2775 = arith.constant 0 : i32
    %ne3A_2776 = vector.broadcast %ne3A_2775 : i32 to vector<64x128xi32>
    %ne3A_2777 = arith.cmpi ne, %and3A_2774, %ne3A_2776 : vector<64x128xi32>
    %slice3A_2778 = vector.extract_strided_slice %select_n3A_2770 {offsets = [48, 0], sizes = [16, 128], strides = [1, 1]} : vector<64x128xi32> to vector<16x128xi32>
    %slice3A_2779 = vector.extract_strided_slice %select_n3A_2770 {offsets = [0, 0], sizes = [48, 128], strides = [1, 1]} : vector<64x128xi32> to vector<48x128xi32>
    %concatenate3A_2780 = tpu.concatenate %slice3A_2778, %slice3A_2779 in 0 : vector<16x128xi32>, vector<48x128xi32> -> vector<64x128xi32>
    %slice3A_2781 = vector.extract_strided_slice %select_n3A_2770 {offsets = [16, 0], sizes = [48, 128], strides = [1, 1]} : vector<64x128xi32> to vector<48x128xi32>
    %slice3A_2782 = vector.extract_strided_slice %select_n3A_2770 {offsets = [0, 0], sizes = [16, 128], strides = [1, 1]} : vector<64x128xi32> to vector<16x128xi32>
    %concatenate3A_2783 = tpu.concatenate %slice3A_2781, %slice3A_2782 in 0 : vector<48x128xi32>, vector<16x128xi32> -> vector<64x128xi32>
    %select_n3A_2784 = arith.select %ne3A_2777, %concatenate3A_2780, %concatenate3A_2783 : vector<64x128xi1>, vector<64x128xi32>
    %slice3A_2785 = vector.extract_strided_slice %select_n3A_2771 {offsets = [48, 0], sizes = [16, 128], strides = [1, 1]} : vector<64x128xi32> to vector<16x128xi32>
    %slice3A_2786 = vector.extract_strided_slice %select_n3A_2771 {offsets = [0, 0], sizes = [48, 128], strides = [1, 1]} : vector<64x128xi32> to vector<48x128xi32>
    %concatenate3A_2787 = tpu.concatenate %slice3A_2785, %slice3A_2786 in 0 : vector<16x128xi32>, vector<48x128xi32> -> vector<64x128xi32>
    %slice3A_2788 = vector.extract_strided_slice %select_n3A_2771 {offsets = [16, 0], sizes = [48, 128], strides = [1, 1]} : vector<64x128xi32> to vector<48x128xi32>
    %slice3A_2789 = vector.extract_strided_slice %select_n3A_2771 {offsets = [0, 0], sizes = [16, 128], strides = [1, 1]} : vector<64x128xi32> to vector<16x128xi32>
    %concatenate3A_2790 = tpu.concatenate %slice3A_2788, %slice3A_2789 in 0 : vector<48x128xi32>, vector<16x128xi32> -> vector<64x128xi32>
    %select_n3A_2791 = arith.select %ne3A_2777, %concatenate3A_2787, %concatenate3A_2790 : vector<64x128xi1>, vector<64x128xi32>
    %and3A_2792 = arith.constant 4096 : i32
    %and3A_2793 = vector.broadcast %and3A_2792 : i32 to vector<64x128xi32>
    %and3A_2794 = arith.andi %add3A_74, %and3A_2793 : vector<64x128xi32>
    %eq3A_2795 = arith.constant 0 : i32
    %eq3A_2796 = vector.broadcast %eq3A_2795 : i32 to vector<64x128xi32>
    %eq3A_2797 = arith.cmpi eq, %and3A_2794, %eq3A_2796 : vector<64x128xi32>
    %not3A_2798 = arith.constant dense<true> : vector<64x128xi1>
    %not3A_2799 = arith.xori %ne3A_2777, %not3A_2798 : vector<64x128xi1>
    %eq3A_2800 = arith.xori %not3A_2799, %eq3A_2797 : vector<64x128xi1>
    %eq3A_2801 = arith.constant dense<true> : vector<64x128xi1>
    %eq3A_2802 = arith.xori %eq3A_2800, %eq3A_2801 : vector<64x128xi1>
    %lt3A_2803 = arith.cmpi slt, %select_n3A_2784, %select_n3A_2770 : vector<64x128xi32>
    %eq3A_2804 = arith.cmpi eq, %select_n3A_2784, %select_n3A_2770 : vector<64x128xi32>
    %lt3A_2805 = arith.cmpi slt, %select_n3A_2791, %select_n3A_2771 : vector<64x128xi32>
    %and3A_2806 = arith.andi %eq3A_2804, %lt3A_2805 : vector<64x128xi1>
    %or3A_2807 = arith.ori %lt3A_2803, %and3A_2806 : vector<64x128xi1>
    %eq3A_2808 = arith.xori %eq3A_2802, %or3A_2807 : vector<64x128xi1>
    %eq3A_2809 = arith.constant dense<true> : vector<64x128xi1>
    %eq3A_2810 = arith.xori %eq3A_2808, %eq3A_2809 : vector<64x128xi1>
    %select_n3A_2811 = arith.select %eq3A_2810, %select_n3A_2784, %select_n3A_2770 : vector<64x128xi1>, vector<64x128xi32>
    %select_n3A_2812 = arith.select %eq3A_2810, %select_n3A_2791, %select_n3A_2771 : vector<64x128xi1>, vector<64x128xi32>
    %and3A_2813 = arith.constant 1024 : i32
    %and3A_2814 = vector.broadcast %and3A_2813 : i32 to vector<64x128xi32>
    %and3A_2815 = arith.andi %add3A_74, %and3A_2814 : vector<64x128xi32>
    %ne3A_2816 = arith.constant 0 : i32
    %ne3A_2817 = vector.broadcast %ne3A_2816 : i32 to vector<64x128xi32>
    %ne3A_2818 = arith.cmpi ne, %and3A_2815, %ne3A_2817 : vector<64x128xi32>
    %slice3A_2819 = vector.extract_strided_slice %select_n3A_2811 {offsets = [56, 0], sizes = [8, 128], strides = [1, 1]} : vector<64x128xi32> to vector<8x128xi32>
    %slice3A_2820 = vector.extract_strided_slice %select_n3A_2811 {offsets = [0, 0], sizes = [56, 128], strides = [1, 1]} : vector<64x128xi32> to vector<56x128xi32>
    %concatenate3A_2821 = tpu.concatenate %slice3A_2819, %slice3A_2820 in 0 : vector<8x128xi32>, vector<56x128xi32> -> vector<64x128xi32>
    %slice3A_2822 = vector.extract_strided_slice %select_n3A_2811 {offsets = [8, 0], sizes = [56, 128], strides = [1, 1]} : vector<64x128xi32> to vector<56x128xi32>
    %slice3A_2823 = vector.extract_strided_slice %select_n3A_2811 {offsets = [0, 0], sizes = [8, 128], strides = [1, 1]} : vector<64x128xi32> to vector<8x128xi32>
    %concatenate3A_2824 = tpu.concatenate %slice3A_2822, %slice3A_2823 in 0 : vector<56x128xi32>, vector<8x128xi32> -> vector<64x128xi32>
    %select_n3A_2825 = arith.select %ne3A_2818, %concatenate3A_2821, %concatenate3A_2824 : vector<64x128xi1>, vector<64x128xi32>
    %slice3A_2826 = vector.extract_strided_slice %select_n3A_2812 {offsets = [56, 0], sizes = [8, 128], strides = [1, 1]} : vector<64x128xi32> to vector<8x128xi32>
    %slice3A_2827 = vector.extract_strided_slice %select_n3A_2812 {offsets = [0, 0], sizes = [56, 128], strides = [1, 1]} : vector<64x128xi32> to vector<56x128xi32>
    %concatenate3A_2828 = tpu.concatenate %slice3A_2826, %slice3A_2827 in 0 : vector<8x128xi32>, vector<56x128xi32> -> vector<64x128xi32>
    %slice3A_2829 = vector.extract_strided_slice %select_n3A_2812 {offsets = [8, 0], sizes = [56, 128], strides = [1, 1]} : vector<64x128xi32> to vector<56x128xi32>
    %slice3A_2830 = vector.extract_strided_slice %select_n3A_2812 {offsets = [0, 0], sizes = [8, 128], strides = [1, 1]} : vector<64x128xi32> to vector<8x128xi32>
    %concatenate3A_2831 = tpu.concatenate %slice3A_2829, %slice3A_2830 in 0 : vector<56x128xi32>, vector<8x128xi32> -> vector<64x128xi32>
    %select_n3A_2832 = arith.select %ne3A_2818, %concatenate3A_2828, %concatenate3A_2831 : vector<64x128xi1>, vector<64x128xi32>
    %and3A_2833 = arith.constant 4096 : i32
    %and3A_2834 = vector.broadcast %and3A_2833 : i32 to vector<64x128xi32>
    %and3A_2835 = arith.andi %add3A_74, %and3A_2834 : vector<64x128xi32>
    %eq3A_2836 = arith.constant 0 : i32
    %eq3A_2837 = vector.broadcast %eq3A_2836 : i32 to vector<64x128xi32>
    %eq3A_2838 = arith.cmpi eq, %and3A_2835, %eq3A_2837 : vector<64x128xi32>
    %not3A_2839 = arith.constant dense<true> : vector<64x128xi1>
    %not3A_2840 = arith.xori %ne3A_2818, %not3A_2839 : vector<64x128xi1>
    %eq3A_2841 = arith.xori %not3A_2840, %eq3A_2838 : vector<64x128xi1>
    %eq3A_2842 = arith.constant dense<true> : vector<64x128xi1>
    %eq3A_2843 = arith.xori %eq3A_2841, %eq3A_2842 : vector<64x128xi1>
    %lt3A_2844 = arith.cmpi slt, %select_n3A_2825, %select_n3A_2811 : vector<64x128xi32>
    %eq3A_2845 = arith.cmpi eq, %select_n3A_2825, %select_n3A_2811 : vector<64x128xi32>
    %lt3A_2846 = arith.cmpi slt, %select_n3A_2832, %select_n3A_2812 : vector<64x128xi32>
    %and3A_2847 = arith.andi %eq3A_2845, %lt3A_2846 : vector<64x128xi1>
    %or3A_2848 = arith.ori %lt3A_2844, %and3A_2847 : vector<64x128xi1>
    %eq3A_2849 = arith.xori %eq3A_2843, %or3A_2848 : vector<64x128xi1>
    %eq3A_2850 = arith.constant dense<true> : vector<64x128xi1>
    %eq3A_2851 = arith.xori %eq3A_2849, %eq3A_2850 : vector<64x128xi1>
    %select_n3A_2852 = arith.select %eq3A_2851, %select_n3A_2825, %select_n3A_2811 : vector<64x128xi1>, vector<64x128xi32>
    %select_n3A_2853 = arith.select %eq3A_2851, %select_n3A_2832, %select_n3A_2812 : vector<64x128xi1>, vector<64x128xi32>
    %and3A_2854 = arith.constant 512 : i32
    %and3A_2855 = vector.broadcast %and3A_2854 : i32 to vector<64x128xi32>
    %and3A_2856 = arith.andi %add3A_74, %and3A_2855 : vector<64x128xi32>
    %ne3A_2857 = arith.constant 0 : i32
    %ne3A_2858 = vector.broadcast %ne3A_2857 : i32 to vector<64x128xi32>
    %ne3A_2859 = arith.cmpi ne, %and3A_2856, %ne3A_2858 : vector<64x128xi32>
    %slice3A_2860 = vector.extract_strided_slice %select_n3A_2852 {offsets = [60, 0], sizes = [4, 128], strides = [1, 1]} : vector<64x128xi32> to vector<4x128xi32>
    %slice3A_2861 = vector.extract_strided_slice %select_n3A_2852 {offsets = [0, 0], sizes = [60, 128], strides = [1, 1]} : vector<64x128xi32> to vector<60x128xi32>
    %concatenate3A_2862 = tpu.concatenate %slice3A_2860, %slice3A_2861 in 0 : vector<4x128xi32>, vector<60x128xi32> -> vector<64x128xi32>
    %slice3A_2863 = vector.extract_strided_slice %select_n3A_2852 {offsets = [4, 0], sizes = [60, 128], strides = [1, 1]} : vector<64x128xi32> to vector<60x128xi32>
    %slice3A_2864 = vector.extract_strided_slice %select_n3A_2852 {offsets = [0, 0], sizes = [4, 128], strides = [1, 1]} : vector<64x128xi32> to vector<4x128xi32>
    %concatenate3A_2865 = tpu.concatenate %slice3A_2863, %slice3A_2864 in 0 : vector<60x128xi32>, vector<4x128xi32> -> vector<64x128xi32>
    %select_n3A_2866 = arith.select %ne3A_2859, %concatenate3A_2862, %concatenate3A_2865 : vector<64x128xi1>, vector<64x128xi32>
    %slice3A_2867 = vector.extract_strided_slice %select_n3A_2853 {offsets = [60, 0], sizes = [4, 128], strides = [1, 1]} : vector<64x128xi32> to vector<4x128xi32>
    %slice3A_2868 = vector.extract_strided_slice %select_n3A_2853 {offsets = [0, 0], sizes = [60, 128], strides = [1, 1]} : vector<64x128xi32> to vector<60x128xi32>
    %concatenate3A_2869 = tpu.concatenate %slice3A_2867, %slice3A_2868 in 0 : vector<4x128xi32>, vector<60x128xi32> -> vector<64x128xi32>
    %slice3A_2870 = vector.extract_strided_slice %select_n3A_2853 {offsets = [4, 0], sizes = [60, 128], strides = [1, 1]} : vector<64x128xi32> to vector<60x128xi32>
    %slice3A_2871 = vector.extract_strided_slice %select_n3A_2853 {offsets = [0, 0], sizes = [4, 128], strides = [1, 1]} : vector<64x128xi32> to vector<4x128xi32>
    %concatenate3A_2872 = tpu.concatenate %slice3A_2870, %slice3A_2871 in 0 : vector<60x128xi32>, vector<4x128xi32> -> vector<64x128xi32>
    %select_n3A_2873 = arith.select %ne3A_2859, %concatenate3A_2869, %concatenate3A_2872 : vector<64x128xi1>, vector<64x128xi32>
    %and3A_2874 = arith.constant 4096 : i32
    %and3A_2875 = vector.broadcast %and3A_2874 : i32 to vector<64x128xi32>
    %and3A_2876 = arith.andi %add3A_74, %and3A_2875 : vector<64x128xi32>
    %eq3A_2877 = arith.constant 0 : i32
    %eq3A_2878 = vector.broadcast %eq3A_2877 : i32 to vector<64x128xi32>
    %eq3A_2879 = arith.cmpi eq, %and3A_2876, %eq3A_2878 : vector<64x128xi32>
    %not3A_2880 = arith.constant dense<true> : vector<64x128xi1>
    %not3A_2881 = arith.xori %ne3A_2859, %not3A_2880 : vector<64x128xi1>
    %eq3A_2882 = arith.xori %not3A_2881, %eq3A_2879 : vector<64x128xi1>
    %eq3A_2883 = arith.constant dense<true> : vector<64x128xi1>
    %eq3A_2884 = arith.xori %eq3A_2882, %eq3A_2883 : vector<64x128xi1>
    %lt3A_2885 = arith.cmpi slt, %select_n3A_2866, %select_n3A_2852 : vector<64x128xi32>
    %eq3A_2886 = arith.cmpi eq, %select_n3A_2866, %select_n3A_2852 : vector<64x128xi32>
    %lt3A_2887 = arith.cmpi slt, %select_n3A_2873, %select_n3A_2853 : vector<64x128xi32>
    %and3A_2888 = arith.andi %eq3A_2886, %lt3A_2887 : vector<64x128xi1>
    %or3A_2889 = arith.ori %lt3A_2885, %and3A_2888 : vector<64x128xi1>
    %eq3A_2890 = arith.xori %eq3A_2884, %or3A_2889 : vector<64x128xi1>
    %eq3A_2891 = arith.constant dense<true> : vector<64x128xi1>
    %eq3A_2892 = arith.xori %eq3A_2890, %eq3A_2891 : vector<64x128xi1>
    %select_n3A_2893 = arith.select %eq3A_2892, %select_n3A_2866, %select_n3A_2852 : vector<64x128xi1>, vector<64x128xi32>
    %select_n3A_2894 = arith.select %eq3A_2892, %select_n3A_2873, %select_n3A_2853 : vector<64x128xi1>, vector<64x128xi32>
    %and3A_2895 = arith.constant 256 : i32
    %and3A_2896 = vector.broadcast %and3A_2895 : i32 to vector<64x128xi32>
    %and3A_2897 = arith.andi %add3A_74, %and3A_2896 : vector<64x128xi32>
    %ne3A_2898 = arith.constant 0 : i32
    %ne3A_2899 = vector.broadcast %ne3A_2898 : i32 to vector<64x128xi32>
    %ne3A_2900 = arith.cmpi ne, %and3A_2897, %ne3A_2899 : vector<64x128xi32>
    %slice3A_2901 = vector.extract_strided_slice %select_n3A_2893 {offsets = [62, 0], sizes = [2, 128], strides = [1, 1]} : vector<64x128xi32> to vector<2x128xi32>
    %slice3A_2902 = vector.extract_strided_slice %select_n3A_2893 {offsets = [0, 0], sizes = [62, 128], strides = [1, 1]} : vector<64x128xi32> to vector<62x128xi32>
    %concatenate3A_2903 = tpu.concatenate %slice3A_2901, %slice3A_2902 in 0 : vector<2x128xi32>, vector<62x128xi32> -> vector<64x128xi32>
    %slice3A_2904 = vector.extract_strided_slice %select_n3A_2893 {offsets = [2, 0], sizes = [62, 128], strides = [1, 1]} : vector<64x128xi32> to vector<62x128xi32>
    %slice3A_2905 = vector.extract_strided_slice %select_n3A_2893 {offsets = [0, 0], sizes = [2, 128], strides = [1, 1]} : vector<64x128xi32> to vector<2x128xi32>
    %concatenate3A_2906 = tpu.concatenate %slice3A_2904, %slice3A_2905 in 0 : vector<62x128xi32>, vector<2x128xi32> -> vector<64x128xi32>
    %select_n3A_2907 = arith.select %ne3A_2900, %concatenate3A_2903, %concatenate3A_2906 : vector<64x128xi1>, vector<64x128xi32>
    %slice3A_2908 = vector.extract_strided_slice %select_n3A_2894 {offsets = [62, 0], sizes = [2, 128], strides = [1, 1]} : vector<64x128xi32> to vector<2x128xi32>
    %slice3A_2909 = vector.extract_strided_slice %select_n3A_2894 {offsets = [0, 0], sizes = [62, 128], strides = [1, 1]} : vector<64x128xi32> to vector<62x128xi32>
    %concatenate3A_2910 = tpu.concatenate %slice3A_2908, %slice3A_2909 in 0 : vector<2x128xi32>, vector<62x128xi32> -> vector<64x128xi32>
    %slice3A_2911 = vector.extract_strided_slice %select_n3A_2894 {offsets = [2, 0], sizes = [62, 128], strides = [1, 1]} : vector<64x128xi32> to vector<62x128xi32>
    %slice3A_2912 = vector.extract_strided_slice %select_n3A_2894 {offsets = [0, 0], sizes = [2, 128], strides = [1, 1]} : vector<64x128xi32> to vector<2x128xi32>
    %concatenate3A_2913 = tpu.concatenate %slice3A_2911, %slice3A_2912 in 0 : vector<62x128xi32>, vector<2x128xi32> -> vector<64x128xi32>
    %select_n3A_2914 = arith.select %ne3A_2900, %concatenate3A_2910, %concatenate3A_2913 : vector<64x128xi1>, vector<64x128xi32>
    %and3A_2915 = arith.constant 4096 : i32
    %and3A_2916 = vector.broadcast %and3A_2915 : i32 to vector<64x128xi32>
    %and3A_2917 = arith.andi %add3A_74, %and3A_2916 : vector<64x128xi32>
    %eq3A_2918 = arith.constant 0 : i32
    %eq3A_2919 = vector.broadcast %eq3A_2918 : i32 to vector<64x128xi32>
    %eq3A_2920 = arith.cmpi eq, %and3A_2917, %eq3A_2919 : vector<64x128xi32>
    %not3A_2921 = arith.constant dense<true> : vector<64x128xi1>
    %not3A_2922 = arith.xori %ne3A_2900, %not3A_2921 : vector<64x128xi1>
    %eq3A_2923 = arith.xori %not3A_2922, %eq3A_2920 : vector<64x128xi1>
    %eq3A_2924 = arith.constant dense<true> : vector<64x128xi1>
    %eq3A_2925 = arith.xori %eq3A_2923, %eq3A_2924 : vector<64x128xi1>
    %lt3A_2926 = arith.cmpi slt, %select_n3A_2907, %select_n3A_2893 : vector<64x128xi32>
    %eq3A_2927 = arith.cmpi eq, %select_n3A_2907, %select_n3A_2893 : vector<64x128xi32>
    %lt3A_2928 = arith.cmpi slt, %select_n3A_2914, %select_n3A_2894 : vector<64x128xi32>
    %and3A_2929 = arith.andi %eq3A_2927, %lt3A_2928 : vector<64x128xi1>
    %or3A_2930 = arith.ori %lt3A_2926, %and3A_2929 : vector<64x128xi1>
    %eq3A_2931 = arith.xori %eq3A_2925, %or3A_2930 : vector<64x128xi1>
    %eq3A_2932 = arith.constant dense<true> : vector<64x128xi1>
    %eq3A_2933 = arith.xori %eq3A_2931, %eq3A_2932 : vector<64x128xi1>
    %select_n3A_2934 = arith.select %eq3A_2933, %select_n3A_2907, %select_n3A_2893 : vector<64x128xi1>, vector<64x128xi32>
    %select_n3A_2935 = arith.select %eq3A_2933, %select_n3A_2914, %select_n3A_2894 : vector<64x128xi1>, vector<64x128xi32>
    %and3A_2936 = arith.constant 128 : i32
    %and3A_2937 = vector.broadcast %and3A_2936 : i32 to vector<64x128xi32>
    %and3A_2938 = arith.andi %add3A_74, %and3A_2937 : vector<64x128xi32>
    %ne3A_2939 = arith.constant 0 : i32
    %ne3A_2940 = vector.broadcast %ne3A_2939 : i32 to vector<64x128xi32>
    %ne3A_2941 = arith.cmpi ne, %and3A_2938, %ne3A_2940 : vector<64x128xi32>
    %slice3A_2942 = vector.extract_strided_slice %select_n3A_2934 {offsets = [63, 0], sizes = [1, 128], strides = [1, 1]} : vector<64x128xi32> to vector<1x128xi32>
    %slice3A_2943 = vector.extract_strided_slice %select_n3A_2934 {offsets = [0, 0], sizes = [63, 128], strides = [1, 1]} : vector<64x128xi32> to vector<63x128xi32>
    %concatenate3A_2944 = tpu.concatenate %slice3A_2942, %slice3A_2943 in 0 : vector<1x128xi32>, vector<63x128xi32> -> vector<64x128xi32>
    %slice3A_2945 = vector.extract_strided_slice %select_n3A_2934 {offsets = [1, 0], sizes = [63, 128], strides = [1, 1]} : vector<64x128xi32> to vector<63x128xi32>
    %slice3A_2946 = vector.extract_strided_slice %select_n3A_2934 {offsets = [0, 0], sizes = [1, 128], strides = [1, 1]} : vector<64x128xi32> to vector<1x128xi32>
    %concatenate3A_2947 = tpu.concatenate %slice3A_2945, %slice3A_2946 in 0 : vector<63x128xi32>, vector<1x128xi32> -> vector<64x128xi32>
    %select_n3A_2948 = arith.select %ne3A_2941, %concatenate3A_2944, %concatenate3A_2947 : vector<64x128xi1>, vector<64x128xi32>
    %slice3A_2949 = vector.extract_strided_slice %select_n3A_2935 {offsets = [63, 0], sizes = [1, 128], strides = [1, 1]} : vector<64x128xi32> to vector<1x128xi32>
    %slice3A_2950 = vector.extract_strided_slice %select_n3A_2935 {offsets = [0, 0], sizes = [63, 128], strides = [1, 1]} : vector<64x128xi32> to vector<63x128xi32>
    %concatenate3A_2951 = tpu.concatenate %slice3A_2949, %slice3A_2950 in 0 : vector<1x128xi32>, vector<63x128xi32> -> vector<64x128xi32>
    %slice3A_2952 = vector.extract_strided_slice %select_n3A_2935 {offsets = [1, 0], sizes = [63, 128], strides = [1, 1]} : vector<64x128xi32> to vector<63x128xi32>
    %slice3A_2953 = vector.extract_strided_slice %select_n3A_2935 {offsets = [0, 0], sizes = [1, 128], strides = [1, 1]} : vector<64x128xi32> to vector<1x128xi32>
    %concatenate3A_2954 = tpu.concatenate %slice3A_2952, %slice3A_2953 in 0 : vector<63x128xi32>, vector<1x128xi32> -> vector<64x128xi32>
    %select_n3A_2955 = arith.select %ne3A_2941, %concatenate3A_2951, %concatenate3A_2954 : vector<64x128xi1>, vector<64x128xi32>
    %and3A_2956 = arith.constant 4096 : i32
    %and3A_2957 = vector.broadcast %and3A_2956 : i32 to vector<64x128xi32>
    %and3A_2958 = arith.andi %add3A_74, %and3A_2957 : vector<64x128xi32>
    %eq3A_2959 = arith.constant 0 : i32
    %eq3A_2960 = vector.broadcast %eq3A_2959 : i32 to vector<64x128xi32>
    %eq3A_2961 = arith.cmpi eq, %and3A_2958, %eq3A_2960 : vector<64x128xi32>
    %not3A_2962 = arith.constant dense<true> : vector<64x128xi1>
    %not3A_2963 = arith.xori %ne3A_2941, %not3A_2962 : vector<64x128xi1>
    %eq3A_2964 = arith.xori %not3A_2963, %eq3A_2961 : vector<64x128xi1>
    %eq3A_2965 = arith.constant dense<true> : vector<64x128xi1>
    %eq3A_2966 = arith.xori %eq3A_2964, %eq3A_2965 : vector<64x128xi1>
    %lt3A_2967 = arith.cmpi slt, %select_n3A_2948, %select_n3A_2934 : vector<64x128xi32>
    %eq3A_2968 = arith.cmpi eq, %select_n3A_2948, %select_n3A_2934 : vector<64x128xi32>
    %lt3A_2969 = arith.cmpi slt, %select_n3A_2955, %select_n3A_2935 : vector<64x128xi32>
    %and3A_2970 = arith.andi %eq3A_2968, %lt3A_2969 : vector<64x128xi1>
    %or3A_2971 = arith.ori %lt3A_2967, %and3A_2970 : vector<64x128xi1>
    %eq3A_2972 = arith.xori %eq3A_2966, %or3A_2971 : vector<64x128xi1>
    %eq3A_2973 = arith.constant dense<true> : vector<64x128xi1>
    %eq3A_2974 = arith.xori %eq3A_2972, %eq3A_2973 : vector<64x128xi1>
    %select_n3A_2975 = arith.select %eq3A_2974, %select_n3A_2948, %select_n3A_2934 : vector<64x128xi1>, vector<64x128xi32>
    %select_n3A_2976 = arith.select %eq3A_2974, %select_n3A_2955, %select_n3A_2935 : vector<64x128xi1>, vector<64x128xi32>
    %and3A_2977 = arith.constant 64 : i32
    %and3A_2978 = vector.broadcast %and3A_2977 : i32 to vector<64x128xi32>
    %and3A_2979 = arith.andi %add3A_74, %and3A_2978 : vector<64x128xi32>
    %ne3A_2980 = arith.constant 0 : i32
    %ne3A_2981 = vector.broadcast %ne3A_2980 : i32 to vector<64x128xi32>
    %ne3A_2982 = arith.cmpi ne, %and3A_2979, %ne3A_2981 : vector<64x128xi32>
    %slice3A_2983 = vector.extract_strided_slice %select_n3A_2975 {offsets = [0, 64], sizes = [64, 64], strides = [1, 1]} : vector<64x128xi32> to vector<64x64xi32>
    %slice3A_2984 = vector.extract_strided_slice %select_n3A_2975 {offsets = [0, 0], sizes = [64, 64], strides = [1, 1]} : vector<64x128xi32> to vector<64x64xi32>
    %concatenate3A_2985 = tpu.concatenate %slice3A_2983, %slice3A_2984 in 1 : vector<64x64xi32>, vector<64x64xi32> -> vector<64x128xi32>
    %slice3A_2986 = vector.extract_strided_slice %select_n3A_2975 {offsets = [0, 64], sizes = [64, 64], strides = [1, 1]} : vector<64x128xi32> to vector<64x64xi32>
    %slice3A_2987 = vector.extract_strided_slice %select_n3A_2975 {offsets = [0, 0], sizes = [64, 64], strides = [1, 1]} : vector<64x128xi32> to vector<64x64xi32>
    %concatenate3A_2988 = tpu.concatenate %slice3A_2986, %slice3A_2987 in 1 : vector<64x64xi32>, vector<64x64xi32> -> vector<64x128xi32>
    %select_n3A_2989 = arith.select %ne3A_2982, %concatenate3A_2985, %concatenate3A_2988 : vector<64x128xi1>, vector<64x128xi32>
    %slice3A_2990 = vector.extract_strided_slice %select_n3A_2976 {offsets = [0, 64], sizes = [64, 64], strides = [1, 1]} : vector<64x128xi32> to vector<64x64xi32>
    %slice3A_2991 = vector.extract_strided_slice %select_n3A_2976 {offsets = [0, 0], sizes = [64, 64], strides = [1, 1]} : vector<64x128xi32> to vector<64x64xi32>
    %concatenate3A_2992 = tpu.concatenate %slice3A_2990, %slice3A_2991 in 1 : vector<64x64xi32>, vector<64x64xi32> -> vector<64x128xi32>
    %slice3A_2993 = vector.extract_strided_slice %select_n3A_2976 {offsets = [0, 64], sizes = [64, 64], strides = [1, 1]} : vector<64x128xi32> to vector<64x64xi32>
    %slice3A_2994 = vector.extract_strided_slice %select_n3A_2976 {offsets = [0, 0], sizes = [64, 64], strides = [1, 1]} : vector<64x128xi32> to vector<64x64xi32>
    %concatenate3A_2995 = tpu.concatenate %slice3A_2993, %slice3A_2994 in 1 : vector<64x64xi32>, vector<64x64xi32> -> vector<64x128xi32>
    %select_n3A_2996 = arith.select %ne3A_2982, %concatenate3A_2992, %concatenate3A_2995 : vector<64x128xi1>, vector<64x128xi32>
    %and3A_2997 = arith.constant 4096 : i32
    %and3A_2998 = vector.broadcast %and3A_2997 : i32 to vector<64x128xi32>
    %and3A_2999 = arith.andi %add3A_74, %and3A_2998 : vector<64x128xi32>
    %eq3A_3000 = arith.constant 0 : i32
    %eq3A_3001 = vector.broadcast %eq3A_3000 : i32 to vector<64x128xi32>
    %eq3A_3002 = arith.cmpi eq, %and3A_2999, %eq3A_3001 : vector<64x128xi32>
    %not3A_3003 = arith.constant dense<true> : vector<64x128xi1>
    %not3A_3004 = arith.xori %ne3A_2982, %not3A_3003 : vector<64x128xi1>
    %eq3A_3005 = arith.xori %not3A_3004, %eq3A_3002 : vector<64x128xi1>
    %eq3A_3006 = arith.constant dense<true> : vector<64x128xi1>
    %eq3A_3007 = arith.xori %eq3A_3005, %eq3A_3006 : vector<64x128xi1>
    %lt3A_3008 = arith.cmpi slt, %select_n3A_2989, %select_n3A_2975 : vector<64x128xi32>
    %eq3A_3009 = arith.cmpi eq, %select_n3A_2989, %select_n3A_2975 : vector<64x128xi32>
    %lt3A_3010 = arith.cmpi slt, %select_n3A_2996, %select_n3A_2976 : vector<64x128xi32>
    %and3A_3011 = arith.andi %eq3A_3009, %lt3A_3010 : vector<64x128xi1>
    %or3A_3012 = arith.ori %lt3A_3008, %and3A_3011 : vector<64x128xi1>
    %eq3A_3013 = arith.xori %eq3A_3007, %or3A_3012 : vector<64x128xi1>
    %eq3A_3014 = arith.constant dense<true> : vector<64x128xi1>
    %eq3A_3015 = arith.xori %eq3A_3013, %eq3A_3014 : vector<64x128xi1>
    %select_n3A_3016 = arith.select %eq3A_3015, %select_n3A_2989, %select_n3A_2975 : vector<64x128xi1>, vector<64x128xi32>
    %select_n3A_3017 = arith.select %eq3A_3015, %select_n3A_2996, %select_n3A_2976 : vector<64x128xi1>, vector<64x128xi32>
    %and3A_3018 = arith.constant 32 : i32
    %and3A_3019 = vector.broadcast %and3A_3018 : i32 to vector<64x128xi32>
    %and3A_3020 = arith.andi %add3A_74, %and3A_3019 : vector<64x128xi32>
    %ne3A_3021 = arith.constant 0 : i32
    %ne3A_3022 = vector.broadcast %ne3A_3021 : i32 to vector<64x128xi32>
    %ne3A_3023 = arith.cmpi ne, %and3A_3020, %ne3A_3022 : vector<64x128xi32>
    %slice3A_3024 = vector.extract_strided_slice %select_n3A_3016 {offsets = [0, 96], sizes = [64, 32], strides = [1, 1]} : vector<64x128xi32> to vector<64x32xi32>
    %slice3A_3025 = vector.extract_strided_slice %select_n3A_3016 {offsets = [0, 0], sizes = [64, 96], strides = [1, 1]} : vector<64x128xi32> to vector<64x96xi32>
    %concatenate3A_3026 = tpu.concatenate %slice3A_3024, %slice3A_3025 in 1 : vector<64x32xi32>, vector<64x96xi32> -> vector<64x128xi32>
    %slice3A_3027 = vector.extract_strided_slice %select_n3A_3016 {offsets = [0, 32], sizes = [64, 96], strides = [1, 1]} : vector<64x128xi32> to vector<64x96xi32>
    %slice3A_3028 = vector.extract_strided_slice %select_n3A_3016 {offsets = [0, 0], sizes = [64, 32], strides = [1, 1]} : vector<64x128xi32> to vector<64x32xi32>
    %concatenate3A_3029 = tpu.concatenate %slice3A_3027, %slice3A_3028 in 1 : vector<64x96xi32>, vector<64x32xi32> -> vector<64x128xi32>
    %select_n3A_3030 = arith.select %ne3A_3023, %concatenate3A_3026, %concatenate3A_3029 : vector<64x128xi1>, vector<64x128xi32>
    %slice3A_3031 = vector.extract_strided_slice %select_n3A_3017 {offsets = [0, 96], sizes = [64, 32], strides = [1, 1]} : vector<64x128xi32> to vector<64x32xi32>
    %slice3A_3032 = vector.extract_strided_slice %select_n3A_3017 {offsets = [0, 0], sizes = [64, 96], strides = [1, 1]} : vector<64x128xi32> to vector<64x96xi32>
    %concatenate3A_3033 = tpu.concatenate %slice3A_3031, %slice3A_3032 in 1 : vector<64x32xi32>, vector<64x96xi32> -> vector<64x128xi32>
    %slice3A_3034 = vector.extract_strided_slice %select_n3A_3017 {offsets = [0, 32], sizes = [64, 96], strides = [1, 1]} : vector<64x128xi32> to vector<64x96xi32>
    %slice3A_3035 = vector.extract_strided_slice %select_n3A_3017 {offsets = [0, 0], sizes = [64, 32], strides = [1, 1]} : vector<64x128xi32> to vector<64x32xi32>
    %concatenate3A_3036 = tpu.concatenate %slice3A_3034, %slice3A_3035 in 1 : vector<64x96xi32>, vector<64x32xi32> -> vector<64x128xi32>
    %select_n3A_3037 = arith.select %ne3A_3023, %concatenate3A_3033, %concatenate3A_3036 : vector<64x128xi1>, vector<64x128xi32>
    %and3A_3038 = arith.constant 4096 : i32
    %and3A_3039 = vector.broadcast %and3A_3038 : i32 to vector<64x128xi32>
    %and3A_3040 = arith.andi %add3A_74, %and3A_3039 : vector<64x128xi32>
    %eq3A_3041 = arith.constant 0 : i32
    %eq3A_3042 = vector.broadcast %eq3A_3041 : i32 to vector<64x128xi32>
    %eq3A_3043 = arith.cmpi eq, %and3A_3040, %eq3A_3042 : vector<64x128xi32>
    %not3A_3044 = arith.constant dense<true> : vector<64x128xi1>
    %not3A_3045 = arith.xori %ne3A_3023, %not3A_3044 : vector<64x128xi1>
    %eq3A_3046 = arith.xori %not3A_3045, %eq3A_3043 : vector<64x128xi1>
    %eq3A_3047 = arith.constant dense<true> : vector<64x128xi1>
    %eq3A_3048 = arith.xori %eq3A_3046, %eq3A_3047 : vector<64x128xi1>
    %lt3A_3049 = arith.cmpi slt, %select_n3A_3030, %select_n3A_3016 : vector<64x128xi32>
    %eq3A_3050 = arith.cmpi eq, %select_n3A_3030, %select_n3A_3016 : vector<64x128xi32>
    %lt3A_3051 = arith.cmpi slt, %select_n3A_3037, %select_n3A_3017 : vector<64x128xi32>
    %and3A_3052 = arith.andi %eq3A_3050, %lt3A_3051 : vector<64x128xi1>
    %or3A_3053 = arith.ori %lt3A_3049, %and3A_3052 : vector<64x128xi1>
    %eq3A_3054 = arith.xori %eq3A_3048, %or3A_3053 : vector<64x128xi1>
    %eq3A_3055 = arith.constant dense<true> : vector<64x128xi1>
    %eq3A_3056 = arith.xori %eq3A_3054, %eq3A_3055 : vector<64x128xi1>
    %select_n3A_3057 = arith.select %eq3A_3056, %select_n3A_3030, %select_n3A_3016 : vector<64x128xi1>, vector<64x128xi32>
    %select_n3A_3058 = arith.select %eq3A_3056, %select_n3A_3037, %select_n3A_3017 : vector<64x128xi1>, vector<64x128xi32>
    %and3A_3059 = arith.constant 16 : i32
    %and3A_3060 = vector.broadcast %and3A_3059 : i32 to vector<64x128xi32>
    %and3A_3061 = arith.andi %add3A_74, %and3A_3060 : vector<64x128xi32>
    %ne3A_3062 = arith.constant 0 : i32
    %ne3A_3063 = vector.broadcast %ne3A_3062 : i32 to vector<64x128xi32>
    %ne3A_3064 = arith.cmpi ne, %and3A_3061, %ne3A_3063 : vector<64x128xi32>
    %slice3A_3065 = vector.extract_strided_slice %select_n3A_3057 {offsets = [0, 112], sizes = [64, 16], strides = [1, 1]} : vector<64x128xi32> to vector<64x16xi32>
    %slice3A_3066 = vector.extract_strided_slice %select_n3A_3057 {offsets = [0, 0], sizes = [64, 112], strides = [1, 1]} : vector<64x128xi32> to vector<64x112xi32>
    %concatenate3A_3067 = tpu.concatenate %slice3A_3065, %slice3A_3066 in 1 : vector<64x16xi32>, vector<64x112xi32> -> vector<64x128xi32>
    %slice3A_3068 = vector.extract_strided_slice %select_n3A_3057 {offsets = [0, 16], sizes = [64, 112], strides = [1, 1]} : vector<64x128xi32> to vector<64x112xi32>
    %slice3A_3069 = vector.extract_strided_slice %select_n3A_3057 {offsets = [0, 0], sizes = [64, 16], strides = [1, 1]} : vector<64x128xi32> to vector<64x16xi32>
    %concatenate3A_3070 = tpu.concatenate %slice3A_3068, %slice3A_3069 in 1 : vector<64x112xi32>, vector<64x16xi32> -> vector<64x128xi32>
    %select_n3A_3071 = arith.select %ne3A_3064, %concatenate3A_3067, %concatenate3A_3070 : vector<64x128xi1>, vector<64x128xi32>
    %slice3A_3072 = vector.extract_strided_slice %select_n3A_3058 {offsets = [0, 112], sizes = [64, 16], strides = [1, 1]} : vector<64x128xi32> to vector<64x16xi32>
    %slice3A_3073 = vector.extract_strided_slice %select_n3A_3058 {offsets = [0, 0], sizes = [64, 112], strides = [1, 1]} : vector<64x128xi32> to vector<64x112xi32>
    %concatenate3A_3074 = tpu.concatenate %slice3A_3072, %slice3A_3073 in 1 : vector<64x16xi32>, vector<64x112xi32> -> vector<64x128xi32>
    %slice3A_3075 = vector.extract_strided_slice %select_n3A_3058 {offsets = [0, 16], sizes = [64, 112], strides = [1, 1]} : vector<64x128xi32> to vector<64x112xi32>
    %slice3A_3076 = vector.extract_strided_slice %select_n3A_3058 {offsets = [0, 0], sizes = [64, 16], strides = [1, 1]} : vector<64x128xi32> to vector<64x16xi32>
    %concatenate3A_3077 = tpu.concatenate %slice3A_3075, %slice3A_3076 in 1 : vector<64x112xi32>, vector<64x16xi32> -> vector<64x128xi32>
    %select_n3A_3078 = arith.select %ne3A_3064, %concatenate3A_3074, %concatenate3A_3077 : vector<64x128xi1>, vector<64x128xi32>
    %and3A_3079 = arith.constant 4096 : i32
    %and3A_3080 = vector.broadcast %and3A_3079 : i32 to vector<64x128xi32>
    %and3A_3081 = arith.andi %add3A_74, %and3A_3080 : vector<64x128xi32>
    %eq3A_3082 = arith.constant 0 : i32
    %eq3A_3083 = vector.broadcast %eq3A_3082 : i32 to vector<64x128xi32>
    %eq3A_3084 = arith.cmpi eq, %and3A_3081, %eq3A_3083 : vector<64x128xi32>
    %not3A_3085 = arith.constant dense<true> : vector<64x128xi1>
    %not3A_3086 = arith.xori %ne3A_3064, %not3A_3085 : vector<64x128xi1>
    %eq3A_3087 = arith.xori %not3A_3086, %eq3A_3084 : vector<64x128xi1>
    %eq3A_3088 = arith.constant dense<true> : vector<64x128xi1>
    %eq3A_3089 = arith.xori %eq3A_3087, %eq3A_3088 : vector<64x128xi1>
    %lt3A_3090 = arith.cmpi slt, %select_n3A_3071, %select_n3A_3057 : vector<64x128xi32>
    %eq3A_3091 = arith.cmpi eq, %select_n3A_3071, %select_n3A_3057 : vector<64x128xi32>
    %lt3A_3092 = arith.cmpi slt, %select_n3A_3078, %select_n3A_3058 : vector<64x128xi32>
    %and3A_3093 = arith.andi %eq3A_3091, %lt3A_3092 : vector<64x128xi1>
    %or3A_3094 = arith.ori %lt3A_3090, %and3A_3093 : vector<64x128xi1>
    %eq3A_3095 = arith.xori %eq3A_3089, %or3A_3094 : vector<64x128xi1>
    %eq3A_3096 = arith.constant dense<true> : vector<64x128xi1>
    %eq3A_3097 = arith.xori %eq3A_3095, %eq3A_3096 : vector<64x128xi1>
    %select_n3A_3098 = arith.select %eq3A_3097, %select_n3A_3071, %select_n3A_3057 : vector<64x128xi1>, vector<64x128xi32>
    %select_n3A_3099 = arith.select %eq3A_3097, %select_n3A_3078, %select_n3A_3058 : vector<64x128xi1>, vector<64x128xi32>
    %and3A_3100 = arith.constant 8 : i32
    %and3A_3101 = vector.broadcast %and3A_3100 : i32 to vector<64x128xi32>
    %and3A_3102 = arith.andi %add3A_74, %and3A_3101 : vector<64x128xi32>
    %ne3A_3103 = arith.constant 0 : i32
    %ne3A_3104 = vector.broadcast %ne3A_3103 : i32 to vector<64x128xi32>
    %ne3A_3105 = arith.cmpi ne, %and3A_3102, %ne3A_3104 : vector<64x128xi32>
    %slice3A_3106 = vector.extract_strided_slice %select_n3A_3098 {offsets = [0, 120], sizes = [64, 8], strides = [1, 1]} : vector<64x128xi32> to vector<64x8xi32>
    %slice3A_3107 = vector.extract_strided_slice %select_n3A_3098 {offsets = [0, 0], sizes = [64, 120], strides = [1, 1]} : vector<64x128xi32> to vector<64x120xi32>
    %concatenate3A_3108 = tpu.concatenate %slice3A_3106, %slice3A_3107 in 1 : vector<64x8xi32>, vector<64x120xi32> -> vector<64x128xi32>
    %slice3A_3109 = vector.extract_strided_slice %select_n3A_3098 {offsets = [0, 8], sizes = [64, 120], strides = [1, 1]} : vector<64x128xi32> to vector<64x120xi32>
    %slice3A_3110 = vector.extract_strided_slice %select_n3A_3098 {offsets = [0, 0], sizes = [64, 8], strides = [1, 1]} : vector<64x128xi32> to vector<64x8xi32>
    %concatenate3A_3111 = tpu.concatenate %slice3A_3109, %slice3A_3110 in 1 : vector<64x120xi32>, vector<64x8xi32> -> vector<64x128xi32>
    %select_n3A_3112 = arith.select %ne3A_3105, %concatenate3A_3108, %concatenate3A_3111 : vector<64x128xi1>, vector<64x128xi32>
    %slice3A_3113 = vector.extract_strided_slice %select_n3A_3099 {offsets = [0, 120], sizes = [64, 8], strides = [1, 1]} : vector<64x128xi32> to vector<64x8xi32>
    %slice3A_3114 = vector.extract_strided_slice %select_n3A_3099 {offsets = [0, 0], sizes = [64, 120], strides = [1, 1]} : vector<64x128xi32> to vector<64x120xi32>
    %concatenate3A_3115 = tpu.concatenate %slice3A_3113, %slice3A_3114 in 1 : vector<64x8xi32>, vector<64x120xi32> -> vector<64x128xi32>
    %slice3A_3116 = vector.extract_strided_slice %select_n3A_3099 {offsets = [0, 8], sizes = [64, 120], strides = [1, 1]} : vector<64x128xi32> to vector<64x120xi32>
    %slice3A_3117 = vector.extract_strided_slice %select_n3A_3099 {offsets = [0, 0], sizes = [64, 8], strides = [1, 1]} : vector<64x128xi32> to vector<64x8xi32>
    %concatenate3A_3118 = tpu.concatenate %slice3A_3116, %slice3A_3117 in 1 : vector<64x120xi32>, vector<64x8xi32> -> vector<64x128xi32>
    %select_n3A_3119 = arith.select %ne3A_3105, %concatenate3A_3115, %concatenate3A_3118 : vector<64x128xi1>, vector<64x128xi32>
    %and3A_3120 = arith.constant 4096 : i32
    %and3A_3121 = vector.broadcast %and3A_3120 : i32 to vector<64x128xi32>
    %and3A_3122 = arith.andi %add3A_74, %and3A_3121 : vector<64x128xi32>
    %eq3A_3123 = arith.constant 0 : i32
    %eq3A_3124 = vector.broadcast %eq3A_3123 : i32 to vector<64x128xi32>
    %eq3A_3125 = arith.cmpi eq, %and3A_3122, %eq3A_3124 : vector<64x128xi32>
    %not3A_3126 = arith.constant dense<true> : vector<64x128xi1>
    %not3A_3127 = arith.xori %ne3A_3105, %not3A_3126 : vector<64x128xi1>
    %eq3A_3128 = arith.xori %not3A_3127, %eq3A_3125 : vector<64x128xi1>
    %eq3A_3129 = arith.constant dense<true> : vector<64x128xi1>
    %eq3A_3130 = arith.xori %eq3A_3128, %eq3A_3129 : vector<64x128xi1>
    %lt3A_3131 = arith.cmpi slt, %select_n3A_3112, %select_n3A_3098 : vector<64x128xi32>
    %eq3A_3132 = arith.cmpi eq, %select_n3A_3112, %select_n3A_3098 : vector<64x128xi32>
    %lt3A_3133 = arith.cmpi slt, %select_n3A_3119, %select_n3A_3099 : vector<64x128xi32>
    %and3A_3134 = arith.andi %eq3A_3132, %lt3A_3133 : vector<64x128xi1>
    %or3A_3135 = arith.ori %lt3A_3131, %and3A_3134 : vector<64x128xi1>
    %eq3A_3136 = arith.xori %eq3A_3130, %or3A_3135 : vector<64x128xi1>
    %eq3A_3137 = arith.constant dense<true> : vector<64x128xi1>
    %eq3A_3138 = arith.xori %eq3A_3136, %eq3A_3137 : vector<64x128xi1>
    %select_n3A_3139 = arith.select %eq3A_3138, %select_n3A_3112, %select_n3A_3098 : vector<64x128xi1>, vector<64x128xi32>
    %select_n3A_3140 = arith.select %eq3A_3138, %select_n3A_3119, %select_n3A_3099 : vector<64x128xi1>, vector<64x128xi32>
    %and3A_3141 = arith.constant 4 : i32
    %and3A_3142 = vector.broadcast %and3A_3141 : i32 to vector<64x128xi32>
    %and3A_3143 = arith.andi %add3A_74, %and3A_3142 : vector<64x128xi32>
    %ne3A_3144 = arith.constant 0 : i32
    %ne3A_3145 = vector.broadcast %ne3A_3144 : i32 to vector<64x128xi32>
    %ne3A_3146 = arith.cmpi ne, %and3A_3143, %ne3A_3145 : vector<64x128xi32>
    %slice3A_3147 = vector.extract_strided_slice %select_n3A_3139 {offsets = [0, 124], sizes = [64, 4], strides = [1, 1]} : vector<64x128xi32> to vector<64x4xi32>
    %slice3A_3148 = vector.extract_strided_slice %select_n3A_3139 {offsets = [0, 0], sizes = [64, 124], strides = [1, 1]} : vector<64x128xi32> to vector<64x124xi32>
    %concatenate3A_3149 = tpu.concatenate %slice3A_3147, %slice3A_3148 in 1 : vector<64x4xi32>, vector<64x124xi32> -> vector<64x128xi32>
    %slice3A_3150 = vector.extract_strided_slice %select_n3A_3139 {offsets = [0, 4], sizes = [64, 124], strides = [1, 1]} : vector<64x128xi32> to vector<64x124xi32>
    %slice3A_3151 = vector.extract_strided_slice %select_n3A_3139 {offsets = [0, 0], sizes = [64, 4], strides = [1, 1]} : vector<64x128xi32> to vector<64x4xi32>
    %concatenate3A_3152 = tpu.concatenate %slice3A_3150, %slice3A_3151 in 1 : vector<64x124xi32>, vector<64x4xi32> -> vector<64x128xi32>
    %select_n3A_3153 = arith.select %ne3A_3146, %concatenate3A_3149, %concatenate3A_3152 : vector<64x128xi1>, vector<64x128xi32>
    %slice3A_3154 = vector.extract_strided_slice %select_n3A_3140 {offsets = [0, 124], sizes = [64, 4], strides = [1, 1]} : vector<64x128xi32> to vector<64x4xi32>
    %slice3A_3155 = vector.extract_strided_slice %select_n3A_3140 {offsets = [0, 0], sizes = [64, 124], strides = [1, 1]} : vector<64x128xi32> to vector<64x124xi32>
    %concatenate3A_3156 = tpu.concatenate %slice3A_3154, %slice3A_3155 in 1 : vector<64x4xi32>, vector<64x124xi32> -> vector<64x128xi32>
    %slice3A_3157 = vector.extract_strided_slice %select_n3A_3140 {offsets = [0, 4], sizes = [64, 124], strides = [1, 1]} : vector<64x128xi32> to vector<64x124xi32>
    %slice3A_3158 = vector.extract_strided_slice %select_n3A_3140 {offsets = [0, 0], sizes = [64, 4], strides = [1, 1]} : vector<64x128xi32> to vector<64x4xi32>
    %concatenate3A_3159 = tpu.concatenate %slice3A_3157, %slice3A_3158 in 1 : vector<64x124xi32>, vector<64x4xi32> -> vector<64x128xi32>
    %select_n3A_3160 = arith.select %ne3A_3146, %concatenate3A_3156, %concatenate3A_3159 : vector<64x128xi1>, vector<64x128xi32>
    %and3A_3161 = arith.constant 4096 : i32
    %and3A_3162 = vector.broadcast %and3A_3161 : i32 to vector<64x128xi32>
    %and3A_3163 = arith.andi %add3A_74, %and3A_3162 : vector<64x128xi32>
    %eq3A_3164 = arith.constant 0 : i32
    %eq3A_3165 = vector.broadcast %eq3A_3164 : i32 to vector<64x128xi32>
    %eq3A_3166 = arith.cmpi eq, %and3A_3163, %eq3A_3165 : vector<64x128xi32>
    %not3A_3167 = arith.constant dense<true> : vector<64x128xi1>
    %not3A_3168 = arith.xori %ne3A_3146, %not3A_3167 : vector<64x128xi1>
    %eq3A_3169 = arith.xori %not3A_3168, %eq3A_3166 : vector<64x128xi1>
    %eq3A_3170 = arith.constant dense<true> : vector<64x128xi1>
    %eq3A_3171 = arith.xori %eq3A_3169, %eq3A_3170 : vector<64x128xi1>
    %lt3A_3172 = arith.cmpi slt, %select_n3A_3153, %select_n3A_3139 : vector<64x128xi32>
    %eq3A_3173 = arith.cmpi eq, %select_n3A_3153, %select_n3A_3139 : vector<64x128xi32>
    %lt3A_3174 = arith.cmpi slt, %select_n3A_3160, %select_n3A_3140 : vector<64x128xi32>
    %and3A_3175 = arith.andi %eq3A_3173, %lt3A_3174 : vector<64x128xi1>
    %or3A_3176 = arith.ori %lt3A_3172, %and3A_3175 : vector<64x128xi1>
    %eq3A_3177 = arith.xori %eq3A_3171, %or3A_3176 : vector<64x128xi1>
    %eq3A_3178 = arith.constant dense<true> : vector<64x128xi1>
    %eq3A_3179 = arith.xori %eq3A_3177, %eq3A_3178 : vector<64x128xi1>
    %select_n3A_3180 = arith.select %eq3A_3179, %select_n3A_3153, %select_n3A_3139 : vector<64x128xi1>, vector<64x128xi32>
    %select_n3A_3181 = arith.select %eq3A_3179, %select_n3A_3160, %select_n3A_3140 : vector<64x128xi1>, vector<64x128xi32>
    %and3A_3182 = arith.constant 2 : i32
    %and3A_3183 = vector.broadcast %and3A_3182 : i32 to vector<64x128xi32>
    %and3A_3184 = arith.andi %add3A_74, %and3A_3183 : vector<64x128xi32>
    %ne3A_3185 = arith.constant 0 : i32
    %ne3A_3186 = vector.broadcast %ne3A_3185 : i32 to vector<64x128xi32>
    %ne3A_3187 = arith.cmpi ne, %and3A_3184, %ne3A_3186 : vector<64x128xi32>
    %slice3A_3188 = vector.extract_strided_slice %select_n3A_3180 {offsets = [0, 126], sizes = [64, 2], strides = [1, 1]} : vector<64x128xi32> to vector<64x2xi32>
    %slice3A_3189 = vector.extract_strided_slice %select_n3A_3180 {offsets = [0, 0], sizes = [64, 126], strides = [1, 1]} : vector<64x128xi32> to vector<64x126xi32>
    %concatenate3A_3190 = tpu.concatenate %slice3A_3188, %slice3A_3189 in 1 : vector<64x2xi32>, vector<64x126xi32> -> vector<64x128xi32>
    %slice3A_3191 = vector.extract_strided_slice %select_n3A_3180 {offsets = [0, 2], sizes = [64, 126], strides = [1, 1]} : vector<64x128xi32> to vector<64x126xi32>
    %slice3A_3192 = vector.extract_strided_slice %select_n3A_3180 {offsets = [0, 0], sizes = [64, 2], strides = [1, 1]} : vector<64x128xi32> to vector<64x2xi32>
    %concatenate3A_3193 = tpu.concatenate %slice3A_3191, %slice3A_3192 in 1 : vector<64x126xi32>, vector<64x2xi32> -> vector<64x128xi32>
    %select_n3A_3194 = arith.select %ne3A_3187, %concatenate3A_3190, %concatenate3A_3193 : vector<64x128xi1>, vector<64x128xi32>
    %slice3A_3195 = vector.extract_strided_slice %select_n3A_3181 {offsets = [0, 126], sizes = [64, 2], strides = [1, 1]} : vector<64x128xi32> to vector<64x2xi32>
    %slice3A_3196 = vector.extract_strided_slice %select_n3A_3181 {offsets = [0, 0], sizes = [64, 126], strides = [1, 1]} : vector<64x128xi32> to vector<64x126xi32>
    %concatenate3A_3197 = tpu.concatenate %slice3A_3195, %slice3A_3196 in 1 : vector<64x2xi32>, vector<64x126xi32> -> vector<64x128xi32>
    %slice3A_3198 = vector.extract_strided_slice %select_n3A_3181 {offsets = [0, 2], sizes = [64, 126], strides = [1, 1]} : vector<64x128xi32> to vector<64x126xi32>
    %slice3A_3199 = vector.extract_strided_slice %select_n3A_3181 {offsets = [0, 0], sizes = [64, 2], strides = [1, 1]} : vector<64x128xi32> to vector<64x2xi32>
    %concatenate3A_3200 = tpu.concatenate %slice3A_3198, %slice3A_3199 in 1 : vector<64x126xi32>, vector<64x2xi32> -> vector<64x128xi32>
    %select_n3A_3201 = arith.select %ne3A_3187, %concatenate3A_3197, %concatenate3A_3200 : vector<64x128xi1>, vector<64x128xi32>
    %and3A_3202 = arith.constant 4096 : i32
    %and3A_3203 = vector.broadcast %and3A_3202 : i32 to vector<64x128xi32>
    %and3A_3204 = arith.andi %add3A_74, %and3A_3203 : vector<64x128xi32>
    %eq3A_3205 = arith.constant 0 : i32
    %eq3A_3206 = vector.broadcast %eq3A_3205 : i32 to vector<64x128xi32>
    %eq3A_3207 = arith.cmpi eq, %and3A_3204, %eq3A_3206 : vector<64x128xi32>
    %not3A_3208 = arith.constant dense<true> : vector<64x128xi1>
    %not3A_3209 = arith.xori %ne3A_3187, %not3A_3208 : vector<64x128xi1>
    %eq3A_3210 = arith.xori %not3A_3209, %eq3A_3207 : vector<64x128xi1>
    %eq3A_3211 = arith.constant dense<true> : vector<64x128xi1>
    %eq3A_3212 = arith.xori %eq3A_3210, %eq3A_3211 : vector<64x128xi1>
    %lt3A_3213 = arith.cmpi slt, %select_n3A_3194, %select_n3A_3180 : vector<64x128xi32>
    %eq3A_3214 = arith.cmpi eq, %select_n3A_3194, %select_n3A_3180 : vector<64x128xi32>
    %lt3A_3215 = arith.cmpi slt, %select_n3A_3201, %select_n3A_3181 : vector<64x128xi32>
    %and3A_3216 = arith.andi %eq3A_3214, %lt3A_3215 : vector<64x128xi1>
    %or3A_3217 = arith.ori %lt3A_3213, %and3A_3216 : vector<64x128xi1>
    %eq3A_3218 = arith.xori %eq3A_3212, %or3A_3217 : vector<64x128xi1>
    %eq3A_3219 = arith.constant dense<true> : vector<64x128xi1>
    %eq3A_3220 = arith.xori %eq3A_3218, %eq3A_3219 : vector<64x128xi1>
    %select_n3A_3221 = arith.select %eq3A_3220, %select_n3A_3194, %select_n3A_3180 : vector<64x128xi1>, vector<64x128xi32>
    %select_n3A_3222 = arith.select %eq3A_3220, %select_n3A_3201, %select_n3A_3181 : vector<64x128xi1>, vector<64x128xi32>
    %and3A_3223 = arith.constant 1 : i32
    %and3A_3224 = vector.broadcast %and3A_3223 : i32 to vector<64x128xi32>
    %and3A_3225 = arith.andi %add3A_74, %and3A_3224 : vector<64x128xi32>
    %ne3A_3226 = arith.constant 0 : i32
    %ne3A_3227 = vector.broadcast %ne3A_3226 : i32 to vector<64x128xi32>
    %ne3A_3228 = arith.cmpi ne, %and3A_3225, %ne3A_3227 : vector<64x128xi32>
    %slice3A_3229 = vector.extract_strided_slice %select_n3A_3221 {offsets = [0, 127], sizes = [64, 1], strides = [1, 1]} : vector<64x128xi32> to vector<64x1xi32>
    %slice3A_3230 = vector.extract_strided_slice %select_n3A_3221 {offsets = [0, 0], sizes = [64, 127], strides = [1, 1]} : vector<64x128xi32> to vector<64x127xi32>
    %concatenate3A_3231 = tpu.concatenate %slice3A_3229, %slice3A_3230 in 1 : vector<64x1xi32>, vector<64x127xi32> -> vector<64x128xi32>
    %slice3A_3232 = vector.extract_strided_slice %select_n3A_3221 {offsets = [0, 1], sizes = [64, 127], strides = [1, 1]} : vector<64x128xi32> to vector<64x127xi32>
    %slice3A_3233 = vector.extract_strided_slice %select_n3A_3221 {offsets = [0, 0], sizes = [64, 1], strides = [1, 1]} : vector<64x128xi32> to vector<64x1xi32>
    %concatenate3A_3234 = tpu.concatenate %slice3A_3232, %slice3A_3233 in 1 : vector<64x127xi32>, vector<64x1xi32> -> vector<64x128xi32>
    %select_n3A_3235 = arith.select %ne3A_3228, %concatenate3A_3231, %concatenate3A_3234 : vector<64x128xi1>, vector<64x128xi32>
    %slice3A_3236 = vector.extract_strided_slice %select_n3A_3222 {offsets = [0, 127], sizes = [64, 1], strides = [1, 1]} : vector<64x128xi32> to vector<64x1xi32>
    %slice3A_3237 = vector.extract_strided_slice %select_n3A_3222 {offsets = [0, 0], sizes = [64, 127], strides = [1, 1]} : vector<64x128xi32> to vector<64x127xi32>
    %concatenate3A_3238 = tpu.concatenate %slice3A_3236, %slice3A_3237 in 1 : vector<64x1xi32>, vector<64x127xi32> -> vector<64x128xi32>
    %slice3A_3239 = vector.extract_strided_slice %select_n3A_3222 {offsets = [0, 1], sizes = [64, 127], strides = [1, 1]} : vector<64x128xi32> to vector<64x127xi32>
    %slice3A_3240 = vector.extract_strided_slice %select_n3A_3222 {offsets = [0, 0], sizes = [64, 1], strides = [1, 1]} : vector<64x128xi32> to vector<64x1xi32>
    %concatenate3A_3241 = tpu.concatenate %slice3A_3239, %slice3A_3240 in 1 : vector<64x127xi32>, vector<64x1xi32> -> vector<64x128xi32>
    %select_n3A_3242 = arith.select %ne3A_3228, %concatenate3A_3238, %concatenate3A_3241 : vector<64x128xi1>, vector<64x128xi32>
    %and3A_3243 = arith.constant 4096 : i32
    %and3A_3244 = vector.broadcast %and3A_3243 : i32 to vector<64x128xi32>
    %and3A_3245 = arith.andi %add3A_74, %and3A_3244 : vector<64x128xi32>
    %eq3A_3246 = arith.constant 0 : i32
    %eq3A_3247 = vector.broadcast %eq3A_3246 : i32 to vector<64x128xi32>
    %eq3A_3248 = arith.cmpi eq, %and3A_3245, %eq3A_3247 : vector<64x128xi32>
    %not3A_3249 = arith.constant dense<true> : vector<64x128xi1>
    %not3A_3250 = arith.xori %ne3A_3228, %not3A_3249 : vector<64x128xi1>
    %eq3A_3251 = arith.xori %not3A_3250, %eq3A_3248 : vector<64x128xi1>
    %eq3A_3252 = arith.constant dense<true> : vector<64x128xi1>
    %eq3A_3253 = arith.xori %eq3A_3251, %eq3A_3252 : vector<64x128xi1>
    %lt3A_3254 = arith.cmpi slt, %select_n3A_3235, %select_n3A_3221 : vector<64x128xi32>
    %eq3A_3255 = arith.cmpi eq, %select_n3A_3235, %select_n3A_3221 : vector<64x128xi32>
    %lt3A_3256 = arith.cmpi slt, %select_n3A_3242, %select_n3A_3222 : vector<64x128xi32>
    %and3A_3257 = arith.andi %eq3A_3255, %lt3A_3256 : vector<64x128xi1>
    %or3A_3258 = arith.ori %lt3A_3254, %and3A_3257 : vector<64x128xi1>
    %eq3A_3259 = arith.xori %eq3A_3253, %or3A_3258 : vector<64x128xi1>
    %eq3A_3260 = arith.constant dense<true> : vector<64x128xi1>
    %eq3A_3261 = arith.xori %eq3A_3259, %eq3A_3260 : vector<64x128xi1>
    %select_n3A_3262 = arith.select %eq3A_3261, %select_n3A_3235, %select_n3A_3221 : vector<64x128xi1>, vector<64x128xi32>
    %select_n3A_3263 = arith.select %eq3A_3261, %select_n3A_3242, %select_n3A_3222 : vector<64x128xi1>, vector<64x128xi32>
    %and3A_3264 = arith.constant 4096 : i32
    %and3A_3265 = vector.broadcast %and3A_3264 : i32 to vector<64x128xi32>
    %and3A_3266 = arith.andi %add3A_74, %and3A_3265 : vector<64x128xi32>
    %ne3A_3267 = arith.constant 0 : i32
    %ne3A_3268 = vector.broadcast %ne3A_3267 : i32 to vector<64x128xi32>
    %ne3A_3269 = arith.cmpi ne, %and3A_3266, %ne3A_3268 : vector<64x128xi32>
    %slice3A_3270 = vector.extract_strided_slice %select_n3A_3262 {offsets = [32, 0], sizes = [32, 128], strides = [1, 1]} : vector<64x128xi32> to vector<32x128xi32>
    %slice3A_3271 = vector.extract_strided_slice %select_n3A_3262 {offsets = [0, 0], sizes = [32, 128], strides = [1, 1]} : vector<64x128xi32> to vector<32x128xi32>
    %concatenate3A_3272 = tpu.concatenate %slice3A_3270, %slice3A_3271 in 0 : vector<32x128xi32>, vector<32x128xi32> -> vector<64x128xi32>
    %slice3A_3273 = vector.extract_strided_slice %select_n3A_3262 {offsets = [32, 0], sizes = [32, 128], strides = [1, 1]} : vector<64x128xi32> to vector<32x128xi32>
    %slice3A_3274 = vector.extract_strided_slice %select_n3A_3262 {offsets = [0, 0], sizes = [32, 128], strides = [1, 1]} : vector<64x128xi32> to vector<32x128xi32>
    %concatenate3A_3275 = tpu.concatenate %slice3A_3273, %slice3A_3274 in 0 : vector<32x128xi32>, vector<32x128xi32> -> vector<64x128xi32>
    %select_n3A_3276 = arith.select %ne3A_3269, %concatenate3A_3272, %concatenate3A_3275 : vector<64x128xi1>, vector<64x128xi32>
    %slice3A_3277 = vector.extract_strided_slice %select_n3A_3263 {offsets = [32, 0], sizes = [32, 128], strides = [1, 1]} : vector<64x128xi32> to vector<32x128xi32>
    %slice3A_3278 = vector.extract_strided_slice %select_n3A_3263 {offsets = [0, 0], sizes = [32, 128], strides = [1, 1]} : vector<64x128xi32> to vector<32x128xi32>
    %concatenate3A_3279 = tpu.concatenate %slice3A_3277, %slice3A_3278 in 0 : vector<32x128xi32>, vector<32x128xi32> -> vector<64x128xi32>
    %slice3A_3280 = vector.extract_strided_slice %select_n3A_3263 {offsets = [32, 0], sizes = [32, 128], strides = [1, 1]} : vector<64x128xi32> to vector<32x128xi32>
    %slice3A_3281 = vector.extract_strided_slice %select_n3A_3263 {offsets = [0, 0], sizes = [32, 128], strides = [1, 1]} : vector<64x128xi32> to vector<32x128xi32>
    %concatenate3A_3282 = tpu.concatenate %slice3A_3280, %slice3A_3281 in 0 : vector<32x128xi32>, vector<32x128xi32> -> vector<64x128xi32>
    %select_n3A_3283 = arith.select %ne3A_3269, %concatenate3A_3279, %concatenate3A_3282 : vector<64x128xi1>, vector<64x128xi32>
    %and3A_3284 = arith.constant 8192 : i32
    %and3A_3285 = vector.broadcast %and3A_3284 : i32 to vector<64x128xi32>
    %and3A_3286 = arith.andi %add3A_74, %and3A_3285 : vector<64x128xi32>
    %eq3A_3287 = arith.constant 0 : i32
    %eq3A_3288 = vector.broadcast %eq3A_3287 : i32 to vector<64x128xi32>
    %eq3A_3289 = arith.cmpi eq, %and3A_3286, %eq3A_3288 : vector<64x128xi32>
    %not3A_3290 = arith.constant dense<true> : vector<64x128xi1>
    %not3A_3291 = arith.xori %ne3A_3269, %not3A_3290 : vector<64x128xi1>
    %eq3A_3292 = arith.xori %not3A_3291, %eq3A_3289 : vector<64x128xi1>
    %eq3A_3293 = arith.constant dense<true> : vector<64x128xi1>
    %eq3A_3294 = arith.xori %eq3A_3292, %eq3A_3293 : vector<64x128xi1>
    %lt3A_3295 = arith.cmpi slt, %select_n3A_3276, %select_n3A_3262 : vector<64x128xi32>
    %eq3A_3296 = arith.cmpi eq, %select_n3A_3276, %select_n3A_3262 : vector<64x128xi32>
    %lt3A_3297 = arith.cmpi slt, %select_n3A_3283, %select_n3A_3263 : vector<64x128xi32>
    %and3A_3298 = arith.andi %eq3A_3296, %lt3A_3297 : vector<64x128xi1>
    %or3A_3299 = arith.ori %lt3A_3295, %and3A_3298 : vector<64x128xi1>
    %eq3A_3300 = arith.xori %eq3A_3294, %or3A_3299 : vector<64x128xi1>
    %eq3A_3301 = arith.constant dense<true> : vector<64x128xi1>
    %eq3A_3302 = arith.xori %eq3A_3300, %eq3A_3301 : vector<64x128xi1>
    %select_n3A_3303 = arith.select %eq3A_3302, %select_n3A_3276, %select_n3A_3262 : vector<64x128xi1>, vector<64x128xi32>
    %select_n3A_3304 = arith.select %eq3A_3302, %select_n3A_3283, %select_n3A_3263 : vector<64x128xi1>, vector<64x128xi32>
    %and3A_3305 = arith.constant 2048 : i32
    %and3A_3306 = vector.broadcast %and3A_3305 : i32 to vector<64x128xi32>
    %and3A_3307 = arith.andi %add3A_74, %and3A_3306 : vector<64x128xi32>
    %ne3A_3308 = arith.constant 0 : i32
    %ne3A_3309 = vector.broadcast %ne3A_3308 : i32 to vector<64x128xi32>
    %ne3A_3310 = arith.cmpi ne, %and3A_3307, %ne3A_3309 : vector<64x128xi32>
    %slice3A_3311 = vector.extract_strided_slice %select_n3A_3303 {offsets = [48, 0], sizes = [16, 128], strides = [1, 1]} : vector<64x128xi32> to vector<16x128xi32>
    %slice3A_3312 = vector.extract_strided_slice %select_n3A_3303 {offsets = [0, 0], sizes = [48, 128], strides = [1, 1]} : vector<64x128xi32> to vector<48x128xi32>
    %concatenate3A_3313 = tpu.concatenate %slice3A_3311, %slice3A_3312 in 0 : vector<16x128xi32>, vector<48x128xi32> -> vector<64x128xi32>
    %slice3A_3314 = vector.extract_strided_slice %select_n3A_3303 {offsets = [16, 0], sizes = [48, 128], strides = [1, 1]} : vector<64x128xi32> to vector<48x128xi32>
    %slice3A_3315 = vector.extract_strided_slice %select_n3A_3303 {offsets = [0, 0], sizes = [16, 128], strides = [1, 1]} : vector<64x128xi32> to vector<16x128xi32>
    %concatenate3A_3316 = tpu.concatenate %slice3A_3314, %slice3A_3315 in 0 : vector<48x128xi32>, vector<16x128xi32> -> vector<64x128xi32>
    %select_n3A_3317 = arith.select %ne3A_3310, %concatenate3A_3313, %concatenate3A_3316 : vector<64x128xi1>, vector<64x128xi32>
    %slice3A_3318 = vector.extract_strided_slice %select_n3A_3304 {offsets = [48, 0], sizes = [16, 128], strides = [1, 1]} : vector<64x128xi32> to vector<16x128xi32>
    %slice3A_3319 = vector.extract_strided_slice %select_n3A_3304 {offsets = [0, 0], sizes = [48, 128], strides = [1, 1]} : vector<64x128xi32> to vector<48x128xi32>
    %concatenate3A_3320 = tpu.concatenate %slice3A_3318, %slice3A_3319 in 0 : vector<16x128xi32>, vector<48x128xi32> -> vector<64x128xi32>
    %slice3A_3321 = vector.extract_strided_slice %select_n3A_3304 {offsets = [16, 0], sizes = [48, 128], strides = [1, 1]} : vector<64x128xi32> to vector<48x128xi32>
    %slice3A_3322 = vector.extract_strided_slice %select_n3A_3304 {offsets = [0, 0], sizes = [16, 128], strides = [1, 1]} : vector<64x128xi32> to vector<16x128xi32>
    %concatenate3A_3323 = tpu.concatenate %slice3A_3321, %slice3A_3322 in 0 : vector<48x128xi32>, vector<16x128xi32> -> vector<64x128xi32>
    %select_n3A_3324 = arith.select %ne3A_3310, %concatenate3A_3320, %concatenate3A_3323 : vector<64x128xi1>, vector<64x128xi32>
    %and3A_3325 = arith.constant 8192 : i32
    %and3A_3326 = vector.broadcast %and3A_3325 : i32 to vector<64x128xi32>
    %and3A_3327 = arith.andi %add3A_74, %and3A_3326 : vector<64x128xi32>
    %eq3A_3328 = arith.constant 0 : i32
    %eq3A_3329 = vector.broadcast %eq3A_3328 : i32 to vector<64x128xi32>
    %eq3A_3330 = arith.cmpi eq, %and3A_3327, %eq3A_3329 : vector<64x128xi32>
    %not3A_3331 = arith.constant dense<true> : vector<64x128xi1>
    %not3A_3332 = arith.xori %ne3A_3310, %not3A_3331 : vector<64x128xi1>
    %eq3A_3333 = arith.xori %not3A_3332, %eq3A_3330 : vector<64x128xi1>
    %eq3A_3334 = arith.constant dense<true> : vector<64x128xi1>
    %eq3A_3335 = arith.xori %eq3A_3333, %eq3A_3334 : vector<64x128xi1>
    %lt3A_3336 = arith.cmpi slt, %select_n3A_3317, %select_n3A_3303 : vector<64x128xi32>
    %eq3A_3337 = arith.cmpi eq, %select_n3A_3317, %select_n3A_3303 : vector<64x128xi32>
    %lt3A_3338 = arith.cmpi slt, %select_n3A_3324, %select_n3A_3304 : vector<64x128xi32>
    %and3A_3339 = arith.andi %eq3A_3337, %lt3A_3338 : vector<64x128xi1>
    %or3A_3340 = arith.ori %lt3A_3336, %and3A_3339 : vector<64x128xi1>
    %eq3A_3341 = arith.xori %eq3A_3335, %or3A_3340 : vector<64x128xi1>
    %eq3A_3342 = arith.constant dense<true> : vector<64x128xi1>
    %eq3A_3343 = arith.xori %eq3A_3341, %eq3A_3342 : vector<64x128xi1>
    %select_n3A_3344 = arith.select %eq3A_3343, %select_n3A_3317, %select_n3A_3303 : vector<64x128xi1>, vector<64x128xi32>
    %select_n3A_3345 = arith.select %eq3A_3343, %select_n3A_3324, %select_n3A_3304 : vector<64x128xi1>, vector<64x128xi32>
    %and3A_3346 = arith.constant 1024 : i32
    %and3A_3347 = vector.broadcast %and3A_3346 : i32 to vector<64x128xi32>
    %and3A_3348 = arith.andi %add3A_74, %and3A_3347 : vector<64x128xi32>
    %ne3A_3349 = arith.constant 0 : i32
    %ne3A_3350 = vector.broadcast %ne3A_3349 : i32 to vector<64x128xi32>
    %ne3A_3351 = arith.cmpi ne, %and3A_3348, %ne3A_3350 : vector<64x128xi32>
    %slice3A_3352 = vector.extract_strided_slice %select_n3A_3344 {offsets = [56, 0], sizes = [8, 128], strides = [1, 1]} : vector<64x128xi32> to vector<8x128xi32>
    %slice3A_3353 = vector.extract_strided_slice %select_n3A_3344 {offsets = [0, 0], sizes = [56, 128], strides = [1, 1]} : vector<64x128xi32> to vector<56x128xi32>
    %concatenate3A_3354 = tpu.concatenate %slice3A_3352, %slice3A_3353 in 0 : vector<8x128xi32>, vector<56x128xi32> -> vector<64x128xi32>
    %slice3A_3355 = vector.extract_strided_slice %select_n3A_3344 {offsets = [8, 0], sizes = [56, 128], strides = [1, 1]} : vector<64x128xi32> to vector<56x128xi32>
    %slice3A_3356 = vector.extract_strided_slice %select_n3A_3344 {offsets = [0, 0], sizes = [8, 128], strides = [1, 1]} : vector<64x128xi32> to vector<8x128xi32>
    %concatenate3A_3357 = tpu.concatenate %slice3A_3355, %slice3A_3356 in 0 : vector<56x128xi32>, vector<8x128xi32> -> vector<64x128xi32>
    %select_n3A_3358 = arith.select %ne3A_3351, %concatenate3A_3354, %concatenate3A_3357 : vector<64x128xi1>, vector<64x128xi32>
    %slice3A_3359 = vector.extract_strided_slice %select_n3A_3345 {offsets = [56, 0], sizes = [8, 128], strides = [1, 1]} : vector<64x128xi32> to vector<8x128xi32>
    %slice3A_3360 = vector.extract_strided_slice %select_n3A_3345 {offsets = [0, 0], sizes = [56, 128], strides = [1, 1]} : vector<64x128xi32> to vector<56x128xi32>
    %concatenate3A_3361 = tpu.concatenate %slice3A_3359, %slice3A_3360 in 0 : vector<8x128xi32>, vector<56x128xi32> -> vector<64x128xi32>
    %slice3A_3362 = vector.extract_strided_slice %select_n3A_3345 {offsets = [8, 0], sizes = [56, 128], strides = [1, 1]} : vector<64x128xi32> to vector<56x128xi32>
    %slice3A_3363 = vector.extract_strided_slice %select_n3A_3345 {offsets = [0, 0], sizes = [8, 128], strides = [1, 1]} : vector<64x128xi32> to vector<8x128xi32>
    %concatenate3A_3364 = tpu.concatenate %slice3A_3362, %slice3A_3363 in 0 : vector<56x128xi32>, vector<8x128xi32> -> vector<64x128xi32>
    %select_n3A_3365 = arith.select %ne3A_3351, %concatenate3A_3361, %concatenate3A_3364 : vector<64x128xi1>, vector<64x128xi32>
    %and3A_3366 = arith.constant 8192 : i32
    %and3A_3367 = vector.broadcast %and3A_3366 : i32 to vector<64x128xi32>
    %and3A_3368 = arith.andi %add3A_74, %and3A_3367 : vector<64x128xi32>
    %eq3A_3369 = arith.constant 0 : i32
    %eq3A_3370 = vector.broadcast %eq3A_3369 : i32 to vector<64x128xi32>
    %eq3A_3371 = arith.cmpi eq, %and3A_3368, %eq3A_3370 : vector<64x128xi32>
    %not3A_3372 = arith.constant dense<true> : vector<64x128xi1>
    %not3A_3373 = arith.xori %ne3A_3351, %not3A_3372 : vector<64x128xi1>
    %eq3A_3374 = arith.xori %not3A_3373, %eq3A_3371 : vector<64x128xi1>
    %eq3A_3375 = arith.constant dense<true> : vector<64x128xi1>
    %eq3A_3376 = arith.xori %eq3A_3374, %eq3A_3375 : vector<64x128xi1>
    %lt3A_3377 = arith.cmpi slt, %select_n3A_3358, %select_n3A_3344 : vector<64x128xi32>
    %eq3A_3378 = arith.cmpi eq, %select_n3A_3358, %select_n3A_3344 : vector<64x128xi32>
    %lt3A_3379 = arith.cmpi slt, %select_n3A_3365, %select_n3A_3345 : vector<64x128xi32>
    %and3A_3380 = arith.andi %eq3A_3378, %lt3A_3379 : vector<64x128xi1>
    %or3A_3381 = arith.ori %lt3A_3377, %and3A_3380 : vector<64x128xi1>
    %eq3A_3382 = arith.xori %eq3A_3376, %or3A_3381 : vector<64x128xi1>
    %eq3A_3383 = arith.constant dense<true> : vector<64x128xi1>
    %eq3A_3384 = arith.xori %eq3A_3382, %eq3A_3383 : vector<64x128xi1>
    %select_n3A_3385 = arith.select %eq3A_3384, %select_n3A_3358, %select_n3A_3344 : vector<64x128xi1>, vector<64x128xi32>
    %select_n3A_3386 = arith.select %eq3A_3384, %select_n3A_3365, %select_n3A_3345 : vector<64x128xi1>, vector<64x128xi32>
    %and3A_3387 = arith.constant 512 : i32
    %and3A_3388 = vector.broadcast %and3A_3387 : i32 to vector<64x128xi32>
    %and3A_3389 = arith.andi %add3A_74, %and3A_3388 : vector<64x128xi32>
    %ne3A_3390 = arith.constant 0 : i32
    %ne3A_3391 = vector.broadcast %ne3A_3390 : i32 to vector<64x128xi32>
    %ne3A_3392 = arith.cmpi ne, %and3A_3389, %ne3A_3391 : vector<64x128xi32>
    %slice3A_3393 = vector.extract_strided_slice %select_n3A_3385 {offsets = [60, 0], sizes = [4, 128], strides = [1, 1]} : vector<64x128xi32> to vector<4x128xi32>
    %slice3A_3394 = vector.extract_strided_slice %select_n3A_3385 {offsets = [0, 0], sizes = [60, 128], strides = [1, 1]} : vector<64x128xi32> to vector<60x128xi32>
    %concatenate3A_3395 = tpu.concatenate %slice3A_3393, %slice3A_3394 in 0 : vector<4x128xi32>, vector<60x128xi32> -> vector<64x128xi32>
    %slice3A_3396 = vector.extract_strided_slice %select_n3A_3385 {offsets = [4, 0], sizes = [60, 128], strides = [1, 1]} : vector<64x128xi32> to vector<60x128xi32>
    %slice3A_3397 = vector.extract_strided_slice %select_n3A_3385 {offsets = [0, 0], sizes = [4, 128], strides = [1, 1]} : vector<64x128xi32> to vector<4x128xi32>
    %concatenate3A_3398 = tpu.concatenate %slice3A_3396, %slice3A_3397 in 0 : vector<60x128xi32>, vector<4x128xi32> -> vector<64x128xi32>
    %select_n3A_3399 = arith.select %ne3A_3392, %concatenate3A_3395, %concatenate3A_3398 : vector<64x128xi1>, vector<64x128xi32>
    %slice3A_3400 = vector.extract_strided_slice %select_n3A_3386 {offsets = [60, 0], sizes = [4, 128], strides = [1, 1]} : vector<64x128xi32> to vector<4x128xi32>
    %slice3A_3401 = vector.extract_strided_slice %select_n3A_3386 {offsets = [0, 0], sizes = [60, 128], strides = [1, 1]} : vector<64x128xi32> to vector<60x128xi32>
    %concatenate3A_3402 = tpu.concatenate %slice3A_3400, %slice3A_3401 in 0 : vector<4x128xi32>, vector<60x128xi32> -> vector<64x128xi32>
    %slice3A_3403 = vector.extract_strided_slice %select_n3A_3386 {offsets = [4, 0], sizes = [60, 128], strides = [1, 1]} : vector<64x128xi32> to vector<60x128xi32>
    %slice3A_3404 = vector.extract_strided_slice %select_n3A_3386 {offsets = [0, 0], sizes = [4, 128], strides = [1, 1]} : vector<64x128xi32> to vector<4x128xi32>
    %concatenate3A_3405 = tpu.concatenate %slice3A_3403, %slice3A_3404 in 0 : vector<60x128xi32>, vector<4x128xi32> -> vector<64x128xi32>
    %select_n3A_3406 = arith.select %ne3A_3392, %concatenate3A_3402, %concatenate3A_3405 : vector<64x128xi1>, vector<64x128xi32>
    %and3A_3407 = arith.constant 8192 : i32
    %and3A_3408 = vector.broadcast %and3A_3407 : i32 to vector<64x128xi32>
    %and3A_3409 = arith.andi %add3A_74, %and3A_3408 : vector<64x128xi32>
    %eq3A_3410 = arith.constant 0 : i32
    %eq3A_3411 = vector.broadcast %eq3A_3410 : i32 to vector<64x128xi32>
    %eq3A_3412 = arith.cmpi eq, %and3A_3409, %eq3A_3411 : vector<64x128xi32>
    %not3A_3413 = arith.constant dense<true> : vector<64x128xi1>
    %not3A_3414 = arith.xori %ne3A_3392, %not3A_3413 : vector<64x128xi1>
    %eq3A_3415 = arith.xori %not3A_3414, %eq3A_3412 : vector<64x128xi1>
    %eq3A_3416 = arith.constant dense<true> : vector<64x128xi1>
    %eq3A_3417 = arith.xori %eq3A_3415, %eq3A_3416 : vector<64x128xi1>
    %lt3A_3418 = arith.cmpi slt, %select_n3A_3399, %select_n3A_3385 : vector<64x128xi32>
    %eq3A_3419 = arith.cmpi eq, %select_n3A_3399, %select_n3A_3385 : vector<64x128xi32>
    %lt3A_3420 = arith.cmpi slt, %select_n3A_3406, %select_n3A_3386 : vector<64x128xi32>
    %and3A_3421 = arith.andi %eq3A_3419, %lt3A_3420 : vector<64x128xi1>
    %or3A_3422 = arith.ori %lt3A_3418, %and3A_3421 : vector<64x128xi1>
    %eq3A_3423 = arith.xori %eq3A_3417, %or3A_3422 : vector<64x128xi1>
    %eq3A_3424 = arith.constant dense<true> : vector<64x128xi1>
    %eq3A_3425 = arith.xori %eq3A_3423, %eq3A_3424 : vector<64x128xi1>
    %select_n3A_3426 = arith.select %eq3A_3425, %select_n3A_3399, %select_n3A_3385 : vector<64x128xi1>, vector<64x128xi32>
    %select_n3A_3427 = arith.select %eq3A_3425, %select_n3A_3406, %select_n3A_3386 : vector<64x128xi1>, vector<64x128xi32>
    %and3A_3428 = arith.constant 256 : i32
    %and3A_3429 = vector.broadcast %and3A_3428 : i32 to vector<64x128xi32>
    %and3A_3430 = arith.andi %add3A_74, %and3A_3429 : vector<64x128xi32>
    %ne3A_3431 = arith.constant 0 : i32
    %ne3A_3432 = vector.broadcast %ne3A_3431 : i32 to vector<64x128xi32>
    %ne3A_3433 = arith.cmpi ne, %and3A_3430, %ne3A_3432 : vector<64x128xi32>
    %slice3A_3434 = vector.extract_strided_slice %select_n3A_3426 {offsets = [62, 0], sizes = [2, 128], strides = [1, 1]} : vector<64x128xi32> to vector<2x128xi32>
    %slice3A_3435 = vector.extract_strided_slice %select_n3A_3426 {offsets = [0, 0], sizes = [62, 128], strides = [1, 1]} : vector<64x128xi32> to vector<62x128xi32>
    %concatenate3A_3436 = tpu.concatenate %slice3A_3434, %slice3A_3435 in 0 : vector<2x128xi32>, vector<62x128xi32> -> vector<64x128xi32>
    %slice3A_3437 = vector.extract_strided_slice %select_n3A_3426 {offsets = [2, 0], sizes = [62, 128], strides = [1, 1]} : vector<64x128xi32> to vector<62x128xi32>
    %slice3A_3438 = vector.extract_strided_slice %select_n3A_3426 {offsets = [0, 0], sizes = [2, 128], strides = [1, 1]} : vector<64x128xi32> to vector<2x128xi32>
    %concatenate3A_3439 = tpu.concatenate %slice3A_3437, %slice3A_3438 in 0 : vector<62x128xi32>, vector<2x128xi32> -> vector<64x128xi32>
    %select_n3A_3440 = arith.select %ne3A_3433, %concatenate3A_3436, %concatenate3A_3439 : vector<64x128xi1>, vector<64x128xi32>
    %slice3A_3441 = vector.extract_strided_slice %select_n3A_3427 {offsets = [62, 0], sizes = [2, 128], strides = [1, 1]} : vector<64x128xi32> to vector<2x128xi32>
    %slice3A_3442 = vector.extract_strided_slice %select_n3A_3427 {offsets = [0, 0], sizes = [62, 128], strides = [1, 1]} : vector<64x128xi32> to vector<62x128xi32>
    %concatenate3A_3443 = tpu.concatenate %slice3A_3441, %slice3A_3442 in 0 : vector<2x128xi32>, vector<62x128xi32> -> vector<64x128xi32>
    %slice3A_3444 = vector.extract_strided_slice %select_n3A_3427 {offsets = [2, 0], sizes = [62, 128], strides = [1, 1]} : vector<64x128xi32> to vector<62x128xi32>
    %slice3A_3445 = vector.extract_strided_slice %select_n3A_3427 {offsets = [0, 0], sizes = [2, 128], strides = [1, 1]} : vector<64x128xi32> to vector<2x128xi32>
    %concatenate3A_3446 = tpu.concatenate %slice3A_3444, %slice3A_3445 in 0 : vector<62x128xi32>, vector<2x128xi32> -> vector<64x128xi32>
    %select_n3A_3447 = arith.select %ne3A_3433, %concatenate3A_3443, %concatenate3A_3446 : vector<64x128xi1>, vector<64x128xi32>
    %and3A_3448 = arith.constant 8192 : i32
    %and3A_3449 = vector.broadcast %and3A_3448 : i32 to vector<64x128xi32>
    %and3A_3450 = arith.andi %add3A_74, %and3A_3449 : vector<64x128xi32>
    %eq3A_3451 = arith.constant 0 : i32
    %eq3A_3452 = vector.broadcast %eq3A_3451 : i32 to vector<64x128xi32>
    %eq3A_3453 = arith.cmpi eq, %and3A_3450, %eq3A_3452 : vector<64x128xi32>
    %not3A_3454 = arith.constant dense<true> : vector<64x128xi1>
    %not3A_3455 = arith.xori %ne3A_3433, %not3A_3454 : vector<64x128xi1>
    %eq3A_3456 = arith.xori %not3A_3455, %eq3A_3453 : vector<64x128xi1>
    %eq3A_3457 = arith.constant dense<true> : vector<64x128xi1>
    %eq3A_3458 = arith.xori %eq3A_3456, %eq3A_3457 : vector<64x128xi1>
    %lt3A_3459 = arith.cmpi slt, %select_n3A_3440, %select_n3A_3426 : vector<64x128xi32>
    %eq3A_3460 = arith.cmpi eq, %select_n3A_3440, %select_n3A_3426 : vector<64x128xi32>
    %lt3A_3461 = arith.cmpi slt, %select_n3A_3447, %select_n3A_3427 : vector<64x128xi32>
    %and3A_3462 = arith.andi %eq3A_3460, %lt3A_3461 : vector<64x128xi1>
    %or3A_3463 = arith.ori %lt3A_3459, %and3A_3462 : vector<64x128xi1>
    %eq3A_3464 = arith.xori %eq3A_3458, %or3A_3463 : vector<64x128xi1>
    %eq3A_3465 = arith.constant dense<true> : vector<64x128xi1>
    %eq3A_3466 = arith.xori %eq3A_3464, %eq3A_3465 : vector<64x128xi1>
    %select_n3A_3467 = arith.select %eq3A_3466, %select_n3A_3440, %select_n3A_3426 : vector<64x128xi1>, vector<64x128xi32>
    %select_n3A_3468 = arith.select %eq3A_3466, %select_n3A_3447, %select_n3A_3427 : vector<64x128xi1>, vector<64x128xi32>
    %and3A_3469 = arith.constant 128 : i32
    %and3A_3470 = vector.broadcast %and3A_3469 : i32 to vector<64x128xi32>
    %and3A_3471 = arith.andi %add3A_74, %and3A_3470 : vector<64x128xi32>
    %ne3A_3472 = arith.constant 0 : i32
    %ne3A_3473 = vector.broadcast %ne3A_3472 : i32 to vector<64x128xi32>
    %ne3A_3474 = arith.cmpi ne, %and3A_3471, %ne3A_3473 : vector<64x128xi32>
    %slice3A_3475 = vector.extract_strided_slice %select_n3A_3467 {offsets = [63, 0], sizes = [1, 128], strides = [1, 1]} : vector<64x128xi32> to vector<1x128xi32>
    %slice3A_3476 = vector.extract_strided_slice %select_n3A_3467 {offsets = [0, 0], sizes = [63, 128], strides = [1, 1]} : vector<64x128xi32> to vector<63x128xi32>
    %concatenate3A_3477 = tpu.concatenate %slice3A_3475, %slice3A_3476 in 0 : vector<1x128xi32>, vector<63x128xi32> -> vector<64x128xi32>
    %slice3A_3478 = vector.extract_strided_slice %select_n3A_3467 {offsets = [1, 0], sizes = [63, 128], strides = [1, 1]} : vector<64x128xi32> to vector<63x128xi32>
    %slice3A_3479 = vector.extract_strided_slice %select_n3A_3467 {offsets = [0, 0], sizes = [1, 128], strides = [1, 1]} : vector<64x128xi32> to vector<1x128xi32>
    %concatenate3A_3480 = tpu.concatenate %slice3A_3478, %slice3A_3479 in 0 : vector<63x128xi32>, vector<1x128xi32> -> vector<64x128xi32>
    %select_n3A_3481 = arith.select %ne3A_3474, %concatenate3A_3477, %concatenate3A_3480 : vector<64x128xi1>, vector<64x128xi32>
    %slice3A_3482 = vector.extract_strided_slice %select_n3A_3468 {offsets = [63, 0], sizes = [1, 128], strides = [1, 1]} : vector<64x128xi32> to vector<1x128xi32>
    %slice3A_3483 = vector.extract_strided_slice %select_n3A_3468 {offsets = [0, 0], sizes = [63, 128], strides = [1, 1]} : vector<64x128xi32> to vector<63x128xi32>
    %concatenate3A_3484 = tpu.concatenate %slice3A_3482, %slice3A_3483 in 0 : vector<1x128xi32>, vector<63x128xi32> -> vector<64x128xi32>
    %slice3A_3485 = vector.extract_strided_slice %select_n3A_3468 {offsets = [1, 0], sizes = [63, 128], strides = [1, 1]} : vector<64x128xi32> to vector<63x128xi32>
    %slice3A_3486 = vector.extract_strided_slice %select_n3A_3468 {offsets = [0, 0], sizes = [1, 128], strides = [1, 1]} : vector<64x128xi32> to vector<1x128xi32>
    %concatenate3A_3487 = tpu.concatenate %slice3A_3485, %slice3A_3486 in 0 : vector<63x128xi32>, vector<1x128xi32> -> vector<64x128xi32>
    %select_n3A_3488 = arith.select %ne3A_3474, %concatenate3A_3484, %concatenate3A_3487 : vector<64x128xi1>, vector<64x128xi32>
    %and3A_3489 = arith.constant 8192 : i32
    %and3A_3490 = vector.broadcast %and3A_3489 : i32 to vector<64x128xi32>
    %and3A_3491 = arith.andi %add3A_74, %and3A_3490 : vector<64x128xi32>
    %eq3A_3492 = arith.constant 0 : i32
    %eq3A_3493 = vector.broadcast %eq3A_3492 : i32 to vector<64x128xi32>
    %eq3A_3494 = arith.cmpi eq, %and3A_3491, %eq3A_3493 : vector<64x128xi32>
    %not3A_3495 = arith.constant dense<true> : vector<64x128xi1>
    %not3A_3496 = arith.xori %ne3A_3474, %not3A_3495 : vector<64x128xi1>
    %eq3A_3497 = arith.xori %not3A_3496, %eq3A_3494 : vector<64x128xi1>
    %eq3A_3498 = arith.constant dense<true> : vector<64x128xi1>
    %eq3A_3499 = arith.xori %eq3A_3497, %eq3A_3498 : vector<64x128xi1>
    %lt3A_3500 = arith.cmpi slt, %select_n3A_3481, %select_n3A_3467 : vector<64x128xi32>
    %eq3A_3501 = arith.cmpi eq, %select_n3A_3481, %select_n3A_3467 : vector<64x128xi32>
    %lt3A_3502 = arith.cmpi slt, %select_n3A_3488, %select_n3A_3468 : vector<64x128xi32>
    %and3A_3503 = arith.andi %eq3A_3501, %lt3A_3502 : vector<64x128xi1>
    %or3A_3504 = arith.ori %lt3A_3500, %and3A_3503 : vector<64x128xi1>
    %eq3A_3505 = arith.xori %eq3A_3499, %or3A_3504 : vector<64x128xi1>
    %eq3A_3506 = arith.constant dense<true> : vector<64x128xi1>
    %eq3A_3507 = arith.xori %eq3A_3505, %eq3A_3506 : vector<64x128xi1>
    %select_n3A_3508 = arith.select %eq3A_3507, %select_n3A_3481, %select_n3A_3467 : vector<64x128xi1>, vector<64x128xi32>
    %select_n3A_3509 = arith.select %eq3A_3507, %select_n3A_3488, %select_n3A_3468 : vector<64x128xi1>, vector<64x128xi32>
    %and3A_3510 = arith.constant 64 : i32
    %and3A_3511 = vector.broadcast %and3A_3510 : i32 to vector<64x128xi32>
    %and3A_3512 = arith.andi %add3A_74, %and3A_3511 : vector<64x128xi32>
    %ne3A_3513 = arith.constant 0 : i32
    %ne3A_3514 = vector.broadcast %ne3A_3513 : i32 to vector<64x128xi32>
    %ne3A_3515 = arith.cmpi ne, %and3A_3512, %ne3A_3514 : vector<64x128xi32>
    %slice3A_3516 = vector.extract_strided_slice %select_n3A_3508 {offsets = [0, 64], sizes = [64, 64], strides = [1, 1]} : vector<64x128xi32> to vector<64x64xi32>
    %slice3A_3517 = vector.extract_strided_slice %select_n3A_3508 {offsets = [0, 0], sizes = [64, 64], strides = [1, 1]} : vector<64x128xi32> to vector<64x64xi32>
    %concatenate3A_3518 = tpu.concatenate %slice3A_3516, %slice3A_3517 in 1 : vector<64x64xi32>, vector<64x64xi32> -> vector<64x128xi32>
    %slice3A_3519 = vector.extract_strided_slice %select_n3A_3508 {offsets = [0, 64], sizes = [64, 64], strides = [1, 1]} : vector<64x128xi32> to vector<64x64xi32>
    %slice3A_3520 = vector.extract_strided_slice %select_n3A_3508 {offsets = [0, 0], sizes = [64, 64], strides = [1, 1]} : vector<64x128xi32> to vector<64x64xi32>
    %concatenate3A_3521 = tpu.concatenate %slice3A_3519, %slice3A_3520 in 1 : vector<64x64xi32>, vector<64x64xi32> -> vector<64x128xi32>
    %select_n3A_3522 = arith.select %ne3A_3515, %concatenate3A_3518, %concatenate3A_3521 : vector<64x128xi1>, vector<64x128xi32>
    %slice3A_3523 = vector.extract_strided_slice %select_n3A_3509 {offsets = [0, 64], sizes = [64, 64], strides = [1, 1]} : vector<64x128xi32> to vector<64x64xi32>
    %slice3A_3524 = vector.extract_strided_slice %select_n3A_3509 {offsets = [0, 0], sizes = [64, 64], strides = [1, 1]} : vector<64x128xi32> to vector<64x64xi32>
    %concatenate3A_3525 = tpu.concatenate %slice3A_3523, %slice3A_3524 in 1 : vector<64x64xi32>, vector<64x64xi32> -> vector<64x128xi32>
    %slice3A_3526 = vector.extract_strided_slice %select_n3A_3509 {offsets = [0, 64], sizes = [64, 64], strides = [1, 1]} : vector<64x128xi32> to vector<64x64xi32>
    %slice3A_3527 = vector.extract_strided_slice %select_n3A_3509 {offsets = [0, 0], sizes = [64, 64], strides = [1, 1]} : vector<64x128xi32> to vector<64x64xi32>
    %concatenate3A_3528 = tpu.concatenate %slice3A_3526, %slice3A_3527 in 1 : vector<64x64xi32>, vector<64x64xi32> -> vector<64x128xi32>
    %select_n3A_3529 = arith.select %ne3A_3515, %concatenate3A_3525, %concatenate3A_3528 : vector<64x128xi1>, vector<64x128xi32>
    %and3A_3530 = arith.constant 8192 : i32
    %and3A_3531 = vector.broadcast %and3A_3530 : i32 to vector<64x128xi32>
    %and3A_3532 = arith.andi %add3A_74, %and3A_3531 : vector<64x128xi32>
    %eq3A_3533 = arith.constant 0 : i32
    %eq3A_3534 = vector.broadcast %eq3A_3533 : i32 to vector<64x128xi32>
    %eq3A_3535 = arith.cmpi eq, %and3A_3532, %eq3A_3534 : vector<64x128xi32>
    %not3A_3536 = arith.constant dense<true> : vector<64x128xi1>
    %not3A_3537 = arith.xori %ne3A_3515, %not3A_3536 : vector<64x128xi1>
    %eq3A_3538 = arith.xori %not3A_3537, %eq3A_3535 : vector<64x128xi1>
    %eq3A_3539 = arith.constant dense<true> : vector<64x128xi1>
    %eq3A_3540 = arith.xori %eq3A_3538, %eq3A_3539 : vector<64x128xi1>
    %lt3A_3541 = arith.cmpi slt, %select_n3A_3522, %select_n3A_3508 : vector<64x128xi32>
    %eq3A_3542 = arith.cmpi eq, %select_n3A_3522, %select_n3A_3508 : vector<64x128xi32>
    %lt3A_3543 = arith.cmpi slt, %select_n3A_3529, %select_n3A_3509 : vector<64x128xi32>
    %and3A_3544 = arith.andi %eq3A_3542, %lt3A_3543 : vector<64x128xi1>
    %or3A_3545 = arith.ori %lt3A_3541, %and3A_3544 : vector<64x128xi1>
    %eq3A_3546 = arith.xori %eq3A_3540, %or3A_3545 : vector<64x128xi1>
    %eq3A_3547 = arith.constant dense<true> : vector<64x128xi1>
    %eq3A_3548 = arith.xori %eq3A_3546, %eq3A_3547 : vector<64x128xi1>
    %select_n3A_3549 = arith.select %eq3A_3548, %select_n3A_3522, %select_n3A_3508 : vector<64x128xi1>, vector<64x128xi32>
    %select_n3A_3550 = arith.select %eq3A_3548, %select_n3A_3529, %select_n3A_3509 : vector<64x128xi1>, vector<64x128xi32>
    %and3A_3551 = arith.constant 32 : i32
    %and3A_3552 = vector.broadcast %and3A_3551 : i32 to vector<64x128xi32>
    %and3A_3553 = arith.andi %add3A_74, %and3A_3552 : vector<64x128xi32>
    %ne3A_3554 = arith.constant 0 : i32
    %ne3A_3555 = vector.broadcast %ne3A_3554 : i32 to vector<64x128xi32>
    %ne3A_3556 = arith.cmpi ne, %and3A_3553, %ne3A_3555 : vector<64x128xi32>
    %slice3A_3557 = vector.extract_strided_slice %select_n3A_3549 {offsets = [0, 96], sizes = [64, 32], strides = [1, 1]} : vector<64x128xi32> to vector<64x32xi32>
    %slice3A_3558 = vector.extract_strided_slice %select_n3A_3549 {offsets = [0, 0], sizes = [64, 96], strides = [1, 1]} : vector<64x128xi32> to vector<64x96xi32>
    %concatenate3A_3559 = tpu.concatenate %slice3A_3557, %slice3A_3558 in 1 : vector<64x32xi32>, vector<64x96xi32> -> vector<64x128xi32>
    %slice3A_3560 = vector.extract_strided_slice %select_n3A_3549 {offsets = [0, 32], sizes = [64, 96], strides = [1, 1]} : vector<64x128xi32> to vector<64x96xi32>
    %slice3A_3561 = vector.extract_strided_slice %select_n3A_3549 {offsets = [0, 0], sizes = [64, 32], strides = [1, 1]} : vector<64x128xi32> to vector<64x32xi32>
    %concatenate3A_3562 = tpu.concatenate %slice3A_3560, %slice3A_3561 in 1 : vector<64x96xi32>, vector<64x32xi32> -> vector<64x128xi32>
    %select_n3A_3563 = arith.select %ne3A_3556, %concatenate3A_3559, %concatenate3A_3562 : vector<64x128xi1>, vector<64x128xi32>
    %slice3A_3564 = vector.extract_strided_slice %select_n3A_3550 {offsets = [0, 96], sizes = [64, 32], strides = [1, 1]} : vector<64x128xi32> to vector<64x32xi32>
    %slice3A_3565 = vector.extract_strided_slice %select_n3A_3550 {offsets = [0, 0], sizes = [64, 96], strides = [1, 1]} : vector<64x128xi32> to vector<64x96xi32>
    %concatenate3A_3566 = tpu.concatenate %slice3A_3564, %slice3A_3565 in 1 : vector<64x32xi32>, vector<64x96xi32> -> vector<64x128xi32>
    %slice3A_3567 = vector.extract_strided_slice %select_n3A_3550 {offsets = [0, 32], sizes = [64, 96], strides = [1, 1]} : vector<64x128xi32> to vector<64x96xi32>
    %slice3A_3568 = vector.extract_strided_slice %select_n3A_3550 {offsets = [0, 0], sizes = [64, 32], strides = [1, 1]} : vector<64x128xi32> to vector<64x32xi32>
    %concatenate3A_3569 = tpu.concatenate %slice3A_3567, %slice3A_3568 in 1 : vector<64x96xi32>, vector<64x32xi32> -> vector<64x128xi32>
    %select_n3A_3570 = arith.select %ne3A_3556, %concatenate3A_3566, %concatenate3A_3569 : vector<64x128xi1>, vector<64x128xi32>
    %and3A_3571 = arith.constant 8192 : i32
    %and3A_3572 = vector.broadcast %and3A_3571 : i32 to vector<64x128xi32>
    %and3A_3573 = arith.andi %add3A_74, %and3A_3572 : vector<64x128xi32>
    %eq3A_3574 = arith.constant 0 : i32
    %eq3A_3575 = vector.broadcast %eq3A_3574 : i32 to vector<64x128xi32>
    %eq3A_3576 = arith.cmpi eq, %and3A_3573, %eq3A_3575 : vector<64x128xi32>
    %not3A_3577 = arith.constant dense<true> : vector<64x128xi1>
    %not3A_3578 = arith.xori %ne3A_3556, %not3A_3577 : vector<64x128xi1>
    %eq3A_3579 = arith.xori %not3A_3578, %eq3A_3576 : vector<64x128xi1>
    %eq3A_3580 = arith.constant dense<true> : vector<64x128xi1>
    %eq3A_3581 = arith.xori %eq3A_3579, %eq3A_3580 : vector<64x128xi1>
    %lt3A_3582 = arith.cmpi slt, %select_n3A_3563, %select_n3A_3549 : vector<64x128xi32>
    %eq3A_3583 = arith.cmpi eq, %select_n3A_3563, %select_n3A_3549 : vector<64x128xi32>
    %lt3A_3584 = arith.cmpi slt, %select_n3A_3570, %select_n3A_3550 : vector<64x128xi32>
    %and3A_3585 = arith.andi %eq3A_3583, %lt3A_3584 : vector<64x128xi1>
    %or3A_3586 = arith.ori %lt3A_3582, %and3A_3585 : vector<64x128xi1>
    %eq3A_3587 = arith.xori %eq3A_3581, %or3A_3586 : vector<64x128xi1>
    %eq3A_3588 = arith.constant dense<true> : vector<64x128xi1>
    %eq3A_3589 = arith.xori %eq3A_3587, %eq3A_3588 : vector<64x128xi1>
    %select_n3A_3590 = arith.select %eq3A_3589, %select_n3A_3563, %select_n3A_3549 : vector<64x128xi1>, vector<64x128xi32>
    %select_n3A_3591 = arith.select %eq3A_3589, %select_n3A_3570, %select_n3A_3550 : vector<64x128xi1>, vector<64x128xi32>
    %and3A_3592 = arith.constant 16 : i32
    %and3A_3593 = vector.broadcast %and3A_3592 : i32 to vector<64x128xi32>
    %and3A_3594 = arith.andi %add3A_74, %and3A_3593 : vector<64x128xi32>
    %ne3A_3595 = arith.constant 0 : i32
    %ne3A_3596 = vector.broadcast %ne3A_3595 : i32 to vector<64x128xi32>
    %ne3A_3597 = arith.cmpi ne, %and3A_3594, %ne3A_3596 : vector<64x128xi32>
    %slice3A_3598 = vector.extract_strided_slice %select_n3A_3590 {offsets = [0, 112], sizes = [64, 16], strides = [1, 1]} : vector<64x128xi32> to vector<64x16xi32>
    %slice3A_3599 = vector.extract_strided_slice %select_n3A_3590 {offsets = [0, 0], sizes = [64, 112], strides = [1, 1]} : vector<64x128xi32> to vector<64x112xi32>
    %concatenate3A_3600 = tpu.concatenate %slice3A_3598, %slice3A_3599 in 1 : vector<64x16xi32>, vector<64x112xi32> -> vector<64x128xi32>
    %slice3A_3601 = vector.extract_strided_slice %select_n3A_3590 {offsets = [0, 16], sizes = [64, 112], strides = [1, 1]} : vector<64x128xi32> to vector<64x112xi32>
    %slice3A_3602 = vector.extract_strided_slice %select_n3A_3590 {offsets = [0, 0], sizes = [64, 16], strides = [1, 1]} : vector<64x128xi32> to vector<64x16xi32>
    %concatenate3A_3603 = tpu.concatenate %slice3A_3601, %slice3A_3602 in 1 : vector<64x112xi32>, vector<64x16xi32> -> vector<64x128xi32>
    %select_n3A_3604 = arith.select %ne3A_3597, %concatenate3A_3600, %concatenate3A_3603 : vector<64x128xi1>, vector<64x128xi32>
    %slice3A_3605 = vector.extract_strided_slice %select_n3A_3591 {offsets = [0, 112], sizes = [64, 16], strides = [1, 1]} : vector<64x128xi32> to vector<64x16xi32>
    %slice3A_3606 = vector.extract_strided_slice %select_n3A_3591 {offsets = [0, 0], sizes = [64, 112], strides = [1, 1]} : vector<64x128xi32> to vector<64x112xi32>
    %concatenate3A_3607 = tpu.concatenate %slice3A_3605, %slice3A_3606 in 1 : vector<64x16xi32>, vector<64x112xi32> -> vector<64x128xi32>
    %slice3A_3608 = vector.extract_strided_slice %select_n3A_3591 {offsets = [0, 16], sizes = [64, 112], strides = [1, 1]} : vector<64x128xi32> to vector<64x112xi32>
    %slice3A_3609 = vector.extract_strided_slice %select_n3A_3591 {offsets = [0, 0], sizes = [64, 16], strides = [1, 1]} : vector<64x128xi32> to vector<64x16xi32>
    %concatenate3A_3610 = tpu.concatenate %slice3A_3608, %slice3A_3609 in 1 : vector<64x112xi32>, vector<64x16xi32> -> vector<64x128xi32>
    %select_n3A_3611 = arith.select %ne3A_3597, %concatenate3A_3607, %concatenate3A_3610 : vector<64x128xi1>, vector<64x128xi32>
    %and3A_3612 = arith.constant 8192 : i32
    %and3A_3613 = vector.broadcast %and3A_3612 : i32 to vector<64x128xi32>
    %and3A_3614 = arith.andi %add3A_74, %and3A_3613 : vector<64x128xi32>
    %eq3A_3615 = arith.constant 0 : i32
    %eq3A_3616 = vector.broadcast %eq3A_3615 : i32 to vector<64x128xi32>
    %eq3A_3617 = arith.cmpi eq, %and3A_3614, %eq3A_3616 : vector<64x128xi32>
    %not3A_3618 = arith.constant dense<true> : vector<64x128xi1>
    %not3A_3619 = arith.xori %ne3A_3597, %not3A_3618 : vector<64x128xi1>
    %eq3A_3620 = arith.xori %not3A_3619, %eq3A_3617 : vector<64x128xi1>
    %eq3A_3621 = arith.constant dense<true> : vector<64x128xi1>
    %eq3A_3622 = arith.xori %eq3A_3620, %eq3A_3621 : vector<64x128xi1>
    %lt3A_3623 = arith.cmpi slt, %select_n3A_3604, %select_n3A_3590 : vector<64x128xi32>
    %eq3A_3624 = arith.cmpi eq, %select_n3A_3604, %select_n3A_3590 : vector<64x128xi32>
    %lt3A_3625 = arith.cmpi slt, %select_n3A_3611, %select_n3A_3591 : vector<64x128xi32>
    %and3A_3626 = arith.andi %eq3A_3624, %lt3A_3625 : vector<64x128xi1>
    %or3A_3627 = arith.ori %lt3A_3623, %and3A_3626 : vector<64x128xi1>
    %eq3A_3628 = arith.xori %eq3A_3622, %or3A_3627 : vector<64x128xi1>
    %eq3A_3629 = arith.constant dense<true> : vector<64x128xi1>
    %eq3A_3630 = arith.xori %eq3A_3628, %eq3A_3629 : vector<64x128xi1>
    %select_n3A_3631 = arith.select %eq3A_3630, %select_n3A_3604, %select_n3A_3590 : vector<64x128xi1>, vector<64x128xi32>
    %select_n3A_3632 = arith.select %eq3A_3630, %select_n3A_3611, %select_n3A_3591 : vector<64x128xi1>, vector<64x128xi32>
    %and3A_3633 = arith.constant 8 : i32
    %and3A_3634 = vector.broadcast %and3A_3633 : i32 to vector<64x128xi32>
    %and3A_3635 = arith.andi %add3A_74, %and3A_3634 : vector<64x128xi32>
    %ne3A_3636 = arith.constant 0 : i32
    %ne3A_3637 = vector.broadcast %ne3A_3636 : i32 to vector<64x128xi32>
    %ne3A_3638 = arith.cmpi ne, %and3A_3635, %ne3A_3637 : vector<64x128xi32>
    %slice3A_3639 = vector.extract_strided_slice %select_n3A_3631 {offsets = [0, 120], sizes = [64, 8], strides = [1, 1]} : vector<64x128xi32> to vector<64x8xi32>
    %slice3A_3640 = vector.extract_strided_slice %select_n3A_3631 {offsets = [0, 0], sizes = [64, 120], strides = [1, 1]} : vector<64x128xi32> to vector<64x120xi32>
    %concatenate3A_3641 = tpu.concatenate %slice3A_3639, %slice3A_3640 in 1 : vector<64x8xi32>, vector<64x120xi32> -> vector<64x128xi32>
    %slice3A_3642 = vector.extract_strided_slice %select_n3A_3631 {offsets = [0, 8], sizes = [64, 120], strides = [1, 1]} : vector<64x128xi32> to vector<64x120xi32>
    %slice3A_3643 = vector.extract_strided_slice %select_n3A_3631 {offsets = [0, 0], sizes = [64, 8], strides = [1, 1]} : vector<64x128xi32> to vector<64x8xi32>
    %concatenate3A_3644 = tpu.concatenate %slice3A_3642, %slice3A_3643 in 1 : vector<64x120xi32>, vector<64x8xi32> -> vector<64x128xi32>
    %select_n3A_3645 = arith.select %ne3A_3638, %concatenate3A_3641, %concatenate3A_3644 : vector<64x128xi1>, vector<64x128xi32>
    %slice3A_3646 = vector.extract_strided_slice %select_n3A_3632 {offsets = [0, 120], sizes = [64, 8], strides = [1, 1]} : vector<64x128xi32> to vector<64x8xi32>
    %slice3A_3647 = vector.extract_strided_slice %select_n3A_3632 {offsets = [0, 0], sizes = [64, 120], strides = [1, 1]} : vector<64x128xi32> to vector<64x120xi32>
    %concatenate3A_3648 = tpu.concatenate %slice3A_3646, %slice3A_3647 in 1 : vector<64x8xi32>, vector<64x120xi32> -> vector<64x128xi32>
    %slice3A_3649 = vector.extract_strided_slice %select_n3A_3632 {offsets = [0, 8], sizes = [64, 120], strides = [1, 1]} : vector<64x128xi32> to vector<64x120xi32>
    %slice3A_3650 = vector.extract_strided_slice %select_n3A_3632 {offsets = [0, 0], sizes = [64, 8], strides = [1, 1]} : vector<64x128xi32> to vector<64x8xi32>
    %concatenate3A_3651 = tpu.concatenate %slice3A_3649, %slice3A_3650 in 1 : vector<64x120xi32>, vector<64x8xi32> -> vector<64x128xi32>
    %select_n3A_3652 = arith.select %ne3A_3638, %concatenate3A_3648, %concatenate3A_3651 : vector<64x128xi1>, vector<64x128xi32>
    %and3A_3653 = arith.constant 8192 : i32
    %and3A_3654 = vector.broadcast %and3A_3653 : i32 to vector<64x128xi32>
    %and3A_3655 = arith.andi %add3A_74, %and3A_3654 : vector<64x128xi32>
    %eq3A_3656 = arith.constant 0 : i32
    %eq3A_3657 = vector.broadcast %eq3A_3656 : i32 to vector<64x128xi32>
    %eq3A_3658 = arith.cmpi eq, %and3A_3655, %eq3A_3657 : vector<64x128xi32>
    %not3A_3659 = arith.constant dense<true> : vector<64x128xi1>
    %not3A_3660 = arith.xori %ne3A_3638, %not3A_3659 : vector<64x128xi1>
    %eq3A_3661 = arith.xori %not3A_3660, %eq3A_3658 : vector<64x128xi1>
    %eq3A_3662 = arith.constant dense<true> : vector<64x128xi1>
    %eq3A_3663 = arith.xori %eq3A_3661, %eq3A_3662 : vector<64x128xi1>
    %lt3A_3664 = arith.cmpi slt, %select_n3A_3645, %select_n3A_3631 : vector<64x128xi32>
    %eq3A_3665 = arith.cmpi eq, %select_n3A_3645, %select_n3A_3631 : vector<64x128xi32>
    %lt3A_3666 = arith.cmpi slt, %select_n3A_3652, %select_n3A_3632 : vector<64x128xi32>
    %and3A_3667 = arith.andi %eq3A_3665, %lt3A_3666 : vector<64x128xi1>
    %or3A_3668 = arith.ori %lt3A_3664, %and3A_3667 : vector<64x128xi1>
    %eq3A_3669 = arith.xori %eq3A_3663, %or3A_3668 : vector<64x128xi1>
    %eq3A_3670 = arith.constant dense<true> : vector<64x128xi1>
    %eq3A_3671 = arith.xori %eq3A_3669, %eq3A_3670 : vector<64x128xi1>
    %select_n3A_3672 = arith.select %eq3A_3671, %select_n3A_3645, %select_n3A_3631 : vector<64x128xi1>, vector<64x128xi32>
    %select_n3A_3673 = arith.select %eq3A_3671, %select_n3A_3652, %select_n3A_3632 : vector<64x128xi1>, vector<64x128xi32>
    %and3A_3674 = arith.constant 4 : i32
    %and3A_3675 = vector.broadcast %and3A_3674 : i32 to vector<64x128xi32>
    %and3A_3676 = arith.andi %add3A_74, %and3A_3675 : vector<64x128xi32>
    %ne3A_3677 = arith.constant 0 : i32
    %ne3A_3678 = vector.broadcast %ne3A_3677 : i32 to vector<64x128xi32>
    %ne3A_3679 = arith.cmpi ne, %and3A_3676, %ne3A_3678 : vector<64x128xi32>
    %slice3A_3680 = vector.extract_strided_slice %select_n3A_3672 {offsets = [0, 124], sizes = [64, 4], strides = [1, 1]} : vector<64x128xi32> to vector<64x4xi32>
    %slice3A_3681 = vector.extract_strided_slice %select_n3A_3672 {offsets = [0, 0], sizes = [64, 124], strides = [1, 1]} : vector<64x128xi32> to vector<64x124xi32>
    %concatenate3A_3682 = tpu.concatenate %slice3A_3680, %slice3A_3681 in 1 : vector<64x4xi32>, vector<64x124xi32> -> vector<64x128xi32>
    %slice3A_3683 = vector.extract_strided_slice %select_n3A_3672 {offsets = [0, 4], sizes = [64, 124], strides = [1, 1]} : vector<64x128xi32> to vector<64x124xi32>
    %slice3A_3684 = vector.extract_strided_slice %select_n3A_3672 {offsets = [0, 0], sizes = [64, 4], strides = [1, 1]} : vector<64x128xi32> to vector<64x4xi32>
    %concatenate3A_3685 = tpu.concatenate %slice3A_3683, %slice3A_3684 in 1 : vector<64x124xi32>, vector<64x4xi32> -> vector<64x128xi32>
    %select_n3A_3686 = arith.select %ne3A_3679, %concatenate3A_3682, %concatenate3A_3685 : vector<64x128xi1>, vector<64x128xi32>
    %slice3A_3687 = vector.extract_strided_slice %select_n3A_3673 {offsets = [0, 124], sizes = [64, 4], strides = [1, 1]} : vector<64x128xi32> to vector<64x4xi32>
    %slice3A_3688 = vector.extract_strided_slice %select_n3A_3673 {offsets = [0, 0], sizes = [64, 124], strides = [1, 1]} : vector<64x128xi32> to vector<64x124xi32>
    %concatenate3A_3689 = tpu.concatenate %slice3A_3687, %slice3A_3688 in 1 : vector<64x4xi32>, vector<64x124xi32> -> vector<64x128xi32>
    %slice3A_3690 = vector.extract_strided_slice %select_n3A_3673 {offsets = [0, 4], sizes = [64, 124], strides = [1, 1]} : vector<64x128xi32> to vector<64x124xi32>
    %slice3A_3691 = vector.extract_strided_slice %select_n3A_3673 {offsets = [0, 0], sizes = [64, 4], strides = [1, 1]} : vector<64x128xi32> to vector<64x4xi32>
    %concatenate3A_3692 = tpu.concatenate %slice3A_3690, %slice3A_3691 in 1 : vector<64x124xi32>, vector<64x4xi32> -> vector<64x128xi32>
    %select_n3A_3693 = arith.select %ne3A_3679, %concatenate3A_3689, %concatenate3A_3692 : vector<64x128xi1>, vector<64x128xi32>
    %and3A_3694 = arith.constant 8192 : i32
    %and3A_3695 = vector.broadcast %and3A_3694 : i32 to vector<64x128xi32>
    %and3A_3696 = arith.andi %add3A_74, %and3A_3695 : vector<64x128xi32>
    %eq3A_3697 = arith.constant 0 : i32
    %eq3A_3698 = vector.broadcast %eq3A_3697 : i32 to vector<64x128xi32>
    %eq3A_3699 = arith.cmpi eq, %and3A_3696, %eq3A_3698 : vector<64x128xi32>
    %not3A_3700 = arith.constant dense<true> : vector<64x128xi1>
    %not3A_3701 = arith.xori %ne3A_3679, %not3A_3700 : vector<64x128xi1>
    %eq3A_3702 = arith.xori %not3A_3701, %eq3A_3699 : vector<64x128xi1>
    %eq3A_3703 = arith.constant dense<true> : vector<64x128xi1>
    %eq3A_3704 = arith.xori %eq3A_3702, %eq3A_3703 : vector<64x128xi1>
    %lt3A_3705 = arith.cmpi slt, %select_n3A_3686, %select_n3A_3672 : vector<64x128xi32>
    %eq3A_3706 = arith.cmpi eq, %select_n3A_3686, %select_n3A_3672 : vector<64x128xi32>
    %lt3A_3707 = arith.cmpi slt, %select_n3A_3693, %select_n3A_3673 : vector<64x128xi32>
    %and3A_3708 = arith.andi %eq3A_3706, %lt3A_3707 : vector<64x128xi1>
    %or3A_3709 = arith.ori %lt3A_3705, %and3A_3708 : vector<64x128xi1>
    %eq3A_3710 = arith.xori %eq3A_3704, %or3A_3709 : vector<64x128xi1>
    %eq3A_3711 = arith.constant dense<true> : vector<64x128xi1>
    %eq3A_3712 = arith.xori %eq3A_3710, %eq3A_3711 : vector<64x128xi1>
    %select_n3A_3713 = arith.select %eq3A_3712, %select_n3A_3686, %select_n3A_3672 : vector<64x128xi1>, vector<64x128xi32>
    %select_n3A_3714 = arith.select %eq3A_3712, %select_n3A_3693, %select_n3A_3673 : vector<64x128xi1>, vector<64x128xi32>
    %and3A_3715 = arith.constant 2 : i32
    %and3A_3716 = vector.broadcast %and3A_3715 : i32 to vector<64x128xi32>
    %and3A_3717 = arith.andi %add3A_74, %and3A_3716 : vector<64x128xi32>
    %ne3A_3718 = arith.constant 0 : i32
    %ne3A_3719 = vector.broadcast %ne3A_3718 : i32 to vector<64x128xi32>
    %ne3A_3720 = arith.cmpi ne, %and3A_3717, %ne3A_3719 : vector<64x128xi32>
    %slice3A_3721 = vector.extract_strided_slice %select_n3A_3713 {offsets = [0, 126], sizes = [64, 2], strides = [1, 1]} : vector<64x128xi32> to vector<64x2xi32>
    %slice3A_3722 = vector.extract_strided_slice %select_n3A_3713 {offsets = [0, 0], sizes = [64, 126], strides = [1, 1]} : vector<64x128xi32> to vector<64x126xi32>
    %concatenate3A_3723 = tpu.concatenate %slice3A_3721, %slice3A_3722 in 1 : vector<64x2xi32>, vector<64x126xi32> -> vector<64x128xi32>
    %slice3A_3724 = vector.extract_strided_slice %select_n3A_3713 {offsets = [0, 2], sizes = [64, 126], strides = [1, 1]} : vector<64x128xi32> to vector<64x126xi32>
    %slice3A_3725 = vector.extract_strided_slice %select_n3A_3713 {offsets = [0, 0], sizes = [64, 2], strides = [1, 1]} : vector<64x128xi32> to vector<64x2xi32>
    %concatenate3A_3726 = tpu.concatenate %slice3A_3724, %slice3A_3725 in 1 : vector<64x126xi32>, vector<64x2xi32> -> vector<64x128xi32>
    %select_n3A_3727 = arith.select %ne3A_3720, %concatenate3A_3723, %concatenate3A_3726 : vector<64x128xi1>, vector<64x128xi32>
    %slice3A_3728 = vector.extract_strided_slice %select_n3A_3714 {offsets = [0, 126], sizes = [64, 2], strides = [1, 1]} : vector<64x128xi32> to vector<64x2xi32>
    %slice3A_3729 = vector.extract_strided_slice %select_n3A_3714 {offsets = [0, 0], sizes = [64, 126], strides = [1, 1]} : vector<64x128xi32> to vector<64x126xi32>
    %concatenate3A_3730 = tpu.concatenate %slice3A_3728, %slice3A_3729 in 1 : vector<64x2xi32>, vector<64x126xi32> -> vector<64x128xi32>
    %slice3A_3731 = vector.extract_strided_slice %select_n3A_3714 {offsets = [0, 2], sizes = [64, 126], strides = [1, 1]} : vector<64x128xi32> to vector<64x126xi32>
    %slice3A_3732 = vector.extract_strided_slice %select_n3A_3714 {offsets = [0, 0], sizes = [64, 2], strides = [1, 1]} : vector<64x128xi32> to vector<64x2xi32>
    %concatenate3A_3733 = tpu.concatenate %slice3A_3731, %slice3A_3732 in 1 : vector<64x126xi32>, vector<64x2xi32> -> vector<64x128xi32>
    %select_n3A_3734 = arith.select %ne3A_3720, %concatenate3A_3730, %concatenate3A_3733 : vector<64x128xi1>, vector<64x128xi32>
    %and3A_3735 = arith.constant 8192 : i32
    %and3A_3736 = vector.broadcast %and3A_3735 : i32 to vector<64x128xi32>
    %and3A_3737 = arith.andi %add3A_74, %and3A_3736 : vector<64x128xi32>
    %eq3A_3738 = arith.constant 0 : i32
    %eq3A_3739 = vector.broadcast %eq3A_3738 : i32 to vector<64x128xi32>
    %eq3A_3740 = arith.cmpi eq, %and3A_3737, %eq3A_3739 : vector<64x128xi32>
    %not3A_3741 = arith.constant dense<true> : vector<64x128xi1>
    %not3A_3742 = arith.xori %ne3A_3720, %not3A_3741 : vector<64x128xi1>
    %eq3A_3743 = arith.xori %not3A_3742, %eq3A_3740 : vector<64x128xi1>
    %eq3A_3744 = arith.constant dense<true> : vector<64x128xi1>
    %eq3A_3745 = arith.xori %eq3A_3743, %eq3A_3744 : vector<64x128xi1>
    %lt3A_3746 = arith.cmpi slt, %select_n3A_3727, %select_n3A_3713 : vector<64x128xi32>
    %eq3A_3747 = arith.cmpi eq, %select_n3A_3727, %select_n3A_3713 : vector<64x128xi32>
    %lt3A_3748 = arith.cmpi slt, %select_n3A_3734, %select_n3A_3714 : vector<64x128xi32>
    %and3A_3749 = arith.andi %eq3A_3747, %lt3A_3748 : vector<64x128xi1>
    %or3A_3750 = arith.ori %lt3A_3746, %and3A_3749 : vector<64x128xi1>
    %eq3A_3751 = arith.xori %eq3A_3745, %or3A_3750 : vector<64x128xi1>
    %eq3A_3752 = arith.constant dense<true> : vector<64x128xi1>
    %eq3A_3753 = arith.xori %eq3A_3751, %eq3A_3752 : vector<64x128xi1>
    %select_n3A_3754 = arith.select %eq3A_3753, %select_n3A_3727, %select_n3A_3713 : vector<64x128xi1>, vector<64x128xi32>
    %select_n3A_3755 = arith.select %eq3A_3753, %select_n3A_3734, %select_n3A_3714 : vector<64x128xi1>, vector<64x128xi32>
    %and3A_3756 = arith.constant 1 : i32
    %and3A_3757 = vector.broadcast %and3A_3756 : i32 to vector<64x128xi32>
    %and3A_3758 = arith.andi %add3A_74, %and3A_3757 : vector<64x128xi32>
    %ne3A_3759 = arith.constant 0 : i32
    %ne3A_3760 = vector.broadcast %ne3A_3759 : i32 to vector<64x128xi32>
    %ne3A_3761 = arith.cmpi ne, %and3A_3758, %ne3A_3760 : vector<64x128xi32>
    %slice3A_3762 = vector.extract_strided_slice %select_n3A_3754 {offsets = [0, 127], sizes = [64, 1], strides = [1, 1]} : vector<64x128xi32> to vector<64x1xi32>
    %slice3A_3763 = vector.extract_strided_slice %select_n3A_3754 {offsets = [0, 0], sizes = [64, 127], strides = [1, 1]} : vector<64x128xi32> to vector<64x127xi32>
    %concatenate3A_3764 = tpu.concatenate %slice3A_3762, %slice3A_3763 in 1 : vector<64x1xi32>, vector<64x127xi32> -> vector<64x128xi32>
    %slice3A_3765 = vector.extract_strided_slice %select_n3A_3754 {offsets = [0, 1], sizes = [64, 127], strides = [1, 1]} : vector<64x128xi32> to vector<64x127xi32>
    %slice3A_3766 = vector.extract_strided_slice %select_n3A_3754 {offsets = [0, 0], sizes = [64, 1], strides = [1, 1]} : vector<64x128xi32> to vector<64x1xi32>
    %concatenate3A_3767 = tpu.concatenate %slice3A_3765, %slice3A_3766 in 1 : vector<64x127xi32>, vector<64x1xi32> -> vector<64x128xi32>
    %select_n3A_3768 = arith.select %ne3A_3761, %concatenate3A_3764, %concatenate3A_3767 : vector<64x128xi1>, vector<64x128xi32>
    %slice3A_3769 = vector.extract_strided_slice %select_n3A_3755 {offsets = [0, 127], sizes = [64, 1], strides = [1, 1]} : vector<64x128xi32> to vector<64x1xi32>
    %slice3A_3770 = vector.extract_strided_slice %select_n3A_3755 {offsets = [0, 0], sizes = [64, 127], strides = [1, 1]} : vector<64x128xi32> to vector<64x127xi32>
    %concatenate3A_3771 = tpu.concatenate %slice3A_3769, %slice3A_3770 in 1 : vector<64x1xi32>, vector<64x127xi32> -> vector<64x128xi32>
    %slice3A_3772 = vector.extract_strided_slice %select_n3A_3755 {offsets = [0, 1], sizes = [64, 127], strides = [1, 1]} : vector<64x128xi32> to vector<64x127xi32>
    %slice3A_3773 = vector.extract_strided_slice %select_n3A_3755 {offsets = [0, 0], sizes = [64, 1], strides = [1, 1]} : vector<64x128xi32> to vector<64x1xi32>
    %concatenate3A_3774 = tpu.concatenate %slice3A_3772, %slice3A_3773 in 1 : vector<64x127xi32>, vector<64x1xi32> -> vector<64x128xi32>
    %select_n3A_3775 = arith.select %ne3A_3761, %concatenate3A_3771, %concatenate3A_3774 : vector<64x128xi1>, vector<64x128xi32>
    %and3A_3776 = arith.constant 8192 : i32
    %and3A_3777 = vector.broadcast %and3A_3776 : i32 to vector<64x128xi32>
    %and3A_3778 = arith.andi %add3A_74, %and3A_3777 : vector<64x128xi32>
    %eq3A_3779 = arith.constant 0 : i32
    %eq3A_3780 = vector.broadcast %eq3A_3779 : i32 to vector<64x128xi32>
    %eq3A_3781 = arith.cmpi eq, %and3A_3778, %eq3A_3780 : vector<64x128xi32>
    %not3A_3782 = arith.constant dense<true> : vector<64x128xi1>
    %not3A_3783 = arith.xori %ne3A_3761, %not3A_3782 : vector<64x128xi1>
    %eq3A_3784 = arith.xori %not3A_3783, %eq3A_3781 : vector<64x128xi1>
    %eq3A_3785 = arith.constant dense<true> : vector<64x128xi1>
    %eq3A_3786 = arith.xori %eq3A_3784, %eq3A_3785 : vector<64x128xi1>
    %lt3A_3787 = arith.cmpi slt, %select_n3A_3768, %select_n3A_3754 : vector<64x128xi32>
    %eq3A_3788 = arith.cmpi eq, %select_n3A_3768, %select_n3A_3754 : vector<64x128xi32>
    %lt3A_3789 = arith.cmpi slt, %select_n3A_3775, %select_n3A_3755 : vector<64x128xi32>
    %and3A_3790 = arith.andi %eq3A_3788, %lt3A_3789 : vector<64x128xi1>
    %or3A_3791 = arith.ori %lt3A_3787, %and3A_3790 : vector<64x128xi1>
    %eq3A_3792 = arith.xori %eq3A_3786, %or3A_3791 : vector<64x128xi1>
    %eq3A_3793 = arith.constant dense<true> : vector<64x128xi1>
    %eq3A_3794 = arith.xori %eq3A_3792, %eq3A_3793 : vector<64x128xi1>
    %select_n3A_3795 = arith.select %eq3A_3794, %select_n3A_3775, %select_n3A_3755 : vector<64x128xi1>, vector<64x128xi32>
    %swap3A = arith.constant 0 : index
    %swap3A_3796 = arith.constant 0 : index
    %swap3A_3797 = arith.constant 0 : index
    %swap3A_3798 = vector.load %arg4[%swap3A, %swap3A_3796, %swap3A_3797] : memref<1x64x128xi32, #tpu.memory_space<vmem>>, vector<1x64x128xi32>
    %swap3A_3799 = vector.shape_cast %swap3A_3798 : vector<1x64x128xi32> to vector<64x128xi32>
    %swap3A_3800 = vector.shape_cast %select_n3A_3795 : vector<64x128xi32> to vector<1x64x128xi32>
    tpu.vector_store %arg4[%swap3A, %swap3A_3796, %swap3A_3797], %swap3A_3800 {strides = array<i32>} : memref<1x64x128xi32, #tpu.memory_space<vmem>>, vector<1x64x128xi32>,
    %mul3A_3801 = arith.constant 8192 : i32
    %mul3A_3802 = arith.muli %arg0, %mul3A_3801 : i32
    %add3A_3803 = vector.broadcast %mul3A_3802 : i32 to vector<64x128xi32>
    %add3A_3804 = arith.addi %select_n3A_3795, %add3A_3803 : vector<64x128xi32>
    %swap3A_3805 = arith.constant 0 : index
    %swap3A_3806 = arith.constant 0 : index
    %swap3A_3807 = arith.constant 0 : index
    %swap3A_3808 = vector.load %arg5[%swap3A_3805, %swap3A_3806, %swap3A_3807] : memref<1x64x128xi32, #tpu.memory_space<vmem>>, vector<1x64x128xi32>
    %swap3A_3809 = vector.shape_cast %swap3A_3808 : vector<1x64x128xi32> to vector<64x128xi32>
    %swap3A_3810 = vector.shape_cast %add3A_3804 : vector<64x128xi32> to vector<1x64x128xi32>
    tpu.vector_store %arg5[%swap3A_3805, %swap3A_3806, %swap3A_3807], %swap3A_3810 {strides = array<i32>} : memref<1x64x128xi32, #tpu.memory_space<vmem>>, vector<1x64x128xi32>,
    return
  }
  func.func @transform_0(%arg0: i32) -> (i32, i32, i32) {
    %c0_i32 = arith.constant 0 : i32
    %c0_i32_0 = arith.constant 0 : i32
    %c0_i32_1 = arith.constant 0 : i32
    return %arg0, %c0_i32, %c0_i32_0 : i32, i32, i32
  }
  func.func @transform_1(%arg0: i32) -> (i32, i32, i32) {
    %c0_i32 = arith.constant 0 : i32
    %c0_i32_0 = arith.constant 0 : i32
    %c0_i32_1 = arith.constant 0 : i32
    return %arg0, %c0_i32, %c0_i32_0 : i32, i32, i32
  }
  func.func @transform_2(%arg0: i32) -> (i32, i32, i32) {
    %c0_i32 = arith.constant 0 : i32
    %c0_i32_0 = arith.constant 0 : i32
    %c0_i32_1 = arith.constant 0 : i32
    return %arg0, %c0_i32, %c0_i32_0 : i32, i32, i32
  }
  func.func @transform_3(%arg0: i32) -> (i32, i32, i32) {
    %c0_i32 = arith.constant 0 : i32
    %c0_i32_0 = arith.constant 0 : i32
    %c0_i32_1 = arith.constant 0 : i32
    return %arg0, %c0_i32, %c0_i32_0 : i32, i32, i32
  }
  func.func @transform_4(%arg0: i32) -> (i32, i32, i32) {
    %c0_i32 = arith.constant 0 : i32
    %c0_i32_0 = arith.constant 0 : i32
    %c0_i32_1 = arith.constant 0 : i32
    return %arg0, %c0_i32, %c0_i32_0 : i32, i32, i32
  }
}

module attributes {stable_mosaic.version = 14 : i64} {
  func.func @_select_body(%arg0: i32, %arg1: i32, %arg2: memref<1x64x3xf32, #tpu.memory_space<vmem>>, %arg3: memref<1x8192x3xf32, #tpu.memory_space<vmem>>, %arg4: memref<1x64x128xf32, #tpu.memory_space<vmem>>) attributes {dimension_semantics = [#tpu.dimension_semantics<arbitrary>, #tpu.dimension_semantics<arbitrary>], iteration_bounds = array<i64: 2, 32>, scalar_prefetch = 0 : i64, scratch_operands = 0 : i64, tpu.core_type = #tpu.core_type<tc>, window_params = [{transform_indices = @transform_0, window_bounds = array<i64: 1, 64, 3>}, {transform_indices = @transform_1, window_bounds = array<i64: 1, 8192, 3>}, {transform_indices = @transform_2, window_bounds = array<i64: 1, 64, 128>}]} {
    %get3A = arith.constant 0 : index
    %get3A_0 = arith.constant 0 : index
    %get3A_1 = arith.constant 0 : index
    %get3A_2 = vector.load %arg2[%get3A, %get3A_0, %get3A_1] : memref<1x64x3xf32, #tpu.memory_space<vmem>>, vector<1x64x3xf32>
    %get3A_3 = vector.shape_cast %get3A_2 : vector<1x64x3xf32> to vector<64x3xf32>
    %get3A_4 = arith.constant 0 : index
    %get3A_5 = arith.constant 0 : index
    %get3A_6 = arith.constant 0 : index
    %get3A_7 = vector.load %arg3[%get3A_4, %get3A_5, %get3A_6] : memref<1x8192x3xf32, #tpu.memory_space<vmem>>, vector<1x8192x3xf32>
    %get3A_8 = vector.shape_cast %get3A_7 : vector<1x8192x3xf32> to vector<8192x3xf32>
    %mul3A = arith.mulf %get3A_3, %get3A_3 : vector<64x3xf32>
    %reduce_sum3A = arith.constant dense<0.000000e+00> : vector<64xf32>
    %reduce_sum3A_9 = vector.multi_reduction <add>, %mul3A, %reduce_sum3A [1] : vector<64x3xf32> to vector<64xf32>
    %mul3A_10 = arith.mulf %get3A_8, %get3A_8 : vector<8192x3xf32>
    %reduce_sum3A_11 = arith.constant dense<0.000000e+00> : vector<8192xf32>
    %reduce_sum3A_12 = vector.multi_reduction <add>, %mul3A_10, %reduce_sum3A_11 [1] : vector<8192x3xf32> to vector<8192xf32>
    %dot_general3A = arith.constant dense<0.000000e+00> : vector<64x8192xf32>
    %dot_general3A_13 = tpu.matmul %get3A_3, %get3A_8, %dot_general3A {dimension_numbers = #tpu.dot_dimension_numbers<[1], [1], [0], [0], [0, 0, 1, 0], [], []>, transpose_lhs_hint = false} : vector<64x3xf32>, vector<8192x3xf32>, vector<64x8192xf32> -> vector<64x8192xf32>
    %broadcast_in_dim3A = vector.shape_cast %reduce_sum3A_9 : vector<64xf32> to vector<64x1xf32>
    %broadcast_in_dim3A_14 = vector.shape_cast %reduce_sum3A_12 : vector<8192xf32> to vector<1x8192xf32>
    %add3A = vector.broadcast %broadcast_in_dim3A : vector<64x1xf32> to vector<64x8192xf32>
    %add3A_15 = vector.broadcast %broadcast_in_dim3A_14 : vector<1x8192xf32> to vector<64x8192xf32>
    %add3A_16 = arith.addf %add3A, %add3A_15 : vector<64x8192xf32>
    %mul3A_17 = arith.constant 2.000000e+00 : f32
    %mul3A_18 = vector.broadcast %mul3A_17 : f32 to vector<64x8192xf32>
    %mul3A_19 = arith.mulf %mul3A_18, %dot_general3A_13 : vector<64x8192xf32>
    %sub3A = arith.subf %add3A_16, %mul3A_19 : vector<64x8192xf32>
    %reshape3A = vector.shape_cast %sub3A : vector<64x8192xf32> to vector<64x64x128xf32>
    %le3A = arith.constant 6.250000e-02 : f32
    %le3A_20 = vector.broadcast %le3A : f32 to vector<64x64x128xf32>
    %le3A_21 = arith.cmpf ole, %reshape3A, %le3A_20 : vector<64x64x128xf32>
    %convert_element_type3A = arith.extui %le3A_21 : vector<64x64x128xi1> to vector<64x64x128xi32>
    %iota3A = tpu.iota {dimensions = array<i32: 2>} : vector<64x64x128xi32>
    %reduce_sum3A_22 = arith.constant dense<0> : vector<64x64xi32>
    %reduce_sum3A_23 = vector.multi_reduction <add>, %convert_element_type3A, %reduce_sum3A_22 [2] : vector<64x64x128xi32> to vector<64x64xi32>
    %iota3A_24 = tpu.iota {dimensions = array<i32: 1>} : vector<64x64xi32>
    %ge3A = arith.constant 1 : i32
    %ge3A_25 = vector.broadcast %ge3A : i32 to vector<64x64xi32>
    %ge3A_26 = arith.cmpi sge, %iota3A_24, %ge3A_25 : vector<64x64xi32>
    %slice3A = vector.extract_strided_slice %reduce_sum3A_23 {offsets = [0, 63], sizes = [64, 1], strides = [1, 1]} : vector<64x64xi32> to vector<64x1xi32>
    %slice3A_27 = vector.extract_strided_slice %reduce_sum3A_23 {offsets = [0, 0], sizes = [64, 63], strides = [1, 1]} : vector<64x64xi32> to vector<64x63xi32>
    %concatenate3A = tpu.concatenate %slice3A, %slice3A_27 in 1 : vector<64x1xi32>, vector<64x63xi32> -> vector<64x64xi32>
    %jit3A = arith.constant 0 : i32
    %broadcast_in_dim3A_28 = vector.broadcast %jit3A : i32 to vector<64x64xi32>
    %select_n3A = arith.select %ge3A_26, %concatenate3A, %broadcast_in_dim3A_28 : vector<64x64xi1>, vector<64x64xi32>
    %add3A_29 = arith.addi %reduce_sum3A_23, %select_n3A : vector<64x64xi32>
    %ge3A_30 = arith.constant 2 : i32
    %ge3A_31 = vector.broadcast %ge3A_30 : i32 to vector<64x64xi32>
    %ge3A_32 = arith.cmpi sge, %iota3A_24, %ge3A_31 : vector<64x64xi32>
    %slice3A_33 = vector.extract_strided_slice %add3A_29 {offsets = [0, 62], sizes = [64, 2], strides = [1, 1]} : vector<64x64xi32> to vector<64x2xi32>
    %slice3A_34 = vector.extract_strided_slice %add3A_29 {offsets = [0, 0], sizes = [64, 62], strides = [1, 1]} : vector<64x64xi32> to vector<64x62xi32>
    %concatenate3A_35 = tpu.concatenate %slice3A_33, %slice3A_34 in 1 : vector<64x2xi32>, vector<64x62xi32> -> vector<64x64xi32>
    %jit3A_36 = arith.constant 0 : i32
    %broadcast_in_dim3A_37 = vector.broadcast %jit3A_36 : i32 to vector<64x64xi32>
    %select_n3A_38 = arith.select %ge3A_32, %concatenate3A_35, %broadcast_in_dim3A_37 : vector<64x64xi1>, vector<64x64xi32>
    %add3A_39 = arith.addi %add3A_29, %select_n3A_38 : vector<64x64xi32>
    %ge3A_40 = arith.constant 4 : i32
    %ge3A_41 = vector.broadcast %ge3A_40 : i32 to vector<64x64xi32>
    %ge3A_42 = arith.cmpi sge, %iota3A_24, %ge3A_41 : vector<64x64xi32>
    %slice3A_43 = vector.extract_strided_slice %add3A_39 {offsets = [0, 60], sizes = [64, 4], strides = [1, 1]} : vector<64x64xi32> to vector<64x4xi32>
    %slice3A_44 = vector.extract_strided_slice %add3A_39 {offsets = [0, 0], sizes = [64, 60], strides = [1, 1]} : vector<64x64xi32> to vector<64x60xi32>
    %concatenate3A_45 = tpu.concatenate %slice3A_43, %slice3A_44 in 1 : vector<64x4xi32>, vector<64x60xi32> -> vector<64x64xi32>
    %jit3A_46 = arith.constant 0 : i32
    %broadcast_in_dim3A_47 = vector.broadcast %jit3A_46 : i32 to vector<64x64xi32>
    %select_n3A_48 = arith.select %ge3A_42, %concatenate3A_45, %broadcast_in_dim3A_47 : vector<64x64xi1>, vector<64x64xi32>
    %add3A_49 = arith.addi %add3A_39, %select_n3A_48 : vector<64x64xi32>
    %ge3A_50 = arith.constant 8 : i32
    %ge3A_51 = vector.broadcast %ge3A_50 : i32 to vector<64x64xi32>
    %ge3A_52 = arith.cmpi sge, %iota3A_24, %ge3A_51 : vector<64x64xi32>
    %slice3A_53 = vector.extract_strided_slice %add3A_49 {offsets = [0, 56], sizes = [64, 8], strides = [1, 1]} : vector<64x64xi32> to vector<64x8xi32>
    %slice3A_54 = vector.extract_strided_slice %add3A_49 {offsets = [0, 0], sizes = [64, 56], strides = [1, 1]} : vector<64x64xi32> to vector<64x56xi32>
    %concatenate3A_55 = tpu.concatenate %slice3A_53, %slice3A_54 in 1 : vector<64x8xi32>, vector<64x56xi32> -> vector<64x64xi32>
    %jit3A_56 = arith.constant 0 : i32
    %broadcast_in_dim3A_57 = vector.broadcast %jit3A_56 : i32 to vector<64x64xi32>
    %select_n3A_58 = arith.select %ge3A_52, %concatenate3A_55, %broadcast_in_dim3A_57 : vector<64x64xi1>, vector<64x64xi32>
    %add3A_59 = arith.addi %add3A_49, %select_n3A_58 : vector<64x64xi32>
    %ge3A_60 = arith.constant 16 : i32
    %ge3A_61 = vector.broadcast %ge3A_60 : i32 to vector<64x64xi32>
    %ge3A_62 = arith.cmpi sge, %iota3A_24, %ge3A_61 : vector<64x64xi32>
    %slice3A_63 = vector.extract_strided_slice %add3A_59 {offsets = [0, 48], sizes = [64, 16], strides = [1, 1]} : vector<64x64xi32> to vector<64x16xi32>
    %slice3A_64 = vector.extract_strided_slice %add3A_59 {offsets = [0, 0], sizes = [64, 48], strides = [1, 1]} : vector<64x64xi32> to vector<64x48xi32>
    %concatenate3A_65 = tpu.concatenate %slice3A_63, %slice3A_64 in 1 : vector<64x16xi32>, vector<64x48xi32> -> vector<64x64xi32>
    %jit3A_66 = arith.constant 0 : i32
    %broadcast_in_dim3A_67 = vector.broadcast %jit3A_66 : i32 to vector<64x64xi32>
    %select_n3A_68 = arith.select %ge3A_62, %concatenate3A_65, %broadcast_in_dim3A_67 : vector<64x64xi1>, vector<64x64xi32>
    %add3A_69 = arith.addi %add3A_59, %select_n3A_68 : vector<64x64xi32>
    %ge3A_70 = arith.constant 32 : i32
    %ge3A_71 = vector.broadcast %ge3A_70 : i32 to vector<64x64xi32>
    %ge3A_72 = arith.cmpi sge, %iota3A_24, %ge3A_71 : vector<64x64xi32>
    %slice3A_73 = vector.extract_strided_slice %add3A_69 {offsets = [0, 32], sizes = [64, 32], strides = [1, 1]} : vector<64x64xi32> to vector<64x32xi32>
    %slice3A_74 = vector.extract_strided_slice %add3A_69 {offsets = [0, 0], sizes = [64, 32], strides = [1, 1]} : vector<64x64xi32> to vector<64x32xi32>
    %concatenate3A_75 = tpu.concatenate %slice3A_73, %slice3A_74 in 1 : vector<64x32xi32>, vector<64x32xi32> -> vector<64x64xi32>
    %jit3A_76 = arith.constant 0 : i32
    %broadcast_in_dim3A_77 = vector.broadcast %jit3A_76 : i32 to vector<64x64xi32>
    %select_n3A_78 = arith.select %ge3A_72, %concatenate3A_75, %broadcast_in_dim3A_77 : vector<64x64xi1>, vector<64x64xi32>
    %add3A_79 = arith.addi %add3A_69, %select_n3A_78 : vector<64x64xi32>
    %reduce_max3A = arith.constant dense<-2147483648> : vector<64xi32>
    %reduce_max3A_80 = vector.multi_reduction <maxsi>, %add3A_79, %reduce_max3A [1] : vector<64x64xi32> to vector<64xi32>
    %iota3A_81 = tpu.iota {dimensions = array<i32: 1>} : vector<64x128xi32>
    %iota3A_82 = tpu.iota {dimensions = array<i32: 2>} : vector<64x64x128xi32>
    %broadcast_in_dim3A_83 = vector.shape_cast %add3A_79 : vector<64x64xi32> to vector<64x64x1xi32>
    %le3A_84 = vector.broadcast %broadcast_in_dim3A_83 : vector<64x64x1xi32> to vector<64x64x128xi32>
    %le3A_85 = arith.cmpi sle, %le3A_84, %iota3A_82 : vector<64x64x128xi32>
    %convert_element_type3A_86 = arith.extui %le3A_85 : vector<64x64x128xi1> to vector<64x64x128xi32>
    %reduce_sum3A_87 = arith.constant dense<0> : vector<64x128xi32>
    %reduce_sum3A_88 = vector.multi_reduction <add>, %convert_element_type3A_86, %reduce_sum3A_87 [1] : vector<64x64x128xi32> to vector<64x128xi32>
    %min3A = arith.constant 63 : i32
    %min3A_89 = vector.broadcast %min3A : i32 to vector<64x128xi32>
    %min3A_90 = arith.minsi %reduce_sum3A_88, %min3A_89 : vector<64x128xi32>
    %broadcast_in_dim3A_91 = vector.shape_cast %add3A_79 : vector<64x64xi32> to vector<64x64x1xi32>
    %mul3A_92 = vector.broadcast %broadcast_in_dim3A_91 : vector<64x64x1xi32> to vector<64x64x128xi32>
    %mul3A_93 = arith.muli %convert_element_type3A_86, %mul3A_92 : vector<64x64x128xi32>
    %reduce_max3A_94 = arith.constant dense<-2147483648> : vector<64x128xi32>
    %reduce_max3A_95 = vector.multi_reduction <maxsi>, %mul3A_93, %reduce_max3A_94 [1] : vector<64x64x128xi32> to vector<64x128xi32>
    %sub3A_96 = arith.subi %iota3A_81, %reduce_max3A_95 : vector<64x128xi32>
    %iota3A_97 = tpu.iota {dimensions = array<i32: 1>} : vector<64x64x128xi32>
    %broadcast_in_dim3A_98 = vector.shape_cast %min3A_90 : vector<64x128xi32> to vector<64x1x128xi32>
    %eq3A = vector.broadcast %broadcast_in_dim3A_98 : vector<64x1x128xi32> to vector<64x64x128xi32>
    %eq3A_99 = arith.cmpi eq, %iota3A_97, %eq3A : vector<64x64x128xi32>
    %convert_element_type3A_100 = arith.extui %eq3A_99 : vector<64x64x128xi1> to vector<64x64x128xi32>
    %and3A = arith.constant 31 : i32
    %and3A_101 = vector.broadcast %and3A : i32 to vector<64x64x128xi32>
    %and3A_102 = arith.andi %iota3A, %and3A_101 : vector<64x64x128xi32>
    %shift_left3A = arith.constant 1 : i32
    %shift_left3A_103 = vector.broadcast %shift_left3A : i32 to vector<64x64x128xi32>
    %shift_left3A_104 = arith.shli %shift_left3A_103, %and3A_102 : vector<64x64x128xi32>
    %mul3A_105 = arith.muli %convert_element_type3A, %shift_left3A_104 : vector<64x64x128xi32>
    %shift_right_arithmetic3A = arith.constant 5 : i32
    %shift_right_arithmetic3A_106 = vector.broadcast %shift_right_arithmetic3A : i32 to vector<64x64x128xi32>
    %shift_right_arithmetic3A_107 = arith.shrsi %iota3A, %shift_right_arithmetic3A_106 : vector<64x64x128xi32>
    %broadcast_in_dim3A_108 = arith.constant 0 : i32
    %broadcast_in_dim3A_109 = vector.broadcast %broadcast_in_dim3A_108 : i32 to vector<64x64x128xi32>
    %shift_right_arithmetic3A_110 = arith.constant 3 : i32
    %shift_right_arithmetic3A_111 = vector.broadcast %shift_right_arithmetic3A_110 : i32 to vector<64x64x128xi32>
    %shift_right_arithmetic3A_112 = arith.shrsi %iota3A, %shift_right_arithmetic3A_111 : vector<64x64x128xi32>
    %le3A_113 = arith.constant 0 : i32
    %le3A_114 = vector.broadcast %le3A_113 : i32 to vector<64x64x128xi32>
    %le3A_115 = arith.cmpi sle, %shift_right_arithmetic3A_112, %le3A_114 : vector<64x64x128xi32>
    %convert_element_type3A_116 = arith.extui %le3A_115 : vector<64x64x128xi1> to vector<64x64x128xi32>
    %mul3A_117 = arith.constant 1 : i32
    %mul3A_118 = vector.broadcast %mul3A_117 : i32 to vector<64x64x128xi32>
    %mul3A_119 = arith.muli %convert_element_type3A_116, %mul3A_118 : vector<64x64x128xi32>
    %add3A_120 = arith.addi %broadcast_in_dim3A_109, %mul3A_119 : vector<64x64x128xi32>
    %shift_right_arithmetic3A_121 = arith.constant 3 : i32
    %shift_right_arithmetic3A_122 = vector.broadcast %shift_right_arithmetic3A_121 : i32 to vector<64x64x128xi32>
    %shift_right_arithmetic3A_123 = arith.shrsi %iota3A, %shift_right_arithmetic3A_122 : vector<64x64x128xi32>
    %le3A_124 = arith.constant 1 : i32
    %le3A_125 = vector.broadcast %le3A_124 : i32 to vector<64x64x128xi32>
    %le3A_126 = arith.cmpi sle, %shift_right_arithmetic3A_123, %le3A_125 : vector<64x64x128xi32>
    %convert_element_type3A_127 = arith.extui %le3A_126 : vector<64x64x128xi1> to vector<64x64x128xi32>
    %mul3A_128 = arith.constant 256 : i32
    %mul3A_129 = vector.broadcast %mul3A_128 : i32 to vector<64x64x128xi32>
    %mul3A_130 = arith.muli %convert_element_type3A_127, %mul3A_129 : vector<64x64x128xi32>
    %add3A_131 = arith.addi %add3A_120, %mul3A_130 : vector<64x64x128xi32>
    %shift_right_arithmetic3A_132 = arith.constant 3 : i32
    %shift_right_arithmetic3A_133 = vector.broadcast %shift_right_arithmetic3A_132 : i32 to vector<64x64x128xi32>
    %shift_right_arithmetic3A_134 = arith.shrsi %iota3A, %shift_right_arithmetic3A_133 : vector<64x64x128xi32>
    %le3A_135 = arith.constant 2 : i32
    %le3A_136 = vector.broadcast %le3A_135 : i32 to vector<64x64x128xi32>
    %le3A_137 = arith.cmpi sle, %shift_right_arithmetic3A_134, %le3A_136 : vector<64x64x128xi32>
    %convert_element_type3A_138 = arith.extui %le3A_137 : vector<64x64x128xi1> to vector<64x64x128xi32>
    %mul3A_139 = arith.constant 65536 : i32
    %mul3A_140 = vector.broadcast %mul3A_139 : i32 to vector<64x64x128xi32>
    %mul3A_141 = arith.muli %convert_element_type3A_138, %mul3A_140 : vector<64x64x128xi32>
    %add3A_142 = arith.addi %add3A_131, %mul3A_141 : vector<64x64x128xi32>
    %shift_right_arithmetic3A_143 = arith.constant 3 : i32
    %shift_right_arithmetic3A_144 = vector.broadcast %shift_right_arithmetic3A_143 : i32 to vector<64x64x128xi32>
    %shift_right_arithmetic3A_145 = arith.shrsi %iota3A, %shift_right_arithmetic3A_144 : vector<64x64x128xi32>
    %le3A_146 = arith.constant 3 : i32
    %le3A_147 = vector.broadcast %le3A_146 : i32 to vector<64x64x128xi32>
    %le3A_148 = arith.cmpi sle, %shift_right_arithmetic3A_145, %le3A_147 : vector<64x64x128xi32>
    %convert_element_type3A_149 = arith.extui %le3A_148 : vector<64x64x128xi1> to vector<64x64x128xi32>
    %mul3A_150 = arith.constant 16777216 : i32
    %mul3A_151 = vector.broadcast %mul3A_150 : i32 to vector<64x64x128xi32>
    %mul3A_152 = arith.muli %convert_element_type3A_149, %mul3A_151 : vector<64x64x128xi32>
    %add3A_153 = arith.addi %add3A_142, %mul3A_152 : vector<64x64x128xi32>
    %mul3A_154 = arith.muli %convert_element_type3A, %add3A_153 : vector<64x64x128xi32>
    %reduce_sum3A_155 = arith.constant dense<0> : vector<64x64xi32>
    %reduce_sum3A_156 = vector.multi_reduction <add>, %mul3A_154, %reduce_sum3A_155 [2] : vector<64x64x128xi32> to vector<64x64xi32>
    %eq3A_157 = arith.constant 0 : i32
    %eq3A_158 = vector.broadcast %eq3A_157 : i32 to vector<64x64x128xi32>
    %eq3A_159 = arith.cmpi eq, %shift_right_arithmetic3A_107, %eq3A_158 : vector<64x64x128xi32>
    %jit3A_160 = arith.constant 0 : i32
    %broadcast_in_dim3A_161 = vector.broadcast %jit3A_160 : i32 to vector<64x64x128xi32>
    %select_n3A_162 = arith.select %eq3A_159, %mul3A_105, %broadcast_in_dim3A_161 : vector<64x64x128xi1>, vector<64x64x128xi32>
    %reduce_sum3A_163 = arith.constant dense<0> : vector<64x64xi32>
    %reduce_sum3A_164 = vector.multi_reduction <add>, %select_n3A_162, %reduce_sum3A_163 [2] : vector<64x64x128xi32> to vector<64x64xi32>
    %broadcast_in_dim3A_165 = vector.shape_cast %reduce_sum3A_156 : vector<64x64xi32> to vector<64x64x1xi32>
    %mul3A_166 = vector.broadcast %broadcast_in_dim3A_165 : vector<64x64x1xi32> to vector<64x64x128xi32>
    %mul3A_167 = arith.muli %mul3A_166, %convert_element_type3A_100 : vector<64x64x128xi32>
    %reduce_sum3A_168 = arith.constant dense<0> : vector<64x128xi32>
    %reduce_sum3A_169 = vector.multi_reduction <add>, %mul3A_167, %reduce_sum3A_168 [1] : vector<64x64x128xi32> to vector<64x128xi32>
    %broadcast_in_dim3A_170 = vector.shape_cast %reduce_sum3A_164 : vector<64x64xi32> to vector<64x64x1xi32>
    %mul3A_171 = vector.broadcast %broadcast_in_dim3A_170 : vector<64x64x1xi32> to vector<64x64x128xi32>
    %mul3A_172 = arith.muli %mul3A_171, %convert_element_type3A_100 : vector<64x64x128xi32>
    %reduce_sum3A_173 = arith.constant dense<0> : vector<64x128xi32>
    %reduce_sum3A_174 = vector.multi_reduction <add>, %mul3A_172, %reduce_sum3A_173 [1] : vector<64x64x128xi32> to vector<64x128xi32>
    %broadcast_in_dim3A_175 = arith.constant 0 : i32
    %broadcast_in_dim3A_176 = vector.broadcast %broadcast_in_dim3A_175 : i32 to vector<64x64x128xi32>
    %shift_right_arithmetic3A_177 = arith.constant 3 : i32
    %shift_right_arithmetic3A_178 = vector.broadcast %shift_right_arithmetic3A_177 : i32 to vector<64x64x128xi32>
    %shift_right_arithmetic3A_179 = arith.shrsi %iota3A, %shift_right_arithmetic3A_178 : vector<64x64x128xi32>
    %le3A_180 = arith.constant 4 : i32
    %le3A_181 = vector.broadcast %le3A_180 : i32 to vector<64x64x128xi32>
    %le3A_182 = arith.cmpi sle, %shift_right_arithmetic3A_179, %le3A_181 : vector<64x64x128xi32>
    %convert_element_type3A_183 = arith.extui %le3A_182 : vector<64x64x128xi1> to vector<64x64x128xi32>
    %mul3A_184 = arith.constant 1 : i32
    %mul3A_185 = vector.broadcast %mul3A_184 : i32 to vector<64x64x128xi32>
    %mul3A_186 = arith.muli %convert_element_type3A_183, %mul3A_185 : vector<64x64x128xi32>
    %add3A_187 = arith.addi %broadcast_in_dim3A_176, %mul3A_186 : vector<64x64x128xi32>
    %shift_right_arithmetic3A_188 = arith.constant 3 : i32
    %shift_right_arithmetic3A_189 = vector.broadcast %shift_right_arithmetic3A_188 : i32 to vector<64x64x128xi32>
    %shift_right_arithmetic3A_190 = arith.shrsi %iota3A, %shift_right_arithmetic3A_189 : vector<64x64x128xi32>
    %le3A_191 = arith.constant 5 : i32
    %le3A_192 = vector.broadcast %le3A_191 : i32 to vector<64x64x128xi32>
    %le3A_193 = arith.cmpi sle, %shift_right_arithmetic3A_190, %le3A_192 : vector<64x64x128xi32>
    %convert_element_type3A_194 = arith.extui %le3A_193 : vector<64x64x128xi1> to vector<64x64x128xi32>
    %mul3A_195 = arith.constant 256 : i32
    %mul3A_196 = vector.broadcast %mul3A_195 : i32 to vector<64x64x128xi32>
    %mul3A_197 = arith.muli %convert_element_type3A_194, %mul3A_196 : vector<64x64x128xi32>
    %add3A_198 = arith.addi %add3A_187, %mul3A_197 : vector<64x64x128xi32>
    %shift_right_arithmetic3A_199 = arith.constant 3 : i32
    %shift_right_arithmetic3A_200 = vector.broadcast %shift_right_arithmetic3A_199 : i32 to vector<64x64x128xi32>
    %shift_right_arithmetic3A_201 = arith.shrsi %iota3A, %shift_right_arithmetic3A_200 : vector<64x64x128xi32>
    %le3A_202 = arith.constant 6 : i32
    %le3A_203 = vector.broadcast %le3A_202 : i32 to vector<64x64x128xi32>
    %le3A_204 = arith.cmpi sle, %shift_right_arithmetic3A_201, %le3A_203 : vector<64x64x128xi32>
    %convert_element_type3A_205 = arith.extui %le3A_204 : vector<64x64x128xi1> to vector<64x64x128xi32>
    %mul3A_206 = arith.constant 65536 : i32
    %mul3A_207 = vector.broadcast %mul3A_206 : i32 to vector<64x64x128xi32>
    %mul3A_208 = arith.muli %convert_element_type3A_205, %mul3A_207 : vector<64x64x128xi32>
    %add3A_209 = arith.addi %add3A_198, %mul3A_208 : vector<64x64x128xi32>
    %shift_right_arithmetic3A_210 = arith.constant 3 : i32
    %shift_right_arithmetic3A_211 = vector.broadcast %shift_right_arithmetic3A_210 : i32 to vector<64x64x128xi32>
    %shift_right_arithmetic3A_212 = arith.shrsi %iota3A, %shift_right_arithmetic3A_211 : vector<64x64x128xi32>
    %le3A_213 = arith.constant 7 : i32
    %le3A_214 = vector.broadcast %le3A_213 : i32 to vector<64x64x128xi32>
    %le3A_215 = arith.cmpi sle, %shift_right_arithmetic3A_212, %le3A_214 : vector<64x64x128xi32>
    %convert_element_type3A_216 = arith.extui %le3A_215 : vector<64x64x128xi1> to vector<64x64x128xi32>
    %mul3A_217 = arith.constant 16777216 : i32
    %mul3A_218 = vector.broadcast %mul3A_217 : i32 to vector<64x64x128xi32>
    %mul3A_219 = arith.muli %convert_element_type3A_216, %mul3A_218 : vector<64x64x128xi32>
    %add3A_220 = arith.addi %add3A_209, %mul3A_219 : vector<64x64x128xi32>
    %mul3A_221 = arith.muli %convert_element_type3A, %add3A_220 : vector<64x64x128xi32>
    %reduce_sum3A_222 = arith.constant dense<0> : vector<64x64xi32>
    %reduce_sum3A_223 = vector.multi_reduction <add>, %mul3A_221, %reduce_sum3A_222 [2] : vector<64x64x128xi32> to vector<64x64xi32>
    %eq3A_224 = arith.constant 1 : i32
    %eq3A_225 = vector.broadcast %eq3A_224 : i32 to vector<64x64x128xi32>
    %eq3A_226 = arith.cmpi eq, %shift_right_arithmetic3A_107, %eq3A_225 : vector<64x64x128xi32>
    %jit3A_227 = arith.constant 0 : i32
    %broadcast_in_dim3A_228 = vector.broadcast %jit3A_227 : i32 to vector<64x64x128xi32>
    %select_n3A_229 = arith.select %eq3A_226, %mul3A_105, %broadcast_in_dim3A_228 : vector<64x64x128xi1>, vector<64x64x128xi32>
    %reduce_sum3A_230 = arith.constant dense<0> : vector<64x64xi32>
    %reduce_sum3A_231 = vector.multi_reduction <add>, %select_n3A_229, %reduce_sum3A_230 [2] : vector<64x64x128xi32> to vector<64x64xi32>
    %broadcast_in_dim3A_232 = vector.shape_cast %reduce_sum3A_223 : vector<64x64xi32> to vector<64x64x1xi32>
    %mul3A_233 = vector.broadcast %broadcast_in_dim3A_232 : vector<64x64x1xi32> to vector<64x64x128xi32>
    %mul3A_234 = arith.muli %mul3A_233, %convert_element_type3A_100 : vector<64x64x128xi32>
    %reduce_sum3A_235 = arith.constant dense<0> : vector<64x128xi32>
    %reduce_sum3A_236 = vector.multi_reduction <add>, %mul3A_234, %reduce_sum3A_235 [1] : vector<64x64x128xi32> to vector<64x128xi32>
    %broadcast_in_dim3A_237 = vector.shape_cast %reduce_sum3A_231 : vector<64x64xi32> to vector<64x64x1xi32>
    %mul3A_238 = vector.broadcast %broadcast_in_dim3A_237 : vector<64x64x1xi32> to vector<64x64x128xi32>
    %mul3A_239 = arith.muli %mul3A_238, %convert_element_type3A_100 : vector<64x64x128xi32>
    %reduce_sum3A_240 = arith.constant dense<0> : vector<64x128xi32>
    %reduce_sum3A_241 = vector.multi_reduction <add>, %mul3A_239, %reduce_sum3A_240 [1] : vector<64x64x128xi32> to vector<64x128xi32>
    %broadcast_in_dim3A_242 = arith.constant 0 : i32
    %broadcast_in_dim3A_243 = vector.broadcast %broadcast_in_dim3A_242 : i32 to vector<64x64x128xi32>
    %shift_right_arithmetic3A_244 = arith.constant 3 : i32
    %shift_right_arithmetic3A_245 = vector.broadcast %shift_right_arithmetic3A_244 : i32 to vector<64x64x128xi32>
    %shift_right_arithmetic3A_246 = arith.shrsi %iota3A, %shift_right_arithmetic3A_245 : vector<64x64x128xi32>
    %le3A_247 = arith.constant 8 : i32
    %le3A_248 = vector.broadcast %le3A_247 : i32 to vector<64x64x128xi32>
    %le3A_249 = arith.cmpi sle, %shift_right_arithmetic3A_246, %le3A_248 : vector<64x64x128xi32>
    %convert_element_type3A_250 = arith.extui %le3A_249 : vector<64x64x128xi1> to vector<64x64x128xi32>
    %mul3A_251 = arith.constant 1 : i32
    %mul3A_252 = vector.broadcast %mul3A_251 : i32 to vector<64x64x128xi32>
    %mul3A_253 = arith.muli %convert_element_type3A_250, %mul3A_252 : vector<64x64x128xi32>
    %add3A_254 = arith.addi %broadcast_in_dim3A_243, %mul3A_253 : vector<64x64x128xi32>
    %shift_right_arithmetic3A_255 = arith.constant 3 : i32
    %shift_right_arithmetic3A_256 = vector.broadcast %shift_right_arithmetic3A_255 : i32 to vector<64x64x128xi32>
    %shift_right_arithmetic3A_257 = arith.shrsi %iota3A, %shift_right_arithmetic3A_256 : vector<64x64x128xi32>
    %le3A_258 = arith.constant 9 : i32
    %le3A_259 = vector.broadcast %le3A_258 : i32 to vector<64x64x128xi32>
    %le3A_260 = arith.cmpi sle, %shift_right_arithmetic3A_257, %le3A_259 : vector<64x64x128xi32>
    %convert_element_type3A_261 = arith.extui %le3A_260 : vector<64x64x128xi1> to vector<64x64x128xi32>
    %mul3A_262 = arith.constant 256 : i32
    %mul3A_263 = vector.broadcast %mul3A_262 : i32 to vector<64x64x128xi32>
    %mul3A_264 = arith.muli %convert_element_type3A_261, %mul3A_263 : vector<64x64x128xi32>
    %add3A_265 = arith.addi %add3A_254, %mul3A_264 : vector<64x64x128xi32>
    %shift_right_arithmetic3A_266 = arith.constant 3 : i32
    %shift_right_arithmetic3A_267 = vector.broadcast %shift_right_arithmetic3A_266 : i32 to vector<64x64x128xi32>
    %shift_right_arithmetic3A_268 = arith.shrsi %iota3A, %shift_right_arithmetic3A_267 : vector<64x64x128xi32>
    %le3A_269 = arith.constant 10 : i32
    %le3A_270 = vector.broadcast %le3A_269 : i32 to vector<64x64x128xi32>
    %le3A_271 = arith.cmpi sle, %shift_right_arithmetic3A_268, %le3A_270 : vector<64x64x128xi32>
    %convert_element_type3A_272 = arith.extui %le3A_271 : vector<64x64x128xi1> to vector<64x64x128xi32>
    %mul3A_273 = arith.constant 65536 : i32
    %mul3A_274 = vector.broadcast %mul3A_273 : i32 to vector<64x64x128xi32>
    %mul3A_275 = arith.muli %convert_element_type3A_272, %mul3A_274 : vector<64x64x128xi32>
    %add3A_276 = arith.addi %add3A_265, %mul3A_275 : vector<64x64x128xi32>
    %shift_right_arithmetic3A_277 = arith.constant 3 : i32
    %shift_right_arithmetic3A_278 = vector.broadcast %shift_right_arithmetic3A_277 : i32 to vector<64x64x128xi32>
    %shift_right_arithmetic3A_279 = arith.shrsi %iota3A, %shift_right_arithmetic3A_278 : vector<64x64x128xi32>
    %le3A_280 = arith.constant 11 : i32
    %le3A_281 = vector.broadcast %le3A_280 : i32 to vector<64x64x128xi32>
    %le3A_282 = arith.cmpi sle, %shift_right_arithmetic3A_279, %le3A_281 : vector<64x64x128xi32>
    %convert_element_type3A_283 = arith.extui %le3A_282 : vector<64x64x128xi1> to vector<64x64x128xi32>
    %mul3A_284 = arith.constant 16777216 : i32
    %mul3A_285 = vector.broadcast %mul3A_284 : i32 to vector<64x64x128xi32>
    %mul3A_286 = arith.muli %convert_element_type3A_283, %mul3A_285 : vector<64x64x128xi32>
    %add3A_287 = arith.addi %add3A_276, %mul3A_286 : vector<64x64x128xi32>
    %mul3A_288 = arith.muli %convert_element_type3A, %add3A_287 : vector<64x64x128xi32>
    %reduce_sum3A_289 = arith.constant dense<0> : vector<64x64xi32>
    %reduce_sum3A_290 = vector.multi_reduction <add>, %mul3A_288, %reduce_sum3A_289 [2] : vector<64x64x128xi32> to vector<64x64xi32>
    %eq3A_291 = arith.constant 2 : i32
    %eq3A_292 = vector.broadcast %eq3A_291 : i32 to vector<64x64x128xi32>
    %eq3A_293 = arith.cmpi eq, %shift_right_arithmetic3A_107, %eq3A_292 : vector<64x64x128xi32>
    %jit3A_294 = arith.constant 0 : i32
    %broadcast_in_dim3A_295 = vector.broadcast %jit3A_294 : i32 to vector<64x64x128xi32>
    %select_n3A_296 = arith.select %eq3A_293, %mul3A_105, %broadcast_in_dim3A_295 : vector<64x64x128xi1>, vector<64x64x128xi32>
    %reduce_sum3A_297 = arith.constant dense<0> : vector<64x64xi32>
    %reduce_sum3A_298 = vector.multi_reduction <add>, %select_n3A_296, %reduce_sum3A_297 [2] : vector<64x64x128xi32> to vector<64x64xi32>
    %broadcast_in_dim3A_299 = vector.shape_cast %reduce_sum3A_290 : vector<64x64xi32> to vector<64x64x1xi32>
    %mul3A_300 = vector.broadcast %broadcast_in_dim3A_299 : vector<64x64x1xi32> to vector<64x64x128xi32>
    %mul3A_301 = arith.muli %mul3A_300, %convert_element_type3A_100 : vector<64x64x128xi32>
    %reduce_sum3A_302 = arith.constant dense<0> : vector<64x128xi32>
    %reduce_sum3A_303 = vector.multi_reduction <add>, %mul3A_301, %reduce_sum3A_302 [1] : vector<64x64x128xi32> to vector<64x128xi32>
    %broadcast_in_dim3A_304 = vector.shape_cast %reduce_sum3A_298 : vector<64x64xi32> to vector<64x64x1xi32>
    %mul3A_305 = vector.broadcast %broadcast_in_dim3A_304 : vector<64x64x1xi32> to vector<64x64x128xi32>
    %mul3A_306 = arith.muli %mul3A_305, %convert_element_type3A_100 : vector<64x64x128xi32>
    %reduce_sum3A_307 = arith.constant dense<0> : vector<64x128xi32>
    %reduce_sum3A_308 = vector.multi_reduction <add>, %mul3A_306, %reduce_sum3A_307 [1] : vector<64x64x128xi32> to vector<64x128xi32>
    %broadcast_in_dim3A_309 = arith.constant 0 : i32
    %broadcast_in_dim3A_310 = vector.broadcast %broadcast_in_dim3A_309 : i32 to vector<64x64x128xi32>
    %shift_right_arithmetic3A_311 = arith.constant 3 : i32
    %shift_right_arithmetic3A_312 = vector.broadcast %shift_right_arithmetic3A_311 : i32 to vector<64x64x128xi32>
    %shift_right_arithmetic3A_313 = arith.shrsi %iota3A, %shift_right_arithmetic3A_312 : vector<64x64x128xi32>
    %le3A_314 = arith.constant 12 : i32
    %le3A_315 = vector.broadcast %le3A_314 : i32 to vector<64x64x128xi32>
    %le3A_316 = arith.cmpi sle, %shift_right_arithmetic3A_313, %le3A_315 : vector<64x64x128xi32>
    %convert_element_type3A_317 = arith.extui %le3A_316 : vector<64x64x128xi1> to vector<64x64x128xi32>
    %mul3A_318 = arith.constant 1 : i32
    %mul3A_319 = vector.broadcast %mul3A_318 : i32 to vector<64x64x128xi32>
    %mul3A_320 = arith.muli %convert_element_type3A_317, %mul3A_319 : vector<64x64x128xi32>
    %add3A_321 = arith.addi %broadcast_in_dim3A_310, %mul3A_320 : vector<64x64x128xi32>
    %shift_right_arithmetic3A_322 = arith.constant 3 : i32
    %shift_right_arithmetic3A_323 = vector.broadcast %shift_right_arithmetic3A_322 : i32 to vector<64x64x128xi32>
    %shift_right_arithmetic3A_324 = arith.shrsi %iota3A, %shift_right_arithmetic3A_323 : vector<64x64x128xi32>
    %le3A_325 = arith.constant 13 : i32
    %le3A_326 = vector.broadcast %le3A_325 : i32 to vector<64x64x128xi32>
    %le3A_327 = arith.cmpi sle, %shift_right_arithmetic3A_324, %le3A_326 : vector<64x64x128xi32>
    %convert_element_type3A_328 = arith.extui %le3A_327 : vector<64x64x128xi1> to vector<64x64x128xi32>
    %mul3A_329 = arith.constant 256 : i32
    %mul3A_330 = vector.broadcast %mul3A_329 : i32 to vector<64x64x128xi32>
    %mul3A_331 = arith.muli %convert_element_type3A_328, %mul3A_330 : vector<64x64x128xi32>
    %add3A_332 = arith.addi %add3A_321, %mul3A_331 : vector<64x64x128xi32>
    %shift_right_arithmetic3A_333 = arith.constant 3 : i32
    %shift_right_arithmetic3A_334 = vector.broadcast %shift_right_arithmetic3A_333 : i32 to vector<64x64x128xi32>
    %shift_right_arithmetic3A_335 = arith.shrsi %iota3A, %shift_right_arithmetic3A_334 : vector<64x64x128xi32>
    %le3A_336 = arith.constant 14 : i32
    %le3A_337 = vector.broadcast %le3A_336 : i32 to vector<64x64x128xi32>
    %le3A_338 = arith.cmpi sle, %shift_right_arithmetic3A_335, %le3A_337 : vector<64x64x128xi32>
    %convert_element_type3A_339 = arith.extui %le3A_338 : vector<64x64x128xi1> to vector<64x64x128xi32>
    %mul3A_340 = arith.constant 65536 : i32
    %mul3A_341 = vector.broadcast %mul3A_340 : i32 to vector<64x64x128xi32>
    %mul3A_342 = arith.muli %convert_element_type3A_339, %mul3A_341 : vector<64x64x128xi32>
    %add3A_343 = arith.addi %add3A_332, %mul3A_342 : vector<64x64x128xi32>
    %shift_right_arithmetic3A_344 = arith.constant 3 : i32
    %shift_right_arithmetic3A_345 = vector.broadcast %shift_right_arithmetic3A_344 : i32 to vector<64x64x128xi32>
    %shift_right_arithmetic3A_346 = arith.shrsi %iota3A, %shift_right_arithmetic3A_345 : vector<64x64x128xi32>
    %le3A_347 = arith.constant 15 : i32
    %le3A_348 = vector.broadcast %le3A_347 : i32 to vector<64x64x128xi32>
    %le3A_349 = arith.cmpi sle, %shift_right_arithmetic3A_346, %le3A_348 : vector<64x64x128xi32>
    %convert_element_type3A_350 = arith.extui %le3A_349 : vector<64x64x128xi1> to vector<64x64x128xi32>
    %mul3A_351 = arith.constant 16777216 : i32
    %mul3A_352 = vector.broadcast %mul3A_351 : i32 to vector<64x64x128xi32>
    %mul3A_353 = arith.muli %convert_element_type3A_350, %mul3A_352 : vector<64x64x128xi32>
    %add3A_354 = arith.addi %add3A_343, %mul3A_353 : vector<64x64x128xi32>
    %mul3A_355 = arith.muli %convert_element_type3A, %add3A_354 : vector<64x64x128xi32>
    %reduce_sum3A_356 = arith.constant dense<0> : vector<64x64xi32>
    %reduce_sum3A_357 = vector.multi_reduction <add>, %mul3A_355, %reduce_sum3A_356 [2] : vector<64x64x128xi32> to vector<64x64xi32>
    %eq3A_358 = arith.constant 3 : i32
    %eq3A_359 = vector.broadcast %eq3A_358 : i32 to vector<64x64x128xi32>
    %eq3A_360 = arith.cmpi eq, %shift_right_arithmetic3A_107, %eq3A_359 : vector<64x64x128xi32>
    %jit3A_361 = arith.constant 0 : i32
    %broadcast_in_dim3A_362 = vector.broadcast %jit3A_361 : i32 to vector<64x64x128xi32>
    %select_n3A_363 = arith.select %eq3A_360, %mul3A_105, %broadcast_in_dim3A_362 : vector<64x64x128xi1>, vector<64x64x128xi32>
    %reduce_sum3A_364 = arith.constant dense<0> : vector<64x64xi32>
    %reduce_sum3A_365 = vector.multi_reduction <add>, %select_n3A_363, %reduce_sum3A_364 [2] : vector<64x64x128xi32> to vector<64x64xi32>
    %broadcast_in_dim3A_366 = vector.shape_cast %reduce_sum3A_357 : vector<64x64xi32> to vector<64x64x1xi32>
    %mul3A_367 = vector.broadcast %broadcast_in_dim3A_366 : vector<64x64x1xi32> to vector<64x64x128xi32>
    %mul3A_368 = arith.muli %mul3A_367, %convert_element_type3A_100 : vector<64x64x128xi32>
    %reduce_sum3A_369 = arith.constant dense<0> : vector<64x128xi32>
    %reduce_sum3A_370 = vector.multi_reduction <add>, %mul3A_368, %reduce_sum3A_369 [1] : vector<64x64x128xi32> to vector<64x128xi32>
    %broadcast_in_dim3A_371 = vector.shape_cast %reduce_sum3A_365 : vector<64x64xi32> to vector<64x64x1xi32>
    %mul3A_372 = vector.broadcast %broadcast_in_dim3A_371 : vector<64x64x1xi32> to vector<64x64x128xi32>
    %mul3A_373 = arith.muli %mul3A_372, %convert_element_type3A_100 : vector<64x64x128xi32>
    %reduce_sum3A_374 = arith.constant dense<0> : vector<64x128xi32>
    %reduce_sum3A_375 = vector.multi_reduction <add>, %mul3A_373, %reduce_sum3A_374 [1] : vector<64x64x128xi32> to vector<64x128xi32>
    %broadcast_in_dim3A_376 = arith.constant 0 : i32
    %broadcast_in_dim3A_377 = vector.broadcast %broadcast_in_dim3A_376 : i32 to vector<64x128xi32>
    %broadcast_in_dim3A_378 = arith.constant 0 : i32
    %broadcast_in_dim3A_379 = vector.broadcast %broadcast_in_dim3A_378 : i32 to vector<64x128xi32>
    %shift_right_logical3A = arith.constant 0 : i32
    %shift_right_logical3A_380 = vector.broadcast %shift_right_logical3A : i32 to vector<64x128xi32>
    %shift_right_logical3A_381 = arith.shrui %reduce_sum3A_169, %shift_right_logical3A_380 : vector<64x128xi32>
    %and3A_382 = arith.constant 255 : i32
    %and3A_383 = vector.broadcast %and3A_382 : i32 to vector<64x128xi32>
    %and3A_384 = arith.andi %shift_right_logical3A_381, %and3A_383 : vector<64x128xi32>
    %le3A_385 = arith.cmpi sle, %and3A_384, %sub3A_96 : vector<64x128xi32>
    %convert_element_type3A_386 = arith.extui %le3A_385 : vector<64x128xi1> to vector<64x128xi32>
    %add3A_387 = arith.addi %broadcast_in_dim3A_377, %convert_element_type3A_386 : vector<64x128xi32>
    %mul3A_388 = arith.muli %and3A_384, %convert_element_type3A_386 : vector<64x128xi32>
    %max3A = arith.maxsi %broadcast_in_dim3A_379, %mul3A_388 : vector<64x128xi32>
    %shift_right_logical3A_389 = arith.constant 8 : i32
    %shift_right_logical3A_390 = vector.broadcast %shift_right_logical3A_389 : i32 to vector<64x128xi32>
    %shift_right_logical3A_391 = arith.shrui %reduce_sum3A_169, %shift_right_logical3A_390 : vector<64x128xi32>
    %and3A_392 = arith.constant 255 : i32
    %and3A_393 = vector.broadcast %and3A_392 : i32 to vector<64x128xi32>
    %and3A_394 = arith.andi %shift_right_logical3A_391, %and3A_393 : vector<64x128xi32>
    %le3A_395 = arith.cmpi sle, %and3A_394, %sub3A_96 : vector<64x128xi32>
    %convert_element_type3A_396 = arith.extui %le3A_395 : vector<64x128xi1> to vector<64x128xi32>
    %add3A_397 = arith.addi %add3A_387, %convert_element_type3A_396 : vector<64x128xi32>
    %mul3A_398 = arith.muli %and3A_394, %convert_element_type3A_396 : vector<64x128xi32>
    %max3A_399 = arith.maxsi %max3A, %mul3A_398 : vector<64x128xi32>
    %shift_right_logical3A_400 = arith.constant 16 : i32
    %shift_right_logical3A_401 = vector.broadcast %shift_right_logical3A_400 : i32 to vector<64x128xi32>
    %shift_right_logical3A_402 = arith.shrui %reduce_sum3A_169, %shift_right_logical3A_401 : vector<64x128xi32>
    %and3A_403 = arith.constant 255 : i32
    %and3A_404 = vector.broadcast %and3A_403 : i32 to vector<64x128xi32>
    %and3A_405 = arith.andi %shift_right_logical3A_402, %and3A_404 : vector<64x128xi32>
    %le3A_406 = arith.cmpi sle, %and3A_405, %sub3A_96 : vector<64x128xi32>
    %convert_element_type3A_407 = arith.extui %le3A_406 : vector<64x128xi1> to vector<64x128xi32>
    %add3A_408 = arith.addi %add3A_397, %convert_element_type3A_407 : vector<64x128xi32>
    %mul3A_409 = arith.muli %and3A_405, %convert_element_type3A_407 : vector<64x128xi32>
    %max3A_410 = arith.maxsi %max3A_399, %mul3A_409 : vector<64x128xi32>
    %shift_right_logical3A_411 = arith.constant 24 : i32
    %shift_right_logical3A_412 = vector.broadcast %shift_right_logical3A_411 : i32 to vector<64x128xi32>
    %shift_right_logical3A_413 = arith.shrui %reduce_sum3A_169, %shift_right_logical3A_412 : vector<64x128xi32>
    %and3A_414 = arith.constant 255 : i32
    %and3A_415 = vector.broadcast %and3A_414 : i32 to vector<64x128xi32>
    %and3A_416 = arith.andi %shift_right_logical3A_413, %and3A_415 : vector<64x128xi32>
    %le3A_417 = arith.cmpi sle, %and3A_416, %sub3A_96 : vector<64x128xi32>
    %convert_element_type3A_418 = arith.extui %le3A_417 : vector<64x128xi1> to vector<64x128xi32>
    %add3A_419 = arith.addi %add3A_408, %convert_element_type3A_418 : vector<64x128xi32>
    %mul3A_420 = arith.muli %and3A_416, %convert_element_type3A_418 : vector<64x128xi32>
    %max3A_421 = arith.maxsi %max3A_410, %mul3A_420 : vector<64x128xi32>
    %shift_right_logical3A_422 = arith.constant 0 : i32
    %shift_right_logical3A_423 = vector.broadcast %shift_right_logical3A_422 : i32 to vector<64x128xi32>
    %shift_right_logical3A_424 = arith.shrui %reduce_sum3A_236, %shift_right_logical3A_423 : vector<64x128xi32>
    %and3A_425 = arith.constant 255 : i32
    %and3A_426 = vector.broadcast %and3A_425 : i32 to vector<64x128xi32>
    %and3A_427 = arith.andi %shift_right_logical3A_424, %and3A_426 : vector<64x128xi32>
    %le3A_428 = arith.cmpi sle, %and3A_427, %sub3A_96 : vector<64x128xi32>
    %convert_element_type3A_429 = arith.extui %le3A_428 : vector<64x128xi1> to vector<64x128xi32>
    %add3A_430 = arith.addi %add3A_419, %convert_element_type3A_429 : vector<64x128xi32>
    %mul3A_431 = arith.muli %and3A_427, %convert_element_type3A_429 : vector<64x128xi32>
    %max3A_432 = arith.maxsi %max3A_421, %mul3A_431 : vector<64x128xi32>
    %shift_right_logical3A_433 = arith.constant 8 : i32
    %shift_right_logical3A_434 = vector.broadcast %shift_right_logical3A_433 : i32 to vector<64x128xi32>
    %shift_right_logical3A_435 = arith.shrui %reduce_sum3A_236, %shift_right_logical3A_434 : vector<64x128xi32>
    %and3A_436 = arith.constant 255 : i32
    %and3A_437 = vector.broadcast %and3A_436 : i32 to vector<64x128xi32>
    %and3A_438 = arith.andi %shift_right_logical3A_435, %and3A_437 : vector<64x128xi32>
    %le3A_439 = arith.cmpi sle, %and3A_438, %sub3A_96 : vector<64x128xi32>
    %convert_element_type3A_440 = arith.extui %le3A_439 : vector<64x128xi1> to vector<64x128xi32>
    %add3A_441 = arith.addi %add3A_430, %convert_element_type3A_440 : vector<64x128xi32>
    %mul3A_442 = arith.muli %and3A_438, %convert_element_type3A_440 : vector<64x128xi32>
    %max3A_443 = arith.maxsi %max3A_432, %mul3A_442 : vector<64x128xi32>
    %shift_right_logical3A_444 = arith.constant 16 : i32
    %shift_right_logical3A_445 = vector.broadcast %shift_right_logical3A_444 : i32 to vector<64x128xi32>
    %shift_right_logical3A_446 = arith.shrui %reduce_sum3A_236, %shift_right_logical3A_445 : vector<64x128xi32>
    %and3A_447 = arith.constant 255 : i32
    %and3A_448 = vector.broadcast %and3A_447 : i32 to vector<64x128xi32>
    %and3A_449 = arith.andi %shift_right_logical3A_446, %and3A_448 : vector<64x128xi32>
    %le3A_450 = arith.cmpi sle, %and3A_449, %sub3A_96 : vector<64x128xi32>
    %convert_element_type3A_451 = arith.extui %le3A_450 : vector<64x128xi1> to vector<64x128xi32>
    %add3A_452 = arith.addi %add3A_441, %convert_element_type3A_451 : vector<64x128xi32>
    %mul3A_453 = arith.muli %and3A_449, %convert_element_type3A_451 : vector<64x128xi32>
    %max3A_454 = arith.maxsi %max3A_443, %mul3A_453 : vector<64x128xi32>
    %shift_right_logical3A_455 = arith.constant 24 : i32
    %shift_right_logical3A_456 = vector.broadcast %shift_right_logical3A_455 : i32 to vector<64x128xi32>
    %shift_right_logical3A_457 = arith.shrui %reduce_sum3A_236, %shift_right_logical3A_456 : vector<64x128xi32>
    %and3A_458 = arith.constant 255 : i32
    %and3A_459 = vector.broadcast %and3A_458 : i32 to vector<64x128xi32>
    %and3A_460 = arith.andi %shift_right_logical3A_457, %and3A_459 : vector<64x128xi32>
    %le3A_461 = arith.cmpi sle, %and3A_460, %sub3A_96 : vector<64x128xi32>
    %convert_element_type3A_462 = arith.extui %le3A_461 : vector<64x128xi1> to vector<64x128xi32>
    %add3A_463 = arith.addi %add3A_452, %convert_element_type3A_462 : vector<64x128xi32>
    %mul3A_464 = arith.muli %and3A_460, %convert_element_type3A_462 : vector<64x128xi32>
    %max3A_465 = arith.maxsi %max3A_454, %mul3A_464 : vector<64x128xi32>
    %shift_right_logical3A_466 = arith.constant 0 : i32
    %shift_right_logical3A_467 = vector.broadcast %shift_right_logical3A_466 : i32 to vector<64x128xi32>
    %shift_right_logical3A_468 = arith.shrui %reduce_sum3A_303, %shift_right_logical3A_467 : vector<64x128xi32>
    %and3A_469 = arith.constant 255 : i32
    %and3A_470 = vector.broadcast %and3A_469 : i32 to vector<64x128xi32>
    %and3A_471 = arith.andi %shift_right_logical3A_468, %and3A_470 : vector<64x128xi32>
    %le3A_472 = arith.cmpi sle, %and3A_471, %sub3A_96 : vector<64x128xi32>
    %convert_element_type3A_473 = arith.extui %le3A_472 : vector<64x128xi1> to vector<64x128xi32>
    %add3A_474 = arith.addi %add3A_463, %convert_element_type3A_473 : vector<64x128xi32>
    %mul3A_475 = arith.muli %and3A_471, %convert_element_type3A_473 : vector<64x128xi32>
    %max3A_476 = arith.maxsi %max3A_465, %mul3A_475 : vector<64x128xi32>
    %shift_right_logical3A_477 = arith.constant 8 : i32
    %shift_right_logical3A_478 = vector.broadcast %shift_right_logical3A_477 : i32 to vector<64x128xi32>
    %shift_right_logical3A_479 = arith.shrui %reduce_sum3A_303, %shift_right_logical3A_478 : vector<64x128xi32>
    %and3A_480 = arith.constant 255 : i32
    %and3A_481 = vector.broadcast %and3A_480 : i32 to vector<64x128xi32>
    %and3A_482 = arith.andi %shift_right_logical3A_479, %and3A_481 : vector<64x128xi32>
    %le3A_483 = arith.cmpi sle, %and3A_482, %sub3A_96 : vector<64x128xi32>
    %convert_element_type3A_484 = arith.extui %le3A_483 : vector<64x128xi1> to vector<64x128xi32>
    %add3A_485 = arith.addi %add3A_474, %convert_element_type3A_484 : vector<64x128xi32>
    %mul3A_486 = arith.muli %and3A_482, %convert_element_type3A_484 : vector<64x128xi32>
    %max3A_487 = arith.maxsi %max3A_476, %mul3A_486 : vector<64x128xi32>
    %shift_right_logical3A_488 = arith.constant 16 : i32
    %shift_right_logical3A_489 = vector.broadcast %shift_right_logical3A_488 : i32 to vector<64x128xi32>
    %shift_right_logical3A_490 = arith.shrui %reduce_sum3A_303, %shift_right_logical3A_489 : vector<64x128xi32>
    %and3A_491 = arith.constant 255 : i32
    %and3A_492 = vector.broadcast %and3A_491 : i32 to vector<64x128xi32>
    %and3A_493 = arith.andi %shift_right_logical3A_490, %and3A_492 : vector<64x128xi32>
    %le3A_494 = arith.cmpi sle, %and3A_493, %sub3A_96 : vector<64x128xi32>
    %convert_element_type3A_495 = arith.extui %le3A_494 : vector<64x128xi1> to vector<64x128xi32>
    %add3A_496 = arith.addi %add3A_485, %convert_element_type3A_495 : vector<64x128xi32>
    %mul3A_497 = arith.muli %and3A_493, %convert_element_type3A_495 : vector<64x128xi32>
    %max3A_498 = arith.maxsi %max3A_487, %mul3A_497 : vector<64x128xi32>
    %shift_right_logical3A_499 = arith.constant 24 : i32
    %shift_right_logical3A_500 = vector.broadcast %shift_right_logical3A_499 : i32 to vector<64x128xi32>
    %shift_right_logical3A_501 = arith.shrui %reduce_sum3A_303, %shift_right_logical3A_500 : vector<64x128xi32>
    %and3A_502 = arith.constant 255 : i32
    %and3A_503 = vector.broadcast %and3A_502 : i32 to vector<64x128xi32>
    %and3A_504 = arith.andi %shift_right_logical3A_501, %and3A_503 : vector<64x128xi32>
    %le3A_505 = arith.cmpi sle, %and3A_504, %sub3A_96 : vector<64x128xi32>
    %convert_element_type3A_506 = arith.extui %le3A_505 : vector<64x128xi1> to vector<64x128xi32>
    %add3A_507 = arith.addi %add3A_496, %convert_element_type3A_506 : vector<64x128xi32>
    %mul3A_508 = arith.muli %and3A_504, %convert_element_type3A_506 : vector<64x128xi32>
    %max3A_509 = arith.maxsi %max3A_498, %mul3A_508 : vector<64x128xi32>
    %shift_right_logical3A_510 = arith.constant 0 : i32
    %shift_right_logical3A_511 = vector.broadcast %shift_right_logical3A_510 : i32 to vector<64x128xi32>
    %shift_right_logical3A_512 = arith.shrui %reduce_sum3A_370, %shift_right_logical3A_511 : vector<64x128xi32>
    %and3A_513 = arith.constant 255 : i32
    %and3A_514 = vector.broadcast %and3A_513 : i32 to vector<64x128xi32>
    %and3A_515 = arith.andi %shift_right_logical3A_512, %and3A_514 : vector<64x128xi32>
    %le3A_516 = arith.cmpi sle, %and3A_515, %sub3A_96 : vector<64x128xi32>
    %convert_element_type3A_517 = arith.extui %le3A_516 : vector<64x128xi1> to vector<64x128xi32>
    %add3A_518 = arith.addi %add3A_507, %convert_element_type3A_517 : vector<64x128xi32>
    %mul3A_519 = arith.muli %and3A_515, %convert_element_type3A_517 : vector<64x128xi32>
    %max3A_520 = arith.maxsi %max3A_509, %mul3A_519 : vector<64x128xi32>
    %shift_right_logical3A_521 = arith.constant 8 : i32
    %shift_right_logical3A_522 = vector.broadcast %shift_right_logical3A_521 : i32 to vector<64x128xi32>
    %shift_right_logical3A_523 = arith.shrui %reduce_sum3A_370, %shift_right_logical3A_522 : vector<64x128xi32>
    %and3A_524 = arith.constant 255 : i32
    %and3A_525 = vector.broadcast %and3A_524 : i32 to vector<64x128xi32>
    %and3A_526 = arith.andi %shift_right_logical3A_523, %and3A_525 : vector<64x128xi32>
    %le3A_527 = arith.cmpi sle, %and3A_526, %sub3A_96 : vector<64x128xi32>
    %convert_element_type3A_528 = arith.extui %le3A_527 : vector<64x128xi1> to vector<64x128xi32>
    %add3A_529 = arith.addi %add3A_518, %convert_element_type3A_528 : vector<64x128xi32>
    %mul3A_530 = arith.muli %and3A_526, %convert_element_type3A_528 : vector<64x128xi32>
    %max3A_531 = arith.maxsi %max3A_520, %mul3A_530 : vector<64x128xi32>
    %shift_right_logical3A_532 = arith.constant 16 : i32
    %shift_right_logical3A_533 = vector.broadcast %shift_right_logical3A_532 : i32 to vector<64x128xi32>
    %shift_right_logical3A_534 = arith.shrui %reduce_sum3A_370, %shift_right_logical3A_533 : vector<64x128xi32>
    %and3A_535 = arith.constant 255 : i32
    %and3A_536 = vector.broadcast %and3A_535 : i32 to vector<64x128xi32>
    %and3A_537 = arith.andi %shift_right_logical3A_534, %and3A_536 : vector<64x128xi32>
    %le3A_538 = arith.cmpi sle, %and3A_537, %sub3A_96 : vector<64x128xi32>
    %convert_element_type3A_539 = arith.extui %le3A_538 : vector<64x128xi1> to vector<64x128xi32>
    %add3A_540 = arith.addi %add3A_529, %convert_element_type3A_539 : vector<64x128xi32>
    %mul3A_541 = arith.muli %and3A_537, %convert_element_type3A_539 : vector<64x128xi32>
    %max3A_542 = arith.maxsi %max3A_531, %mul3A_541 : vector<64x128xi32>
    %shift_right_logical3A_543 = arith.constant 24 : i32
    %shift_right_logical3A_544 = vector.broadcast %shift_right_logical3A_543 : i32 to vector<64x128xi32>
    %shift_right_logical3A_545 = arith.shrui %reduce_sum3A_370, %shift_right_logical3A_544 : vector<64x128xi32>
    %and3A_546 = arith.constant 255 : i32
    %and3A_547 = vector.broadcast %and3A_546 : i32 to vector<64x128xi32>
    %and3A_548 = arith.andi %shift_right_logical3A_545, %and3A_547 : vector<64x128xi32>
    %le3A_549 = arith.cmpi sle, %and3A_548, %sub3A_96 : vector<64x128xi32>
    %convert_element_type3A_550 = arith.extui %le3A_549 : vector<64x128xi1> to vector<64x128xi32>
    %add3A_551 = arith.addi %add3A_540, %convert_element_type3A_550 : vector<64x128xi32>
    %mul3A_552 = arith.muli %and3A_548, %convert_element_type3A_550 : vector<64x128xi32>
    %max3A_553 = arith.maxsi %max3A_542, %mul3A_552 : vector<64x128xi32>
    %min3A_554 = arith.constant 15 : i32
    %min3A_555 = vector.broadcast %min3A_554 : i32 to vector<64x128xi32>
    %min3A_556 = arith.minsi %add3A_551, %min3A_555 : vector<64x128xi32>
    %sub3A_557 = arith.subi %sub3A_96, %max3A_553 : vector<64x128xi32>
    %broadcast_in_dim3A_558 = arith.constant 0 : i32
    %broadcast_in_dim3A_559 = vector.broadcast %broadcast_in_dim3A_558 : i32 to vector<64x128xi32>
    %shift_right_logical3A_560 = arith.constant 0 : i32
    %shift_right_logical3A_561 = vector.broadcast %shift_right_logical3A_560 : i32 to vector<64x128xi32>
    %shift_right_logical3A_562 = arith.shrui %reduce_sum3A_174, %shift_right_logical3A_561 : vector<64x128xi32>
    %and3A_563 = arith.constant 255 : i32
    %and3A_564 = vector.broadcast %and3A_563 : i32 to vector<64x128xi32>
    %and3A_565 = arith.andi %shift_right_logical3A_562, %and3A_564 : vector<64x128xi32>
    %eq3A_566 = arith.constant 0 : i32
    %eq3A_567 = vector.broadcast %eq3A_566 : i32 to vector<64x128xi32>
    %eq3A_568 = arith.cmpi eq, %min3A_556, %eq3A_567 : vector<64x128xi32>
    %select_n3A_569 = arith.select %eq3A_568, %and3A_565, %broadcast_in_dim3A_559 : vector<64x128xi1>, vector<64x128xi32>
    %shift_right_logical3A_570 = arith.constant 8 : i32
    %shift_right_logical3A_571 = vector.broadcast %shift_right_logical3A_570 : i32 to vector<64x128xi32>
    %shift_right_logical3A_572 = arith.shrui %reduce_sum3A_174, %shift_right_logical3A_571 : vector<64x128xi32>
    %and3A_573 = arith.constant 255 : i32
    %and3A_574 = vector.broadcast %and3A_573 : i32 to vector<64x128xi32>
    %and3A_575 = arith.andi %shift_right_logical3A_572, %and3A_574 : vector<64x128xi32>
    %eq3A_576 = arith.constant 1 : i32
    %eq3A_577 = vector.broadcast %eq3A_576 : i32 to vector<64x128xi32>
    %eq3A_578 = arith.cmpi eq, %min3A_556, %eq3A_577 : vector<64x128xi32>
    %select_n3A_579 = arith.select %eq3A_578, %and3A_575, %select_n3A_569 : vector<64x128xi1>, vector<64x128xi32>
    %shift_right_logical3A_580 = arith.constant 16 : i32
    %shift_right_logical3A_581 = vector.broadcast %shift_right_logical3A_580 : i32 to vector<64x128xi32>
    %shift_right_logical3A_582 = arith.shrui %reduce_sum3A_174, %shift_right_logical3A_581 : vector<64x128xi32>
    %and3A_583 = arith.constant 255 : i32
    %and3A_584 = vector.broadcast %and3A_583 : i32 to vector<64x128xi32>
    %and3A_585 = arith.andi %shift_right_logical3A_582, %and3A_584 : vector<64x128xi32>
    %eq3A_586 = arith.constant 2 : i32
    %eq3A_587 = vector.broadcast %eq3A_586 : i32 to vector<64x128xi32>
    %eq3A_588 = arith.cmpi eq, %min3A_556, %eq3A_587 : vector<64x128xi32>
    %select_n3A_589 = arith.select %eq3A_588, %and3A_585, %select_n3A_579 : vector<64x128xi1>, vector<64x128xi32>
    %shift_right_logical3A_590 = arith.constant 24 : i32
    %shift_right_logical3A_591 = vector.broadcast %shift_right_logical3A_590 : i32 to vector<64x128xi32>
    %shift_right_logical3A_592 = arith.shrui %reduce_sum3A_174, %shift_right_logical3A_591 : vector<64x128xi32>
    %and3A_593 = arith.constant 255 : i32
    %and3A_594 = vector.broadcast %and3A_593 : i32 to vector<64x128xi32>
    %and3A_595 = arith.andi %shift_right_logical3A_592, %and3A_594 : vector<64x128xi32>
    %eq3A_596 = arith.constant 3 : i32
    %eq3A_597 = vector.broadcast %eq3A_596 : i32 to vector<64x128xi32>
    %eq3A_598 = arith.cmpi eq, %min3A_556, %eq3A_597 : vector<64x128xi32>
    %select_n3A_599 = arith.select %eq3A_598, %and3A_595, %select_n3A_589 : vector<64x128xi1>, vector<64x128xi32>
    %shift_right_logical3A_600 = arith.constant 0 : i32
    %shift_right_logical3A_601 = vector.broadcast %shift_right_logical3A_600 : i32 to vector<64x128xi32>
    %shift_right_logical3A_602 = arith.shrui %reduce_sum3A_241, %shift_right_logical3A_601 : vector<64x128xi32>
    %and3A_603 = arith.constant 255 : i32
    %and3A_604 = vector.broadcast %and3A_603 : i32 to vector<64x128xi32>
    %and3A_605 = arith.andi %shift_right_logical3A_602, %and3A_604 : vector<64x128xi32>
    %eq3A_606 = arith.constant 4 : i32
    %eq3A_607 = vector.broadcast %eq3A_606 : i32 to vector<64x128xi32>
    %eq3A_608 = arith.cmpi eq, %min3A_556, %eq3A_607 : vector<64x128xi32>
    %select_n3A_609 = arith.select %eq3A_608, %and3A_605, %select_n3A_599 : vector<64x128xi1>, vector<64x128xi32>
    %shift_right_logical3A_610 = arith.constant 8 : i32
    %shift_right_logical3A_611 = vector.broadcast %shift_right_logical3A_610 : i32 to vector<64x128xi32>
    %shift_right_logical3A_612 = arith.shrui %reduce_sum3A_241, %shift_right_logical3A_611 : vector<64x128xi32>
    %and3A_613 = arith.constant 255 : i32
    %and3A_614 = vector.broadcast %and3A_613 : i32 to vector<64x128xi32>
    %and3A_615 = arith.andi %shift_right_logical3A_612, %and3A_614 : vector<64x128xi32>
    %eq3A_616 = arith.constant 5 : i32
    %eq3A_617 = vector.broadcast %eq3A_616 : i32 to vector<64x128xi32>
    %eq3A_618 = arith.cmpi eq, %min3A_556, %eq3A_617 : vector<64x128xi32>
    %select_n3A_619 = arith.select %eq3A_618, %and3A_615, %select_n3A_609 : vector<64x128xi1>, vector<64x128xi32>
    %shift_right_logical3A_620 = arith.constant 16 : i32
    %shift_right_logical3A_621 = vector.broadcast %shift_right_logical3A_620 : i32 to vector<64x128xi32>
    %shift_right_logical3A_622 = arith.shrui %reduce_sum3A_241, %shift_right_logical3A_621 : vector<64x128xi32>
    %and3A_623 = arith.constant 255 : i32
    %and3A_624 = vector.broadcast %and3A_623 : i32 to vector<64x128xi32>
    %and3A_625 = arith.andi %shift_right_logical3A_622, %and3A_624 : vector<64x128xi32>
    %eq3A_626 = arith.constant 6 : i32
    %eq3A_627 = vector.broadcast %eq3A_626 : i32 to vector<64x128xi32>
    %eq3A_628 = arith.cmpi eq, %min3A_556, %eq3A_627 : vector<64x128xi32>
    %select_n3A_629 = arith.select %eq3A_628, %and3A_625, %select_n3A_619 : vector<64x128xi1>, vector<64x128xi32>
    %shift_right_logical3A_630 = arith.constant 24 : i32
    %shift_right_logical3A_631 = vector.broadcast %shift_right_logical3A_630 : i32 to vector<64x128xi32>
    %shift_right_logical3A_632 = arith.shrui %reduce_sum3A_241, %shift_right_logical3A_631 : vector<64x128xi32>
    %and3A_633 = arith.constant 255 : i32
    %and3A_634 = vector.broadcast %and3A_633 : i32 to vector<64x128xi32>
    %and3A_635 = arith.andi %shift_right_logical3A_632, %and3A_634 : vector<64x128xi32>
    %eq3A_636 = arith.constant 7 : i32
    %eq3A_637 = vector.broadcast %eq3A_636 : i32 to vector<64x128xi32>
    %eq3A_638 = arith.cmpi eq, %min3A_556, %eq3A_637 : vector<64x128xi32>
    %select_n3A_639 = arith.select %eq3A_638, %and3A_635, %select_n3A_629 : vector<64x128xi1>, vector<64x128xi32>
    %shift_right_logical3A_640 = arith.constant 0 : i32
    %shift_right_logical3A_641 = vector.broadcast %shift_right_logical3A_640 : i32 to vector<64x128xi32>
    %shift_right_logical3A_642 = arith.shrui %reduce_sum3A_308, %shift_right_logical3A_641 : vector<64x128xi32>
    %and3A_643 = arith.constant 255 : i32
    %and3A_644 = vector.broadcast %and3A_643 : i32 to vector<64x128xi32>
    %and3A_645 = arith.andi %shift_right_logical3A_642, %and3A_644 : vector<64x128xi32>
    %eq3A_646 = arith.constant 8 : i32
    %eq3A_647 = vector.broadcast %eq3A_646 : i32 to vector<64x128xi32>
    %eq3A_648 = arith.cmpi eq, %min3A_556, %eq3A_647 : vector<64x128xi32>
    %select_n3A_649 = arith.select %eq3A_648, %and3A_645, %select_n3A_639 : vector<64x128xi1>, vector<64x128xi32>
    %shift_right_logical3A_650 = arith.constant 8 : i32
    %shift_right_logical3A_651 = vector.broadcast %shift_right_logical3A_650 : i32 to vector<64x128xi32>
    %shift_right_logical3A_652 = arith.shrui %reduce_sum3A_308, %shift_right_logical3A_651 : vector<64x128xi32>
    %and3A_653 = arith.constant 255 : i32
    %and3A_654 = vector.broadcast %and3A_653 : i32 to vector<64x128xi32>
    %and3A_655 = arith.andi %shift_right_logical3A_652, %and3A_654 : vector<64x128xi32>
    %eq3A_656 = arith.constant 9 : i32
    %eq3A_657 = vector.broadcast %eq3A_656 : i32 to vector<64x128xi32>
    %eq3A_658 = arith.cmpi eq, %min3A_556, %eq3A_657 : vector<64x128xi32>
    %select_n3A_659 = arith.select %eq3A_658, %and3A_655, %select_n3A_649 : vector<64x128xi1>, vector<64x128xi32>
    %shift_right_logical3A_660 = arith.constant 16 : i32
    %shift_right_logical3A_661 = vector.broadcast %shift_right_logical3A_660 : i32 to vector<64x128xi32>
    %shift_right_logical3A_662 = arith.shrui %reduce_sum3A_308, %shift_right_logical3A_661 : vector<64x128xi32>
    %and3A_663 = arith.constant 255 : i32
    %and3A_664 = vector.broadcast %and3A_663 : i32 to vector<64x128xi32>
    %and3A_665 = arith.andi %shift_right_logical3A_662, %and3A_664 : vector<64x128xi32>
    %eq3A_666 = arith.constant 10 : i32
    %eq3A_667 = vector.broadcast %eq3A_666 : i32 to vector<64x128xi32>
    %eq3A_668 = arith.cmpi eq, %min3A_556, %eq3A_667 : vector<64x128xi32>
    %select_n3A_669 = arith.select %eq3A_668, %and3A_665, %select_n3A_659 : vector<64x128xi1>, vector<64x128xi32>
    %shift_right_logical3A_670 = arith.constant 24 : i32
    %shift_right_logical3A_671 = vector.broadcast %shift_right_logical3A_670 : i32 to vector<64x128xi32>
    %shift_right_logical3A_672 = arith.shrui %reduce_sum3A_308, %shift_right_logical3A_671 : vector<64x128xi32>
    %and3A_673 = arith.constant 255 : i32
    %and3A_674 = vector.broadcast %and3A_673 : i32 to vector<64x128xi32>
    %and3A_675 = arith.andi %shift_right_logical3A_672, %and3A_674 : vector<64x128xi32>
    %eq3A_676 = arith.constant 11 : i32
    %eq3A_677 = vector.broadcast %eq3A_676 : i32 to vector<64x128xi32>
    %eq3A_678 = arith.cmpi eq, %min3A_556, %eq3A_677 : vector<64x128xi32>
    %select_n3A_679 = arith.select %eq3A_678, %and3A_675, %select_n3A_669 : vector<64x128xi1>, vector<64x128xi32>
    %shift_right_logical3A_680 = arith.constant 0 : i32
    %shift_right_logical3A_681 = vector.broadcast %shift_right_logical3A_680 : i32 to vector<64x128xi32>
    %shift_right_logical3A_682 = arith.shrui %reduce_sum3A_375, %shift_right_logical3A_681 : vector<64x128xi32>
    %and3A_683 = arith.constant 255 : i32
    %and3A_684 = vector.broadcast %and3A_683 : i32 to vector<64x128xi32>
    %and3A_685 = arith.andi %shift_right_logical3A_682, %and3A_684 : vector<64x128xi32>
    %eq3A_686 = arith.constant 12 : i32
    %eq3A_687 = vector.broadcast %eq3A_686 : i32 to vector<64x128xi32>
    %eq3A_688 = arith.cmpi eq, %min3A_556, %eq3A_687 : vector<64x128xi32>
    %select_n3A_689 = arith.select %eq3A_688, %and3A_685, %select_n3A_679 : vector<64x128xi1>, vector<64x128xi32>
    %shift_right_logical3A_690 = arith.constant 8 : i32
    %shift_right_logical3A_691 = vector.broadcast %shift_right_logical3A_690 : i32 to vector<64x128xi32>
    %shift_right_logical3A_692 = arith.shrui %reduce_sum3A_375, %shift_right_logical3A_691 : vector<64x128xi32>
    %and3A_693 = arith.constant 255 : i32
    %and3A_694 = vector.broadcast %and3A_693 : i32 to vector<64x128xi32>
    %and3A_695 = arith.andi %shift_right_logical3A_692, %and3A_694 : vector<64x128xi32>
    %eq3A_696 = arith.constant 13 : i32
    %eq3A_697 = vector.broadcast %eq3A_696 : i32 to vector<64x128xi32>
    %eq3A_698 = arith.cmpi eq, %min3A_556, %eq3A_697 : vector<64x128xi32>
    %select_n3A_699 = arith.select %eq3A_698, %and3A_695, %select_n3A_689 : vector<64x128xi1>, vector<64x128xi32>
    %shift_right_logical3A_700 = arith.constant 16 : i32
    %shift_right_logical3A_701 = vector.broadcast %shift_right_logical3A_700 : i32 to vector<64x128xi32>
    %shift_right_logical3A_702 = arith.shrui %reduce_sum3A_375, %shift_right_logical3A_701 : vector<64x128xi32>
    %and3A_703 = arith.constant 255 : i32
    %and3A_704 = vector.broadcast %and3A_703 : i32 to vector<64x128xi32>
    %and3A_705 = arith.andi %shift_right_logical3A_702, %and3A_704 : vector<64x128xi32>
    %eq3A_706 = arith.constant 14 : i32
    %eq3A_707 = vector.broadcast %eq3A_706 : i32 to vector<64x128xi32>
    %eq3A_708 = arith.cmpi eq, %min3A_556, %eq3A_707 : vector<64x128xi32>
    %select_n3A_709 = arith.select %eq3A_708, %and3A_705, %select_n3A_699 : vector<64x128xi1>, vector<64x128xi32>
    %shift_right_logical3A_710 = arith.constant 24 : i32
    %shift_right_logical3A_711 = vector.broadcast %shift_right_logical3A_710 : i32 to vector<64x128xi32>
    %shift_right_logical3A_712 = arith.shrui %reduce_sum3A_375, %shift_right_logical3A_711 : vector<64x128xi32>
    %and3A_713 = arith.constant 255 : i32
    %and3A_714 = vector.broadcast %and3A_713 : i32 to vector<64x128xi32>
    %and3A_715 = arith.andi %shift_right_logical3A_712, %and3A_714 : vector<64x128xi32>
    %eq3A_716 = arith.constant 15 : i32
    %eq3A_717 = vector.broadcast %eq3A_716 : i32 to vector<64x128xi32>
    %eq3A_718 = arith.cmpi eq, %min3A_556, %eq3A_717 : vector<64x128xi32>
    %select_n3A_719 = arith.select %eq3A_718, %and3A_715, %select_n3A_709 : vector<64x128xi1>, vector<64x128xi32>
    %broadcast_in_dim3A_720 = arith.constant 0 : i32
    %broadcast_in_dim3A_721 = vector.broadcast %broadcast_in_dim3A_720 : i32 to vector<64x128xi32>
    %broadcast_in_dim3A_722 = arith.constant 0 : i32
    %broadcast_in_dim3A_723 = vector.broadcast %broadcast_in_dim3A_722 : i32 to vector<64x128xi32>
    %shift_right_logical3A_724 = arith.constant 0 : i32
    %shift_right_logical3A_725 = vector.broadcast %shift_right_logical3A_724 : i32 to vector<64x128xi32>
    %shift_right_logical3A_726 = arith.shrui %select_n3A_719, %shift_right_logical3A_725 : vector<64x128xi32>
    %and3A_727 = arith.constant 1 : i32
    %and3A_728 = vector.broadcast %and3A_727 : i32 to vector<64x128xi32>
    %and3A_729 = arith.andi %shift_right_logical3A_726, %and3A_728 : vector<64x128xi32>
    %add3A_730 = arith.addi %broadcast_in_dim3A_721, %and3A_729 : vector<64x128xi32>
    %le3A_731 = arith.cmpi sle, %add3A_730, %sub3A_557 : vector<64x128xi32>
    %convert_element_type3A_732 = arith.extui %le3A_731 : vector<64x128xi1> to vector<64x128xi32>
    %add3A_733 = arith.addi %broadcast_in_dim3A_723, %convert_element_type3A_732 : vector<64x128xi32>
    %shift_right_logical3A_734 = arith.constant 1 : i32
    %shift_right_logical3A_735 = vector.broadcast %shift_right_logical3A_734 : i32 to vector<64x128xi32>
    %shift_right_logical3A_736 = arith.shrui %select_n3A_719, %shift_right_logical3A_735 : vector<64x128xi32>
    %and3A_737 = arith.constant 1 : i32
    %and3A_738 = vector.broadcast %and3A_737 : i32 to vector<64x128xi32>
    %and3A_739 = arith.andi %shift_right_logical3A_736, %and3A_738 : vector<64x128xi32>
    %add3A_740 = arith.addi %add3A_730, %and3A_739 : vector<64x128xi32>
    %le3A_741 = arith.cmpi sle, %add3A_740, %sub3A_557 : vector<64x128xi32>
    %convert_element_type3A_742 = arith.extui %le3A_741 : vector<64x128xi1> to vector<64x128xi32>
    %add3A_743 = arith.addi %add3A_733, %convert_element_type3A_742 : vector<64x128xi32>
    %shift_right_logical3A_744 = arith.constant 2 : i32
    %shift_right_logical3A_745 = vector.broadcast %shift_right_logical3A_744 : i32 to vector<64x128xi32>
    %shift_right_logical3A_746 = arith.shrui %select_n3A_719, %shift_right_logical3A_745 : vector<64x128xi32>
    %and3A_747 = arith.constant 1 : i32
    %and3A_748 = vector.broadcast %and3A_747 : i32 to vector<64x128xi32>
    %and3A_749 = arith.andi %shift_right_logical3A_746, %and3A_748 : vector<64x128xi32>
    %add3A_750 = arith.addi %add3A_740, %and3A_749 : vector<64x128xi32>
    %le3A_751 = arith.cmpi sle, %add3A_750, %sub3A_557 : vector<64x128xi32>
    %convert_element_type3A_752 = arith.extui %le3A_751 : vector<64x128xi1> to vector<64x128xi32>
    %add3A_753 = arith.addi %add3A_743, %convert_element_type3A_752 : vector<64x128xi32>
    %shift_right_logical3A_754 = arith.constant 3 : i32
    %shift_right_logical3A_755 = vector.broadcast %shift_right_logical3A_754 : i32 to vector<64x128xi32>
    %shift_right_logical3A_756 = arith.shrui %select_n3A_719, %shift_right_logical3A_755 : vector<64x128xi32>
    %and3A_757 = arith.constant 1 : i32
    %and3A_758 = vector.broadcast %and3A_757 : i32 to vector<64x128xi32>
    %and3A_759 = arith.andi %shift_right_logical3A_756, %and3A_758 : vector<64x128xi32>
    %add3A_760 = arith.addi %add3A_750, %and3A_759 : vector<64x128xi32>
    %le3A_761 = arith.cmpi sle, %add3A_760, %sub3A_557 : vector<64x128xi32>
    %convert_element_type3A_762 = arith.extui %le3A_761 : vector<64x128xi1> to vector<64x128xi32>
    %add3A_763 = arith.addi %add3A_753, %convert_element_type3A_762 : vector<64x128xi32>
    %shift_right_logical3A_764 = arith.constant 4 : i32
    %shift_right_logical3A_765 = vector.broadcast %shift_right_logical3A_764 : i32 to vector<64x128xi32>
    %shift_right_logical3A_766 = arith.shrui %select_n3A_719, %shift_right_logical3A_765 : vector<64x128xi32>
    %and3A_767 = arith.constant 1 : i32
    %and3A_768 = vector.broadcast %and3A_767 : i32 to vector<64x128xi32>
    %and3A_769 = arith.andi %shift_right_logical3A_766, %and3A_768 : vector<64x128xi32>
    %add3A_770 = arith.addi %add3A_760, %and3A_769 : vector<64x128xi32>
    %le3A_771 = arith.cmpi sle, %add3A_770, %sub3A_557 : vector<64x128xi32>
    %convert_element_type3A_772 = arith.extui %le3A_771 : vector<64x128xi1> to vector<64x128xi32>
    %add3A_773 = arith.addi %add3A_763, %convert_element_type3A_772 : vector<64x128xi32>
    %shift_right_logical3A_774 = arith.constant 5 : i32
    %shift_right_logical3A_775 = vector.broadcast %shift_right_logical3A_774 : i32 to vector<64x128xi32>
    %shift_right_logical3A_776 = arith.shrui %select_n3A_719, %shift_right_logical3A_775 : vector<64x128xi32>
    %and3A_777 = arith.constant 1 : i32
    %and3A_778 = vector.broadcast %and3A_777 : i32 to vector<64x128xi32>
    %and3A_779 = arith.andi %shift_right_logical3A_776, %and3A_778 : vector<64x128xi32>
    %add3A_780 = arith.addi %add3A_770, %and3A_779 : vector<64x128xi32>
    %le3A_781 = arith.cmpi sle, %add3A_780, %sub3A_557 : vector<64x128xi32>
    %convert_element_type3A_782 = arith.extui %le3A_781 : vector<64x128xi1> to vector<64x128xi32>
    %add3A_783 = arith.addi %add3A_773, %convert_element_type3A_782 : vector<64x128xi32>
    %shift_right_logical3A_784 = arith.constant 6 : i32
    %shift_right_logical3A_785 = vector.broadcast %shift_right_logical3A_784 : i32 to vector<64x128xi32>
    %shift_right_logical3A_786 = arith.shrui %select_n3A_719, %shift_right_logical3A_785 : vector<64x128xi32>
    %and3A_787 = arith.constant 1 : i32
    %and3A_788 = vector.broadcast %and3A_787 : i32 to vector<64x128xi32>
    %and3A_789 = arith.andi %shift_right_logical3A_786, %and3A_788 : vector<64x128xi32>
    %add3A_790 = arith.addi %add3A_780, %and3A_789 : vector<64x128xi32>
    %le3A_791 = arith.cmpi sle, %add3A_790, %sub3A_557 : vector<64x128xi32>
    %convert_element_type3A_792 = arith.extui %le3A_791 : vector<64x128xi1> to vector<64x128xi32>
    %add3A_793 = arith.addi %add3A_783, %convert_element_type3A_792 : vector<64x128xi32>
    %shift_right_logical3A_794 = arith.constant 7 : i32
    %shift_right_logical3A_795 = vector.broadcast %shift_right_logical3A_794 : i32 to vector<64x128xi32>
    %shift_right_logical3A_796 = arith.shrui %select_n3A_719, %shift_right_logical3A_795 : vector<64x128xi32>
    %and3A_797 = arith.constant 1 : i32
    %and3A_798 = vector.broadcast %and3A_797 : i32 to vector<64x128xi32>
    %and3A_799 = arith.andi %shift_right_logical3A_796, %and3A_798 : vector<64x128xi32>
    %add3A_800 = arith.addi %add3A_790, %and3A_799 : vector<64x128xi32>
    %le3A_801 = arith.cmpi sle, %add3A_800, %sub3A_557 : vector<64x128xi32>
    %convert_element_type3A_802 = arith.extui %le3A_801 : vector<64x128xi1> to vector<64x128xi32>
    %add3A_803 = arith.addi %add3A_793, %convert_element_type3A_802 : vector<64x128xi32>
    %mul3A_804 = arith.constant 128 : i32
    %mul3A_805 = vector.broadcast %mul3A_804 : i32 to vector<64x128xi32>
    %mul3A_806 = arith.muli %min3A_90, %mul3A_805 : vector<64x128xi32>
    %mul3A_807 = arith.constant 8 : i32
    %mul3A_808 = vector.broadcast %mul3A_807 : i32 to vector<64x128xi32>
    %mul3A_809 = arith.muli %min3A_556, %mul3A_808 : vector<64x128xi32>
    %add3A_810 = arith.addi %mul3A_806, %mul3A_809 : vector<64x128xi32>
    %add3A_811 = arith.addi %add3A_810, %add3A_803 : vector<64x128xi32>
    %broadcast_in_dim3A_812 = vector.shape_cast %reduce_max3A_80 : vector<64xi32> to vector<64x1xi32>
    %lt3A = vector.broadcast %broadcast_in_dim3A_812 : vector<64x1xi32> to vector<64x128xi32>
    %lt3A_813 = arith.cmpi slt, %iota3A_81, %lt3A : vector<64x128xi32>
    %jit3A_814 = arith.constant -1 : i32
    %broadcast_in_dim3A_815 = vector.broadcast %jit3A_814 : i32 to vector<64x128xi32>
    %select_n3A_816 = arith.select %lt3A_813, %add3A_811, %broadcast_in_dim3A_815 : vector<64x128xi1>, vector<64x128xi32>
    %convert_element_type3A_817 = arith.sitofp %select_n3A_816 : vector<64x128xi32> to vector<64x128xf32>
    %swap3A = arith.constant 0 : index
    %swap3A_818 = arith.constant 0 : index
    %swap3A_819 = arith.constant 0 : index
    %swap3A_820 = vector.load %arg4[%swap3A, %swap3A_818, %swap3A_819] : memref<1x64x128xf32, #tpu.memory_space<vmem>>, vector<1x64x128xf32>
    %swap3A_821 = vector.shape_cast %swap3A_820 : vector<1x64x128xf32> to vector<64x128xf32>
    %swap3A_822 = vector.shape_cast %convert_element_type3A_817 : vector<64x128xf32> to vector<1x64x128xf32>
    tpu.vector_store %arg4[%swap3A, %swap3A_818, %swap3A_819], %swap3A_822 {strides = array<i32>} : memref<1x64x128xf32, #tpu.memory_space<vmem>>, vector<1x64x128xf32>,
    return
  }
  func.func @transform_0(%arg0: i32, %arg1: i32) -> (i32, i32, i32) {
    %c0_i32 = arith.constant 0 : i32
    %c0_i32_0 = arith.constant 0 : i32
    return %arg0, %arg1, %c0_i32 : i32, i32, i32
  }
  func.func @transform_1(%arg0: i32, %arg1: i32) -> (i32, i32, i32) {
    %c0_i32 = arith.constant 0 : i32
    %c0_i32_0 = arith.constant 0 : i32
    %c0_i32_1 = arith.constant 0 : i32
    return %arg0, %c0_i32, %c0_i32_0 : i32, i32, i32
  }
  func.func @transform_2(%arg0: i32, %arg1: i32) -> (i32, i32, i32) {
    %c0_i32 = arith.constant 0 : i32
    %c0_i32_0 = arith.constant 0 : i32
    return %arg0, %arg1, %c0_i32 : i32, i32, i32
  }
}

</mosaic_0001>

<sc_bundles>
// kernel: kernel.5.cloned.1.call-start
scs
__scs_entry_jumppad:
0x0: {  	(pc) =	sbr.rel $0x88, $3  }
0x1: {  	(tag) =	ssettag $0x0;
	lr =	simm.s32 $0x1  }
0x2: {  	[smem:$0x3F9E] =	sst lr;
	_ =	strace $0xD0000000  }
0x3: {  	_ = 	snop  }
0x4: {  	_ = 	snop  }
0x5: {  	_ = 	snop  }
0x6: {  	_ = 	snop  }
0x7: {  	_ = 	snop  }
__scs_overlays_trampoline_lowered:
0x8: {  	[smem:$0x3FAD] =	sst s0  }
0x9: {  	[smem:$0x3FAE] =	sst s1  }
0xa: {  	[smem:$0x3FAF] =	sst s2  }
0xb: {  	[smem:$0x3FB0] =	sst s3  }
0xc: {  	[smem:$0x3FB1] =	sst s4  }
0xd: {  	[smem:$0x3FB2] =	sst s5  }
0xe: {  	[smem:$0x3FB3] =	sst s6  }
0xf: {  	[smem:$0x3FB4] =	sst s7  }
0x10: {  	[smem:$0x3FB5] =	sst s8  }
0x11: {  	[smem:$0x3FB6] =	sst s9;
	s0 =	simm.s32 @!p0 $0x0  }
0x12: {  	s1 =	sld [smem:$0x3F9C];
	s0 =	simm.s32 @p0 $0x1  }
0x13: {  	[smem:$0x3FB7] =	sst s0;
	s0 =	simm.s32 @!p1 $0x0  }
0x14: {  	s2 =	sld [smem:$0x3F9B];
	s0 =	simm.s32 @p1 $0x1  }
0x15: {  	[smem:$0x3FB8] =	sst s0;
	s0 =	simm.s32 @!p2 $0x0  }
0x16: {  	s3 =	sld [smem:$0x3FDB];
	s0 =	simm.s32 @p2 $0x1  }
0x17: {  	s4 =	simm.s32 $0x1BF5;
	[smem:$0x3FBA] =	sst s0  }
0x18: {  	s0 =	sld [smem:$0x3F9D];
	_ =	swait.ge [sflag:s4], $0x0  }
0x19: {  	s7 =	sld [smem:$0x3F9E]  }
0x1a: {  	s8 =	sadd.s32 $0xFFFFE003, lr  }
0x1b: {  	s9 =	sadd.s32 $0xFFFFFEF7, lr;
	s5 =	simm.s32 $0xFFFFFFFF;
	p2 =	slt.u32 s8, $0xFFFFF086  }
0x1c: {  	p1 =	slt.u32 s9, $0xF7A;
	s5 =	simm.s32 @!p2 $0x0  }
0x1d: {  	s5 =	simm.s32 @p1 $0x1;
	p0 =	seq.s32 s7, s2  }
0x1e: {  	s7 =	smul.u32 @!p0 $0xF7A, s2;
	p2 =	seq.s32 @!p0 s5, $0x0  }
0x1f: {  	s9 =	smul.u32 $0xF7A, s1;
	s8 =	simm.s32 @!p0 $0x1BF5;
	p2 =	por !p2, p0  }
0x20: {  	[sflag:s8] =	ssyncset.s32 @!p0 $0xFFFFF086;
	s6 =	sadd.s32 @!p0 s3, s7;
	s7 =	simm.s32 @!p0 $0x108  }
0x21: {  	s3 =	sadd.s32 s3, s9;
	s6 =	sadd.s32 @!p0 $0x88, s6;
	s7 =	simm.s32 @p2 $0x1082  }
0x22: {  	[simem:s7], [sflag:s8] =	dma.local @!p0 [hbm:s6], $0xF7A  }
0x23: {  	s9 =	sor.u32 $0xD0000000, s2;
	s6 =	simm.s32 $0x108;
	_ =	swait.ge @!p0 [sflag:s8], $0x0  }
0x24: {  	s3 =	sadd.s32 $0x88, s3;
	s6 =	simm.s32 @!p1 $0x1082;
	[sflag:s4] =	ssyncset.s32 $0xFFFFF086  }
0x25: {  	[simem:s6], [sflag:s4] =	dma.local [hbm:s3], $0xF7A  }
0x26: {  	[smem:$0x3F9E] =	sst s1;
	(tag) =	ssettag s2;
	_ =	strace s9  }
0x27: {  	s1 =	sld [smem:$0x3FAE]  }
0x28: {  	s2 =	sld [smem:$0x3FAF]  }
0x29: {  	s4 =	sld [smem:$0x3FB1]  }
0x2a: {  	p0 =	seq.s32 s5, $0x0;
	s5 =	sld [smem:$0x3FB2]  }
0x2b: {  	s6 =	sld [smem:$0x3FB3]  }
0x2c: {  	s7 =	sld [smem:$0x3FB4]  }
0x2d: {  	s3 =	simm.s32 $0x108;
	s8 =	sld [smem:$0x3FB5]  }
0x2e: {  	s3 =	simm.s32 @!p0 $0x1082;
	s9 =	sld [smem:$0x3FB6]  }
0x2f: {  	lr =	sadd.s32 s0, s3;
	s0 =	sld [smem:$0x3FAD]  }
0x30: {  	s3 =	sld [smem:$0x3FB0]  }
0x31: {  	[smem:$0x3FB9] =	sst s10  }
0x32: {  	s10 =	sld [smem:$0x3FB7];
	_ =	sdelay $0x3  }
0x33: {  	p0 =	seq.s32 s10, $0x1;
	s10 =	sld [smem:$0x3FB9];
	_ =	sdelay $0x3  }
0x34: {  	[smem:$0x3FB9] =	sst s10  }
0x35: {  	s10 =	sld [smem:$0x3FB8];
	_ =	sdelay $0x3  }
0x36: {  	p1 =	seq.s32 s10, $0x1;
	s10 =	sld [smem:$0x3FB9];
	_ =	sdelay $0x3  }
0x37: {  	[smem:$0x3FB9] =	sst s10  }
0x38: {  	s10 =	sld [smem:$0x3FBA]  }
0x39: {  	_ = 	snop;
	(pc) =	sbr.ind lr, $3  }
0x3a: {  	_ = 	snop  }
0x3b: {  	_ = 	snop  }
0x3c: {  	p2 =	seq.s32 s10, $0x1;
	s10 =	sld [smem:$0x3FB9]  }
0x3d: {  	_ =	shalt  }
0x3e: {  	_ =	shalt  }
0x3f: {  	_ =	shalt  }
0x40: {  	_ =	shalt  }
0x41: {  	_ =	shalt  }
0x42: {  	_ =	shalt  }
0x43: {  	_ =	shalt  }
0x44: {  	_ =	shalt  }
0x45: {  	_ =	shalt  }
0x46: {  	_ =	shalt  }
0x47: {  	_ =	shalt  }
0x48: {  	_ =	shalt  }
0x49: {  	_ =	shalt  }
0x4a: {  	_ =	shalt  }
0x4b: {  	_ =	shalt  }
0x4c: {  	_ =	shalt  }
0x4d: {  	_ =	shalt  }
0x4e: {  	_ =	shalt  }
0x4f: {  	_ =	shalt  }
0x50: {  	_ =	shalt  }
0x51: {  	_ =	shalt  }
0x52: {  	_ =	shalt  }
0x53: {  	_ =	shalt  }
0x54: {  	_ =	shalt  }
0x55: {  	_ =	shalt  }
0x56: {  	_ =	shalt  }
0x57: {  	_ =	shalt  }
0x58: {  	_ =	shalt  }
0x59: {  	_ =	shalt  }
0x5a: {  	_ =	shalt  }
0x5b: {  	_ =	shalt  }
0x5c: {  	_ =	shalt  }
0x5d: {  	_ =	shalt  }
0x5e: {  	_ =	shalt  }
0x5f: {  	_ =	shalt  }
0x60: {  	_ =	shalt  }
0x61: {  	_ =	shalt  }
0x62: {  	_ =	shalt  }
0x63: {  	_ =	shalt  }
0x64: {  	_ =	shalt  }
0x65: {  	_ =	shalt  }
0x66: {  	_ =	shalt  }
0x67: {  	_ =	shalt  }
0x68: {  	_ =	shalt  }
0x69: {  	_ =	shalt  }
0x6a: {  	_ =	shalt  }
0x6b: {  	_ =	shalt  }
0x6c: {  	_ =	shalt  }
0x6d: {  	_ =	shalt  }
0x6e: {  	_ =	shalt  }
0x6f: {  	_ =	shalt  }
0x70: {  	_ =	shalt  }
0x71: {  	_ =	shalt  }
0x72: {  	_ =	shalt  }
0x73: {  	_ =	shalt  }
0x74: {  	_ =	shalt  }
0x75: {  	_ =	shalt  }
0x76: {  	_ =	shalt  }
0x77: {  	_ =	shalt  }
0x78: {  	_ =	shalt  }
0x79: {  	_ =	shalt  }
0x7a: {  	_ =	shalt  }
0x7b: {  	_ =	shalt  }
0x7c: {  	_ =	shalt  }
0x7d: {  	_ =	shalt  }
0x7e: {  	_ =	shalt  }
0x7f: {  	_ =	shalt  }
0x80: {  	_ =	shalt  }
0x81: {  	_ =	shalt  }
0x82: {  	_ =	shalt  }
0x83: {  	_ =	shalt  }
0x84: {  	_ =	shalt  }
0x85: {  	_ =	shalt  }
0x86: {  	_ =	shalt  }
0x87: {  	_ =	shalt  }
.Lfunc_end0:
.L_simem_size_0:
called_computation_lowered:
.L_overlay_start_0:
0x88: {  	s2 =	sld [smem:$0x3FD9]  }
0x89: {  	s3 =	sld [smem:$0x3FFE];
	_ =	sdelay $0x1  }
0x8a: {  	s1 =	srdreg.scid  }
0x8b: {  	s0 =	sand.u32 $0x1, s1  }
0x8c: {  	s14 =	sshll.u32 s0, $0xA;
	s2 =	sadd.s32 s3, s2  }
0x8d: {  	s2 =	sadd.s32 s2, s14  }
0x8e: {  	[smem:$0x3FC5] =	sst s2  }
0x8f: {  	_ = 	snop  }
0x90: {  	s2 =	sld [smem:$0x3FD0];
	_ =	sdelay $0x2  }
0x91: {  	s15 =	simm.s32 $0xA;
	s4 =	simm.s32 $0x10  }
0x92: {  	[smem:s4], [sflag:s15] =	dma.local [hbm:s2], $0x1  }
0x93: {  	_ =	swait.eq [sflag:s15], $0x1  }
0x94: {  	[sflag:s15] =	ssyncset.done $0x0  }
0x95: {  	[sflag:s15] =	ssyncadd.s32 $0xFFFFFFFF  }
0x96: {  	s16 =	sld [smem:$0x10];
	(tm) =	ssettm $0x1  }
0x97: {  	s17 =	sld [smem:$0x3FFB];
	_ =	sdelay $0x3  }
0x98: {  	_ =	strace s17  }
0x99: {  	s3 =	sld [smem:$0x3FFC];
	_ =	sdelay $0x3  }
0x9a: {  	_ =	strace s3  }
0x9b: {  	s3 =	sld [smem:$0x3FFD];
	_ =	sdelay $0x3  }
0x9c: {  	_ =	strace s3  }
0x9d: {  	_ =	strace $0x8FFFFFFF  }
0x9e: {  	s18 =	sld [smem:$0x3FDB];
	_ =	sdelay $0x1  }
0x9f: {  	s19 =	simm.s32 $_scs_section_size  }
0xa0: {  	s5 =	simm.s32 $_size__tile_overlayer_lowered;
	s6 =	simm.s32 $_tile_overlayer_lowered  }
0xa1: {  	s22 =	simm.s32 $0x1BFF;
	s21 =	sshll.u32 s6, $0x1;
	s3 =	sadd.s32 s19, s18  }
0xa2: {  	s7 =	simm.s32 $0x0;
	s20 =	sshll.u32 s5, $0x1;
	s5 =	sadd.s32 s21, s3  }
0xa3: {  	[timem:s7], [sflag:s22] =	dma.local [hbm:s5], s20  }
0xa4: {  	_ =	swait.ge [sflag:s22], s20  }
0xa5: {  	s4 =	ssub.s32 $0x0, s20;
	[sflag:s22] =	ssyncset.done $0x0  }
0xa6: {  	[sflag:s22] =	ssyncadd.s32 s4;
	_ =	sdelay $0x1  }
0xa7: {  	s23 =	simm.s32 $0x1B8B  }
0xa8: {  	_ =	swait.ge [sflag:s23], $0x1  }
0xa9: {  	[sflag:s23] =	ssyncset.done $0x0  }
0xaa: {  	s25 =	simm.s32 $0x1B8E;
	s24 =	sld [smem:$0x3FFE];
	[sflag:s23] =	ssyncadd.s32 $0xFFFFFFFF  }
0xab: {  	s26 =	simm.s32 $execute0_lowered;
	[smem:$0x3FD2] =	sst s25  }
0xac: {  	s5 =	sshll.u32 s26, $0x1;
	_ =	strace $0x80000046;
	[dreg:$0x1] =	wrdreg $0xFFFFFFFF  }
0xad: {  	s28 =	simm.s32 $_size_execute0_lowered;
	s3 =	sadd.s32 s3, s5;
	[dreg:$0x0] =	wrdreg $0x0  }
0xae: {  	s5 =	sshll.u32 s28, $0x1;
	[dreg:$0x2] =	wrdreg s3  }
0xaf: {  	[dreg:$0x3] =	wrdreg s5  }
0xb0: {  	[dreg:$0x4] =	wrdreg $0xC0  }
0xb1: {  	_ =	task [dreg:s7], $0x5FFFF  }
0xb2: {  	[dreg:$0x1] =	wrdreg $0xFFFFFFFF  }
0xb3: {  	[dreg:$0x0] =	wrdreg $0x60  }
0xb4: {  	[dreg:$0x2] =	wrdreg s24  }
0xb5: {  	[dreg:$0x3] =	wrdreg s16  }
0xb6: {  	[dreg:$0x4] =	wrdreg $0x9  }
0xb7: {  	_ =	task.clear_ibuf [dreg:s7], $0x5FFFF;
	_ =	strace $0x90000046  }
0xb8: {  	s29 =	simm.s32 $0x9;
	_ =	strace $0x80000048  }
0xb9: {  	_ =	swait.ge [sflag:s29], $0x1  }
0xba: {  	[sflag:s29] =	ssyncadd.s32 $0xFFFFFFFF  }
0xbb: {  	_ =	strace $0x90000048  }
0xbc: {  	_ =	sfence  }
0xbd: {  	s30 =	sld [smem:$0x0];
	_ =	sdelay $0x2  }
0xbe: {  	s31 =	sshll.u32 s1, $0xD;
	s1 =	sshrl.u32 s1, $0x2  }
0xbf: {  	s3 =	sand.u32 $0x4000, s31;
	s1 =	sadd.s32 s1, s30  }
0xc0: {  	s0 =	sor.u32 s3, s0;
	s1 =	sshll.u32 s1, $0x11  }
0xc1: {  	s0 =	sor.u32 s1, s0  }
0xc2: {  	s0 =	sadd.s32 $0x8F2B, s0  }
0xc3: {  	[sflag:s0] =	ssyncadd.remote.s32 $0x1  }
0xc4: {  	_ =	sfence.sel $0xFFFF  }
0xc5: {  	[dreg:$0x0] =	wrdreg $0xFFFFFFFF;
	(pc) =	sbr.abs _section_cstart, $3  }
0xc6: {  	[dreg:$0x1] =	wrdreg $0xFFFFFFFF  }
0xc7: {  	_ =	task.clear_ibuf [dreg:s7], $0x2FFFF;
	_ =	strace $0x9FFFFFFF  }
0xc8: {  	(tm) =	ssettm $0x7FFFFFFF  }
0xc9: {  	_ =	shalt  }
tec
execute0_lowered:
.L_overlay_start_1:
0x0: {  	(tag) =	ssettag $0x1  }
0x1: {  	s1 =	srdreg.scid  }
0x2: {  	s8 =	rddreg [dreg:$0x0];
	s0 =	stileid.u32  }
0x3: {  	s3 =	rddreg [dreg:$0x1];
	s2 =	simm.s32 $0x0;
	s6 =	sand.u32 $0x1, s1  }
0x4: {  	s4 =	sshll.u32 s0, $0xA;
	s1 =	rddreg [dreg:$0x2];
	s5 =	sshll.u32 s6, $0x9  }
0x5: {  	s7 =	simm.s32 $0x1;
	[smem:$0x7FF] =	sst s2;
	s9 =	sor.u32 s5, s4  }
0x6: {  	_ =	strace $0x80000047;
	s10 =	ssub.s32 $0x2, s6;
	s4 =	sshrl.u32 s9, $0x3  }
0x7: {  	s6 =	simm.s32 $0x200;
	s4 =	sadd.s32 s3, s4;
	s3 =	simm.s32 $0x2  }
0x8: {  	[tilespmem:s2], [sflag:$0x2] =	stream.linear.gather [hbm4b:s4+s2], $0x200, $0x38;
	[tilespmem:$0x10200] =	vst v63  }
0x9: {  	s5 =	sadd.s32 $0x1200, s8;
	s11 =	sshrl.u32 s10, $0x1;
	_ =	swait.ge [sflag:s3], $0x200  }
0xa: {  	s9 =	sshll.u32 s9, $0x4;
	s31 =	ssub.s32 s10, s11;
	[sflag:s3] =	ssyncset.done $0x0  }
0xb: {  	s8 =	sadd.s32 s9, s8;
	s9 =	smax.u32 s31, $0x1;
	[sflag:s3] =	ssyncadd.s32 $0xFFFFFE00  }
0xc: {  	[tilespmem:s6], [sflag:$0x1] =	stream.indirect.gather [hbm4b:s5+s6], $0x80, s2, s6, $0xb8;
	[tilespmem:$0x10200] =	vst v63  }
0xd: {  	p0 =	sne.s32 s9, $0x1;
	_ =	swait.ge [sflag:s7], $0x10000  }
.Ltmp0:
0xe: {  	[sflag:s7] =	ssyncset.done $0x0;
	(pc) =	sbr.rel @!p0 .LBB2_2-.Ltmp0, $4  }
0xf: {  	s8 =	sadd.s32 $0x41200, s8;
	[sflag:s7] =	ssyncadd.s32 $0xFFFF0000  }
0x10: {  	[hbm4b:s8+s2] =	stream.linear.scatter [tilespmem:s6], [sflag:$0x2], $0x10000, $0x38;
	[tilespmem:$0x10200] =	vst v63  }
0x11: {  	_ =	swait.ge [sflag:s3], $0x10000  }
0x12: {  	s9 =	sadd.s32 $0xFFFFFFFF, s9;
	[sflag:s3] =	ssyncset.done $0x0  }
.LBB2_1:
0x13: {  	p0 =	sne.s32 s9, $0x1;
	s9 =	sadd.s32 $0xFFFFFFFF, s9;
	[sflag:s3] =	ssyncadd.s32 $0xFFFF0000  }
0x14: {  	[tilespmem:s2], [sflag:$0x2] =	stream.linear.gather [hbm4b:s4+s2], $0x200, $0x38;
	[tilespmem:$0x10200] =	vst v63  }
0x15: {  	_ =	swait.ge [sflag:s3], $0x200  }
0x16: {  	[sflag:s3] =	ssyncset.done $0x0  }
0x17: {  	[sflag:s3] =	ssyncadd.s32 $0xFFFFFE00  }
0x18: {  	[tilespmem:s6], [sflag:$0x1] =	stream.indirect.gather [hbm4b:s5+s6], $0x80, s2, s6, $0xb8;
	[tilespmem:$0x10200] =	vst v63  }
0x19: {  	_ =	swait.ge [sflag:s7], $0x10000  }
.Ltmp1:
0x1a: {  	[sflag:s7] =	ssyncset.done $0x0;
	(pc) =	sbr.rel @p0 .LBB2_1-.Ltmp1, $4  }
0x1b: {  	[sflag:s7] =	ssyncadd.s32 $0xFFFF0000  }
0x1c: {  	[hbm4b:s8+s2] =	stream.linear.scatter [tilespmem:s6], [sflag:$0x2], $0x10000, $0x38;
	[tilespmem:$0x10200] =	vst v63  }
0x1d: {  	_ =	swait.ge [sflag:s3], $0x10000  }
0x1e: {  	[sflag:s3] =	ssyncset.done $0x0  }
.LBB2_2:
0x1f: {  	[sflag:s3] =	ssyncadd.s32 $0xFFFF0000  }
0x20: {  	_ =	sfence.sel $0x180000  }
0x21: {  	[bflag:$0x0] =	sbarrier.arrive $0xFFFF  }
0x22: {  	p0 =	sne.s32 s0, $0x0;
	_ =	strace $0x90000047  }
0x23: {  	s0 =	sadd.s32 @!p0 $0x100000, s1;
	[bflag:$0x2] =	sbarrier.arrive $0xFFFF  }
0x24: {  	[sflag:s0] =	ssyncadd.tile.s32 @!p0 $0x1;
	_ =	shalt  }
.Lfunc_end2:
_tile_overlayer_lowered:
.L_overlay_start_2:
0x25: {  	(tag) =	ssettag $0x2  }
0x26: {  	s0 =	rddreg [dreg:$0x0];
	s2 =	stileid.u32  }
0x27: {  	s1 =	rddreg [dreg:$0x1];
	p0 =	sne.s32 s2, $0x0  }
0x28: {  	s3 =	rddreg [dreg:$0x2];
	[bflag:$0x3] =	sbarrier.arrive $0xFFFF;
	s2 =	simm.s32 @!p0 $0x1C02  }
0x29: {  	[timem:s3], [sflag:s2] =	dma.local @!p0 [hbm:s0], s1  }
0x2a: {  	s0 =	simm.s32 @!p0 $0x2  }
0x2b: {  	_ =	swait.ge @!p0 [sflag:s0], s1  }
0x2c: {  	s1 =	ssub.s32 @!p0 $0x0, s1;
	[sflag:s0] =	ssyncset.done @!p0 $0x0  }
0x2d: {  	[sflag:s0] =	ssyncadd.s32 @!p0 s1  }
0x2e: {  	[bflag:$0x3] =	sbarrier.arrive $0xFFFF  }
0x2f: {  	_ =	shalt  }

</sc_bundles>
